<compile_context>
chip_gen: v7x
topology: tpu7x:2x2x1
jax: 0.10.2.dev20260603
libtpu: 0.0.44.dev20260713+nightly
codegen_flags: <defaults>
</compile_context>

<pallas_src>
import functools

import jax
import jax.numpy as jnp
import numpy as np
from jax import lax
from jax.experimental import pallas as pl
from jax.experimental.pallas import tpu as pltpu
from jax.experimental.pallas import tpu_sc as plsc

NC, NS, L = 2, 16, 16
NW = NC * NS
B, S, D = 1024, 200, 64
CH = 200
HALVES = S // CH
NSEQ = B // NW
NBUF = 8
VECS = D // L
SCALE = float(np.sqrt(np.float32(D)))

_mesh = plsc.VectorSubcoreMesh(core_axis_name="c", subcore_axis_name="s")


@functools.partial(
    pl.kernel,
    out_type=jax.ShapeDtypeStruct((B, S, D), jnp.float32),
    mesh=_mesh,
    scratch_types=[
        pltpu.VMEM((NSEQ, HALVES, CH), jnp.int32),
        pltpu.VMEM((S, D), jnp.float32),
        [pltpu.VMEM((S, D), jnp.float32)] * NBUF,
        [pltpu.SemaphoreType.DMA] * NBUF,
        [pltpu.SemaphoreType.DMA] * NBUF,
    ],
    compiler_params=pltpu.CompilerParams(use_tc_tiling_on_sc=False),
)
def _embed_sc(token_hbm, word_hbm, pos_hbm, out_hbm,
              idx_v, pos_v, bufs, gsems, ssems):
    wid = lax.axis_index("s") * NC + lax.axis_index("c")
    b0 = wid * NSEQ

    pltpu.sync_copy(token_hbm.at[wid], idx_v)
    pltpu.sync_copy(pos_hbm, pos_v)

    def gather_start(seq, k):
        for h in range(HALVES):
            pltpu.async_copy(word_hbm.at[idx_v.at[seq, h]],
                             bufs[k].at[pl.ds(h * CH, CH)], gsems[k])

    def gather_wait(seq, k):
        for h in range(HALVES):
            pltpu.make_async_copy(word_hbm.at[idx_v.at[seq, h]],
                                  bufs[k].at[pl.ds(h * CH, CH)], gsems[k]).wait()

    def fma_rows(k):
        buf = bufs[k]
        def row(r, _):
            for c in range(VECS):
                sl = pl.ds(c * L, L)
                buf[r, sl] = buf[r, sl] * SCALE + pos_v[r, sl]
            return ()
        lax.fori_loop(0, S, row, (), unroll=4)

    def store_start(seq, k):
        pltpu.async_copy(bufs[k], out_hbm.at[b0 + seq], ssems[k])

    def store_wait(k):
        pltpu.make_async_copy(bufs[k], out_hbm.at[b0], ssems[k]).wait()

    for k in range(NBUF):
        gather_start(k, k)

    def body(i, _):
        j = NBUF * i
        for k in range(NBUF):
            gather_wait(j + k, k)
            fma_rows(k)
            store_start(j + k, k)
        for k in range(NBUF):
            @pl.when(j + NBUF + k < NSEQ)
            def _(k=k):
                store_wait(k)
                gather_start(j + NBUF + k, k)
        return ()

    lax.fori_loop(0, NSEQ // NBUF, body, ())

    for k in range(NBUF):
        store_wait(k)


def kernel(token, word_table, pos_table):
    tok = token.reshape(NW, NSEQ, HALVES, CH).astype(jnp.int32)
    return _embed_sc(tok, word_table, pos_table)

# --- scband reference (transcript-rebuilt; emitter-appended) ---
"""Pipeline reference for scband-token-embedding-11982958755999 (READ-ONLY COPY).

The authoritative reference and input builder live on the scoring server;
editing this copy changes nothing except your own understanding.
"""

import jax, jax.numpy as jnp
import numpy as np

VOCAB = 1000000
D_MODEL = 64
MAX_SEQ = 200
BATCH = 1024
SEQ = 200

def setup_inputs(seed: int = 0) -> dict:
    key = jax.random.key(seed)
    k1, k2, k3 = jax.random.split(key, 3)
    token = jax.random.randint(k1, (BATCH, SEQ), 0, VOCAB, dtype=jnp.int64 if jax.config.jax_enable_x64 else jnp.int32).astype(jnp.int32)
    word_table = jax.random.normal(k2, (VOCAB, D_MODEL), dtype=jnp.float32)
    pos_table = jax.random.normal(k3, (MAX_SEQ, D_MODEL), dtype=jnp.float32)
    return {"token": token, "word_table": word_table, "pos_table": pos_table}

def reference(token, word_table, pos_table):
    # TokenEmbedding.forward with learn_positions=True, dropout in eval mode (identity)
    sqr_d_model = np.sqrt(D_MODEL).astype(np.float32)
    seq_len = token.shape[-1]
    # word embedding gather, scaled by sqrt(d_model)
    word_embed = jnp.take(word_table, token, axis=0) * sqr_d_model  # [B, S, D]
    # learned position embedding: positions = arange(max_seq_len)[None, :seq_len]
    positions = jnp.arange(MAX_SEQ)[None, :][:, :seq_len]  # [1, S]
    pos_embed = jnp.take(pos_table, positions, axis=0)  # [1, S, D]
    out = word_embed + pos_embed
    return out

if __name__ == "__main__":
    import jax
    _d = setup_inputs()
    print(jax.jit(kernel)(*tuple(_d.values())))

</pallas_src>

<mosaic_0001>
#map = affine_map<(d0, d1) -> (0, 0, 0, 0)>
#map1 = affine_map<(d0, d1) -> (0, 0)>
#map2 = affine_map<(d0, d1) -> (0, 0, 0)>
module attributes {stable_mosaic.version = 14 : i64} {
  func.func @_embed_sc(%arg0: i32, %arg1: i32, %arg2: memref<32x32x1x200xi32, #tpu.memory_space<hbm>>, %arg3: memref<1000000x64xf32, #tpu.memory_space<hbm>>, %arg4: memref<200x64xf32, #tpu.memory_space<hbm>>, %arg5: memref<1024x200x64xf32, #tpu.memory_space<hbm>>, %arg6: memref<32x1x200xi32, #tpu.memory_space<vmem>>, %arg7: memref<200x64xf32, #tpu.memory_space<vmem>>, %arg8: memref<200x64xf32, #tpu.memory_space<vmem>>, %arg9: memref<200x64xf32, #tpu.memory_space<vmem>>, %arg10: memref<200x64xf32, #tpu.memory_space<vmem>>, %arg11: memref<200x64xf32, #tpu.memory_space<vmem>>, %arg12: memref<200x64xf32, #tpu.memory_space<vmem>>, %arg13: memref<200x64xf32, #tpu.memory_space<vmem>>, %arg14: memref<200x64xf32, #tpu.memory_space<vmem>>, %arg15: memref<200x64xf32, #tpu.memory_space<vmem>>, %arg16: memref<!tpu.dma_semaphore, #tpu.memory_space<semaphore_mem>>, %arg17: memref<!tpu.dma_semaphore, #tpu.memory_space<semaphore_mem>>, %arg18: memref<!tpu.dma_semaphore, #tpu.memory_space<semaphore_mem>>, %arg19: memref<!tpu.dma_semaphore, #tpu.memory_space<semaphore_mem>>, %arg20: memref<!tpu.dma_semaphore, #tpu.memory_space<semaphore_mem>>, %arg21: memref<!tpu.dma_semaphore, #tpu.memory_space<semaphore_mem>>, %arg22: memref<!tpu.dma_semaphore, #tpu.memory_space<semaphore_mem>>, %arg23: memref<!tpu.dma_semaphore, #tpu.memory_space<semaphore_mem>>, %arg24: memref<!tpu.dma_semaphore, #tpu.memory_space<semaphore_mem>>, %arg25: memref<!tpu.dma_semaphore, #tpu.memory_space<semaphore_mem>>, %arg26: memref<!tpu.dma_semaphore, #tpu.memory_space<semaphore_mem>>, %arg27: memref<!tpu.dma_semaphore, #tpu.memory_space<semaphore_mem>>, %arg28: memref<!tpu.dma_semaphore, #tpu.memory_space<semaphore_mem>>, %arg29: memref<!tpu.dma_semaphore, #tpu.memory_space<semaphore_mem>>, %arg30: memref<!tpu.dma_semaphore, #tpu.memory_space<semaphore_mem>>, %arg31: memref<!tpu.dma_semaphore, #tpu.memory_space<semaphore_mem>>) attributes {dimension_semantics = [#tpu.dimension_semantics<core_parallel>, #tpu.dimension_semantics<subcore_parallel>], iteration_bounds = array<i64: 2, 16>, scalar_prefetch = 0 : i64, scratch_operands = 26 : i64, tpu.core_type = #tpu.core_type<sc_vector_subcore>, window_params = [{transform_indices = #map}, {transform_indices = #map1}, {transform_indices = #map1}, {transform_indices = #map2}]} {
    %mul3A = arith.constant 2 : i32
    %mul3A_0 = arith.muli %arg1, %mul3A : i32
    %add3A = arith.addi %mul3A_0, %arg0 : i32
    %mul3A_1 = arith.constant 32 : i32
    %mul3A_2 = arith.muli %add3A, %mul3A_1 : i32
    "tpu.region"() ({
      %run_scoped3A = tpu.sem_alloc : memref<!tpu.dma_semaphore, #tpu.memory_space<semaphore_mem>>
      %dma_start3A_157 = arith.constant 0 : i32
      %dma_start3A_158 = arith.constant 0 : i32
      %dma_start3A_159 = arith.constant 0 : i32
      %dma_start3A_160 = tpu.memref_slice %arg2[%add3A, %dma_start3A_157, %dma_start3A_158, %dma_start3A_159] : memref<32x32x1x200xi32, #tpu.memory_space<hbm>> -> memref<1x32x1x200xi32, #tpu.memory_space<hbm>>
      %dma_start3A_161 = tpu.memref_squeeze %dma_start3A_160 : memref<1x32x1x200xi32, #tpu.memory_space<hbm>> -> memref<32x1x200xi32, #tpu.memory_space<hbm>>
      %dma_start3A_162 = arith.constant 0 : i32
      %dma_start3A_163 = arith.constant 0 : i32
      %dma_start3A_164 = arith.constant 0 : i32
      %dma_start3A_165 = tpu.memref_slice %arg2[%add3A, %dma_start3A_162, %dma_start3A_163, %dma_start3A_164] : memref<32x32x1x200xi32, #tpu.memory_space<hbm>> -> memref<1x32x1x200xi32, #tpu.memory_space<hbm>>
      %dma_start3A_166 = tpu.memref_squeeze %dma_start3A_165 : memref<1x32x1x200xi32, #tpu.memory_space<hbm>> -> memref<32x1x200xi32, #tpu.memory_space<hbm>>
      tpu.enqueue_dma source(%dma_start3A_166 : memref<32x1x200xi32, #tpu.memory_space<hbm>>) target(%arg6 : memref<32x1x200xi32, #tpu.memory_space<vmem>>) target_semaphore(%run_scoped3A : memref<!tpu.dma_semaphore, #tpu.memory_space<semaphore_mem>>)
      %dma_wait3A_167 = arith.constant 0 : i32
      %dma_wait3A_168 = arith.constant 0 : i32
      %dma_wait3A_169 = arith.constant 0 : i32
      %dma_wait3A_170 = tpu.memref_slice %arg2[%add3A, %dma_wait3A_167, %dma_wait3A_168, %dma_wait3A_169] : memref<32x32x1x200xi32, #tpu.memory_space<hbm>> -> memref<1x32x1x200xi32, #tpu.memory_space<hbm>>
      %dma_wait3A_171 = tpu.memref_squeeze %dma_wait3A_170 : memref<1x32x1x200xi32, #tpu.memory_space<hbm>> -> memref<32x1x200xi32, #tpu.memory_space<hbm>>
      %dma_wait3A_172 = arith.constant 0 : i32
      %dma_wait3A_173 = arith.constant 0 : i32
      %dma_wait3A_174 = arith.constant 0 : i32
      %dma_wait3A_175 = tpu.memref_slice %arg2[%add3A, %dma_wait3A_172, %dma_wait3A_173, %dma_wait3A_174] : memref<32x32x1x200xi32, #tpu.memory_space<hbm>> -> memref<1x32x1x200xi32, #tpu.memory_space<hbm>>
      %dma_wait3A_176 = tpu.memref_squeeze %dma_wait3A_175 : memref<1x32x1x200xi32, #tpu.memory_space<hbm>> -> memref<32x1x200xi32, #tpu.memory_space<hbm>>
      tpu.wait_dma2 semaphore(%run_scoped3A : memref<!tpu.dma_semaphore, #tpu.memory_space<semaphore_mem>>) src(%dma_wait3A_176 : memref<32x1x200xi32, #tpu.memory_space<hbm>>) dst(%arg6 : memref<32x1x200xi32, #tpu.memory_space<vmem>>)
      tpu.yield
    }) : () -> ()
    "tpu.region"() ({
      %run_scoped3A = tpu.sem_alloc : memref<!tpu.dma_semaphore, #tpu.memory_space<semaphore_mem>>
      tpu.enqueue_dma source(%arg4 : memref<200x64xf32, #tpu.memory_space<hbm>>) target(%arg7 : memref<200x64xf32, #tpu.memory_space<vmem>>) target_semaphore(%run_scoped3A : memref<!tpu.dma_semaphore, #tpu.memory_space<semaphore_mem>>)
      tpu.wait_dma2 semaphore(%run_scoped3A : memref<!tpu.dma_semaphore, #tpu.memory_space<semaphore_mem>>) src(%arg4 : memref<200x64xf32, #tpu.memory_space<hbm>>) dst(%arg7 : memref<200x64xf32, #tpu.memory_space<vmem>>)
      tpu.yield
    }) : () -> ()
    %dma_start3A = arith.constant 0 : i32
    %dma_start3A_3 = arith.constant 0 : i32
    %dma_start3A_4 = arith.constant 0 : i32
    %dma_start3A_5 = arith.constant 0 : i32
    %dma_start3A_6 = tpu.memref_slice %arg8[%dma_start3A_4, %dma_start3A_5] : memref<200x64xf32, #tpu.memory_space<vmem>> -> memref<200x64xf32, #tpu.memory_space<vmem>>
    %dma_start3A_7 = arith.constant 0 : i32
    %dma_start3A_8 = tpu.memref_slice %arg6[%dma_start3A, %dma_start3A_3, %dma_start3A_7] : memref<32x1x200xi32, #tpu.memory_space<vmem>> -> memref<1x1x200xi32, #tpu.memory_space<vmem>>
    %dma_start3A_9 = tpu.memref_squeeze %dma_start3A_8 : memref<1x1x200xi32, #tpu.memory_space<vmem>> -> memref<200xi32, #tpu.memory_space<vmem>>
    %dma_start3A_10 = arith.constant 0 : i32
    %dma_start3A_11 = arith.constant 0 : i32
    %dma_start3A_12 = tpu.memref_slice %arg3[%dma_start3A_10, %dma_start3A_11] : memref<1000000x64xf32, #tpu.memory_space<hbm>> -> memref<1000000x64xf32, #tpu.memory_space<hbm>>
    tpu.enqueue_indirect_dma source(%dma_start3A_12 : memref<1000000x64xf32, #tpu.memory_space<hbm>>) target(%dma_start3A_6 : memref<200x64xf32, #tpu.memory_space<vmem>>) offsets(%dma_start3A_9 : memref<200xi32, #tpu.memory_space<vmem>>) semaphore(%arg16 : memref<!tpu.dma_semaphore, #tpu.memory_space<semaphore_mem>>)
    %dma_start3A_13 = arith.constant 1 : i32
    %dma_start3A_14 = arith.constant 0 : i32
    %dma_start3A_15 = arith.constant 0 : i32
    %dma_start3A_16 = arith.constant 0 : i32
    %dma_start3A_17 = tpu.memref_slice %arg9[%dma_start3A_15, %dma_start3A_16] : memref<200x64xf32, #tpu.memory_space<vmem>> -> memref<200x64xf32, #tpu.memory_space<vmem>>
    %dma_start3A_18 = arith.constant 0 : i32
    %dma_start3A_19 = tpu.memref_slice %arg6[%dma_start3A_13, %dma_start3A_14, %dma_start3A_18] : memref<32x1x200xi32, #tpu.memory_space<vmem>> -> memref<1x1x200xi32, #tpu.memory_space<vmem>>
    %dma_start3A_20 = tpu.memref_squeeze %dma_start3A_19 : memref<1x1x200xi32, #tpu.memory_space<vmem>> -> memref<200xi32, #tpu.memory_space<vmem>>
    %dma_start3A_21 = arith.constant 0 : i32
    %dma_start3A_22 = arith.constant 0 : i32
    %dma_start3A_23 = tpu.memref_slice %arg3[%dma_start3A_21, %dma_start3A_22] : memref<1000000x64xf32, #tpu.memory_space<hbm>> -> memref<1000000x64xf32, #tpu.memory_space<hbm>>
    tpu.enqueue_indirect_dma source(%dma_start3A_23 : memref<1000000x64xf32, #tpu.memory_space<hbm>>) target(%dma_start3A_17 : memref<200x64xf32, #tpu.memory_space<vmem>>) offsets(%dma_start3A_20 : memref<200xi32, #tpu.memory_space<vmem>>) semaphore(%arg17 : memref<!tpu.dma_semaphore, #tpu.memory_space<semaphore_mem>>)
    %dma_start3A_24 = arith.constant 2 : i32
    %dma_start3A_25 = arith.constant 0 : i32
    %dma_start3A_26 = arith.constant 0 : i32
    %dma_start3A_27 = arith.constant 0 : i32
    %dma_start3A_28 = tpu.memref_slice %arg10[%dma_start3A_26, %dma_start3A_27] : memref<200x64xf32, #tpu.memory_space<vmem>> -> memref<200x64xf32, #tpu.memory_space<vmem>>
    %dma_start3A_29 = arith.constant 0 : i32
    %dma_start3A_30 = tpu.memref_slice %arg6[%dma_start3A_24, %dma_start3A_25, %dma_start3A_29] : memref<32x1x200xi32, #tpu.memory_space<vmem>> -> memref<1x1x200xi32, #tpu.memory_space<vmem>>
    %dma_start3A_31 = tpu.memref_squeeze %dma_start3A_30 : memref<1x1x200xi32, #tpu.memory_space<vmem>> -> memref<200xi32, #tpu.memory_space<vmem>>
    %dma_start3A_32 = arith.constant 0 : i32
    %dma_start3A_33 = arith.constant 0 : i32
    %dma_start3A_34 = tpu.memref_slice %arg3[%dma_start3A_32, %dma_start3A_33] : memref<1000000x64xf32, #tpu.memory_space<hbm>> -> memref<1000000x64xf32, #tpu.memory_space<hbm>>
    tpu.enqueue_indirect_dma source(%dma_start3A_34 : memref<1000000x64xf32, #tpu.memory_space<hbm>>) target(%dma_start3A_28 : memref<200x64xf32, #tpu.memory_space<vmem>>) offsets(%dma_start3A_31 : memref<200xi32, #tpu.memory_space<vmem>>) semaphore(%arg18 : memref<!tpu.dma_semaphore, #tpu.memory_space<semaphore_mem>>)
    %dma_start3A_35 = arith.constant 3 : i32
    %dma_start3A_36 = arith.constant 0 : i32
    %dma_start3A_37 = arith.constant 0 : i32
    %dma_start3A_38 = arith.constant 0 : i32
    %dma_start3A_39 = tpu.memref_slice %arg11[%dma_start3A_37, %dma_start3A_38] : memref<200x64xf32, #tpu.memory_space<vmem>> -> memref<200x64xf32, #tpu.memory_space<vmem>>
    %dma_start3A_40 = arith.constant 0 : i32
    %dma_start3A_41 = tpu.memref_slice %arg6[%dma_start3A_35, %dma_start3A_36, %dma_start3A_40] : memref<32x1x200xi32, #tpu.memory_space<vmem>> -> memref<1x1x200xi32, #tpu.memory_space<vmem>>
    %dma_start3A_42 = tpu.memref_squeeze %dma_start3A_41 : memref<1x1x200xi32, #tpu.memory_space<vmem>> -> memref<200xi32, #tpu.memory_space<vmem>>
    %dma_start3A_43 = arith.constant 0 : i32
    %dma_start3A_44 = arith.constant 0 : i32
    %dma_start3A_45 = tpu.memref_slice %arg3[%dma_start3A_43, %dma_start3A_44] : memref<1000000x64xf32, #tpu.memory_space<hbm>> -> memref<1000000x64xf32, #tpu.memory_space<hbm>>
    tpu.enqueue_indirect_dma source(%dma_start3A_45 : memref<1000000x64xf32, #tpu.memory_space<hbm>>) target(%dma_start3A_39 : memref<200x64xf32, #tpu.memory_space<vmem>>) offsets(%dma_start3A_42 : memref<200xi32, #tpu.memory_space<vmem>>) semaphore(%arg19 : memref<!tpu.dma_semaphore, #tpu.memory_space<semaphore_mem>>)
    %dma_start3A_46 = arith.constant 4 : i32
    %dma_start3A_47 = arith.constant 0 : i32
    %dma_start3A_48 = arith.constant 0 : i32
    %dma_start3A_49 = arith.constant 0 : i32
    %dma_start3A_50 = tpu.memref_slice %arg12[%dma_start3A_48, %dma_start3A_49] : memref<200x64xf32, #tpu.memory_space<vmem>> -> memref<200x64xf32, #tpu.memory_space<vmem>>
    %dma_start3A_51 = arith.constant 0 : i32
    %dma_start3A_52 = tpu.memref_slice %arg6[%dma_start3A_46, %dma_start3A_47, %dma_start3A_51] : memref<32x1x200xi32, #tpu.memory_space<vmem>> -> memref<1x1x200xi32, #tpu.memory_space<vmem>>
    %dma_start3A_53 = tpu.memref_squeeze %dma_start3A_52 : memref<1x1x200xi32, #tpu.memory_space<vmem>> -> memref<200xi32, #tpu.memory_space<vmem>>
    %dma_start3A_54 = arith.constant 0 : i32
    %dma_start3A_55 = arith.constant 0 : i32
    %dma_start3A_56 = tpu.memref_slice %arg3[%dma_start3A_54, %dma_start3A_55] : memref<1000000x64xf32, #tpu.memory_space<hbm>> -> memref<1000000x64xf32, #tpu.memory_space<hbm>>
    tpu.enqueue_indirect_dma source(%dma_start3A_56 : memref<1000000x64xf32, #tpu.memory_space<hbm>>) target(%dma_start3A_50 : memref<200x64xf32, #tpu.memory_space<vmem>>) offsets(%dma_start3A_53 : memref<200xi32, #tpu.memory_space<vmem>>) semaphore(%arg20 : memref<!tpu.dma_semaphore, #tpu.memory_space<semaphore_mem>>)
    %dma_start3A_57 = arith.constant 5 : i32
    %dma_start3A_58 = arith.constant 0 : i32
    %dma_start3A_59 = arith.constant 0 : i32
    %dma_start3A_60 = arith.constant 0 : i32
    %dma_start3A_61 = tpu.memref_slice %arg13[%dma_start3A_59, %dma_start3A_60] : memref<200x64xf32, #tpu.memory_space<vmem>> -> memref<200x64xf32, #tpu.memory_space<vmem>>
    %dma_start3A_62 = arith.constant 0 : i32
    %dma_start3A_63 = tpu.memref_slice %arg6[%dma_start3A_57, %dma_start3A_58, %dma_start3A_62] : memref<32x1x200xi32, #tpu.memory_space<vmem>> -> memref<1x1x200xi32, #tpu.memory_space<vmem>>
    %dma_start3A_64 = tpu.memref_squeeze %dma_start3A_63 : memref<1x1x200xi32, #tpu.memory_space<vmem>> -> memref<200xi32, #tpu.memory_space<vmem>>
    %dma_start3A_65 = arith.constant 0 : i32
    %dma_start3A_66 = arith.constant 0 : i32
    %dma_start3A_67 = tpu.memref_slice %arg3[%dma_start3A_65, %dma_start3A_66] : memref<1000000x64xf32, #tpu.memory_space<hbm>> -> memref<1000000x64xf32, #tpu.memory_space<hbm>>
    tpu.enqueue_indirect_dma source(%dma_start3A_67 : memref<1000000x64xf32, #tpu.memory_space<hbm>>) target(%dma_start3A_61 : memref<200x64xf32, #tpu.memory_space<vmem>>) offsets(%dma_start3A_64 : memref<200xi32, #tpu.memory_space<vmem>>) semaphore(%arg21 : memref<!tpu.dma_semaphore, #tpu.memory_space<semaphore_mem>>)
    %dma_start3A_68 = arith.constant 6 : i32
    %dma_start3A_69 = arith.constant 0 : i32
    %dma_start3A_70 = arith.constant 0 : i32
    %dma_start3A_71 = arith.constant 0 : i32
    %dma_start3A_72 = tpu.memref_slice %arg14[%dma_start3A_70, %dma_start3A_71] : memref<200x64xf32, #tpu.memory_space<vmem>> -> memref<200x64xf32, #tpu.memory_space<vmem>>
    %dma_start3A_73 = arith.constant 0 : i32
    %dma_start3A_74 = tpu.memref_slice %arg6[%dma_start3A_68, %dma_start3A_69, %dma_start3A_73] : memref<32x1x200xi32, #tpu.memory_space<vmem>> -> memref<1x1x200xi32, #tpu.memory_space<vmem>>
    %dma_start3A_75 = tpu.memref_squeeze %dma_start3A_74 : memref<1x1x200xi32, #tpu.memory_space<vmem>> -> memref<200xi32, #tpu.memory_space<vmem>>
    %dma_start3A_76 = arith.constant 0 : i32
    %dma_start3A_77 = arith.constant 0 : i32
    %dma_start3A_78 = tpu.memref_slice %arg3[%dma_start3A_76, %dma_start3A_77] : memref<1000000x64xf32, #tpu.memory_space<hbm>> -> memref<1000000x64xf32, #tpu.memory_space<hbm>>
    tpu.enqueue_indirect_dma source(%dma_start3A_78 : memref<1000000x64xf32, #tpu.memory_space<hbm>>) target(%dma_start3A_72 : memref<200x64xf32, #tpu.memory_space<vmem>>) offsets(%dma_start3A_75 : memref<200xi32, #tpu.memory_space<vmem>>) semaphore(%arg22 : memref<!tpu.dma_semaphore, #tpu.memory_space<semaphore_mem>>)
    %dma_start3A_79 = arith.constant 7 : i32
    %dma_start3A_80 = arith.constant 0 : i32
    %dma_start3A_81 = arith.constant 0 : i32
    %dma_start3A_82 = arith.constant 0 : i32
    %dma_start3A_83 = tpu.memref_slice %arg15[%dma_start3A_81, %dma_start3A_82] : memref<200x64xf32, #tpu.memory_space<vmem>> -> memref<200x64xf32, #tpu.memory_space<vmem>>
    %dma_start3A_84 = arith.constant 0 : i32
    %dma_start3A_85 = tpu.memref_slice %arg6[%dma_start3A_79, %dma_start3A_80, %dma_start3A_84] : memref<32x1x200xi32, #tpu.memory_space<vmem>> -> memref<1x1x200xi32, #tpu.memory_space<vmem>>
    %dma_start3A_86 = tpu.memref_squeeze %dma_start3A_85 : memref<1x1x200xi32, #tpu.memory_space<vmem>> -> memref<200xi32, #tpu.memory_space<vmem>>
    %dma_start3A_87 = arith.constant 0 : i32
    %dma_start3A_88 = arith.constant 0 : i32
    %dma_start3A_89 = tpu.memref_slice %arg3[%dma_start3A_87, %dma_start3A_88] : memref<1000000x64xf32, #tpu.memory_space<hbm>> -> memref<1000000x64xf32, #tpu.memory_space<hbm>>
    tpu.enqueue_indirect_dma source(%dma_start3A_89 : memref<1000000x64xf32, #tpu.memory_space<hbm>>) target(%dma_start3A_83 : memref<200x64xf32, #tpu.memory_space<vmem>>) offsets(%dma_start3A_86 : memref<200xi32, #tpu.memory_space<vmem>>) semaphore(%arg23 : memref<!tpu.dma_semaphore, #tpu.memory_space<semaphore_mem>>)
    %scan3A = arith.constant 0 : i32
    %scan3A_90 = arith.constant 4 : i32
    %scan3A_91 = arith.addi %scan3A, %scan3A_90 : i32
    %scan3A_92 = arith.constant 1 : i32
    scf.for %scan3A_157 = %scan3A to %scan3A_91 step %scan3A_92  : i32 {
      %mul3A_158 = arith.constant 8 : i32
      %mul3A_159 = arith.muli %mul3A_158, %scan3A_157 : i32
      %add3A_160 = arith.constant 0 : i32
      %add3A_161 = arith.addi %mul3A_159, %add3A_160 : i32
      %dma_wait3A_162 = arith.constant 0 : i32
      %dma_wait3A_163 = arith.constant 0 : i32
      %dma_wait3A_164 = arith.constant 0 : i32
      %dma_wait3A_165 = tpu.memref_slice %arg8[%dma_wait3A_163, %dma_wait3A_164] : memref<200x64xf32, #tpu.memory_space<vmem>> -> memref<200x64xf32, #tpu.memory_space<vmem>>
      %dma_wait3A_166 = arith.constant 0 : i32
      %dma_wait3A_167 = tpu.memref_slice %arg6[%add3A_161, %dma_wait3A_162, %dma_wait3A_166] : memref<32x1x200xi32, #tpu.memory_space<vmem>> -> memref<1x1x200xi32, #tpu.memory_space<vmem>>
      %dma_wait3A_168 = tpu.memref_squeeze %dma_wait3A_167 : memref<1x1x200xi32, #tpu.memory_space<vmem>> -> memref<200xi32, #tpu.memory_space<vmem>>
      %dma_wait3A_169 = arith.constant 0 : i32
      %dma_wait3A_170 = arith.constant 0 : i32
      %dma_wait3A_171 = tpu.memref_slice %arg3[%dma_wait3A_169, %dma_wait3A_170] : memref<1000000x64xf32, #tpu.memory_space<hbm>> -> memref<1000000x64xf32, #tpu.memory_space<hbm>>
      tpu.wait_indirect_dma semaphore(%arg16 : memref<!tpu.dma_semaphore, #tpu.memory_space<semaphore_mem>>) src(%dma_wait3A_171 : memref<1000000x64xf32, #tpu.memory_space<hbm>>) dst(%dma_wait3A_165 : memref<200x64xf32, #tpu.memory_space<vmem>>)
      %scan3A_172 = arith.constant 0 : i32
      %scan3A_173 = arith.constant 200 : i32
      %scan3A_174 = arith.addi %scan3A_172, %scan3A_173 : i32
      %scan3A_175 = arith.constant 4 : i32
      scf.for %scan3A_453 = %scan3A_172 to %scan3A_174 step %scan3A_175  : i32 {
        %get3A = arith.index_cast %scan3A_453 : i32 to index
        %get3A_454 = arith.constant 0 : index
        %get3A_455 = tpu.vector_load %arg8[%get3A, %get3A_454] {strides = array<i32>} : memref<200x64xf32, #tpu.memory_space<vmem>>, vector<1x16xf32>,
        %get3A_456 = vector.shape_cast %get3A_455 : vector<1x16xf32> to vector<16xf32>
        %mul3A_457 = arith.constant 8.000000e+00 : f32
        %mul3A_458 = vector.broadcast %mul3A_457 : f32 to vector<16xf32>
        %mul3A_459 = arith.mulf %get3A_456, %mul3A_458 : vector<16xf32>
        %get3A_460 = arith.index_cast %scan3A_453 : i32 to index
        %get3A_461 = arith.constant 0 : index
        %get3A_462 = tpu.vector_load %arg7[%get3A_460, %get3A_461] {strides = array<i32>} : memref<200x64xf32, #tpu.memory_space<vmem>>, vector<1x16xf32>,
        %get3A_463 = vector.shape_cast %get3A_462 : vector<1x16xf32> to vector<16xf32>
        %add3A_464 = arith.addf %mul3A_459, %get3A_463 : vector<16xf32>
        %swap3A = arith.index_cast %scan3A_453 : i32 to index
        %swap3A_465 = arith.constant 0 : index
        %swap3A_466 = tpu.vector_load %arg8[%swap3A, %swap3A_465] {strides = array<i32>} : memref<200x64xf32, #tpu.memory_space<vmem>>, vector<1x16xf32>,
        %swap3A_467 = vector.shape_cast %swap3A_466 : vector<1x16xf32> to vector<16xf32>
        %swap3A_468 = vector.shape_cast %add3A_464 : vector<16xf32> to vector<1x16xf32>
        tpu.vector_store %arg8[%swap3A, %swap3A_465], %swap3A_468 {strides = array<i32>} : memref<200x64xf32, #tpu.memory_space<vmem>>, vector<1x16xf32>,
        %get3A_469 = arith.index_cast %scan3A_453 : i32 to index
        %get3A_470 = arith.constant 16 : index
        %get3A_471 = tpu.vector_load %arg8[%get3A_469, %get3A_470] {strides = array<i32>} : memref<200x64xf32, #tpu.memory_space<vmem>>, vector<1x16xf32>,
        %get3A_472 = vector.shape_cast %get3A_471 : vector<1x16xf32> to vector<16xf32>
        %mul3A_473 = arith.constant 8.000000e+00 : f32
        %mul3A_474 = vector.broadcast %mul3A_473 : f32 to vector<16xf32>
        %mul3A_475 = arith.mulf %get3A_472, %mul3A_474 : vector<16xf32>
        %get3A_476 = arith.index_cast %scan3A_453 : i32 to index
        %get3A_477 = arith.constant 16 : index
        %get3A_478 = tpu.vector_load %arg7[%get3A_476, %get3A_477] {strides = array<i32>} : memref<200x64xf32, #tpu.memory_space<vmem>>, vector<1x16xf32>,
        %get3A_479 = vector.shape_cast %get3A_478 : vector<1x16xf32> to vector<16xf32>
        %add3A_480 = arith.addf %mul3A_475, %get3A_479 : vector<16xf32>
        %swap3A_481 = arith.index_cast %scan3A_453 : i32 to index
        %swap3A_482 = arith.constant 16 : index
        %swap3A_483 = tpu.vector_load %arg8[%swap3A_481, %swap3A_482] {strides = array<i32>} : memref<200x64xf32, #tpu.memory_space<vmem>>, vector<1x16xf32>,
        %swap3A_484 = vector.shape_cast %swap3A_483 : vector<1x16xf32> to vector<16xf32>
        %swap3A_485 = vector.shape_cast %add3A_480 : vector<16xf32> to vector<1x16xf32>
        tpu.vector_store %arg8[%swap3A_481, %swap3A_482], %swap3A_485 {strides = array<i32>} : memref<200x64xf32, #tpu.memory_space<vmem>>, vector<1x16xf32>,
        %get3A_486 = arith.index_cast %scan3A_453 : i32 to index
        %get3A_487 = arith.constant 32 : index
        %get3A_488 = tpu.vector_load %arg8[%get3A_486, %get3A_487] {strides = array<i32>} : memref<200x64xf32, #tpu.memory_space<vmem>>, vector<1x16xf32>,
        %get3A_489 = vector.shape_cast %get3A_488 : vector<1x16xf32> to vector<16xf32>
        %mul3A_490 = arith.constant 8.000000e+00 : f32
        %mul3A_491 = vector.broadcast %mul3A_490 : f32 to vector<16xf32>
        %mul3A_492 = arith.mulf %get3A_489, %mul3A_491 : vector<16xf32>
        %get3A_493 = arith.index_cast %scan3A_453 : i32 to index
        %get3A_494 = arith.constant 32 : index
        %get3A_495 = tpu.vector_load %arg7[%get3A_493, %get3A_494] {strides = array<i32>} : memref<200x64xf32, #tpu.memory_space<vmem>>, vector<1x16xf32>,
        %get3A_496 = vector.shape_cast %get3A_495 : vector<1x16xf32> to vector<16xf32>
        %add3A_497 = arith.addf %mul3A_492, %get3A_496 : vector<16xf32>
        %swap3A_498 = arith.index_cast %scan3A_453 : i32 to index
        %swap3A_499 = arith.constant 32 : index
        %swap3A_500 = tpu.vector_load %arg8[%swap3A_498, %swap3A_499] {strides = array<i32>} : memref<200x64xf32, #tpu.memory_space<vmem>>, vector<1x16xf32>,
        %swap3A_501 = vector.shape_cast %swap3A_500 : vector<1x16xf32> to vector<16xf32>
        %swap3A_502 = vector.shape_cast %add3A_497 : vector<16xf32> to vector<1x16xf32>
        tpu.vector_store %arg8[%swap3A_498, %swap3A_499], %swap3A_502 {strides = array<i32>} : memref<200x64xf32, #tpu.memory_space<vmem>>, vector<1x16xf32>,
        %get3A_503 = arith.index_cast %scan3A_453 : i32 to index
        %get3A_504 = arith.constant 48 : index
        %get3A_505 = tpu.vector_load %arg8[%get3A_503, %get3A_504] {strides = array<i32>} : memref<200x64xf32, #tpu.memory_space<vmem>>, vector<1x16xf32>,
        %get3A_506 = vector.shape_cast %get3A_505 : vector<1x16xf32> to vector<16xf32>
        %mul3A_507 = arith.constant 8.000000e+00 : f32
        %mul3A_508 = vector.broadcast %mul3A_507 : f32 to vector<16xf32>
        %mul3A_509 = arith.mulf %get3A_506, %mul3A_508 : vector<16xf32>
        %get3A_510 = arith.index_cast %scan3A_453 : i32 to index
        %get3A_511 = arith.constant 48 : index
        %get3A_512 = tpu.vector_load %arg7[%get3A_510, %get3A_511] {strides = array<i32>} : memref<200x64xf32, #tpu.memory_space<vmem>>, vector<1x16xf32>,
        %get3A_513 = vector.shape_cast %get3A_512 : vector<1x16xf32> to vector<16xf32>
        %add3A_514 = arith.addf %mul3A_509, %get3A_513 : vector<16xf32>
        %swap3A_515 = arith.index_cast %scan3A_453 : i32 to index
        %swap3A_516 = arith.constant 48 : index
        %swap3A_517 = tpu.vector_load %arg8[%swap3A_515, %swap3A_516] {strides = array<i32>} : memref<200x64xf32, #tpu.memory_space<vmem>>, vector<1x16xf32>,
        %swap3A_518 = vector.shape_cast %swap3A_517 : vector<1x16xf32> to vector<16xf32>
        %swap3A_519 = vector.shape_cast %add3A_514 : vector<16xf32> to vector<1x16xf32>
        tpu.vector_store %arg8[%swap3A_515, %swap3A_516], %swap3A_519 {strides = array<i32>} : memref<200x64xf32, #tpu.memory_space<vmem>>, vector<1x16xf32>,
        %scan3A_520 = arith.constant 1 : i32
        %scan3A_521 = arith.addi %scan3A_453, %scan3A_520 : i32
        %get3A_522 = arith.index_cast %scan3A_521 : i32 to index
        %get3A_523 = arith.constant 0 : index
        %get3A_524 = tpu.vector_load %arg8[%get3A_522, %get3A_523] {strides = array<i32>} : memref<200x64xf32, #tpu.memory_space<vmem>>, vector<1x16xf32>,
        %get3A_525 = vector.shape_cast %get3A_524 : vector<1x16xf32> to vector<16xf32>
        %mul3A_526 = arith.constant 8.000000e+00 : f32
        %mul3A_527 = vector.broadcast %mul3A_526 : f32 to vector<16xf32>
        %mul3A_528 = arith.mulf %get3A_525, %mul3A_527 : vector<16xf32>
        %get3A_529 = arith.index_cast %scan3A_521 : i32 to index
        %get3A_530 = arith.constant 0 : index
        %get3A_531 = tpu.vector_load %arg7[%get3A_529, %get3A_530] {strides = array<i32>} : memref<200x64xf32, #tpu.memory_space<vmem>>, vector<1x16xf32>,
        %get3A_532 = vector.shape_cast %get3A_531 : vector<1x16xf32> to vector<16xf32>
        %add3A_533 = arith.addf %mul3A_528, %get3A_532 : vector<16xf32>
        %swap3A_534 = arith.index_cast %scan3A_521 : i32 to index
        %swap3A_535 = arith.constant 0 : index
        %swap3A_536 = tpu.vector_load %arg8[%swap3A_534, %swap3A_535] {strides = array<i32>} : memref<200x64xf32, #tpu.memory_space<vmem>>, vector<1x16xf32>,
        %swap3A_537 = vector.shape_cast %swap3A_536 : vector<1x16xf32> to vector<16xf32>
        %swap3A_538 = vector.shape_cast %add3A_533 : vector<16xf32> to vector<1x16xf32>
        tpu.vector_store %arg8[%swap3A_534, %swap3A_535], %swap3A_538 {strides = array<i32>} : memref<200x64xf32, #tpu.memory_space<vmem>>, vector<1x16xf32>,
        %get3A_539 = arith.index_cast %scan3A_521 : i32 to index
        %get3A_540 = arith.constant 16 : index
        %get3A_541 = tpu.vector_load %arg8[%get3A_539, %get3A_540] {strides = array<i32>} : memref<200x64xf32, #tpu.memory_space<vmem>>, vector<1x16xf32>,
        %get3A_542 = vector.shape_cast %get3A_541 : vector<1x16xf32> to vector<16xf32>
        %mul3A_543 = arith.constant 8.000000e+00 : f32
        %mul3A_544 = vector.broadcast %mul3A_543 : f32 to vector<16xf32>
        %mul3A_545 = arith.mulf %get3A_542, %mul3A_544 : vector<16xf32>
        %get3A_546 = arith.index_cast %scan3A_521 : i32 to index
        %get3A_547 = arith.constant 16 : index
        %get3A_548 = tpu.vector_load %arg7[%get3A_546, %get3A_547] {strides = array<i32>} : memref<200x64xf32, #tpu.memory_space<vmem>>, vector<1x16xf32>,
        %get3A_549 = vector.shape_cast %get3A_548 : vector<1x16xf32> to vector<16xf32>
        %add3A_550 = arith.addf %mul3A_545, %get3A_549 : vector<16xf32>
        %swap3A_551 = arith.index_cast %scan3A_521 : i32 to index
        %swap3A_552 = arith.constant 16 : index
        %swap3A_553 = tpu.vector_load %arg8[%swap3A_551, %swap3A_552] {strides = array<i32>} : memref<200x64xf32, #tpu.memory_space<vmem>>, vector<1x16xf32>,
        %swap3A_554 = vector.shape_cast %swap3A_553 : vector<1x16xf32> to vector<16xf32>
        %swap3A_555 = vector.shape_cast %add3A_550 : vector<16xf32> to vector<1x16xf32>
        tpu.vector_store %arg8[%swap3A_551, %swap3A_552], %swap3A_555 {strides = array<i32>} : memref<200x64xf32, #tpu.memory_space<vmem>>, vector<1x16xf32>,
        %get3A_556 = arith.index_cast %scan3A_521 : i32 to index
        %get3A_557 = arith.constant 32 : index
        %get3A_558 = tpu.vector_load %arg8[%get3A_556, %get3A_557] {strides = array<i32>} : memref<200x64xf32, #tpu.memory_space<vmem>>, vector<1x16xf32>,
        %get3A_559 = vector.shape_cast %get3A_558 : vector<1x16xf32> to vector<16xf32>
        %mul3A_560 = arith.constant 8.000000e+00 : f32
        %mul3A_561 = vector.broadcast %mul3A_560 : f32 to vector<16xf32>
        %mul3A_562 = arith.mulf %get3A_559, %mul3A_561 : vector<16xf32>
        %get3A_563 = arith.index_cast %scan3A_521 : i32 to index
        %get3A_564 = arith.constant 32 : index
        %get3A_565 = tpu.vector_load %arg7[%get3A_563, %get3A_564] {strides = array<i32>} : memref<200x64xf32, #tpu.memory_space<vmem>>, vector<1x16xf32>,
        %get3A_566 = vector.shape_cast %get3A_565 : vector<1x16xf32> to vector<16xf32>
        %add3A_567 = arith.addf %mul3A_562, %get3A_566 : vector<16xf32>
        %swap3A_568 = arith.index_cast %scan3A_521 : i32 to index
        %swap3A_569 = arith.constant 32 : index
        %swap3A_570 = tpu.vector_load %arg8[%swap3A_568, %swap3A_569] {strides = array<i32>} : memref<200x64xf32, #tpu.memory_space<vmem>>, vector<1x16xf32>,
        %swap3A_571 = vector.shape_cast %swap3A_570 : vector<1x16xf32> to vector<16xf32>
        %swap3A_572 = vector.shape_cast %add3A_567 : vector<16xf32> to vector<1x16xf32>
        tpu.vector_store %arg8[%swap3A_568, %swap3A_569], %swap3A_572 {strides = array<i32>} : memref<200x64xf32, #tpu.memory_space<vmem>>, vector<1x16xf32>,
        %get3A_573 = arith.index_cast %scan3A_521 : i32 to index
        %get3A_574 = arith.constant 48 : index
        %get3A_575 = tpu.vector_load %arg8[%get3A_573, %get3A_574] {strides = array<i32>} : memref<200x64xf32, #tpu.memory_space<vmem>>, vector<1x16xf32>,
        %get3A_576 = vector.shape_cast %get3A_575 : vector<1x16xf32> to vector<16xf32>
        %mul3A_577 = arith.constant 8.000000e+00 : f32
        %mul3A_578 = vector.broadcast %mul3A_577 : f32 to vector<16xf32>
        %mul3A_579 = arith.mulf %get3A_576, %mul3A_578 : vector<16xf32>
        %get3A_580 = arith.index_cast %scan3A_521 : i32 to index
        %get3A_581 = arith.constant 48 : index
        %get3A_582 = tpu.vector_load %arg7[%get3A_580, %get3A_581] {strides = array<i32>} : memref<200x64xf32, #tpu.memory_space<vmem>>, vector<1x16xf32>,
        %get3A_583 = vector.shape_cast %get3A_582 : vector<1x16xf32> to vector<16xf32>
        %add3A_584 = arith.addf %mul3A_579, %get3A_583 : vector<16xf32>
        %swap3A_585 = arith.index_cast %scan3A_521 : i32 to index
        %swap3A_586 = arith.constant 48 : index
        %swap3A_587 = tpu.vector_load %arg8[%swap3A_585, %swap3A_586] {strides = array<i32>} : memref<200x64xf32, #tpu.memory_space<vmem>>, vector<1x16xf32>,
        %swap3A_588 = vector.shape_cast %swap3A_587 : vector<1x16xf32> to vector<16xf32>
        %swap3A_589 = vector.shape_cast %add3A_584 : vector<16xf32> to vector<1x16xf32>
        tpu.vector_store %arg8[%swap3A_585, %swap3A_586], %swap3A_589 {strides = array<i32>} : memref<200x64xf32, #tpu.memory_space<vmem>>, vector<1x16xf32>,
        %scan3A_590 = arith.constant 2 : i32
        %scan3A_591 = arith.addi %scan3A_453, %scan3A_590 : i32
        %get3A_592 = arith.index_cast %scan3A_591 : i32 to index
        %get3A_593 = arith.constant 0 : index
        %get3A_594 = tpu.vector_load %arg8[%get3A_592, %get3A_593] {strides = array<i32>} : memref<200x64xf32, #tpu.memory_space<vmem>>, vector<1x16xf32>,
        %get3A_595 = vector.shape_cast %get3A_594 : vector<1x16xf32> to vector<16xf32>
        %mul3A_596 = arith.constant 8.000000e+00 : f32
        %mul3A_597 = vector.broadcast %mul3A_596 : f32 to vector<16xf32>
        %mul3A_598 = arith.mulf %get3A_595, %mul3A_597 : vector<16xf32>
        %get3A_599 = arith.index_cast %scan3A_591 : i32 to index
        %get3A_600 = arith.constant 0 : index
        %get3A_601 = tpu.vector_load %arg7[%get3A_599, %get3A_600] {strides = array<i32>} : memref<200x64xf32, #tpu.memory_space<vmem>>, vector<1x16xf32>,
        %get3A_602 = vector.shape_cast %get3A_601 : vector<1x16xf32> to vector<16xf32>
        %add3A_603 = arith.addf %mul3A_598, %get3A_602 : vector<16xf32>
        %swap3A_604 = arith.index_cast %scan3A_591 : i32 to index
        %swap3A_605 = arith.constant 0 : index
        %swap3A_606 = tpu.vector_load %arg8[%swap3A_604, %swap3A_605] {strides = array<i32>} : memref<200x64xf32, #tpu.memory_space<vmem>>, vector<1x16xf32>,
        %swap3A_607 = vector.shape_cast %swap3A_606 : vector<1x16xf32> to vector<16xf32>
        %swap3A_608 = vector.shape_cast %add3A_603 : vector<16xf32> to vector<1x16xf32>
        tpu.vector_store %arg8[%swap3A_604, %swap3A_605], %swap3A_608 {strides = array<i32>} : memref<200x64xf32, #tpu.memory_space<vmem>>, vector<1x16xf32>,
        %get3A_609 = arith.index_cast %scan3A_591 : i32 to index
        %get3A_610 = arith.constant 16 : index
        %get3A_611 = tpu.vector_load %arg8[%get3A_609, %get3A_610] {strides = array<i32>} : memref<200x64xf32, #tpu.memory_space<vmem>>, vector<1x16xf32>,
        %get3A_612 = vector.shape_cast %get3A_611 : vector<1x16xf32> to vector<16xf32>
        %mul3A_613 = arith.constant 8.000000e+00 : f32
        %mul3A_614 = vector.broadcast %mul3A_613 : f32 to vector<16xf32>
        %mul3A_615 = arith.mulf %get3A_612, %mul3A_614 : vector<16xf32>
        %get3A_616 = arith.index_cast %scan3A_591 : i32 to index
        %get3A_617 = arith.constant 16 : index
        %get3A_618 = tpu.vector_load %arg7[%get3A_616, %get3A_617] {strides = array<i32>} : memref<200x64xf32, #tpu.memory_space<vmem>>, vector<1x16xf32>,
        %get3A_619 = vector.shape_cast %get3A_618 : vector<1x16xf32> to vector<16xf32>
        %add3A_620 = arith.addf %mul3A_615, %get3A_619 : vector<16xf32>
        %swap3A_621 = arith.index_cast %scan3A_591 : i32 to index
        %swap3A_622 = arith.constant 16 : index
        %swap3A_623 = tpu.vector_load %arg8[%swap3A_621, %swap3A_622] {strides = array<i32>} : memref<200x64xf32, #tpu.memory_space<vmem>>, vector<1x16xf32>,
        %swap3A_624 = vector.shape_cast %swap3A_623 : vector<1x16xf32> to vector<16xf32>
        %swap3A_625 = vector.shape_cast %add3A_620 : vector<16xf32> to vector<1x16xf32>
        tpu.vector_store %arg8[%swap3A_621, %swap3A_622], %swap3A_625 {strides = array<i32>} : memref<200x64xf32, #tpu.memory_space<vmem>>, vector<1x16xf32>,
        %get3A_626 = arith.index_cast %scan3A_591 : i32 to index
        %get3A_627 = arith.constant 32 : index
        %get3A_628 = tpu.vector_load %arg8[%get3A_626, %get3A_627] {strides = array<i32>} : memref<200x64xf32, #tpu.memory_space<vmem>>, vector<1x16xf32>,
        %get3A_629 = vector.shape_cast %get3A_628 : vector<1x16xf32> to vector<16xf32>
        %mul3A_630 = arith.constant 8.000000e+00 : f32
        %mul3A_631 = vector.broadcast %mul3A_630 : f32 to vector<16xf32>
        %mul3A_632 = arith.mulf %get3A_629, %mul3A_631 : vector<16xf32>
        %get3A_633 = arith.index_cast %scan3A_591 : i32 to index
        %get3A_634 = arith.constant 32 : index
        %get3A_635 = tpu.vector_load %arg7[%get3A_633, %get3A_634] {strides = array<i32>} : memref<200x64xf32, #tpu.memory_space<vmem>>, vector<1x16xf32>,
        %get3A_636 = vector.shape_cast %get3A_635 : vector<1x16xf32> to vector<16xf32>
        %add3A_637 = arith.addf %mul3A_632, %get3A_636 : vector<16xf32>
        %swap3A_638 = arith.index_cast %scan3A_591 : i32 to index
        %swap3A_639 = arith.constant 32 : index
        %swap3A_640 = tpu.vector_load %arg8[%swap3A_638, %swap3A_639] {strides = array<i32>} : memref<200x64xf32, #tpu.memory_space<vmem>>, vector<1x16xf32>,
        %swap3A_641 = vector.shape_cast %swap3A_640 : vector<1x16xf32> to vector<16xf32>
        %swap3A_642 = vector.shape_cast %add3A_637 : vector<16xf32> to vector<1x16xf32>
        tpu.vector_store %arg8[%swap3A_638, %swap3A_639], %swap3A_642 {strides = array<i32>} : memref<200x64xf32, #tpu.memory_space<vmem>>, vector<1x16xf32>,
        %get3A_643 = arith.index_cast %scan3A_591 : i32 to index
        %get3A_644 = arith.constant 48 : index
        %get3A_645 = tpu.vector_load %arg8[%get3A_643, %get3A_644] {strides = array<i32>} : memref<200x64xf32, #tpu.memory_space<vmem>>, vector<1x16xf32>,
        %get3A_646 = vector.shape_cast %get3A_645 : vector<1x16xf32> to vector<16xf32>
        %mul3A_647 = arith.constant 8.000000e+00 : f32
        %mul3A_648 = vector.broadcast %mul3A_647 : f32 to vector<16xf32>
        %mul3A_649 = arith.mulf %get3A_646, %mul3A_648 : vector<16xf32>
        %get3A_650 = arith.index_cast %scan3A_591 : i32 to index
        %get3A_651 = arith.constant 48 : index
        %get3A_652 = tpu.vector_load %arg7[%get3A_650, %get3A_651] {strides = array<i32>} : memref<200x64xf32, #tpu.memory_space<vmem>>, vector<1x16xf32>,
        %get3A_653 = vector.shape_cast %get3A_652 : vector<1x16xf32> to vector<16xf32>
        %add3A_654 = arith.addf %mul3A_649, %get3A_653 : vector<16xf32>
        %swap3A_655 = arith.index_cast %scan3A_591 : i32 to index
        %swap3A_656 = arith.constant 48 : index
        %swap3A_657 = tpu.vector_load %arg8[%swap3A_655, %swap3A_656] {strides = array<i32>} : memref<200x64xf32, #tpu.memory_space<vmem>>, vector<1x16xf32>,
        %swap3A_658 = vector.shape_cast %swap3A_657 : vector<1x16xf32> to vector<16xf32>
        %swap3A_659 = vector.shape_cast %add3A_654 : vector<16xf32> to vector<1x16xf32>
        tpu.vector_store %arg8[%swap3A_655, %swap3A_656], %swap3A_659 {strides = array<i32>} : memref<200x64xf32, #tpu.memory_space<vmem>>, vector<1x16xf32>,
        %scan3A_660 = arith.constant 3 : i32
        %scan3A_661 = arith.addi %scan3A_453, %scan3A_660 : i32
        %get3A_662 = arith.index_cast %scan3A_661 : i32 to index
        %get3A_663 = arith.constant 0 : index
        %get3A_664 = tpu.vector_load %arg8[%get3A_662, %get3A_663] {strides = array<i32>} : memref<200x64xf32, #tpu.memory_space<vmem>>, vector<1x16xf32>,
        %get3A_665 = vector.shape_cast %get3A_664 : vector<1x16xf32> to vector<16xf32>
        %mul3A_666 = arith.constant 8.000000e+00 : f32
        %mul3A_667 = vector.broadcast %mul3A_666 : f32 to vector<16xf32>
        %mul3A_668 = arith.mulf %get3A_665, %mul3A_667 : vector<16xf32>
        %get3A_669 = arith.index_cast %scan3A_661 : i32 to index
        %get3A_670 = arith.constant 0 : index
        %get3A_671 = tpu.vector_load %arg7[%get3A_669, %get3A_670] {strides = array<i32>} : memref<200x64xf32, #tpu.memory_space<vmem>>, vector<1x16xf32>,
        %get3A_672 = vector.shape_cast %get3A_671 : vector<1x16xf32> to vector<16xf32>
        %add3A_673 = arith.addf %mul3A_668, %get3A_672 : vector<16xf32>
        %swap3A_674 = arith.index_cast %scan3A_661 : i32 to index
        %swap3A_675 = arith.constant 0 : index
        %swap3A_676 = tpu.vector_load %arg8[%swap3A_674, %swap3A_675] {strides = array<i32>} : memref<200x64xf32, #tpu.memory_space<vmem>>, vector<1x16xf32>,
        %swap3A_677 = vector.shape_cast %swap3A_676 : vector<1x16xf32> to vector<16xf32>
        %swap3A_678 = vector.shape_cast %add3A_673 : vector<16xf32> to vector<1x16xf32>
        tpu.vector_store %arg8[%swap3A_674, %swap3A_675], %swap3A_678 {strides = array<i32>} : memref<200x64xf32, #tpu.memory_space<vmem>>, vector<1x16xf32>,
        %get3A_679 = arith.index_cast %scan3A_661 : i32 to index
        %get3A_680 = arith.constant 16 : index
        %get3A_681 = tpu.vector_load %arg8[%get3A_679, %get3A_680] {strides = array<i32>} : memref<200x64xf32, #tpu.memory_space<vmem>>, vector<1x16xf32>,
        %get3A_682 = vector.shape_cast %get3A_681 : vector<1x16xf32> to vector<16xf32>
        %mul3A_683 = arith.constant 8.000000e+00 : f32
        %mul3A_684 = vector.broadcast %mul3A_683 : f32 to vector<16xf32>
        %mul3A_685 = arith.mulf %get3A_682, %mul3A_684 : vector<16xf32>
        %get3A_686 = arith.index_cast %scan3A_661 : i32 to index
        %get3A_687 = arith.constant 16 : index
        %get3A_688 = tpu.vector_load %arg7[%get3A_686, %get3A_687] {strides = array<i32>} : memref<200x64xf32, #tpu.memory_space<vmem>>, vector<1x16xf32>,
        %get3A_689 = vector.shape_cast %get3A_688 : vector<1x16xf32> to vector<16xf32>
        %add3A_690 = arith.addf %mul3A_685, %get3A_689 : vector<16xf32>
        %swap3A_691 = arith.index_cast %scan3A_661 : i32 to index
        %swap3A_692 = arith.constant 16 : index
        %swap3A_693 = tpu.vector_load %arg8[%swap3A_691, %swap3A_692] {strides = array<i32>} : memref<200x64xf32, #tpu.memory_space<vmem>>, vector<1x16xf32>,
        %swap3A_694 = vector.shape_cast %swap3A_693 : vector<1x16xf32> to vector<16xf32>
        %swap3A_695 = vector.shape_cast %add3A_690 : vector<16xf32> to vector<1x16xf32>
        tpu.vector_store %arg8[%swap3A_691, %swap3A_692], %swap3A_695 {strides = array<i32>} : memref<200x64xf32, #tpu.memory_space<vmem>>, vector<1x16xf32>,
        %get3A_696 = arith.index_cast %scan3A_661 : i32 to index
        %get3A_697 = arith.constant 32 : index
        %get3A_698 = tpu.vector_load %arg8[%get3A_696, %get3A_697] {strides = array<i32>} : memref<200x64xf32, #tpu.memory_space<vmem>>, vector<1x16xf32>,
        %get3A_699 = vector.shape_cast %get3A_698 : vector<1x16xf32> to vector<16xf32>
        %mul3A_700 = arith.constant 8.000000e+00 : f32
        %mul3A_701 = vector.broadcast %mul3A_700 : f32 to vector<16xf32>
        %mul3A_702 = arith.mulf %get3A_699, %mul3A_701 : vector<16xf32>
        %get3A_703 = arith.index_cast %scan3A_661 : i32 to index
        %get3A_704 = arith.constant 32 : index
        %get3A_705 = tpu.vector_load %arg7[%get3A_703, %get3A_704] {strides = array<i32>} : memref<200x64xf32, #tpu.memory_space<vmem>>, vector<1x16xf32>,
        %get3A_706 = vector.shape_cast %get3A_705 : vector<1x16xf32> to vector<16xf32>
        %add3A_707 = arith.addf %mul3A_702, %get3A_706 : vector<16xf32>
        %swap3A_708 = arith.index_cast %scan3A_661 : i32 to index
        %swap3A_709 = arith.constant 32 : index
        %swap3A_710 = tpu.vector_load %arg8[%swap3A_708, %swap3A_709] {strides = array<i32>} : memref<200x64xf32, #tpu.memory_space<vmem>>, vector<1x16xf32>,
        %swap3A_711 = vector.shape_cast %swap3A_710 : vector<1x16xf32> to vector<16xf32>
        %swap3A_712 = vector.shape_cast %add3A_707 : vector<16xf32> to vector<1x16xf32>
        tpu.vector_store %arg8[%swap3A_708, %swap3A_709], %swap3A_712 {strides = array<i32>} : memref<200x64xf32, #tpu.memory_space<vmem>>, vector<1x16xf32>,
        %get3A_713 = arith.index_cast %scan3A_661 : i32 to index
        %get3A_714 = arith.constant 48 : index
        %get3A_715 = tpu.vector_load %arg8[%get3A_713, %get3A_714] {strides = array<i32>} : memref<200x64xf32, #tpu.memory_space<vmem>>, vector<1x16xf32>,
        %get3A_716 = vector.shape_cast %get3A_715 : vector<1x16xf32> to vector<16xf32>
        %mul3A_717 = arith.constant 8.000000e+00 : f32
        %mul3A_718 = vector.broadcast %mul3A_717 : f32 to vector<16xf32>
        %mul3A_719 = arith.mulf %get3A_716, %mul3A_718 : vector<16xf32>
        %get3A_720 = arith.index_cast %scan3A_661 : i32 to index
        %get3A_721 = arith.constant 48 : index
        %get3A_722 = tpu.vector_load %arg7[%get3A_720, %get3A_721] {strides = array<i32>} : memref<200x64xf32, #tpu.memory_space<vmem>>, vector<1x16xf32>,
        %get3A_723 = vector.shape_cast %get3A_722 : vector<1x16xf32> to vector<16xf32>
        %add3A_724 = arith.addf %mul3A_719, %get3A_723 : vector<16xf32>
        %swap3A_725 = arith.index_cast %scan3A_661 : i32 to index
        %swap3A_726 = arith.constant 48 : index
        %swap3A_727 = tpu.vector_load %arg8[%swap3A_725, %swap3A_726] {strides = array<i32>} : memref<200x64xf32, #tpu.memory_space<vmem>>, vector<1x16xf32>,
        %swap3A_728 = vector.shape_cast %swap3A_727 : vector<1x16xf32> to vector<16xf32>
        %swap3A_729 = vector.shape_cast %add3A_724 : vector<16xf32> to vector<1x16xf32>
        tpu.vector_store %arg8[%swap3A_725, %swap3A_726], %swap3A_729 {strides = array<i32>} : memref<200x64xf32, #tpu.memory_space<vmem>>, vector<1x16xf32>,
      }
      %scan3A_176 = arith.constant 200 : i32
      %add3A_177 = arith.constant 0 : i32
      %add3A_178 = arith.addi %mul3A_159, %add3A_177 : i32
      %add3A_179 = arith.addi %mul3A_2, %add3A_178 : i32
      %dma_start3A_180 = arith.constant 0 : i32
      %dma_start3A_181 = arith.constant 0 : i32
      %dma_start3A_182 = tpu.memref_slice %arg5[%add3A_179, %dma_start3A_180, %dma_start3A_181] : memref<1024x200x64xf32, #tpu.memory_space<hbm>> -> memref<1x200x64xf32, #tpu.memory_space<hbm>>
      %dma_start3A_183 = tpu.memref_squeeze %dma_start3A_182 : memref<1x200x64xf32, #tpu.memory_space<hbm>> -> memref<200x64xf32, #tpu.memory_space<hbm>>
      %dma_start3A_184 = arith.constant 0 : i32
      %dma_start3A_185 = arith.constant 0 : i32
      %dma_start3A_186 = tpu.memref_slice %arg5[%add3A_179, %dma_start3A_184, %dma_start3A_185] : memref<1024x200x64xf32, #tpu.memory_space<hbm>> -> memref<1x200x64xf32, #tpu.memory_space<hbm>>
      %dma_start3A_187 = tpu.memref_squeeze %dma_start3A_186 : memref<1x200x64xf32, #tpu.memory_space<hbm>> -> memref<200x64xf32, #tpu.memory_space<hbm>>
      tpu.enqueue_dma source(%arg8 : memref<200x64xf32, #tpu.memory_space<vmem>>) target(%dma_start3A_187 : memref<200x64xf32, #tpu.memory_space<hbm>>) target_semaphore(%arg24 : memref<!tpu.dma_semaphore, #tpu.memory_space<semaphore_mem>>)
      %add3A_188 = arith.constant 1 : i32
      %add3A_189 = arith.addi %mul3A_159, %add3A_188 : i32
      %dma_wait3A_190 = arith.constant 0 : i32
      %dma_wait3A_191 = arith.constant 0 : i32
      %dma_wait3A_192 = arith.constant 0 : i32
      %dma_wait3A_193 = tpu.memref_slice %arg9[%dma_wait3A_191, %dma_wait3A_192] : memref<200x64xf32, #tpu.memory_space<vmem>> -> memref<200x64xf32, #tpu.memory_space<vmem>>
      %dma_wait3A_194 = arith.constant 0 : i32
      %dma_wait3A_195 = tpu.memref_slice %arg6[%add3A_189, %dma_wait3A_190, %dma_wait3A_194] : memref<32x1x200xi32, #tpu.memory_space<vmem>> -> memref<1x1x200xi32, #tpu.memory_space<vmem>>
      %dma_wait3A_196 = tpu.memref_squeeze %dma_wait3A_195 : memref<1x1x200xi32, #tpu.memory_space<vmem>> -> memref<200xi32, #tpu.memory_space<vmem>>
      %dma_wait3A_197 = arith.constant 0 : i32
      %dma_wait3A_198 = arith.constant 0 : i32
      %dma_wait3A_199 = tpu.memref_slice %arg3[%dma_wait3A_197, %dma_wait3A_198] : memref<1000000x64xf32, #tpu.memory_space<hbm>> -> memref<1000000x64xf32, #tpu.memory_space<hbm>>
      tpu.wait_indirect_dma semaphore(%arg17 : memref<!tpu.dma_semaphore, #tpu.memory_space<semaphore_mem>>) src(%dma_wait3A_199 : memref<1000000x64xf32, #tpu.memory_space<hbm>>) dst(%dma_wait3A_193 : memref<200x64xf32, #tpu.memory_space<vmem>>)
      %scan3A_200 = arith.constant 0 : i32
      %scan3A_201 = arith.constant 200 : i32
      %scan3A_202 = arith.addi %scan3A_200, %scan3A_201 : i32
      %scan3A_203 = arith.constant 4 : i32
      scf.for %scan3A_453 = %scan3A_200 to %scan3A_202 step %scan3A_203  : i32 {
        %get3A = arith.index_cast %scan3A_453 : i32 to index
        %get3A_454 = arith.constant 0 : index
        %get3A_455 = tpu.vector_load %arg9[%get3A, %get3A_454] {strides = array<i32>} : memref<200x64xf32, #tpu.memory_space<vmem>>, vector<1x16xf32>,
        %get3A_456 = vector.shape_cast %get3A_455 : vector<1x16xf32> to vector<16xf32>
        %mul3A_457 = arith.constant 8.000000e+00 : f32
        %mul3A_458 = vector.broadcast %mul3A_457 : f32 to vector<16xf32>
        %mul3A_459 = arith.mulf %get3A_456, %mul3A_458 : vector<16xf32>
        %get3A_460 = arith.index_cast %scan3A_453 : i32 to index
        %get3A_461 = arith.constant 0 : index
        %get3A_462 = tpu.vector_load %arg7[%get3A_460, %get3A_461] {strides = array<i32>} : memref<200x64xf32, #tpu.memory_space<vmem>>, vector<1x16xf32>,
        %get3A_463 = vector.shape_cast %get3A_462 : vector<1x16xf32> to vector<16xf32>
        %add3A_464 = arith.addf %mul3A_459, %get3A_463 : vector<16xf32>
        %swap3A = arith.index_cast %scan3A_453 : i32 to index
        %swap3A_465 = arith.constant 0 : index
        %swap3A_466 = tpu.vector_load %arg9[%swap3A, %swap3A_465] {strides = array<i32>} : memref<200x64xf32, #tpu.memory_space<vmem>>, vector<1x16xf32>,
        %swap3A_467 = vector.shape_cast %swap3A_466 : vector<1x16xf32> to vector<16xf32>
        %swap3A_468 = vector.shape_cast %add3A_464 : vector<16xf32> to vector<1x16xf32>
        tpu.vector_store %arg9[%swap3A, %swap3A_465], %swap3A_468 {strides = array<i32>} : memref<200x64xf32, #tpu.memory_space<vmem>>, vector<1x16xf32>,
        %get3A_469 = arith.index_cast %scan3A_453 : i32 to index
        %get3A_470 = arith.constant 16 : index
        %get3A_471 = tpu.vector_load %arg9[%get3A_469, %get3A_470] {strides = array<i32>} : memref<200x64xf32, #tpu.memory_space<vmem>>, vector<1x16xf32>,
        %get3A_472 = vector.shape_cast %get3A_471 : vector<1x16xf32> to vector<16xf32>
        %mul3A_473 = arith.constant 8.000000e+00 : f32
        %mul3A_474 = vector.broadcast %mul3A_473 : f32 to vector<16xf32>
        %mul3A_475 = arith.mulf %get3A_472, %mul3A_474 : vector<16xf32>
        %get3A_476 = arith.index_cast %scan3A_453 : i32 to index
        %get3A_477 = arith.constant 16 : index
        %get3A_478 = tpu.vector_load %arg7[%get3A_476, %get3A_477] {strides = array<i32>} : memref<200x64xf32, #tpu.memory_space<vmem>>, vector<1x16xf32>,
        %get3A_479 = vector.shape_cast %get3A_478 : vector<1x16xf32> to vector<16xf32>
        %add3A_480 = arith.addf %mul3A_475, %get3A_479 : vector<16xf32>
        %swap3A_481 = arith.index_cast %scan3A_453 : i32 to index
        %swap3A_482 = arith.constant 16 : index
        %swap3A_483 = tpu.vector_load %arg9[%swap3A_481, %swap3A_482] {strides = array<i32>} : memref<200x64xf32, #tpu.memory_space<vmem>>, vector<1x16xf32>,
        %swap3A_484 = vector.shape_cast %swap3A_483 : vector<1x16xf32> to vector<16xf32>
        %swap3A_485 = vector.shape_cast %add3A_480 : vector<16xf32> to vector<1x16xf32>
        tpu.vector_store %arg9[%swap3A_481, %swap3A_482], %swap3A_485 {strides = array<i32>} : memref<200x64xf32, #tpu.memory_space<vmem>>, vector<1x16xf32>,
        %get3A_486 = arith.index_cast %scan3A_453 : i32 to index
        %get3A_487 = arith.constant 32 : index
        %get3A_488 = tpu.vector_load %arg9[%get3A_486, %get3A_487] {strides = array<i32>} : memref<200x64xf32, #tpu.memory_space<vmem>>, vector<1x16xf32>,
        %get3A_489 = vector.shape_cast %get3A_488 : vector<1x16xf32> to vector<16xf32>
        %mul3A_490 = arith.constant 8.000000e+00 : f32
        %mul3A_491 = vector.broadcast %mul3A_490 : f32 to vector<16xf32>
        %mul3A_492 = arith.mulf %get3A_489, %mul3A_491 : vector<16xf32>
        %get3A_493 = arith.index_cast %scan3A_453 : i32 to index
        %get3A_494 = arith.constant 32 : index
        %get3A_495 = tpu.vector_load %arg7[%get3A_493, %get3A_494] {strides = array<i32>} : memref<200x64xf32, #tpu.memory_space<vmem>>, vector<1x16xf32>,
        %get3A_496 = vector.shape_cast %get3A_495 : vector<1x16xf32> to vector<16xf32>
        %add3A_497 = arith.addf %mul3A_492, %get3A_496 : vector<16xf32>
        %swap3A_498 = arith.index_cast %scan3A_453 : i32 to index
        %swap3A_499 = arith.constant 32 : index
        %swap3A_500 = tpu.vector_load %arg9[%swap3A_498, %swap3A_499] {strides = array<i32>} : memref<200x64xf32, #tpu.memory_space<vmem>>, vector<1x16xf32>,
        %swap3A_501 = vector.shape_cast %swap3A_500 : vector<1x16xf32> to vector<16xf32>
        %swap3A_502 = vector.shape_cast %add3A_497 : vector<16xf32> to vector<1x16xf32>
        tpu.vector_store %arg9[%swap3A_498, %swap3A_499], %swap3A_502 {strides = array<i32>} : memref<200x64xf32, #tpu.memory_space<vmem>>, vector<1x16xf32>,
        %get3A_503 = arith.index_cast %scan3A_453 : i32 to index
        %get3A_504 = arith.constant 48 : index
        %get3A_505 = tpu.vector_load %arg9[%get3A_503, %get3A_504] {strides = array<i32>} : memref<200x64xf32, #tpu.memory_space<vmem>>, vector<1x16xf32>,
        %get3A_506 = vector.shape_cast %get3A_505 : vector<1x16xf32> to vector<16xf32>
        %mul3A_507 = arith.constant 8.000000e+00 : f32
        %mul3A_508 = vector.broadcast %mul3A_507 : f32 to vector<16xf32>
        %mul3A_509 = arith.mulf %get3A_506, %mul3A_508 : vector<16xf32>
        %get3A_510 = arith.index_cast %scan3A_453 : i32 to index
        %get3A_511 = arith.constant 48 : index
        %get3A_512 = tpu.vector_load %arg7[%get3A_510, %get3A_511] {strides = array<i32>} : memref<200x64xf32, #tpu.memory_space<vmem>>, vector<1x16xf32>,
        %get3A_513 = vector.shape_cast %get3A_512 : vector<1x16xf32> to vector<16xf32>
        %add3A_514 = arith.addf %mul3A_509, %get3A_513 : vector<16xf32>
        %swap3A_515 = arith.index_cast %scan3A_453 : i32 to index
        %swap3A_516 = arith.constant 48 : index
        %swap3A_517 = tpu.vector_load %arg9[%swap3A_515, %swap3A_516] {strides = array<i32>} : memref<200x64xf32, #tpu.memory_space<vmem>>, vector<1x16xf32>,
        %swap3A_518 = vector.shape_cast %swap3A_517 : vector<1x16xf32> to vector<16xf32>
        %swap3A_519 = vector.shape_cast %add3A_514 : vector<16xf32> to vector<1x16xf32>
        tpu.vector_store %arg9[%swap3A_515, %swap3A_516], %swap3A_519 {strides = array<i32>} : memref<200x64xf32, #tpu.memory_space<vmem>>, vector<1x16xf32>,
        %scan3A_520 = arith.constant 1 : i32
        %scan3A_521 = arith.addi %scan3A_453, %scan3A_520 : i32
        %get3A_522 = arith.index_cast %scan3A_521 : i32 to index
        %get3A_523 = arith.constant 0 : index
        %get3A_524 = tpu.vector_load %arg9[%get3A_522, %get3A_523] {strides = array<i32>} : memref<200x64xf32, #tpu.memory_space<vmem>>, vector<1x16xf32>,
        %get3A_525 = vector.shape_cast %get3A_524 : vector<1x16xf32> to vector<16xf32>
        %mul3A_526 = arith.constant 8.000000e+00 : f32
        %mul3A_527 = vector.broadcast %mul3A_526 : f32 to vector<16xf32>
        %mul3A_528 = arith.mulf %get3A_525, %mul3A_527 : vector<16xf32>
        %get3A_529 = arith.index_cast %scan3A_521 : i32 to index
        %get3A_530 = arith.constant 0 : index
        %get3A_531 = tpu.vector_load %arg7[%get3A_529, %get3A_530] {strides = array<i32>} : memref<200x64xf32, #tpu.memory_space<vmem>>, vector<1x16xf32>,
        %get3A_532 = vector.shape_cast %get3A_531 : vector<1x16xf32> to vector<16xf32>
        %add3A_533 = arith.addf %mul3A_528, %get3A_532 : vector<16xf32>
        %swap3A_534 = arith.index_cast %scan3A_521 : i32 to index
        %swap3A_535 = arith.constant 0 : index
        %swap3A_536 = tpu.vector_load %arg9[%swap3A_534, %swap3A_535] {strides = array<i32>} : memref<200x64xf32, #tpu.memory_space<vmem>>, vector<1x16xf32>,
        %swap3A_537 = vector.shape_cast %swap3A_536 : vector<1x16xf32> to vector<16xf32>
        %swap3A_538 = vector.shape_cast %add3A_533 : vector<16xf32> to vector<1x16xf32>
        tpu.vector_store %arg9[%swap3A_534, %swap3A_535], %swap3A_538 {strides = array<i32>} : memref<200x64xf32, #tpu.memory_space<vmem>>, vector<1x16xf32>,
        %get3A_539 = arith.index_cast %scan3A_521 : i32 to index
        %get3A_540 = arith.constant 16 : index
        %get3A_541 = tpu.vector_load %arg9[%get3A_539, %get3A_540] {strides = array<i32>} : memref<200x64xf32, #tpu.memory_space<vmem>>, vector<1x16xf32>,
        %get3A_542 = vector.shape_cast %get3A_541 : vector<1x16xf32> to vector<16xf32>
        %mul3A_543 = arith.constant 8.000000e+00 : f32
        %mul3A_544 = vector.broadcast %mul3A_543 : f32 to vector<16xf32>
        %mul3A_545 = arith.mulf %get3A_542, %mul3A_544 : vector<16xf32>
        %get3A_546 = arith.index_cast %scan3A_521 : i32 to index
        %get3A_547 = arith.constant 16 : index
        %get3A_548 = tpu.vector_load %arg7[%get3A_546, %get3A_547] {strides = array<i32>} : memref<200x64xf32, #tpu.memory_space<vmem>>, vector<1x16xf32>,
        %get3A_549 = vector.shape_cast %get3A_548 : vector<1x16xf32> to vector<16xf32>
        %add3A_550 = arith.addf %mul3A_545, %get3A_549 : vector<16xf32>
        %swap3A_551 = arith.index_cast %scan3A_521 : i32 to index
        %swap3A_552 = arith.constant 16 : index
        %swap3A_553 = tpu.vector_load %arg9[%swap3A_551, %swap3A_552] {strides = array<i32>} : memref<200x64xf32, #tpu.memory_space<vmem>>, vector<1x16xf32>,
        %swap3A_554 = vector.shape_cast %swap3A_553 : vector<1x16xf32> to vector<16xf32>
        %swap3A_555 = vector.shape_cast %add3A_550 : vector<16xf32> to vector<1x16xf32>
        tpu.vector_store %arg9[%swap3A_551, %swap3A_552], %swap3A_555 {strides = array<i32>} : memref<200x64xf32, #tpu.memory_space<vmem>>, vector<1x16xf32>,
        %get3A_556 = arith.index_cast %scan3A_521 : i32 to index
        %get3A_557 = arith.constant 32 : index
        %get3A_558 = tpu.vector_load %arg9[%get3A_556, %get3A_557] {strides = array<i32>} : memref<200x64xf32, #tpu.memory_space<vmem>>, vector<1x16xf32>,
        %get3A_559 = vector.shape_cast %get3A_558 : vector<1x16xf32> to vector<16xf32>
        %mul3A_560 = arith.constant 8.000000e+00 : f32
        %mul3A_561 = vector.broadcast %mul3A_560 : f32 to vector<16xf32>
        %mul3A_562 = arith.mulf %get3A_559, %mul3A_561 : vector<16xf32>
        %get3A_563 = arith.index_cast %scan3A_521 : i32 to index
        %get3A_564 = arith.constant 32 : index
        %get3A_565 = tpu.vector_load %arg7[%get3A_563, %get3A_564] {strides = array<i32>} : memref<200x64xf32, #tpu.memory_space<vmem>>, vector<1x16xf32>,
        %get3A_566 = vector.shape_cast %get3A_565 : vector<1x16xf32> to vector<16xf32>
        %add3A_567 = arith.addf %mul3A_562, %get3A_566 : vector<16xf32>
        %swap3A_568 = arith.index_cast %scan3A_521 : i32 to index
        %swap3A_569 = arith.constant 32 : index
        %swap3A_570 = tpu.vector_load %arg9[%swap3A_568, %swap3A_569] {strides = array<i32>} : memref<200x64xf32, #tpu.memory_space<vmem>>, vector<1x16xf32>,
        %swap3A_571 = vector.shape_cast %swap3A_570 : vector<1x16xf32> to vector<16xf32>
        %swap3A_572 = vector.shape_cast %add3A_567 : vector<16xf32> to vector<1x16xf32>
        tpu.vector_store %arg9[%swap3A_568, %swap3A_569], %swap3A_572 {strides = array<i32>} : memref<200x64xf32, #tpu.memory_space<vmem>>, vector<1x16xf32>,
        %get3A_573 = arith.index_cast %scan3A_521 : i32 to index
        %get3A_574 = arith.constant 48 : index
        %get3A_575 = tpu.vector_load %arg9[%get3A_573, %get3A_574] {strides = array<i32>} : memref<200x64xf32, #tpu.memory_space<vmem>>, vector<1x16xf32>,
        %get3A_576 = vector.shape_cast %get3A_575 : vector<1x16xf32> to vector<16xf32>
        %mul3A_577 = arith.constant 8.000000e+00 : f32
        %mul3A_578 = vector.broadcast %mul3A_577 : f32 to vector<16xf32>
        %mul3A_579 = arith.mulf %get3A_576, %mul3A_578 : vector<16xf32>
        %get3A_580 = arith.index_cast %scan3A_521 : i32 to index
        %get3A_581 = arith.constant 48 : index
        %get3A_582 = tpu.vector_load %arg7[%get3A_580, %get3A_581] {strides = array<i32>} : memref<200x64xf32, #tpu.memory_space<vmem>>, vector<1x16xf32>,
        %get3A_583 = vector.shape_cast %get3A_582 : vector<1x16xf32> to vector<16xf32>
        %add3A_584 = arith.addf %mul3A_579, %get3A_583 : vector<16xf32>
        %swap3A_585 = arith.index_cast %scan3A_521 : i32 to index
        %swap3A_586 = arith.constant 48 : index
        %swap3A_587 = tpu.vector_load %arg9[%swap3A_585, %swap3A_586] {strides = array<i32>} : memref<200x64xf32, #tpu.memory_space<vmem>>, vector<1x16xf32>,
        %swap3A_588 = vector.shape_cast %swap3A_587 : vector<1x16xf32> to vector<16xf32>
        %swap3A_589 = vector.shape_cast %add3A_584 : vector<16xf32> to vector<1x16xf32>
        tpu.vector_store %arg9[%swap3A_585, %swap3A_586], %swap3A_589 {strides = array<i32>} : memref<200x64xf32, #tpu.memory_space<vmem>>, vector<1x16xf32>,
        %scan3A_590 = arith.constant 2 : i32
        %scan3A_591 = arith.addi %scan3A_453, %scan3A_590 : i32
        %get3A_592 = arith.index_cast %scan3A_591 : i32 to index
        %get3A_593 = arith.constant 0 : index
        %get3A_594 = tpu.vector_load %arg9[%get3A_592, %get3A_593] {strides = array<i32>} : memref<200x64xf32, #tpu.memory_space<vmem>>, vector<1x16xf32>,
        %get3A_595 = vector.shape_cast %get3A_594 : vector<1x16xf32> to vector<16xf32>
        %mul3A_596 = arith.constant 8.000000e+00 : f32
        %mul3A_597 = vector.broadcast %mul3A_596 : f32 to vector<16xf32>
        %mul3A_598 = arith.mulf %get3A_595, %mul3A_597 : vector<16xf32>
        %get3A_599 = arith.index_cast %scan3A_591 : i32 to index
        %get3A_600 = arith.constant 0 : index
        %get3A_601 = tpu.vector_load %arg7[%get3A_599, %get3A_600] {strides = array<i32>} : memref<200x64xf32, #tpu.memory_space<vmem>>, vector<1x16xf32>,
        %get3A_602 = vector.shape_cast %get3A_601 : vector<1x16xf32> to vector<16xf32>
        %add3A_603 = arith.addf %mul3A_598, %get3A_602 : vector<16xf32>
        %swap3A_604 = arith.index_cast %scan3A_591 : i32 to index
        %swap3A_605 = arith.constant 0 : index
        %swap3A_606 = tpu.vector_load %arg9[%swap3A_604, %swap3A_605] {strides = array<i32>} : memref<200x64xf32, #tpu.memory_space<vmem>>, vector<1x16xf32>,
        %swap3A_607 = vector.shape_cast %swap3A_606 : vector<1x16xf32> to vector<16xf32>
        %swap3A_608 = vector.shape_cast %add3A_603 : vector<16xf32> to vector<1x16xf32>
        tpu.vector_store %arg9[%swap3A_604, %swap3A_605], %swap3A_608 {strides = array<i32>} : memref<200x64xf32, #tpu.memory_space<vmem>>, vector<1x16xf32>,
        %get3A_609 = arith.index_cast %scan3A_591 : i32 to index
        %get3A_610 = arith.constant 16 : index
        %get3A_611 = tpu.vector_load %arg9[%get3A_609, %get3A_610] {strides = array<i32>} : memref<200x64xf32, #tpu.memory_space<vmem>>, vector<1x16xf32>,
        %get3A_612 = vector.shape_cast %get3A_611 : vector<1x16xf32> to vector<16xf32>
        %mul3A_613 = arith.constant 8.000000e+00 : f32
        %mul3A_614 = vector.broadcast %mul3A_613 : f32 to vector<16xf32>
        %mul3A_615 = arith.mulf %get3A_612, %mul3A_614 : vector<16xf32>
        %get3A_616 = arith.index_cast %scan3A_591 : i32 to index
        %get3A_617 = arith.constant 16 : index
        %get3A_618 = tpu.vector_load %arg7[%get3A_616, %get3A_617] {strides = array<i32>} : memref<200x64xf32, #tpu.memory_space<vmem>>, vector<1x16xf32>,
        %get3A_619 = vector.shape_cast %get3A_618 : vector<1x16xf32> to vector<16xf32>
        %add3A_620 = arith.addf %mul3A_615, %get3A_619 : vector<16xf32>
        %swap3A_621 = arith.index_cast %scan3A_591 : i32 to index
        %swap3A_622 = arith.constant 16 : index
        %swap3A_623 = tpu.vector_load %arg9[%swap3A_621, %swap3A_622] {strides = array<i32>} : memref<200x64xf32, #tpu.memory_space<vmem>>, vector<1x16xf32>,
        %swap3A_624 = vector.shape_cast %swap3A_623 : vector<1x16xf32> to vector<16xf32>
        %swap3A_625 = vector.shape_cast %add3A_620 : vector<16xf32> to vector<1x16xf32>
        tpu.vector_store %arg9[%swap3A_621, %swap3A_622], %swap3A_625 {strides = array<i32>} : memref<200x64xf32, #tpu.memory_space<vmem>>, vector<1x16xf32>,
        %get3A_626 = arith.index_cast %scan3A_591 : i32 to index
        %get3A_627 = arith.constant 32 : index
        %get3A_628 = tpu.vector_load %arg9[%get3A_626, %get3A_627] {strides = array<i32>} : memref<200x64xf32, #tpu.memory_space<vmem>>, vector<1x16xf32>,
        %get3A_629 = vector.shape_cast %get3A_628 : vector<1x16xf32> to vector<16xf32>
        %mul3A_630 = arith.constant 8.000000e+00 : f32
        %mul3A_631 = vector.broadcast %mul3A_630 : f32 to vector<16xf32>
        %mul3A_632 = arith.mulf %get3A_629, %mul3A_631 : vector<16xf32>
        %get3A_633 = arith.index_cast %scan3A_591 : i32 to index
        %get3A_634 = arith.constant 32 : index
        %get3A_635 = tpu.vector_load %arg7[%get3A_633, %get3A_634] {strides = array<i32>} : memref<200x64xf32, #tpu.memory_space<vmem>>, vector<1x16xf32>,
        %get3A_636 = vector.shape_cast %get3A_635 : vector<1x16xf32> to vector<16xf32>
        %add3A_637 = arith.addf %mul3A_632, %get3A_636 : vector<16xf32>
        %swap3A_638 = arith.index_cast %scan3A_591 : i32 to index
        %swap3A_639 = arith.constant 32 : index
        %swap3A_640 = tpu.vector_load %arg9[%swap3A_638, %swap3A_639] {strides = array<i32>} : memref<200x64xf32, #tpu.memory_space<vmem>>, vector<1x16xf32>,
        %swap3A_641 = vector.shape_cast %swap3A_640 : vector<1x16xf32> to vector<16xf32>
        %swap3A_642 = vector.shape_cast %add3A_637 : vector<16xf32> to vector<1x16xf32>
        tpu.vector_store %arg9[%swap3A_638, %swap3A_639], %swap3A_642 {strides = array<i32>} : memref<200x64xf32, #tpu.memory_space<vmem>>, vector<1x16xf32>,
        %get3A_643 = arith.index_cast %scan3A_591 : i32 to index
        %get3A_644 = arith.constant 48 : index
        %get3A_645 = tpu.vector_load %arg9[%get3A_643, %get3A_644] {strides = array<i32>} : memref<200x64xf32, #tpu.memory_space<vmem>>, vector<1x16xf32>,
        %get3A_646 = vector.shape_cast %get3A_645 : vector<1x16xf32> to vector<16xf32>
        %mul3A_647 = arith.constant 8.000000e+00 : f32
        %mul3A_648 = vector.broadcast %mul3A_647 : f32 to vector<16xf32>
        %mul3A_649 = arith.mulf %get3A_646, %mul3A_648 : vector<16xf32>
        %get3A_650 = arith.index_cast %scan3A_591 : i32 to index
        %get3A_651 = arith.constant 48 : index
        %get3A_652 = tpu.vector_load %arg7[%get3A_650, %get3A_651] {strides = array<i32>} : memref<200x64xf32, #tpu.memory_space<vmem>>, vector<1x16xf32>,
        %get3A_653 = vector.shape_cast %get3A_652 : vector<1x16xf32> to vector<16xf32>
        %add3A_654 = arith.addf %mul3A_649, %get3A_653 : vector<16xf32>
        %swap3A_655 = arith.index_cast %scan3A_591 : i32 to index
        %swap3A_656 = arith.constant 48 : index
        %swap3A_657 = tpu.vector_load %arg9[%swap3A_655, %swap3A_656] {strides = array<i32>} : memref<200x64xf32, #tpu.memory_space<vmem>>, vector<1x16xf32>,
        %swap3A_658 = vector.shape_cast %swap3A_657 : vector<1x16xf32> to vector<16xf32>
        %swap3A_659 = vector.shape_cast %add3A_654 : vector<16xf32> to vector<1x16xf32>
        tpu.vector_store %arg9[%swap3A_655, %swap3A_656], %swap3A_659 {strides = array<i32>} : memref<200x64xf32, #tpu.memory_space<vmem>>, vector<1x16xf32>,
        %scan3A_660 = arith.constant 3 : i32
        %scan3A_661 = arith.addi %scan3A_453, %scan3A_660 : i32
        %get3A_662 = arith.index_cast %scan3A_661 : i32 to index
        %get3A_663 = arith.constant 0 : index
        %get3A_664 = tpu.vector_load %arg9[%get3A_662, %get3A_663] {strides = array<i32>} : memref<200x64xf32, #tpu.memory_space<vmem>>, vector<1x16xf32>,
        %get3A_665 = vector.shape_cast %get3A_664 : vector<1x16xf32> to vector<16xf32>
        %mul3A_666 = arith.constant 8.000000e+00 : f32
        %mul3A_667 = vector.broadcast %mul3A_666 : f32 to vector<16xf32>
        %mul3A_668 = arith.mulf %get3A_665, %mul3A_667 : vector<16xf32>
        %get3A_669 = arith.index_cast %scan3A_661 : i32 to index
        %get3A_670 = arith.constant 0 : index
        %get3A_671 = tpu.vector_load %arg7[%get3A_669, %get3A_670] {strides = array<i32>} : memref<200x64xf32, #tpu.memory_space<vmem>>, vector<1x16xf32>,
        %get3A_672 = vector.shape_cast %get3A_671 : vector<1x16xf32> to vector<16xf32>
        %add3A_673 = arith.addf %mul3A_668, %get3A_672 : vector<16xf32>
        %swap3A_674 = arith.index_cast %scan3A_661 : i32 to index
        %swap3A_675 = arith.constant 0 : index
        %swap3A_676 = tpu.vector_load %arg9[%swap3A_674, %swap3A_675] {strides = array<i32>} : memref<200x64xf32, #tpu.memory_space<vmem>>, vector<1x16xf32>,
        %swap3A_677 = vector.shape_cast %swap3A_676 : vector<1x16xf32> to vector<16xf32>
        %swap3A_678 = vector.shape_cast %add3A_673 : vector<16xf32> to vector<1x16xf32>
        tpu.vector_store %arg9[%swap3A_674, %swap3A_675], %swap3A_678 {strides = array<i32>} : memref<200x64xf32, #tpu.memory_space<vmem>>, vector<1x16xf32>,
        %get3A_679 = arith.index_cast %scan3A_661 : i32 to index
        %get3A_680 = arith.constant 16 : index
        %get3A_681 = tpu.vector_load %arg9[%get3A_679, %get3A_680] {strides = array<i32>} : memref<200x64xf32, #tpu.memory_space<vmem>>, vector<1x16xf32>,
        %get3A_682 = vector.shape_cast %get3A_681 : vector<1x16xf32> to vector<16xf32>
        %mul3A_683 = arith.constant 8.000000e+00 : f32
        %mul3A_684 = vector.broadcast %mul3A_683 : f32 to vector<16xf32>
        %mul3A_685 = arith.mulf %get3A_682, %mul3A_684 : vector<16xf32>
        %get3A_686 = arith.index_cast %scan3A_661 : i32 to index
        %get3A_687 = arith.constant 16 : index
        %get3A_688 = tpu.vector_load %arg7[%get3A_686, %get3A_687] {strides = array<i32>} : memref<200x64xf32, #tpu.memory_space<vmem>>, vector<1x16xf32>,
        %get3A_689 = vector.shape_cast %get3A_688 : vector<1x16xf32> to vector<16xf32>
        %add3A_690 = arith.addf %mul3A_685, %get3A_689 : vector<16xf32>
        %swap3A_691 = arith.index_cast %scan3A_661 : i32 to index
        %swap3A_692 = arith.constant 16 : index
        %swap3A_693 = tpu.vector_load %arg9[%swap3A_691, %swap3A_692] {strides = array<i32>} : memref<200x64xf32, #tpu.memory_space<vmem>>, vector<1x16xf32>,
        %swap3A_694 = vector.shape_cast %swap3A_693 : vector<1x16xf32> to vector<16xf32>
        %swap3A_695 = vector.shape_cast %add3A_690 : vector<16xf32> to vector<1x16xf32>
        tpu.vector_store %arg9[%swap3A_691, %swap3A_692], %swap3A_695 {strides = array<i32>} : memref<200x64xf32, #tpu.memory_space<vmem>>, vector<1x16xf32>,
        %get3A_696 = arith.index_cast %scan3A_661 : i32 to index
        %get3A_697 = arith.constant 32 : index
        %get3A_698 = tpu.vector_load %arg9[%get3A_696, %get3A_697] {strides = array<i32>} : memref<200x64xf32, #tpu.memory_space<vmem>>, vector<1x16xf32>,
        %get3A_699 = vector.shape_cast %get3A_698 : vector<1x16xf32> to vector<16xf32>
        %mul3A_700 = arith.constant 8.000000e+00 : f32
        %mul3A_701 = vector.broadcast %mul3A_700 : f32 to vector<16xf32>
        %mul3A_702 = arith.mulf %get3A_699, %mul3A_701 : vector<16xf32>
        %get3A_703 = arith.index_cast %scan3A_661 : i32 to index
        %get3A_704 = arith.constant 32 : index
        %get3A_705 = tpu.vector_load %arg7[%get3A_703, %get3A_704] {strides = array<i32>} : memref<200x64xf32, #tpu.memory_space<vmem>>, vector<1x16xf32>,
        %get3A_706 = vector.shape_cast %get3A_705 : vector<1x16xf32> to vector<16xf32>
        %add3A_707 = arith.addf %mul3A_702, %get3A_706 : vector<16xf32>
        %swap3A_708 = arith.index_cast %scan3A_661 : i32 to index
        %swap3A_709 = arith.constant 32 : index
        %swap3A_710 = tpu.vector_load %arg9[%swap3A_708, %swap3A_709] {strides = array<i32>} : memref<200x64xf32, #tpu.memory_space<vmem>>, vector<1x16xf32>,
        %swap3A_711 = vector.shape_cast %swap3A_710 : vector<1x16xf32> to vector<16xf32>
        %swap3A_712 = vector.shape_cast %add3A_707 : vector<16xf32> to vector<1x16xf32>
        tpu.vector_store %arg9[%swap3A_708, %swap3A_709], %swap3A_712 {strides = array<i32>} : memref<200x64xf32, #tpu.memory_space<vmem>>, vector<1x16xf32>,
        %get3A_713 = arith.index_cast %scan3A_661 : i32 to index
        %get3A_714 = arith.constant 48 : index
        %get3A_715 = tpu.vector_load %arg9[%get3A_713, %get3A_714] {strides = array<i32>} : memref<200x64xf32, #tpu.memory_space<vmem>>, vector<1x16xf32>,
        %get3A_716 = vector.shape_cast %get3A_715 : vector<1x16xf32> to vector<16xf32>
        %mul3A_717 = arith.constant 8.000000e+00 : f32
        %mul3A_718 = vector.broadcast %mul3A_717 : f32 to vector<16xf32>
        %mul3A_719 = arith.mulf %get3A_716, %mul3A_718 : vector<16xf32>
        %get3A_720 = arith.index_cast %scan3A_661 : i32 to index
        %get3A_721 = arith.constant 48 : index
        %get3A_722 = tpu.vector_load %arg7[%get3A_720, %get3A_721] {strides = array<i32>} : memref<200x64xf32, #tpu.memory_space<vmem>>, vector<1x16xf32>,
        %get3A_723 = vector.shape_cast %get3A_722 : vector<1x16xf32> to vector<16xf32>
        %add3A_724 = arith.addf %mul3A_719, %get3A_723 : vector<16xf32>
        %swap3A_725 = arith.index_cast %scan3A_661 : i32 to index
        %swap3A_726 = arith.constant 48 : index
        %swap3A_727 = tpu.vector_load %arg9[%swap3A_725, %swap3A_726] {strides = array<i32>} : memref<200x64xf32, #tpu.memory_space<vmem>>, vector<1x16xf32>,
        %swap3A_728 = vector.shape_cast %swap3A_727 : vector<1x16xf32> to vector<16xf32>
        %swap3A_729 = vector.shape_cast %add3A_724 : vector<16xf32> to vector<1x16xf32>
        tpu.vector_store %arg9[%swap3A_725, %swap3A_726], %swap3A_729 {strides = array<i32>} : memref<200x64xf32, #tpu.memory_space<vmem>>, vector<1x16xf32>,
      }
      %scan3A_204 = arith.constant 200 : i32
      %add3A_205 = arith.constant 1 : i32
      %add3A_206 = arith.addi %mul3A_159, %add3A_205 : i32
      %add3A_207 = arith.addi %mul3A_2, %add3A_206 : i32
      %dma_start3A_208 = arith.constant 0 : i32
      %dma_start3A_209 = arith.constant 0 : i32
      %dma_start3A_210 = tpu.memref_slice %arg5[%add3A_207, %dma_start3A_208, %dma_start3A_209] : memref<1024x200x64xf32, #tpu.memory_space<hbm>> -> memref<1x200x64xf32, #tpu.memory_space<hbm>>
      %dma_start3A_211 = tpu.memref_squeeze %dma_start3A_210 : memref<1x200x64xf32, #tpu.memory_space<hbm>> -> memref<200x64xf32, #tpu.memory_space<hbm>>
      %dma_start3A_212 = arith.constant 0 : i32
      %dma_start3A_213 = arith.constant 0 : i32
      %dma_start3A_214 = tpu.memref_slice %arg5[%add3A_207, %dma_start3A_212, %dma_start3A_213] : memref<1024x200x64xf32, #tpu.memory_space<hbm>> -> memref<1x200x64xf32, #tpu.memory_space<hbm>>
      %dma_start3A_215 = tpu.memref_squeeze %dma_start3A_214 : memref<1x200x64xf32, #tpu.memory_space<hbm>> -> memref<200x64xf32, #tpu.memory_space<hbm>>
      tpu.enqueue_dma source(%arg9 : memref<200x64xf32, #tpu.memory_space<vmem>>) target(%dma_start3A_215 : memref<200x64xf32, #tpu.memory_space<hbm>>) target_semaphore(%arg25 : memref<!tpu.dma_semaphore, #tpu.memory_space<semaphore_mem>>)
      %add3A_216 = arith.constant 2 : i32
      %add3A_217 = arith.addi %mul3A_159, %add3A_216 : i32
      %dma_wait3A_218 = arith.constant 0 : i32
      %dma_wait3A_219 = arith.constant 0 : i32
      %dma_wait3A_220 = arith.constant 0 : i32
      %dma_wait3A_221 = tpu.memref_slice %arg10[%dma_wait3A_219, %dma_wait3A_220] : memref<200x64xf32, #tpu.memory_space<vmem>> -> memref<200x64xf32, #tpu.memory_space<vmem>>
      %dma_wait3A_222 = arith.constant 0 : i32
      %dma_wait3A_223 = tpu.memref_slice %arg6[%add3A_217, %dma_wait3A_218, %dma_wait3A_222] : memref<32x1x200xi32, #tpu.memory_space<vmem>> -> memref<1x1x200xi32, #tpu.memory_space<vmem>>
      %dma_wait3A_224 = tpu.memref_squeeze %dma_wait3A_223 : memref<1x1x200xi32, #tpu.memory_space<vmem>> -> memref<200xi32, #tpu.memory_space<vmem>>
      %dma_wait3A_225 = arith.constant 0 : i32
      %dma_wait3A_226 = arith.constant 0 : i32
      %dma_wait3A_227 = tpu.memref_slice %arg3[%dma_wait3A_225, %dma_wait3A_226] : memref<1000000x64xf32, #tpu.memory_space<hbm>> -> memref<1000000x64xf32, #tpu.memory_space<hbm>>
      tpu.wait_indirect_dma semaphore(%arg18 : memref<!tpu.dma_semaphore, #tpu.memory_space<semaphore_mem>>) src(%dma_wait3A_227 : memref<1000000x64xf32, #tpu.memory_space<hbm>>) dst(%dma_wait3A_221 : memref<200x64xf32, #tpu.memory_space<vmem>>)
      %scan3A_228 = arith.constant 0 : i32
      %scan3A_229 = arith.constant 200 : i32
      %scan3A_230 = arith.addi %scan3A_228, %scan3A_229 : i32
      %scan3A_231 = arith.constant 4 : i32
      scf.for %scan3A_453 = %scan3A_228 to %scan3A_230 step %scan3A_231  : i32 {
        %get3A = arith.index_cast %scan3A_453 : i32 to index
        %get3A_454 = arith.constant 0 : index
        %get3A_455 = tpu.vector_load %arg10[%get3A, %get3A_454] {strides = array<i32>} : memref<200x64xf32, #tpu.memory_space<vmem>>, vector<1x16xf32>,
        %get3A_456 = vector.shape_cast %get3A_455 : vector<1x16xf32> to vector<16xf32>
        %mul3A_457 = arith.constant 8.000000e+00 : f32
        %mul3A_458 = vector.broadcast %mul3A_457 : f32 to vector<16xf32>
        %mul3A_459 = arith.mulf %get3A_456, %mul3A_458 : vector<16xf32>
        %get3A_460 = arith.index_cast %scan3A_453 : i32 to index
        %get3A_461 = arith.constant 0 : index
        %get3A_462 = tpu.vector_load %arg7[%get3A_460, %get3A_461] {strides = array<i32>} : memref<200x64xf32, #tpu.memory_space<vmem>>, vector<1x16xf32>,
        %get3A_463 = vector.shape_cast %get3A_462 : vector<1x16xf32> to vector<16xf32>
        %add3A_464 = arith.addf %mul3A_459, %get3A_463 : vector<16xf32>
        %swap3A = arith.index_cast %scan3A_453 : i32 to index
        %swap3A_465 = arith.constant 0 : index
        %swap3A_466 = tpu.vector_load %arg10[%swap3A, %swap3A_465] {strides = array<i32>} : memref<200x64xf32, #tpu.memory_space<vmem>>, vector<1x16xf32>,
        %swap3A_467 = vector.shape_cast %swap3A_466 : vector<1x16xf32> to vector<16xf32>
        %swap3A_468 = vector.shape_cast %add3A_464 : vector<16xf32> to vector<1x16xf32>
        tpu.vector_store %arg10[%swap3A, %swap3A_465], %swap3A_468 {strides = array<i32>} : memref<200x64xf32, #tpu.memory_space<vmem>>, vector<1x16xf32>,
        %get3A_469 = arith.index_cast %scan3A_453 : i32 to index
        %get3A_470 = arith.constant 16 : index
        %get3A_471 = tpu.vector_load %arg10[%get3A_469, %get3A_470] {strides = array<i32>} : memref<200x64xf32, #tpu.memory_space<vmem>>, vector<1x16xf32>,
        %get3A_472 = vector.shape_cast %get3A_471 : vector<1x16xf32> to vector<16xf32>
        %mul3A_473 = arith.constant 8.000000e+00 : f32
        %mul3A_474 = vector.broadcast %mul3A_473 : f32 to vector<16xf32>
        %mul3A_475 = arith.mulf %get3A_472, %mul3A_474 : vector<16xf32>
        %get3A_476 = arith.index_cast %scan3A_453 : i32 to index
        %get3A_477 = arith.constant 16 : index
        %get3A_478 = tpu.vector_load %arg7[%get3A_476, %get3A_477] {strides = array<i32>} : memref<200x64xf32, #tpu.memory_space<vmem>>, vector<1x16xf32>,
        %get3A_479 = vector.shape_cast %get3A_478 : vector<1x16xf32> to vector<16xf32>
        %add3A_480 = arith.addf %mul3A_475, %get3A_479 : vector<16xf32>
        %swap3A_481 = arith.index_cast %scan3A_453 : i32 to index
        %swap3A_482 = arith.constant 16 : index
        %swap3A_483 = tpu.vector_load %arg10[%swap3A_481, %swap3A_482] {strides = array<i32>} : memref<200x64xf32, #tpu.memory_space<vmem>>, vector<1x16xf32>,
        %swap3A_484 = vector.shape_cast %swap3A_483 : vector<1x16xf32> to vector<16xf32>
        %swap3A_485 = vector.shape_cast %add3A_480 : vector<16xf32> to vector<1x16xf32>
        tpu.vector_store %arg10[%swap3A_481, %swap3A_482], %swap3A_485 {strides = array<i32>} : memref<200x64xf32, #tpu.memory_space<vmem>>, vector<1x16xf32>,
        %get3A_486 = arith.index_cast %scan3A_453 : i32 to index
        %get3A_487 = arith.constant 32 : index
        %get3A_488 = tpu.vector_load %arg10[%get3A_486, %get3A_487] {strides = array<i32>} : memref<200x64xf32, #tpu.memory_space<vmem>>, vector<1x16xf32>,
        %get3A_489 = vector.shape_cast %get3A_488 : vector<1x16xf32> to vector<16xf32>
        %mul3A_490 = arith.constant 8.000000e+00 : f32
        %mul3A_491 = vector.broadcast %mul3A_490 : f32 to vector<16xf32>
        %mul3A_492 = arith.mulf %get3A_489, %mul3A_491 : vector<16xf32>
        %get3A_493 = arith.index_cast %scan3A_453 : i32 to index
        %get3A_494 = arith.constant 32 : index
        %get3A_495 = tpu.vector_load %arg7[%get3A_493, %get3A_494] {strides = array<i32>} : memref<200x64xf32, #tpu.memory_space<vmem>>, vector<1x16xf32>,
        %get3A_496 = vector.shape_cast %get3A_495 : vector<1x16xf32> to vector<16xf32>
        %add3A_497 = arith.addf %mul3A_492, %get3A_496 : vector<16xf32>
        %swap3A_498 = arith.index_cast %scan3A_453 : i32 to index
        %swap3A_499 = arith.constant 32 : index
        %swap3A_500 = tpu.vector_load %arg10[%swap3A_498, %swap3A_499] {strides = array<i32>} : memref<200x64xf32, #tpu.memory_space<vmem>>, vector<1x16xf32>,
        %swap3A_501 = vector.shape_cast %swap3A_500 : vector<1x16xf32> to vector<16xf32>
        %swap3A_502 = vector.shape_cast %add3A_497 : vector<16xf32> to vector<1x16xf32>
        tpu.vector_store %arg10[%swap3A_498, %swap3A_499], %swap3A_502 {strides = array<i32>} : memref<200x64xf32, #tpu.memory_space<vmem>>, vector<1x16xf32>,
        %get3A_503 = arith.index_cast %scan3A_453 : i32 to index
        %get3A_504 = arith.constant 48 : index
        %get3A_505 = tpu.vector_load %arg10[%get3A_503, %get3A_504] {strides = array<i32>} : memref<200x64xf32, #tpu.memory_space<vmem>>, vector<1x16xf32>,
        %get3A_506 = vector.shape_cast %get3A_505 : vector<1x16xf32> to vector<16xf32>
        %mul3A_507 = arith.constant 8.000000e+00 : f32
        %mul3A_508 = vector.broadcast %mul3A_507 : f32 to vector<16xf32>
        %mul3A_509 = arith.mulf %get3A_506, %mul3A_508 : vector<16xf32>
        %get3A_510 = arith.index_cast %scan3A_453 : i32 to index
        %get3A_511 = arith.constant 48 : index
        %get3A_512 = tpu.vector_load %arg7[%get3A_510, %get3A_511] {strides = array<i32>} : memref<200x64xf32, #tpu.memory_space<vmem>>, vector<1x16xf32>,
        %get3A_513 = vector.shape_cast %get3A_512 : vector<1x16xf32> to vector<16xf32>
        %add3A_514 = arith.addf %mul3A_509, %get3A_513 : vector<16xf32>
        %swap3A_515 = arith.index_cast %scan3A_453 : i32 to index
        %swap3A_516 = arith.constant 48 : index
        %swap3A_517 = tpu.vector_load %arg10[%swap3A_515, %swap3A_516] {strides = array<i32>} : memref<200x64xf32, #tpu.memory_space<vmem>>, vector<1x16xf32>,
        %swap3A_518 = vector.shape_cast %swap3A_517 : vector<1x16xf32> to vector<16xf32>
        %swap3A_519 = vector.shape_cast %add3A_514 : vector<16xf32> to vector<1x16xf32>
        tpu.vector_store %arg10[%swap3A_515, %swap3A_516], %swap3A_519 {strides = array<i32>} : memref<200x64xf32, #tpu.memory_space<vmem>>, vector<1x16xf32>,
        %scan3A_520 = arith.constant 1 : i32
        %scan3A_521 = arith.addi %scan3A_453, %scan3A_520 : i32
        %get3A_522 = arith.index_cast %scan3A_521 : i32 to index
        %get3A_523 = arith.constant 0 : index
        %get3A_524 = tpu.vector_load %arg10[%get3A_522, %get3A_523] {strides = array<i32>} : memref<200x64xf32, #tpu.memory_space<vmem>>, vector<1x16xf32>,
        %get3A_525 = vector.shape_cast %get3A_524 : vector<1x16xf32> to vector<16xf32>
        %mul3A_526 = arith.constant 8.000000e+00 : f32
        %mul3A_527 = vector.broadcast %mul3A_526 : f32 to vector<16xf32>
        %mul3A_528 = arith.mulf %get3A_525, %mul3A_527 : vector<16xf32>
        %get3A_529 = arith.index_cast %scan3A_521 : i32 to index
        %get3A_530 = arith.constant 0 : index
        %get3A_531 = tpu.vector_load %arg7[%get3A_529, %get3A_530] {strides = array<i32>} : memref<200x64xf32, #tpu.memory_space<vmem>>, vector<1x16xf32>,
        %get3A_532 = vector.shape_cast %get3A_531 : vector<1x16xf32> to vector<16xf32>
        %add3A_533 = arith.addf %mul3A_528, %get3A_532 : vector<16xf32>
        %swap3A_534 = arith.index_cast %scan3A_521 : i32 to index
        %swap3A_535 = arith.constant 0 : index
        %swap3A_536 = tpu.vector_load %arg10[%swap3A_534, %swap3A_535] {strides = array<i32>} : memref<200x64xf32, #tpu.memory_space<vmem>>, vector<1x16xf32>,
        %swap3A_537 = vector.shape_cast %swap3A_536 : vector<1x16xf32> to vector<16xf32>
        %swap3A_538 = vector.shape_cast %add3A_533 : vector<16xf32> to vector<1x16xf32>
        tpu.vector_store %arg10[%swap3A_534, %swap3A_535], %swap3A_538 {strides = array<i32>} : memref<200x64xf32, #tpu.memory_space<vmem>>, vector<1x16xf32>,
        %get3A_539 = arith.index_cast %scan3A_521 : i32 to index
        %get3A_540 = arith.constant 16 : index
        %get3A_541 = tpu.vector_load %arg10[%get3A_539, %get3A_540] {strides = array<i32>} : memref<200x64xf32, #tpu.memory_space<vmem>>, vector<1x16xf32>,
        %get3A_542 = vector.shape_cast %get3A_541 : vector<1x16xf32> to vector<16xf32>
        %mul3A_543 = arith.constant 8.000000e+00 : f32
        %mul3A_544 = vector.broadcast %mul3A_543 : f32 to vector<16xf32>
        %mul3A_545 = arith.mulf %get3A_542, %mul3A_544 : vector<16xf32>
        %get3A_546 = arith.index_cast %scan3A_521 : i32 to index
        %get3A_547 = arith.constant 16 : index
        %get3A_548 = tpu.vector_load %arg7[%get3A_546, %get3A_547] {strides = array<i32>} : memref<200x64xf32, #tpu.memory_space<vmem>>, vector<1x16xf32>,
        %get3A_549 = vector.shape_cast %get3A_548 : vector<1x16xf32> to vector<16xf32>
        %add3A_550 = arith.addf %mul3A_545, %get3A_549 : vector<16xf32>
        %swap3A_551 = arith.index_cast %scan3A_521 : i32 to index
        %swap3A_552 = arith.constant 16 : index
        %swap3A_553 = tpu.vector_load %arg10[%swap3A_551, %swap3A_552] {strides = array<i32>} : memref<200x64xf32, #tpu.memory_space<vmem>>, vector<1x16xf32>,
        %swap3A_554 = vector.shape_cast %swap3A_553 : vector<1x16xf32> to vector<16xf32>
        %swap3A_555 = vector.shape_cast %add3A_550 : vector<16xf32> to vector<1x16xf32>
        tpu.vector_store %arg10[%swap3A_551, %swap3A_552], %swap3A_555 {strides = array<i32>} : memref<200x64xf32, #tpu.memory_space<vmem>>, vector<1x16xf32>,
        %get3A_556 = arith.index_cast %scan3A_521 : i32 to index
        %get3A_557 = arith.constant 32 : index
        %get3A_558 = tpu.vector_load %arg10[%get3A_556, %get3A_557] {strides = array<i32>} : memref<200x64xf32, #tpu.memory_space<vmem>>, vector<1x16xf32>,
        %get3A_559 = vector.shape_cast %get3A_558 : vector<1x16xf32> to vector<16xf32>
        %mul3A_560 = arith.constant 8.000000e+00 : f32
        %mul3A_561 = vector.broadcast %mul3A_560 : f32 to vector<16xf32>
        %mul3A_562 = arith.mulf %get3A_559, %mul3A_561 : vector<16xf32>
        %get3A_563 = arith.index_cast %scan3A_521 : i32 to index
        %get3A_564 = arith.constant 32 : index
        %get3A_565 = tpu.vector_load %arg7[%get3A_563, %get3A_564] {strides = array<i32>} : memref<200x64xf32, #tpu.memory_space<vmem>>, vector<1x16xf32>,
        %get3A_566 = vector.shape_cast %get3A_565 : vector<1x16xf32> to vector<16xf32>
        %add3A_567 = arith.addf %mul3A_562, %get3A_566 : vector<16xf32>
        %swap3A_568 = arith.index_cast %scan3A_521 : i32 to index
        %swap3A_569 = arith.constant 32 : index
        %swap3A_570 = tpu.vector_load %arg10[%swap3A_568, %swap3A_569] {strides = array<i32>} : memref<200x64xf32, #tpu.memory_space<vmem>>, vector<1x16xf32>,
        %swap3A_571 = vector.shape_cast %swap3A_570 : vector<1x16xf32> to vector<16xf32>
        %swap3A_572 = vector.shape_cast %add3A_567 : vector<16xf32> to vector<1x16xf32>
        tpu.vector_store %arg10[%swap3A_568, %swap3A_569], %swap3A_572 {strides = array<i32>} : memref<200x64xf32, #tpu.memory_space<vmem>>, vector<1x16xf32>,
        %get3A_573 = arith.index_cast %scan3A_521 : i32 to index
        %get3A_574 = arith.constant 48 : index
        %get3A_575 = tpu.vector_load %arg10[%get3A_573, %get3A_574] {strides = array<i32>} : memref<200x64xf32, #tpu.memory_space<vmem>>, vector<1x16xf32>,
        %get3A_576 = vector.shape_cast %get3A_575 : vector<1x16xf32> to vector<16xf32>
        %mul3A_577 = arith.constant 8.000000e+00 : f32
        %mul3A_578 = vector.broadcast %mul3A_577 : f32 to vector<16xf32>
        %mul3A_579 = arith.mulf %get3A_576, %mul3A_578 : vector<16xf32>
        %get3A_580 = arith.index_cast %scan3A_521 : i32 to index
        %get3A_581 = arith.constant 48 : index
        %get3A_582 = tpu.vector_load %arg7[%get3A_580, %get3A_581] {strides = array<i32>} : memref<200x64xf32, #tpu.memory_space<vmem>>, vector<1x16xf32>,
        %get3A_583 = vector.shape_cast %get3A_582 : vector<1x16xf32> to vector<16xf32>
        %add3A_584 = arith.addf %mul3A_579, %get3A_583 : vector<16xf32>
        %swap3A_585 = arith.index_cast %scan3A_521 : i32 to index
        %swap3A_586 = arith.constant 48 : index
        %swap3A_587 = tpu.vector_load %arg10[%swap3A_585, %swap3A_586] {strides = array<i32>} : memref<200x64xf32, #tpu.memory_space<vmem>>, vector<1x16xf32>,
        %swap3A_588 = vector.shape_cast %swap3A_587 : vector<1x16xf32> to vector<16xf32>
        %swap3A_589 = vector.shape_cast %add3A_584 : vector<16xf32> to vector<1x16xf32>
        tpu.vector_store %arg10[%swap3A_585, %swap3A_586], %swap3A_589 {strides = array<i32>} : memref<200x64xf32, #tpu.memory_space<vmem>>, vector<1x16xf32>,
        %scan3A_590 = arith.constant 2 : i32
        %scan3A_591 = arith.addi %scan3A_453, %scan3A_590 : i32
        %get3A_592 = arith.index_cast %scan3A_591 : i32 to index
        %get3A_593 = arith.constant 0 : index
        %get3A_594 = tpu.vector_load %arg10[%get3A_592, %get3A_593] {strides = array<i32>} : memref<200x64xf32, #tpu.memory_space<vmem>>, vector<1x16xf32>,
        %get3A_595 = vector.shape_cast %get3A_594 : vector<1x16xf32> to vector<16xf32>
        %mul3A_596 = arith.constant 8.000000e+00 : f32
        %mul3A_597 = vector.broadcast %mul3A_596 : f32 to vector<16xf32>
        %mul3A_598 = arith.mulf %get3A_595, %mul3A_597 : vector<16xf32>
        %get3A_599 = arith.index_cast %scan3A_591 : i32 to index
        %get3A_600 = arith.constant 0 : index
        %get3A_601 = tpu.vector_load %arg7[%get3A_599, %get3A_600] {strides = array<i32>} : memref<200x64xf32, #tpu.memory_space<vmem>>, vector<1x16xf32>,
        %get3A_602 = vector.shape_cast %get3A_601 : vector<1x16xf32> to vector<16xf32>
        %add3A_603 = arith.addf %mul3A_598, %get3A_602 : vector<16xf32>
        %swap3A_604 = arith.index_cast %scan3A_591 : i32 to index
        %swap3A_605 = arith.constant 0 : index
        %swap3A_606 = tpu.vector_load %arg10[%swap3A_604, %swap3A_605] {strides = array<i32>} : memref<200x64xf32, #tpu.memory_space<vmem>>, vector<1x16xf32>,
        %swap3A_607 = vector.shape_cast %swap3A_606 : vector<1x16xf32> to vector<16xf32>
        %swap3A_608 = vector.shape_cast %add3A_603 : vector<16xf32> to vector<1x16xf32>
        tpu.vector_store %arg10[%swap3A_604, %swap3A_605], %swap3A_608 {strides = array<i32>} : memref<200x64xf32, #tpu.memory_space<vmem>>, vector<1x16xf32>,
        %get3A_609 = arith.index_cast %scan3A_591 : i32 to index
        %get3A_610 = arith.constant 16 : index
        %get3A_611 = tpu.vector_load %arg10[%get3A_609, %get3A_610] {strides = array<i32>} : memref<200x64xf32, #tpu.memory_space<vmem>>, vector<1x16xf32>,
        %get3A_612 = vector.shape_cast %get3A_611 : vector<1x16xf32> to vector<16xf32>
        %mul3A_613 = arith.constant 8.000000e+00 : f32
        %mul3A_614 = vector.broadcast %mul3A_613 : f32 to vector<16xf32>
        %mul3A_615 = arith.mulf %get3A_612, %mul3A_614 : vector<16xf32>
        %get3A_616 = arith.index_cast %scan3A_591 : i32 to index
        %get3A_617 = arith.constant 16 : index
        %get3A_618 = tpu.vector_load %arg7[%get3A_616, %get3A_617] {strides = array<i32>} : memref<200x64xf32, #tpu.memory_space<vmem>>, vector<1x16xf32>,
        %get3A_619 = vector.shape_cast %get3A_618 : vector<1x16xf32> to vector<16xf32>
        %add3A_620 = arith.addf %mul3A_615, %get3A_619 : vector<16xf32>
        %swap3A_621 = arith.index_cast %scan3A_591 : i32 to index
        %swap3A_622 = arith.constant 16 : index
        %swap3A_623 = tpu.vector_load %arg10[%swap3A_621, %swap3A_622] {strides = array<i32>} : memref<200x64xf32, #tpu.memory_space<vmem>>, vector<1x16xf32>,
        %swap3A_624 = vector.shape_cast %swap3A_623 : vector<1x16xf32> to vector<16xf32>
        %swap3A_625 = vector.shape_cast %add3A_620 : vector<16xf32> to vector<1x16xf32>
        tpu.vector_store %arg10[%swap3A_621, %swap3A_622], %swap3A_625 {strides = array<i32>} : memref<200x64xf32, #tpu.memory_space<vmem>>, vector<1x16xf32>,
        %get3A_626 = arith.index_cast %scan3A_591 : i32 to index
        %get3A_627 = arith.constant 32 : index
        %get3A_628 = tpu.vector_load %arg10[%get3A_626, %get3A_627] {strides = array<i32>} : memref<200x64xf32, #tpu.memory_space<vmem>>, vector<1x16xf32>,
        %get3A_629 = vector.shape_cast %get3A_628 : vector<1x16xf32> to vector<16xf32>
        %mul3A_630 = arith.constant 8.000000e+00 : f32
        %mul3A_631 = vector.broadcast %mul3A_630 : f32 to vector<16xf32>
        %mul3A_632 = arith.mulf %get3A_629, %mul3A_631 : vector<16xf32>
        %get3A_633 = arith.index_cast %scan3A_591 : i32 to index
        %get3A_634 = arith.constant 32 : index
        %get3A_635 = tpu.vector_load %arg7[%get3A_633, %get3A_634] {strides = array<i32>} : memref<200x64xf32, #tpu.memory_space<vmem>>, vector<1x16xf32>,
        %get3A_636 = vector.shape_cast %get3A_635 : vector<1x16xf32> to vector<16xf32>
        %add3A_637 = arith.addf %mul3A_632, %get3A_636 : vector<16xf32>
        %swap3A_638 = arith.index_cast %scan3A_591 : i32 to index
        %swap3A_639 = arith.constant 32 : index
        %swap3A_640 = tpu.vector_load %arg10[%swap3A_638, %swap3A_639] {strides = array<i32>} : memref<200x64xf32, #tpu.memory_space<vmem>>, vector<1x16xf32>,
        %swap3A_641 = vector.shape_cast %swap3A_640 : vector<1x16xf32> to vector<16xf32>
        %swap3A_642 = vector.shape_cast %add3A_637 : vector<16xf32> to vector<1x16xf32>
        tpu.vector_store %arg10[%swap3A_638, %swap3A_639], %swap3A_642 {strides = array<i32>} : memref<200x64xf32, #tpu.memory_space<vmem>>, vector<1x16xf32>,
        %get3A_643 = arith.index_cast %scan3A_591 : i32 to index
        %get3A_644 = arith.constant 48 : index
        %get3A_645 = tpu.vector_load %arg10[%get3A_643, %get3A_644] {strides = array<i32>} : memref<200x64xf32, #tpu.memory_space<vmem>>, vector<1x16xf32>,
        %get3A_646 = vector.shape_cast %get3A_645 : vector<1x16xf32> to vector<16xf32>
        %mul3A_647 = arith.constant 8.000000e+00 : f32
        %mul3A_648 = vector.broadcast %mul3A_647 : f32 to vector<16xf32>
        %mul3A_649 = arith.mulf %get3A_646, %mul3A_648 : vector<16xf32>
        %get3A_650 = arith.index_cast %scan3A_591 : i32 to index
        %get3A_651 = arith.constant 48 : index
        %get3A_652 = tpu.vector_load %arg7[%get3A_650, %get3A_651] {strides = array<i32>} : memref<200x64xf32, #tpu.memory_space<vmem>>, vector<1x16xf32>,
        %get3A_653 = vector.shape_cast %get3A_652 : vector<1x16xf32> to vector<16xf32>
        %add3A_654 = arith.addf %mul3A_649, %get3A_653 : vector<16xf32>
        %swap3A_655 = arith.index_cast %scan3A_591 : i32 to index
        %swap3A_656 = arith.constant 48 : index
        %swap3A_657 = tpu.vector_load %arg10[%swap3A_655, %swap3A_656] {strides = array<i32>} : memref<200x64xf32, #tpu.memory_space<vmem>>, vector<1x16xf32>,
        %swap3A_658 = vector.shape_cast %swap3A_657 : vector<1x16xf32> to vector<16xf32>
        %swap3A_659 = vector.shape_cast %add3A_654 : vector<16xf32> to vector<1x16xf32>
        tpu.vector_store %arg10[%swap3A_655, %swap3A_656], %swap3A_659 {strides = array<i32>} : memref<200x64xf32, #tpu.memory_space<vmem>>, vector<1x16xf32>,
        %scan3A_660 = arith.constant 3 : i32
        %scan3A_661 = arith.addi %scan3A_453, %scan3A_660 : i32
        %get3A_662 = arith.index_cast %scan3A_661 : i32 to index
        %get3A_663 = arith.constant 0 : index
        %get3A_664 = tpu.vector_load %arg10[%get3A_662, %get3A_663] {strides = array<i32>} : memref<200x64xf32, #tpu.memory_space<vmem>>, vector<1x16xf32>,
        %get3A_665 = vector.shape_cast %get3A_664 : vector<1x16xf32> to vector<16xf32>
        %mul3A_666 = arith.constant 8.000000e+00 : f32
        %mul3A_667 = vector.broadcast %mul3A_666 : f32 to vector<16xf32>
        %mul3A_668 = arith.mulf %get3A_665, %mul3A_667 : vector<16xf32>
        %get3A_669 = arith.index_cast %scan3A_661 : i32 to index
        %get3A_670 = arith.constant 0 : index
        %get3A_671 = tpu.vector_load %arg7[%get3A_669, %get3A_670] {strides = array<i32>} : memref<200x64xf32, #tpu.memory_space<vmem>>, vector<1x16xf32>,
        %get3A_672 = vector.shape_cast %get3A_671 : vector<1x16xf32> to vector<16xf32>
        %add3A_673 = arith.addf %mul3A_668, %get3A_672 : vector<16xf32>
        %swap3A_674 = arith.index_cast %scan3A_661 : i32 to index
        %swap3A_675 = arith.constant 0 : index
        %swap3A_676 = tpu.vector_load %arg10[%swap3A_674, %swap3A_675] {strides = array<i32>} : memref<200x64xf32, #tpu.memory_space<vmem>>, vector<1x16xf32>,
        %swap3A_677 = vector.shape_cast %swap3A_676 : vector<1x16xf32> to vector<16xf32>
        %swap3A_678 = vector.shape_cast %add3A_673 : vector<16xf32> to vector<1x16xf32>
        tpu.vector_store %arg10[%swap3A_674, %swap3A_675], %swap3A_678 {strides = array<i32>} : memref<200x64xf32, #tpu.memory_space<vmem>>, vector<1x16xf32>,
        %get3A_679 = arith.index_cast %scan3A_661 : i32 to index
        %get3A_680 = arith.constant 16 : index
        %get3A_681 = tpu.vector_load %arg10[%get3A_679, %get3A_680] {strides = array<i32>} : memref<200x64xf32, #tpu.memory_space<vmem>>, vector<1x16xf32>,
        %get3A_682 = vector.shape_cast %get3A_681 : vector<1x16xf32> to vector<16xf32>
        %mul3A_683 = arith.constant 8.000000e+00 : f32
        %mul3A_684 = vector.broadcast %mul3A_683 : f32 to vector<16xf32>
        %mul3A_685 = arith.mulf %get3A_682, %mul3A_684 : vector<16xf32>
        %get3A_686 = arith.index_cast %scan3A_661 : i32 to index
        %get3A_687 = arith.constant 16 : index
        %get3A_688 = tpu.vector_load %arg7[%get3A_686, %get3A_687] {strides = array<i32>} : memref<200x64xf32, #tpu.memory_space<vmem>>, vector<1x16xf32>,
        %get3A_689 = vector.shape_cast %get3A_688 : vector<1x16xf32> to vector<16xf32>
        %add3A_690 = arith.addf %mul3A_685, %get3A_689 : vector<16xf32>
        %swap3A_691 = arith.index_cast %scan3A_661 : i32 to index
        %swap3A_692 = arith.constant 16 : index
        %swap3A_693 = tpu.vector_load %arg10[%swap3A_691, %swap3A_692] {strides = array<i32>} : memref<200x64xf32, #tpu.memory_space<vmem>>, vector<1x16xf32>,
        %swap3A_694 = vector.shape_cast %swap3A_693 : vector<1x16xf32> to vector<16xf32>
        %swap3A_695 = vector.shape_cast %add3A_690 : vector<16xf32> to vector<1x16xf32>
        tpu.vector_store %arg10[%swap3A_691, %swap3A_692], %swap3A_695 {strides = array<i32>} : memref<200x64xf32, #tpu.memory_space<vmem>>, vector<1x16xf32>,
        %get3A_696 = arith.index_cast %scan3A_661 : i32 to index
        %get3A_697 = arith.constant 32 : index
        %get3A_698 = tpu.vector_load %arg10[%get3A_696, %get3A_697] {strides = array<i32>} : memref<200x64xf32, #tpu.memory_space<vmem>>, vector<1x16xf32>,
        %get3A_699 = vector.shape_cast %get3A_698 : vector<1x16xf32> to vector<16xf32>
        %mul3A_700 = arith.constant 8.000000e+00 : f32
        %mul3A_701 = vector.broadcast %mul3A_700 : f32 to vector<16xf32>
        %mul3A_702 = arith.mulf %get3A_699, %mul3A_701 : vector<16xf32>
        %get3A_703 = arith.index_cast %scan3A_661 : i32 to index
        %get3A_704 = arith.constant 32 : index
        %get3A_705 = tpu.vector_load %arg7[%get3A_703, %get3A_704] {strides = array<i32>} : memref<200x64xf32, #tpu.memory_space<vmem>>, vector<1x16xf32>,
        %get3A_706 = vector.shape_cast %get3A_705 : vector<1x16xf32> to vector<16xf32>
        %add3A_707 = arith.addf %mul3A_702, %get3A_706 : vector<16xf32>
        %swap3A_708 = arith.index_cast %scan3A_661 : i32 to index
        %swap3A_709 = arith.constant 32 : index
        %swap3A_710 = tpu.vector_load %arg10[%swap3A_708, %swap3A_709] {strides = array<i32>} : memref<200x64xf32, #tpu.memory_space<vmem>>, vector<1x16xf32>,
        %swap3A_711 = vector.shape_cast %swap3A_710 : vector<1x16xf32> to vector<16xf32>
        %swap3A_712 = vector.shape_cast %add3A_707 : vector<16xf32> to vector<1x16xf32>
        tpu.vector_store %arg10[%swap3A_708, %swap3A_709], %swap3A_712 {strides = array<i32>} : memref<200x64xf32, #tpu.memory_space<vmem>>, vector<1x16xf32>,
        %get3A_713 = arith.index_cast %scan3A_661 : i32 to index
        %get3A_714 = arith.constant 48 : index
        %get3A_715 = tpu.vector_load %arg10[%get3A_713, %get3A_714] {strides = array<i32>} : memref<200x64xf32, #tpu.memory_space<vmem>>, vector<1x16xf32>,
        %get3A_716 = vector.shape_cast %get3A_715 : vector<1x16xf32> to vector<16xf32>
        %mul3A_717 = arith.constant 8.000000e+00 : f32
        %mul3A_718 = vector.broadcast %mul3A_717 : f32 to vector<16xf32>
        %mul3A_719 = arith.mulf %get3A_716, %mul3A_718 : vector<16xf32>
        %get3A_720 = arith.index_cast %scan3A_661 : i32 to index
        %get3A_721 = arith.constant 48 : index
        %get3A_722 = tpu.vector_load %arg7[%get3A_720, %get3A_721] {strides = array<i32>} : memref<200x64xf32, #tpu.memory_space<vmem>>, vector<1x16xf32>,
        %get3A_723 = vector.shape_cast %get3A_722 : vector<1x16xf32> to vector<16xf32>
        %add3A_724 = arith.addf %mul3A_719, %get3A_723 : vector<16xf32>
        %swap3A_725 = arith.index_cast %scan3A_661 : i32 to index
        %swap3A_726 = arith.constant 48 : index
        %swap3A_727 = tpu.vector_load %arg10[%swap3A_725, %swap3A_726] {strides = array<i32>} : memref<200x64xf32, #tpu.memory_space<vmem>>, vector<1x16xf32>,
        %swap3A_728 = vector.shape_cast %swap3A_727 : vector<1x16xf32> to vector<16xf32>
        %swap3A_729 = vector.shape_cast %add3A_724 : vector<16xf32> to vector<1x16xf32>
        tpu.vector_store %arg10[%swap3A_725, %swap3A_726], %swap3A_729 {strides = array<i32>} : memref<200x64xf32, #tpu.memory_space<vmem>>, vector<1x16xf32>,
      }
      %scan3A_232 = arith.constant 200 : i32
      %add3A_233 = arith.constant 2 : i32
      %add3A_234 = arith.addi %mul3A_159, %add3A_233 : i32
      %add3A_235 = arith.addi %mul3A_2, %add3A_234 : i32
      %dma_start3A_236 = arith.constant 0 : i32
      %dma_start3A_237 = arith.constant 0 : i32
      %dma_start3A_238 = tpu.memref_slice %arg5[%add3A_235, %dma_start3A_236, %dma_start3A_237] : memref<1024x200x64xf32, #tpu.memory_space<hbm>> -> memref<1x200x64xf32, #tpu.memory_space<hbm>>
      %dma_start3A_239 = tpu.memref_squeeze %dma_start3A_238 : memref<1x200x64xf32, #tpu.memory_space<hbm>> -> memref<200x64xf32, #tpu.memory_space<hbm>>
      %dma_start3A_240 = arith.constant 0 : i32
      %dma_start3A_241 = arith.constant 0 : i32
      %dma_start3A_242 = tpu.memref_slice %arg5[%add3A_235, %dma_start3A_240, %dma_start3A_241] : memref<1024x200x64xf32, #tpu.memory_space<hbm>> -> memref<1x200x64xf32, #tpu.memory_space<hbm>>
      %dma_start3A_243 = tpu.memref_squeeze %dma_start3A_242 : memref<1x200x64xf32, #tpu.memory_space<hbm>> -> memref<200x64xf32, #tpu.memory_space<hbm>>
      tpu.enqueue_dma source(%arg10 : memref<200x64xf32, #tpu.memory_space<vmem>>) target(%dma_start3A_243 : memref<200x64xf32, #tpu.memory_space<hbm>>) target_semaphore(%arg26 : memref<!tpu.dma_semaphore, #tpu.memory_space<semaphore_mem>>)
      %add3A_244 = arith.constant 3 : i32
      %add3A_245 = arith.addi %mul3A_159, %add3A_244 : i32
      %dma_wait3A_246 = arith.constant 0 : i32
      %dma_wait3A_247 = arith.constant 0 : i32
      %dma_wait3A_248 = arith.constant 0 : i32
      %dma_wait3A_249 = tpu.memref_slice %arg11[%dma_wait3A_247, %dma_wait3A_248] : memref<200x64xf32, #tpu.memory_space<vmem>> -> memref<200x64xf32, #tpu.memory_space<vmem>>
      %dma_wait3A_250 = arith.constant 0 : i32
      %dma_wait3A_251 = tpu.memref_slice %arg6[%add3A_245, %dma_wait3A_246, %dma_wait3A_250] : memref<32x1x200xi32, #tpu.memory_space<vmem>> -> memref<1x1x200xi32, #tpu.memory_space<vmem>>
      %dma_wait3A_252 = tpu.memref_squeeze %dma_wait3A_251 : memref<1x1x200xi32, #tpu.memory_space<vmem>> -> memref<200xi32, #tpu.memory_space<vmem>>
      %dma_wait3A_253 = arith.constant 0 : i32
      %dma_wait3A_254 = arith.constant 0 : i32
      %dma_wait3A_255 = tpu.memref_slice %arg3[%dma_wait3A_253, %dma_wait3A_254] : memref<1000000x64xf32, #tpu.memory_space<hbm>> -> memref<1000000x64xf32, #tpu.memory_space<hbm>>
      tpu.wait_indirect_dma semaphore(%arg19 : memref<!tpu.dma_semaphore, #tpu.memory_space<semaphore_mem>>) src(%dma_wait3A_255 : memref<1000000x64xf32, #tpu.memory_space<hbm>>) dst(%dma_wait3A_249 : memref<200x64xf32, #tpu.memory_space<vmem>>)
      %scan3A_256 = arith.constant 0 : i32
      %scan3A_257 = arith.constant 200 : i32
      %scan3A_258 = arith.addi %scan3A_256, %scan3A_257 : i32
      %scan3A_259 = arith.constant 4 : i32
      scf.for %scan3A_453 = %scan3A_256 to %scan3A_258 step %scan3A_259  : i32 {
        %get3A = arith.index_cast %scan3A_453 : i32 to index
        %get3A_454 = arith.constant 0 : index
        %get3A_455 = tpu.vector_load %arg11[%get3A, %get3A_454] {strides = array<i32>} : memref<200x64xf32, #tpu.memory_space<vmem>>, vector<1x16xf32>,
        %get3A_456 = vector.shape_cast %get3A_455 : vector<1x16xf32> to vector<16xf32>
        %mul3A_457 = arith.constant 8.000000e+00 : f32
        %mul3A_458 = vector.broadcast %mul3A_457 : f32 to vector<16xf32>
        %mul3A_459 = arith.mulf %get3A_456, %mul3A_458 : vector<16xf32>
        %get3A_460 = arith.index_cast %scan3A_453 : i32 to index
        %get3A_461 = arith.constant 0 : index
        %get3A_462 = tpu.vector_load %arg7[%get3A_460, %get3A_461] {strides = array<i32>} : memref<200x64xf32, #tpu.memory_space<vmem>>, vector<1x16xf32>,
        %get3A_463 = vector.shape_cast %get3A_462 : vector<1x16xf32> to vector<16xf32>
        %add3A_464 = arith.addf %mul3A_459, %get3A_463 : vector<16xf32>
        %swap3A = arith.index_cast %scan3A_453 : i32 to index
        %swap3A_465 = arith.constant 0 : index
        %swap3A_466 = tpu.vector_load %arg11[%swap3A, %swap3A_465] {strides = array<i32>} : memref<200x64xf32, #tpu.memory_space<vmem>>, vector<1x16xf32>,
        %swap3A_467 = vector.shape_cast %swap3A_466 : vector<1x16xf32> to vector<16xf32>
        %swap3A_468 = vector.shape_cast %add3A_464 : vector<16xf32> to vector<1x16xf32>
        tpu.vector_store %arg11[%swap3A, %swap3A_465], %swap3A_468 {strides = array<i32>} : memref<200x64xf32, #tpu.memory_space<vmem>>, vector<1x16xf32>,
        %get3A_469 = arith.index_cast %scan3A_453 : i32 to index
        %get3A_470 = arith.constant 16 : index
        %get3A_471 = tpu.vector_load %arg11[%get3A_469, %get3A_470] {strides = array<i32>} : memref<200x64xf32, #tpu.memory_space<vmem>>, vector<1x16xf32>,
        %get3A_472 = vector.shape_cast %get3A_471 : vector<1x16xf32> to vector<16xf32>
        %mul3A_473 = arith.constant 8.000000e+00 : f32
        %mul3A_474 = vector.broadcast %mul3A_473 : f32 to vector<16xf32>
        %mul3A_475 = arith.mulf %get3A_472, %mul3A_474 : vector<16xf32>
        %get3A_476 = arith.index_cast %scan3A_453 : i32 to index
        %get3A_477 = arith.constant 16 : index
        %get3A_478 = tpu.vector_load %arg7[%get3A_476, %get3A_477] {strides = array<i32>} : memref<200x64xf32, #tpu.memory_space<vmem>>, vector<1x16xf32>,
        %get3A_479 = vector.shape_cast %get3A_478 : vector<1x16xf32> to vector<16xf32>
        %add3A_480 = arith.addf %mul3A_475, %get3A_479 : vector<16xf32>
        %swap3A_481 = arith.index_cast %scan3A_453 : i32 to index
        %swap3A_482 = arith.constant 16 : index
        %swap3A_483 = tpu.vector_load %arg11[%swap3A_481, %swap3A_482] {strides = array<i32>} : memref<200x64xf32, #tpu.memory_space<vmem>>, vector<1x16xf32>,
        %swap3A_484 = vector.shape_cast %swap3A_483 : vector<1x16xf32> to vector<16xf32>
        %swap3A_485 = vector.shape_cast %add3A_480 : vector<16xf32> to vector<1x16xf32>
        tpu.vector_store %arg11[%swap3A_481, %swap3A_482], %swap3A_485 {strides = array<i32>} : memref<200x64xf32, #tpu.memory_space<vmem>>, vector<1x16xf32>,
        %get3A_486 = arith.index_cast %scan3A_453 : i32 to index
        %get3A_487 = arith.constant 32 : index
        %get3A_488 = tpu.vector_load %arg11[%get3A_486, %get3A_487] {strides = array<i32>} : memref<200x64xf32, #tpu.memory_space<vmem>>, vector<1x16xf32>,
        %get3A_489 = vector.shape_cast %get3A_488 : vector<1x16xf32> to vector<16xf32>
        %mul3A_490 = arith.constant 8.000000e+00 : f32
        %mul3A_491 = vector.broadcast %mul3A_490 : f32 to vector<16xf32>
        %mul3A_492 = arith.mulf %get3A_489, %mul3A_491 : vector<16xf32>
        %get3A_493 = arith.index_cast %scan3A_453 : i32 to index
        %get3A_494 = arith.constant 32 : index
        %get3A_495 = tpu.vector_load %arg7[%get3A_493, %get3A_494] {strides = array<i32>} : memref<200x64xf32, #tpu.memory_space<vmem>>, vector<1x16xf32>,
        %get3A_496 = vector.shape_cast %get3A_495 : vector<1x16xf32> to vector<16xf32>
        %add3A_497 = arith.addf %mul3A_492, %get3A_496 : vector<16xf32>
        %swap3A_498 = arith.index_cast %scan3A_453 : i32 to index
        %swap3A_499 = arith.constant 32 : index
        %swap3A_500 = tpu.vector_load %arg11[%swap3A_498, %swap3A_499] {strides = array<i32>} : memref<200x64xf32, #tpu.memory_space<vmem>>, vector<1x16xf32>,
        %swap3A_501 = vector.shape_cast %swap3A_500 : vector<1x16xf32> to vector<16xf32>
        %swap3A_502 = vector.shape_cast %add3A_497 : vector<16xf32> to vector<1x16xf32>
        tpu.vector_store %arg11[%swap3A_498, %swap3A_499], %swap3A_502 {strides = array<i32>} : memref<200x64xf32, #tpu.memory_space<vmem>>, vector<1x16xf32>,
        %get3A_503 = arith.index_cast %scan3A_453 : i32 to index
        %get3A_504 = arith.constant 48 : index
        %get3A_505 = tpu.vector_load %arg11[%get3A_503, %get3A_504] {strides = array<i32>} : memref<200x64xf32, #tpu.memory_space<vmem>>, vector<1x16xf32>,
        %get3A_506 = vector.shape_cast %get3A_505 : vector<1x16xf32> to vector<16xf32>
        %mul3A_507 = arith.constant 8.000000e+00 : f32
        %mul3A_508 = vector.broadcast %mul3A_507 : f32 to vector<16xf32>
        %mul3A_509 = arith.mulf %get3A_506, %mul3A_508 : vector<16xf32>
        %get3A_510 = arith.index_cast %scan3A_453 : i32 to index
        %get3A_511 = arith.constant 48 : index
        %get3A_512 = tpu.vector_load %arg7[%get3A_510, %get3A_511] {strides = array<i32>} : memref<200x64xf32, #tpu.memory_space<vmem>>, vector<1x16xf32>,
        %get3A_513 = vector.shape_cast %get3A_512 : vector<1x16xf32> to vector<16xf32>
        %add3A_514 = arith.addf %mul3A_509, %get3A_513 : vector<16xf32>
        %swap3A_515 = arith.index_cast %scan3A_453 : i32 to index
        %swap3A_516 = arith.constant 48 : index
        %swap3A_517 = tpu.vector_load %arg11[%swap3A_515, %swap3A_516] {strides = array<i32>} : memref<200x64xf32, #tpu.memory_space<vmem>>, vector<1x16xf32>,
        %swap3A_518 = vector.shape_cast %swap3A_517 : vector<1x16xf32> to vector<16xf32>
        %swap3A_519 = vector.shape_cast %add3A_514 : vector<16xf32> to vector<1x16xf32>
        tpu.vector_store %arg11[%swap3A_515, %swap3A_516], %swap3A_519 {strides = array<i32>} : memref<200x64xf32, #tpu.memory_space<vmem>>, vector<1x16xf32>,
        %scan3A_520 = arith.constant 1 : i32
        %scan3A_521 = arith.addi %scan3A_453, %scan3A_520 : i32
        %get3A_522 = arith.index_cast %scan3A_521 : i32 to index
        %get3A_523 = arith.constant 0 : index
        %get3A_524 = tpu.vector_load %arg11[%get3A_522, %get3A_523] {strides = array<i32>} : memref<200x64xf32, #tpu.memory_space<vmem>>, vector<1x16xf32>,
        %get3A_525 = vector.shape_cast %get3A_524 : vector<1x16xf32> to vector<16xf32>
        %mul3A_526 = arith.constant 8.000000e+00 : f32
        %mul3A_527 = vector.broadcast %mul3A_526 : f32 to vector<16xf32>
        %mul3A_528 = arith.mulf %get3A_525, %mul3A_527 : vector<16xf32>
        %get3A_529 = arith.index_cast %scan3A_521 : i32 to index
        %get3A_530 = arith.constant 0 : index
        %get3A_531 = tpu.vector_load %arg7[%get3A_529, %get3A_530] {strides = array<i32>} : memref<200x64xf32, #tpu.memory_space<vmem>>, vector<1x16xf32>,
        %get3A_532 = vector.shape_cast %get3A_531 : vector<1x16xf32> to vector<16xf32>
        %add3A_533 = arith.addf %mul3A_528, %get3A_532 : vector<16xf32>
        %swap3A_534 = arith.index_cast %scan3A_521 : i32 to index
        %swap3A_535 = arith.constant 0 : index
        %swap3A_536 = tpu.vector_load %arg11[%swap3A_534, %swap3A_535] {strides = array<i32>} : memref<200x64xf32, #tpu.memory_space<vmem>>, vector<1x16xf32>,
        %swap3A_537 = vector.shape_cast %swap3A_536 : vector<1x16xf32> to vector<16xf32>
        %swap3A_538 = vector.shape_cast %add3A_533 : vector<16xf32> to vector<1x16xf32>
        tpu.vector_store %arg11[%swap3A_534, %swap3A_535], %swap3A_538 {strides = array<i32>} : memref<200x64xf32, #tpu.memory_space<vmem>>, vector<1x16xf32>,
        %get3A_539 = arith.index_cast %scan3A_521 : i32 to index
        %get3A_540 = arith.constant 16 : index
        %get3A_541 = tpu.vector_load %arg11[%get3A_539, %get3A_540] {strides = array<i32>} : memref<200x64xf32, #tpu.memory_space<vmem>>, vector<1x16xf32>,
        %get3A_542 = vector.shape_cast %get3A_541 : vector<1x16xf32> to vector<16xf32>
        %mul3A_543 = arith.constant 8.000000e+00 : f32
        %mul3A_544 = vector.broadcast %mul3A_543 : f32 to vector<16xf32>
        %mul3A_545 = arith.mulf %get3A_542, %mul3A_544 : vector<16xf32>
        %get3A_546 = arith.index_cast %scan3A_521 : i32 to index
        %get3A_547 = arith.constant 16 : index
        %get3A_548 = tpu.vector_load %arg7[%get3A_546, %get3A_547] {strides = array<i32>} : memref<200x64xf32, #tpu.memory_space<vmem>>, vector<1x16xf32>,
        %get3A_549 = vector.shape_cast %get3A_548 : vector<1x16xf32> to vector<16xf32>
        %add3A_550 = arith.addf %mul3A_545, %get3A_549 : vector<16xf32>
        %swap3A_551 = arith.index_cast %scan3A_521 : i32 to index
        %swap3A_552 = arith.constant 16 : index
        %swap3A_553 = tpu.vector_load %arg11[%swap3A_551, %swap3A_552] {strides = array<i32>} : memref<200x64xf32, #tpu.memory_space<vmem>>, vector<1x16xf32>,
        %swap3A_554 = vector.shape_cast %swap3A_553 : vector<1x16xf32> to vector<16xf32>
        %swap3A_555 = vector.shape_cast %add3A_550 : vector<16xf32> to vector<1x16xf32>
        tpu.vector_store %arg11[%swap3A_551, %swap3A_552], %swap3A_555 {strides = array<i32>} : memref<200x64xf32, #tpu.memory_space<vmem>>, vector<1x16xf32>,
        %get3A_556 = arith.index_cast %scan3A_521 : i32 to index
        %get3A_557 = arith.constant 32 : index
        %get3A_558 = tpu.vector_load %arg11[%get3A_556, %get3A_557] {strides = array<i32>} : memref<200x64xf32, #tpu.memory_space<vmem>>, vector<1x16xf32>,
        %get3A_559 = vector.shape_cast %get3A_558 : vector<1x16xf32> to vector<16xf32>
        %mul3A_560 = arith.constant 8.000000e+00 : f32
        %mul3A_561 = vector.broadcast %mul3A_560 : f32 to vector<16xf32>
        %mul3A_562 = arith.mulf %get3A_559, %mul3A_561 : vector<16xf32>
        %get3A_563 = arith.index_cast %scan3A_521 : i32 to index
        %get3A_564 = arith.constant 32 : index
        %get3A_565 = tpu.vector_load %arg7[%get3A_563, %get3A_564] {strides = array<i32>} : memref<200x64xf32, #tpu.memory_space<vmem>>, vector<1x16xf32>,
        %get3A_566 = vector.shape_cast %get3A_565 : vector<1x16xf32> to vector<16xf32>
        %add3A_567 = arith.addf %mul3A_562, %get3A_566 : vector<16xf32>
        %swap3A_568 = arith.index_cast %scan3A_521 : i32 to index
        %swap3A_569 = arith.constant 32 : index
        %swap3A_570 = tpu.vector_load %arg11[%swap3A_568, %swap3A_569] {strides = array<i32>} : memref<200x64xf32, #tpu.memory_space<vmem>>, vector<1x16xf32>,
        %swap3A_571 = vector.shape_cast %swap3A_570 : vector<1x16xf32> to vector<16xf32>
        %swap3A_572 = vector.shape_cast %add3A_567 : vector<16xf32> to vector<1x16xf32>
        tpu.vector_store %arg11[%swap3A_568, %swap3A_569], %swap3A_572 {strides = array<i32>} : memref<200x64xf32, #tpu.memory_space<vmem>>, vector<1x16xf32>,
        %get3A_573 = arith.index_cast %scan3A_521 : i32 to index
        %get3A_574 = arith.constant 48 : index
        %get3A_575 = tpu.vector_load %arg11[%get3A_573, %get3A_574] {strides = array<i32>} : memref<200x64xf32, #tpu.memory_space<vmem>>, vector<1x16xf32>,
        %get3A_576 = vector.shape_cast %get3A_575 : vector<1x16xf32> to vector<16xf32>
        %mul3A_577 = arith.constant 8.000000e+00 : f32
        %mul3A_578 = vector.broadcast %mul3A_577 : f32 to vector<16xf32>
        %mul3A_579 = arith.mulf %get3A_576, %mul3A_578 : vector<16xf32>
        %get3A_580 = arith.index_cast %scan3A_521 : i32 to index
        %get3A_581 = arith.constant 48 : index
        %get3A_582 = tpu.vector_load %arg7[%get3A_580, %get3A_581] {strides = array<i32>} : memref<200x64xf32, #tpu.memory_space<vmem>>, vector<1x16xf32>,
        %get3A_583 = vector.shape_cast %get3A_582 : vector<1x16xf32> to vector<16xf32>
        %add3A_584 = arith.addf %mul3A_579, %get3A_583 : vector<16xf32>
        %swap3A_585 = arith.index_cast %scan3A_521 : i32 to index
        %swap3A_586 = arith.constant 48 : index
        %swap3A_587 = tpu.vector_load %arg11[%swap3A_585, %swap3A_586] {strides = array<i32>} : memref<200x64xf32, #tpu.memory_space<vmem>>, vector<1x16xf32>,
        %swap3A_588 = vector.shape_cast %swap3A_587 : vector<1x16xf32> to vector<16xf32>
        %swap3A_589 = vector.shape_cast %add3A_584 : vector<16xf32> to vector<1x16xf32>
        tpu.vector_store %arg11[%swap3A_585, %swap3A_586], %swap3A_589 {strides = array<i32>} : memref<200x64xf32, #tpu.memory_space<vmem>>, vector<1x16xf32>,
        %scan3A_590 = arith.constant 2 : i32
        %scan3A_591 = arith.addi %scan3A_453, %scan3A_590 : i32
        %get3A_592 = arith.index_cast %scan3A_591 : i32 to index
        %get3A_593 = arith.constant 0 : index
        %get3A_594 = tpu.vector_load %arg11[%get3A_592, %get3A_593] {strides = array<i32>} : memref<200x64xf32, #tpu.memory_space<vmem>>, vector<1x16xf32>,
        %get3A_595 = vector.shape_cast %get3A_594 : vector<1x16xf32> to vector<16xf32>
        %mul3A_596 = arith.constant 8.000000e+00 : f32
        %mul3A_597 = vector.broadcast %mul3A_596 : f32 to vector<16xf32>
        %mul3A_598 = arith.mulf %get3A_595, %mul3A_597 : vector<16xf32>
        %get3A_599 = arith.index_cast %scan3A_591 : i32 to index
        %get3A_600 = arith.constant 0 : index
        %get3A_601 = tpu.vector_load %arg7[%get3A_599, %get3A_600] {strides = array<i32>} : memref<200x64xf32, #tpu.memory_space<vmem>>, vector<1x16xf32>,
        %get3A_602 = vector.shape_cast %get3A_601 : vector<1x16xf32> to vector<16xf32>
        %add3A_603 = arith.addf %mul3A_598, %get3A_602 : vector<16xf32>
        %swap3A_604 = arith.index_cast %scan3A_591 : i32 to index
        %swap3A_605 = arith.constant 0 : index
        %swap3A_606 = tpu.vector_load %arg11[%swap3A_604, %swap3A_605] {strides = array<i32>} : memref<200x64xf32, #tpu.memory_space<vmem>>, vector<1x16xf32>,
        %swap3A_607 = vector.shape_cast %swap3A_606 : vector<1x16xf32> to vector<16xf32>
        %swap3A_608 = vector.shape_cast %add3A_603 : vector<16xf32> to vector<1x16xf32>
        tpu.vector_store %arg11[%swap3A_604, %swap3A_605], %swap3A_608 {strides = array<i32>} : memref<200x64xf32, #tpu.memory_space<vmem>>, vector<1x16xf32>,
        %get3A_609 = arith.index_cast %scan3A_591 : i32 to index
        %get3A_610 = arith.constant 16 : index
        %get3A_611 = tpu.vector_load %arg11[%get3A_609, %get3A_610] {strides = array<i32>} : memref<200x64xf32, #tpu.memory_space<vmem>>, vector<1x16xf32>,
        %get3A_612 = vector.shape_cast %get3A_611 : vector<1x16xf32> to vector<16xf32>
        %mul3A_613 = arith.constant 8.000000e+00 : f32
        %mul3A_614 = vector.broadcast %mul3A_613 : f32 to vector<16xf32>
        %mul3A_615 = arith.mulf %get3A_612, %mul3A_614 : vector<16xf32>
        %get3A_616 = arith.index_cast %scan3A_591 : i32 to index
        %get3A_617 = arith.constant 16 : index
        %get3A_618 = tpu.vector_load %arg7[%get3A_616, %get3A_617] {strides = array<i32>} : memref<200x64xf32, #tpu.memory_space<vmem>>, vector<1x16xf32>,
        %get3A_619 = vector.shape_cast %get3A_618 : vector<1x16xf32> to vector<16xf32>
        %add3A_620 = arith.addf %mul3A_615, %get3A_619 : vector<16xf32>
        %swap3A_621 = arith.index_cast %scan3A_591 : i32 to index
        %swap3A_622 = arith.constant 16 : index
        %swap3A_623 = tpu.vector_load %arg11[%swap3A_621, %swap3A_622] {strides = array<i32>} : memref<200x64xf32, #tpu.memory_space<vmem>>, vector<1x16xf32>,
        %swap3A_624 = vector.shape_cast %swap3A_623 : vector<1x16xf32> to vector<16xf32>
        %swap3A_625 = vector.shape_cast %add3A_620 : vector<16xf32> to vector<1x16xf32>
        tpu.vector_store %arg11[%swap3A_621, %swap3A_622], %swap3A_625 {strides = array<i32>} : memref<200x64xf32, #tpu.memory_space<vmem>>, vector<1x16xf32>,
        %get3A_626 = arith.index_cast %scan3A_591 : i32 to index
        %get3A_627 = arith.constant 32 : index
        %get3A_628 = tpu.vector_load %arg11[%get3A_626, %get3A_627] {strides = array<i32>} : memref<200x64xf32, #tpu.memory_space<vmem>>, vector<1x16xf32>,
        %get3A_629 = vector.shape_cast %get3A_628 : vector<1x16xf32> to vector<16xf32>
        %mul3A_630 = arith.constant 8.000000e+00 : f32
        %mul3A_631 = vector.broadcast %mul3A_630 : f32 to vector<16xf32>
        %mul3A_632 = arith.mulf %get3A_629, %mul3A_631 : vector<16xf32>
        %get3A_633 = arith.index_cast %scan3A_591 : i32 to index
        %get3A_634 = arith.constant 32 : index
        %get3A_635 = tpu.vector_load %arg7[%get3A_633, %get3A_634] {strides = array<i32>} : memref<200x64xf32, #tpu.memory_space<vmem>>, vector<1x16xf32>,
        %get3A_636 = vector.shape_cast %get3A_635 : vector<1x16xf32> to vector<16xf32>
        %add3A_637 = arith.addf %mul3A_632, %get3A_636 : vector<16xf32>
        %swap3A_638 = arith.index_cast %scan3A_591 : i32 to index
        %swap3A_639 = arith.constant 32 : index
        %swap3A_640 = tpu.vector_load %arg11[%swap3A_638, %swap3A_639] {strides = array<i32>} : memref<200x64xf32, #tpu.memory_space<vmem>>, vector<1x16xf32>,
        %swap3A_641 = vector.shape_cast %swap3A_640 : vector<1x16xf32> to vector<16xf32>
        %swap3A_642 = vector.shape_cast %add3A_637 : vector<16xf32> to vector<1x16xf32>
        tpu.vector_store %arg11[%swap3A_638, %swap3A_639], %swap3A_642 {strides = array<i32>} : memref<200x64xf32, #tpu.memory_space<vmem>>, vector<1x16xf32>,
        %get3A_643 = arith.index_cast %scan3A_591 : i32 to index
        %get3A_644 = arith.constant 48 : index
        %get3A_645 = tpu.vector_load %arg11[%get3A_643, %get3A_644] {strides = array<i32>} : memref<200x64xf32, #tpu.memory_space<vmem>>, vector<1x16xf32>,
        %get3A_646 = vector.shape_cast %get3A_645 : vector<1x16xf32> to vector<16xf32>
        %mul3A_647 = arith.constant 8.000000e+00 : f32
        %mul3A_648 = vector.broadcast %mul3A_647 : f32 to vector<16xf32>
        %mul3A_649 = arith.mulf %get3A_646, %mul3A_648 : vector<16xf32>
        %get3A_650 = arith.index_cast %scan3A_591 : i32 to index
        %get3A_651 = arith.constant 48 : index
        %get3A_652 = tpu.vector_load %arg7[%get3A_650, %get3A_651] {strides = array<i32>} : memref<200x64xf32, #tpu.memory_space<vmem>>, vector<1x16xf32>,
        %get3A_653 = vector.shape_cast %get3A_652 : vector<1x16xf32> to vector<16xf32>
        %add3A_654 = arith.addf %mul3A_649, %get3A_653 : vector<16xf32>
        %swap3A_655 = arith.index_cast %scan3A_591 : i32 to index
        %swap3A_656 = arith.constant 48 : index
        %swap3A_657 = tpu.vector_load %arg11[%swap3A_655, %swap3A_656] {strides = array<i32>} : memref<200x64xf32, #tpu.memory_space<vmem>>, vector<1x16xf32>,
        %swap3A_658 = vector.shape_cast %swap3A_657 : vector<1x16xf32> to vector<16xf32>
        %swap3A_659 = vector.shape_cast %add3A_654 : vector<16xf32> to vector<1x16xf32>
        tpu.vector_store %arg11[%swap3A_655, %swap3A_656], %swap3A_659 {strides = array<i32>} : memref<200x64xf32, #tpu.memory_space<vmem>>, vector<1x16xf32>,
        %scan3A_660 = arith.constant 3 : i32
        %scan3A_661 = arith.addi %scan3A_453, %scan3A_660 : i32
        %get3A_662 = arith.index_cast %scan3A_661 : i32 to index
        %get3A_663 = arith.constant 0 : index
        %get3A_664 = tpu.vector_load %arg11[%get3A_662, %get3A_663] {strides = array<i32>} : memref<200x64xf32, #tpu.memory_space<vmem>>, vector<1x16xf32>,
        %get3A_665 = vector.shape_cast %get3A_664 : vector<1x16xf32> to vector<16xf32>
        %mul3A_666 = arith.constant 8.000000e+00 : f32
        %mul3A_667 = vector.broadcast %mul3A_666 : f32 to vector<16xf32>
        %mul3A_668 = arith.mulf %get3A_665, %mul3A_667 : vector<16xf32>
        %get3A_669 = arith.index_cast %scan3A_661 : i32 to index
        %get3A_670 = arith.constant 0 : index
        %get3A_671 = tpu.vector_load %arg7[%get3A_669, %get3A_670] {strides = array<i32>} : memref<200x64xf32, #tpu.memory_space<vmem>>, vector<1x16xf32>,
        %get3A_672 = vector.shape_cast %get3A_671 : vector<1x16xf32> to vector<16xf32>
        %add3A_673 = arith.addf %mul3A_668, %get3A_672 : vector<16xf32>
        %swap3A_674 = arith.index_cast %scan3A_661 : i32 to index
        %swap3A_675 = arith.constant 0 : index
        %swap3A_676 = tpu.vector_load %arg11[%swap3A_674, %swap3A_675] {strides = array<i32>} : memref<200x64xf32, #tpu.memory_space<vmem>>, vector<1x16xf32>,
        %swap3A_677 = vector.shape_cast %swap3A_676 : vector<1x16xf32> to vector<16xf32>
        %swap3A_678 = vector.shape_cast %add3A_673 : vector<16xf32> to vector<1x16xf32>
        tpu.vector_store %arg11[%swap3A_674, %swap3A_675], %swap3A_678 {strides = array<i32>} : memref<200x64xf32, #tpu.memory_space<vmem>>, vector<1x16xf32>,
        %get3A_679 = arith.index_cast %scan3A_661 : i32 to index
        %get3A_680 = arith.constant 16 : index
        %get3A_681 = tpu.vector_load %arg11[%get3A_679, %get3A_680] {strides = array<i32>} : memref<200x64xf32, #tpu.memory_space<vmem>>, vector<1x16xf32>,
        %get3A_682 = vector.shape_cast %get3A_681 : vector<1x16xf32> to vector<16xf32>
        %mul3A_683 = arith.constant 8.000000e+00 : f32
        %mul3A_684 = vector.broadcast %mul3A_683 : f32 to vector<16xf32>
        %mul3A_685 = arith.mulf %get3A_682, %mul3A_684 : vector<16xf32>
        %get3A_686 = arith.index_cast %scan3A_661 : i32 to index
        %get3A_687 = arith.constant 16 : index
        %get3A_688 = tpu.vector_load %arg7[%get3A_686, %get3A_687] {strides = array<i32>} : memref<200x64xf32, #tpu.memory_space<vmem>>, vector<1x16xf32>,
        %get3A_689 = vector.shape_cast %get3A_688 : vector<1x16xf32> to vector<16xf32>
        %add3A_690 = arith.addf %mul3A_685, %get3A_689 : vector<16xf32>
        %swap3A_691 = arith.index_cast %scan3A_661 : i32 to index
        %swap3A_692 = arith.constant 16 : index
        %swap3A_693 = tpu.vector_load %arg11[%swap3A_691, %swap3A_692] {strides = array<i32>} : memref<200x64xf32, #tpu.memory_space<vmem>>, vector<1x16xf32>,
        %swap3A_694 = vector.shape_cast %swap3A_693 : vector<1x16xf32> to vector<16xf32>
        %swap3A_695 = vector.shape_cast %add3A_690 : vector<16xf32> to vector<1x16xf32>
        tpu.vector_store %arg11[%swap3A_691, %swap3A_692], %swap3A_695 {strides = array<i32>} : memref<200x64xf32, #tpu.memory_space<vmem>>, vector<1x16xf32>,
        %get3A_696 = arith.index_cast %scan3A_661 : i32 to index
        %get3A_697 = arith.constant 32 : index
        %get3A_698 = tpu.vector_load %arg11[%get3A_696, %get3A_697] {strides = array<i32>} : memref<200x64xf32, #tpu.memory_space<vmem>>, vector<1x16xf32>,
        %get3A_699 = vector.shape_cast %get3A_698 : vector<1x16xf32> to vector<16xf32>
        %mul3A_700 = arith.constant 8.000000e+00 : f32
        %mul3A_701 = vector.broadcast %mul3A_700 : f32 to vector<16xf32>
        %mul3A_702 = arith.mulf %get3A_699, %mul3A_701 : vector<16xf32>
        %get3A_703 = arith.index_cast %scan3A_661 : i32 to index
        %get3A_704 = arith.constant 32 : index
        %get3A_705 = tpu.vector_load %arg7[%get3A_703, %get3A_704] {strides = array<i32>} : memref<200x64xf32, #tpu.memory_space<vmem>>, vector<1x16xf32>,
        %get3A_706 = vector.shape_cast %get3A_705 : vector<1x16xf32> to vector<16xf32>
        %add3A_707 = arith.addf %mul3A_702, %get3A_706 : vector<16xf32>
        %swap3A_708 = arith.index_cast %scan3A_661 : i32 to index
        %swap3A_709 = arith.constant 32 : index
        %swap3A_710 = tpu.vector_load %arg11[%swap3A_708, %swap3A_709] {strides = array<i32>} : memref<200x64xf32, #tpu.memory_space<vmem>>, vector<1x16xf32>,
        %swap3A_711 = vector.shape_cast %swap3A_710 : vector<1x16xf32> to vector<16xf32>
        %swap3A_712 = vector.shape_cast %add3A_707 : vector<16xf32> to vector<1x16xf32>
        tpu.vector_store %arg11[%swap3A_708, %swap3A_709], %swap3A_712 {strides = array<i32>} : memref<200x64xf32, #tpu.memory_space<vmem>>, vector<1x16xf32>,
        %get3A_713 = arith.index_cast %scan3A_661 : i32 to index
        %get3A_714 = arith.constant 48 : index
        %get3A_715 = tpu.vector_load %arg11[%get3A_713, %get3A_714] {strides = array<i32>} : memref<200x64xf32, #tpu.memory_space<vmem>>, vector<1x16xf32>,
        %get3A_716 = vector.shape_cast %get3A_715 : vector<1x16xf32> to vector<16xf32>
        %mul3A_717 = arith.constant 8.000000e+00 : f32
        %mul3A_718 = vector.broadcast %mul3A_717 : f32 to vector<16xf32>
        %mul3A_719 = arith.mulf %get3A_716, %mul3A_718 : vector<16xf32>
        %get3A_720 = arith.index_cast %scan3A_661 : i32 to index
        %get3A_721 = arith.constant 48 : index
        %get3A_722 = tpu.vector_load %arg7[%get3A_720, %get3A_721] {strides = array<i32>} : memref<200x64xf32, #tpu.memory_space<vmem>>, vector<1x16xf32>,
        %get3A_723 = vector.shape_cast %get3A_722 : vector<1x16xf32> to vector<16xf32>
        %add3A_724 = arith.addf %mul3A_719, %get3A_723 : vector<16xf32>
        %swap3A_725 = arith.index_cast %scan3A_661 : i32 to index
        %swap3A_726 = arith.constant 48 : index
        %swap3A_727 = tpu.vector_load %arg11[%swap3A_725, %swap3A_726] {strides = array<i32>} : memref<200x64xf32, #tpu.memory_space<vmem>>, vector<1x16xf32>,
        %swap3A_728 = vector.shape_cast %swap3A_727 : vector<1x16xf32> to vector<16xf32>
        %swap3A_729 = vector.shape_cast %add3A_724 : vector<16xf32> to vector<1x16xf32>
        tpu.vector_store %arg11[%swap3A_725, %swap3A_726], %swap3A_729 {strides = array<i32>} : memref<200x64xf32, #tpu.memory_space<vmem>>, vector<1x16xf32>,
      }
      %scan3A_260 = arith.constant 200 : i32
      %add3A_261 = arith.constant 3 : i32
      %add3A_262 = arith.addi %mul3A_159, %add3A_261 : i32
      %add3A_263 = arith.addi %mul3A_2, %add3A_262 : i32
      %dma_start3A_264 = arith.constant 0 : i32
      %dma_start3A_265 = arith.constant 0 : i32
      %dma_start3A_266 = tpu.memref_slice %arg5[%add3A_263, %dma_start3A_264, %dma_start3A_265] : memref<1024x200x64xf32, #tpu.memory_space<hbm>> -> memref<1x200x64xf32, #tpu.memory_space<hbm>>
      %dma_start3A_267 = tpu.memref_squeeze %dma_start3A_266 : memref<1x200x64xf32, #tpu.memory_space<hbm>> -> memref<200x64xf32, #tpu.memory_space<hbm>>
      %dma_start3A_268 = arith.constant 0 : i32
      %dma_start3A_269 = arith.constant 0 : i32
      %dma_start3A_270 = tpu.memref_slice %arg5[%add3A_263, %dma_start3A_268, %dma_start3A_269] : memref<1024x200x64xf32, #tpu.memory_space<hbm>> -> memref<1x200x64xf32, #tpu.memory_space<hbm>>
      %dma_start3A_271 = tpu.memref_squeeze %dma_start3A_270 : memref<1x200x64xf32, #tpu.memory_space<hbm>> -> memref<200x64xf32, #tpu.memory_space<hbm>>
      tpu.enqueue_dma source(%arg11 : memref<200x64xf32, #tpu.memory_space<vmem>>) target(%dma_start3A_271 : memref<200x64xf32, #tpu.memory_space<hbm>>) target_semaphore(%arg27 : memref<!tpu.dma_semaphore, #tpu.memory_space<semaphore_mem>>)
      %add3A_272 = arith.constant 4 : i32
      %add3A_273 = arith.addi %mul3A_159, %add3A_272 : i32
      %dma_wait3A_274 = arith.constant 0 : i32
      %dma_wait3A_275 = arith.constant 0 : i32
      %dma_wait3A_276 = arith.constant 0 : i32
      %dma_wait3A_277 = tpu.memref_slice %arg12[%dma_wait3A_275, %dma_wait3A_276] : memref<200x64xf32, #tpu.memory_space<vmem>> -> memref<200x64xf32, #tpu.memory_space<vmem>>
      %dma_wait3A_278 = arith.constant 0 : i32
      %dma_wait3A_279 = tpu.memref_slice %arg6[%add3A_273, %dma_wait3A_274, %dma_wait3A_278] : memref<32x1x200xi32, #tpu.memory_space<vmem>> -> memref<1x1x200xi32, #tpu.memory_space<vmem>>
      %dma_wait3A_280 = tpu.memref_squeeze %dma_wait3A_279 : memref<1x1x200xi32, #tpu.memory_space<vmem>> -> memref<200xi32, #tpu.memory_space<vmem>>
      %dma_wait3A_281 = arith.constant 0 : i32
      %dma_wait3A_282 = arith.constant 0 : i32
      %dma_wait3A_283 = tpu.memref_slice %arg3[%dma_wait3A_281, %dma_wait3A_282] : memref<1000000x64xf32, #tpu.memory_space<hbm>> -> memref<1000000x64xf32, #tpu.memory_space<hbm>>
      tpu.wait_indirect_dma semaphore(%arg20 : memref<!tpu.dma_semaphore, #tpu.memory_space<semaphore_mem>>) src(%dma_wait3A_283 : memref<1000000x64xf32, #tpu.memory_space<hbm>>) dst(%dma_wait3A_277 : memref<200x64xf32, #tpu.memory_space<vmem>>)
      %scan3A_284 = arith.constant 0 : i32
      %scan3A_285 = arith.constant 200 : i32
      %scan3A_286 = arith.addi %scan3A_284, %scan3A_285 : i32
      %scan3A_287 = arith.constant 4 : i32
      scf.for %scan3A_453 = %scan3A_284 to %scan3A_286 step %scan3A_287  : i32 {
        %get3A = arith.index_cast %scan3A_453 : i32 to index
        %get3A_454 = arith.constant 0 : index
        %get3A_455 = tpu.vector_load %arg12[%get3A, %get3A_454] {strides = array<i32>} : memref<200x64xf32, #tpu.memory_space<vmem>>, vector<1x16xf32>,
        %get3A_456 = vector.shape_cast %get3A_455 : vector<1x16xf32> to vector<16xf32>
        %mul3A_457 = arith.constant 8.000000e+00 : f32
        %mul3A_458 = vector.broadcast %mul3A_457 : f32 to vector<16xf32>
        %mul3A_459 = arith.mulf %get3A_456, %mul3A_458 : vector<16xf32>
        %get3A_460 = arith.index_cast %scan3A_453 : i32 to index
        %get3A_461 = arith.constant 0 : index
        %get3A_462 = tpu.vector_load %arg7[%get3A_460, %get3A_461] {strides = array<i32>} : memref<200x64xf32, #tpu.memory_space<vmem>>, vector<1x16xf32>,
        %get3A_463 = vector.shape_cast %get3A_462 : vector<1x16xf32> to vector<16xf32>
        %add3A_464 = arith.addf %mul3A_459, %get3A_463 : vector<16xf32>
        %swap3A = arith.index_cast %scan3A_453 : i32 to index
        %swap3A_465 = arith.constant 0 : index
        %swap3A_466 = tpu.vector_load %arg12[%swap3A, %swap3A_465] {strides = array<i32>} : memref<200x64xf32, #tpu.memory_space<vmem>>, vector<1x16xf32>,
        %swap3A_467 = vector.shape_cast %swap3A_466 : vector<1x16xf32> to vector<16xf32>
        %swap3A_468 = vector.shape_cast %add3A_464 : vector<16xf32> to vector<1x16xf32>
        tpu.vector_store %arg12[%swap3A, %swap3A_465], %swap3A_468 {strides = array<i32>} : memref<200x64xf32, #tpu.memory_space<vmem>>, vector<1x16xf32>,
        %get3A_469 = arith.index_cast %scan3A_453 : i32 to index
        %get3A_470 = arith.constant 16 : index
        %get3A_471 = tpu.vector_load %arg12[%get3A_469, %get3A_470] {strides = array<i32>} : memref<200x64xf32, #tpu.memory_space<vmem>>, vector<1x16xf32>,
        %get3A_472 = vector.shape_cast %get3A_471 : vector<1x16xf32> to vector<16xf32>
        %mul3A_473 = arith.constant 8.000000e+00 : f32
        %mul3A_474 = vector.broadcast %mul3A_473 : f32 to vector<16xf32>
        %mul3A_475 = arith.mulf %get3A_472, %mul3A_474 : vector<16xf32>
        %get3A_476 = arith.index_cast %scan3A_453 : i32 to index
        %get3A_477 = arith.constant 16 : index
        %get3A_478 = tpu.vector_load %arg7[%get3A_476, %get3A_477] {strides = array<i32>} : memref<200x64xf32, #tpu.memory_space<vmem>>, vector<1x16xf32>,
        %get3A_479 = vector.shape_cast %get3A_478 : vector<1x16xf32> to vector<16xf32>
        %add3A_480 = arith.addf %mul3A_475, %get3A_479 : vector<16xf32>
        %swap3A_481 = arith.index_cast %scan3A_453 : i32 to index
        %swap3A_482 = arith.constant 16 : index
        %swap3A_483 = tpu.vector_load %arg12[%swap3A_481, %swap3A_482] {strides = array<i32>} : memref<200x64xf32, #tpu.memory_space<vmem>>, vector<1x16xf32>,
        %swap3A_484 = vector.shape_cast %swap3A_483 : vector<1x16xf32> to vector<16xf32>
        %swap3A_485 = vector.shape_cast %add3A_480 : vector<16xf32> to vector<1x16xf32>
        tpu.vector_store %arg12[%swap3A_481, %swap3A_482], %swap3A_485 {strides = array<i32>} : memref<200x64xf32, #tpu.memory_space<vmem>>, vector<1x16xf32>,
        %get3A_486 = arith.index_cast %scan3A_453 : i32 to index
        %get3A_487 = arith.constant 32 : index
        %get3A_488 = tpu.vector_load %arg12[%get3A_486, %get3A_487] {strides = array<i32>} : memref<200x64xf32, #tpu.memory_space<vmem>>, vector<1x16xf32>,
        %get3A_489 = vector.shape_cast %get3A_488 : vector<1x16xf32> to vector<16xf32>
        %mul3A_490 = arith.constant 8.000000e+00 : f32
        %mul3A_491 = vector.broadcast %mul3A_490 : f32 to vector<16xf32>
        %mul3A_492 = arith.mulf %get3A_489, %mul3A_491 : vector<16xf32>
        %get3A_493 = arith.index_cast %scan3A_453 : i32 to index
        %get3A_494 = arith.constant 32 : index
        %get3A_495 = tpu.vector_load %arg7[%get3A_493, %get3A_494] {strides = array<i32>} : memref<200x64xf32, #tpu.memory_space<vmem>>, vector<1x16xf32>,
        %get3A_496 = vector.shape_cast %get3A_495 : vector<1x16xf32> to vector<16xf32>
        %add3A_497 = arith.addf %mul3A_492, %get3A_496 : vector<16xf32>
        %swap3A_498 = arith.index_cast %scan3A_453 : i32 to index
        %swap3A_499 = arith.constant 32 : index
        %swap3A_500 = tpu.vector_load %arg12[%swap3A_498, %swap3A_499] {strides = array<i32>} : memref<200x64xf32, #tpu.memory_space<vmem>>, vector<1x16xf32>,
        %swap3A_501 = vector.shape_cast %swap3A_500 : vector<1x16xf32> to vector<16xf32>
        %swap3A_502 = vector.shape_cast %add3A_497 : vector<16xf32> to vector<1x16xf32>
        tpu.vector_store %arg12[%swap3A_498, %swap3A_499], %swap3A_502 {strides = array<i32>} : memref<200x64xf32, #tpu.memory_space<vmem>>, vector<1x16xf32>,
        %get3A_503 = arith.index_cast %scan3A_453 : i32 to index
        %get3A_504 = arith.constant 48 : index
        %get3A_505 = tpu.vector_load %arg12[%get3A_503, %get3A_504] {strides = array<i32>} : memref<200x64xf32, #tpu.memory_space<vmem>>, vector<1x16xf32>,
        %get3A_506 = vector.shape_cast %get3A_505 : vector<1x16xf32> to vector<16xf32>
        %mul3A_507 = arith.constant 8.000000e+00 : f32
        %mul3A_508 = vector.broadcast %mul3A_507 : f32 to vector<16xf32>
        %mul3A_509 = arith.mulf %get3A_506, %mul3A_508 : vector<16xf32>
        %get3A_510 = arith.index_cast %scan3A_453 : i32 to index
        %get3A_511 = arith.constant 48 : index
        %get3A_512 = tpu.vector_load %arg7[%get3A_510, %get3A_511] {strides = array<i32>} : memref<200x64xf32, #tpu.memory_space<vmem>>, vector<1x16xf32>,
        %get3A_513 = vector.shape_cast %get3A_512 : vector<1x16xf32> to vector<16xf32>
        %add3A_514 = arith.addf %mul3A_509, %get3A_513 : vector<16xf32>
        %swap3A_515 = arith.index_cast %scan3A_453 : i32 to index
        %swap3A_516 = arith.constant 48 : index
        %swap3A_517 = tpu.vector_load %arg12[%swap3A_515, %swap3A_516] {strides = array<i32>} : memref<200x64xf32, #tpu.memory_space<vmem>>, vector<1x16xf32>,
        %swap3A_518 = vector.shape_cast %swap3A_517 : vector<1x16xf32> to vector<16xf32>
        %swap3A_519 = vector.shape_cast %add3A_514 : vector<16xf32> to vector<1x16xf32>
        tpu.vector_store %arg12[%swap3A_515, %swap3A_516], %swap3A_519 {strides = array<i32>} : memref<200x64xf32, #tpu.memory_space<vmem>>, vector<1x16xf32>,
        %scan3A_520 = arith.constant 1 : i32
        %scan3A_521 = arith.addi %scan3A_453, %scan3A_520 : i32
        %get3A_522 = arith.index_cast %scan3A_521 : i32 to index
        %get3A_523 = arith.constant 0 : index
        %get3A_524 = tpu.vector_load %arg12[%get3A_522, %get3A_523] {strides = array<i32>} : memref<200x64xf32, #tpu.memory_space<vmem>>, vector<1x16xf32>,
        %get3A_525 = vector.shape_cast %get3A_524 : vector<1x16xf32> to vector<16xf32>
        %mul3A_526 = arith.constant 8.000000e+00 : f32
        %mul3A_527 = vector.broadcast %mul3A_526 : f32 to vector<16xf32>
        %mul3A_528 = arith.mulf %get3A_525, %mul3A_527 : vector<16xf32>
        %get3A_529 = arith.index_cast %scan3A_521 : i32 to index
        %get3A_530 = arith.constant 0 : index
        %get3A_531 = tpu.vector_load %arg7[%get3A_529, %get3A_530] {strides = array<i32>} : memref<200x64xf32, #tpu.memory_space<vmem>>, vector<1x16xf32>,
        %get3A_532 = vector.shape_cast %get3A_531 : vector<1x16xf32> to vector<16xf32>
        %add3A_533 = arith.addf %mul3A_528, %get3A_532 : vector<16xf32>
        %swap3A_534 = arith.index_cast %scan3A_521 : i32 to index
        %swap3A_535 = arith.constant 0 : index
        %swap3A_536 = tpu.vector_load %arg12[%swap3A_534, %swap3A_535] {strides = array<i32>} : memref<200x64xf32, #tpu.memory_space<vmem>>, vector<1x16xf32>,
        %swap3A_537 = vector.shape_cast %swap3A_536 : vector<1x16xf32> to vector<16xf32>
        %swap3A_538 = vector.shape_cast %add3A_533 : vector<16xf32> to vector<1x16xf32>
        tpu.vector_store %arg12[%swap3A_534, %swap3A_535], %swap3A_538 {strides = array<i32>} : memref<200x64xf32, #tpu.memory_space<vmem>>, vector<1x16xf32>,
        %get3A_539 = arith.index_cast %scan3A_521 : i32 to index
        %get3A_540 = arith.constant 16 : index
        %get3A_541 = tpu.vector_load %arg12[%get3A_539, %get3A_540] {strides = array<i32>} : memref<200x64xf32, #tpu.memory_space<vmem>>, vector<1x16xf32>,
        %get3A_542 = vector.shape_cast %get3A_541 : vector<1x16xf32> to vector<16xf32>
        %mul3A_543 = arith.constant 8.000000e+00 : f32
        %mul3A_544 = vector.broadcast %mul3A_543 : f32 to vector<16xf32>
        %mul3A_545 = arith.mulf %get3A_542, %mul3A_544 : vector<16xf32>
        %get3A_546 = arith.index_cast %scan3A_521 : i32 to index
        %get3A_547 = arith.constant 16 : index
        %get3A_548 = tpu.vector_load %arg7[%get3A_546, %get3A_547] {strides = array<i32>} : memref<200x64xf32, #tpu.memory_space<vmem>>, vector<1x16xf32>,
        %get3A_549 = vector.shape_cast %get3A_548 : vector<1x16xf32> to vector<16xf32>
        %add3A_550 = arith.addf %mul3A_545, %get3A_549 : vector<16xf32>
        %swap3A_551 = arith.index_cast %scan3A_521 : i32 to index
        %swap3A_552 = arith.constant 16 : index
        %swap3A_553 = tpu.vector_load %arg12[%swap3A_551, %swap3A_552] {strides = array<i32>} : memref<200x64xf32, #tpu.memory_space<vmem>>, vector<1x16xf32>,
        %swap3A_554 = vector.shape_cast %swap3A_553 : vector<1x16xf32> to vector<16xf32>
        %swap3A_555 = vector.shape_cast %add3A_550 : vector<16xf32> to vector<1x16xf32>
        tpu.vector_store %arg12[%swap3A_551, %swap3A_552], %swap3A_555 {strides = array<i32>} : memref<200x64xf32, #tpu.memory_space<vmem>>, vector<1x16xf32>,
        %get3A_556 = arith.index_cast %scan3A_521 : i32 to index
        %get3A_557 = arith.constant 32 : index
        %get3A_558 = tpu.vector_load %arg12[%get3A_556, %get3A_557] {strides = array<i32>} : memref<200x64xf32, #tpu.memory_space<vmem>>, vector<1x16xf32>,
        %get3A_559 = vector.shape_cast %get3A_558 : vector<1x16xf32> to vector<16xf32>
        %mul3A_560 = arith.constant 8.000000e+00 : f32
        %mul3A_561 = vector.broadcast %mul3A_560 : f32 to vector<16xf32>
        %mul3A_562 = arith.mulf %get3A_559, %mul3A_561 : vector<16xf32>
        %get3A_563 = arith.index_cast %scan3A_521 : i32 to index
        %get3A_564 = arith.constant 32 : index
        %get3A_565 = tpu.vector_load %arg7[%get3A_563, %get3A_564] {strides = array<i32>} : memref<200x64xf32, #tpu.memory_space<vmem>>, vector<1x16xf32>,
        %get3A_566 = vector.shape_cast %get3A_565 : vector<1x16xf32> to vector<16xf32>
        %add3A_567 = arith.addf %mul3A_562, %get3A_566 : vector<16xf32>
        %swap3A_568 = arith.index_cast %scan3A_521 : i32 to index
        %swap3A_569 = arith.constant 32 : index
        %swap3A_570 = tpu.vector_load %arg12[%swap3A_568, %swap3A_569] {strides = array<i32>} : memref<200x64xf32, #tpu.memory_space<vmem>>, vector<1x16xf32>,
        %swap3A_571 = vector.shape_cast %swap3A_570 : vector<1x16xf32> to vector<16xf32>
        %swap3A_572 = vector.shape_cast %add3A_567 : vector<16xf32> to vector<1x16xf32>
        tpu.vector_store %arg12[%swap3A_568, %swap3A_569], %swap3A_572 {strides = array<i32>} : memref<200x64xf32, #tpu.memory_space<vmem>>, vector<1x16xf32>,
        %get3A_573 = arith.index_cast %scan3A_521 : i32 to index
        %get3A_574 = arith.constant 48 : index
        %get3A_575 = tpu.vector_load %arg12[%get3A_573, %get3A_574] {strides = array<i32>} : memref<200x64xf32, #tpu.memory_space<vmem>>, vector<1x16xf32>,
        %get3A_576 = vector.shape_cast %get3A_575 : vector<1x16xf32> to vector<16xf32>
        %mul3A_577 = arith.constant 8.000000e+00 : f32
        %mul3A_578 = vector.broadcast %mul3A_577 : f32 to vector<16xf32>
        %mul3A_579 = arith.mulf %get3A_576, %mul3A_578 : vector<16xf32>
        %get3A_580 = arith.index_cast %scan3A_521 : i32 to index
        %get3A_581 = arith.constant 48 : index
        %get3A_582 = tpu.vector_load %arg7[%get3A_580, %get3A_581] {strides = array<i32>} : memref<200x64xf32, #tpu.memory_space<vmem>>, vector<1x16xf32>,
        %get3A_583 = vector.shape_cast %get3A_582 : vector<1x16xf32> to vector<16xf32>
        %add3A_584 = arith.addf %mul3A_579, %get3A_583 : vector<16xf32>
        %swap3A_585 = arith.index_cast %scan3A_521 : i32 to index
        %swap3A_586 = arith.constant 48 : index
        %swap3A_587 = tpu.vector_load %arg12[%swap3A_585, %swap3A_586] {strides = array<i32>} : memref<200x64xf32, #tpu.memory_space<vmem>>, vector<1x16xf32>,
        %swap3A_588 = vector.shape_cast %swap3A_587 : vector<1x16xf32> to vector<16xf32>
        %swap3A_589 = vector.shape_cast %add3A_584 : vector<16xf32> to vector<1x16xf32>
        tpu.vector_store %arg12[%swap3A_585, %swap3A_586], %swap3A_589 {strides = array<i32>} : memref<200x64xf32, #tpu.memory_space<vmem>>, vector<1x16xf32>,
        %scan3A_590 = arith.constant 2 : i32
        %scan3A_591 = arith.addi %scan3A_453, %scan3A_590 : i32
        %get3A_592 = arith.index_cast %scan3A_591 : i32 to index
        %get3A_593 = arith.constant 0 : index
        %get3A_594 = tpu.vector_load %arg12[%get3A_592, %get3A_593] {strides = array<i32>} : memref<200x64xf32, #tpu.memory_space<vmem>>, vector<1x16xf32>,
        %get3A_595 = vector.shape_cast %get3A_594 : vector<1x16xf32> to vector<16xf32>
        %mul3A_596 = arith.constant 8.000000e+00 : f32
        %mul3A_597 = vector.broadcast %mul3A_596 : f32 to vector<16xf32>
        %mul3A_598 = arith.mulf %get3A_595, %mul3A_597 : vector<16xf32>
        %get3A_599 = arith.index_cast %scan3A_591 : i32 to index
        %get3A_600 = arith.constant 0 : index
        %get3A_601 = tpu.vector_load %arg7[%get3A_599, %get3A_600] {strides = array<i32>} : memref<200x64xf32, #tpu.memory_space<vmem>>, vector<1x16xf32>,
        %get3A_602 = vector.shape_cast %get3A_601 : vector<1x16xf32> to vector<16xf32>
        %add3A_603 = arith.addf %mul3A_598, %get3A_602 : vector<16xf32>
        %swap3A_604 = arith.index_cast %scan3A_591 : i32 to index
        %swap3A_605 = arith.constant 0 : index
        %swap3A_606 = tpu.vector_load %arg12[%swap3A_604, %swap3A_605] {strides = array<i32>} : memref<200x64xf32, #tpu.memory_space<vmem>>, vector<1x16xf32>,
        %swap3A_607 = vector.shape_cast %swap3A_606 : vector<1x16xf32> to vector<16xf32>
        %swap3A_608 = vector.shape_cast %add3A_603 : vector<16xf32> to vector<1x16xf32>
        tpu.vector_store %arg12[%swap3A_604, %swap3A_605], %swap3A_608 {strides = array<i32>} : memref<200x64xf32, #tpu.memory_space<vmem>>, vector<1x16xf32>,
        %get3A_609 = arith.index_cast %scan3A_591 : i32 to index
        %get3A_610 = arith.constant 16 : index
        %get3A_611 = tpu.vector_load %arg12[%get3A_609, %get3A_610] {strides = array<i32>} : memref<200x64xf32, #tpu.memory_space<vmem>>, vector<1x16xf32>,
        %get3A_612 = vector.shape_cast %get3A_611 : vector<1x16xf32> to vector<16xf32>
        %mul3A_613 = arith.constant 8.000000e+00 : f32
        %mul3A_614 = vector.broadcast %mul3A_613 : f32 to vector<16xf32>
        %mul3A_615 = arith.mulf %get3A_612, %mul3A_614 : vector<16xf32>
        %get3A_616 = arith.index_cast %scan3A_591 : i32 to index
        %get3A_617 = arith.constant 16 : index
        %get3A_618 = tpu.vector_load %arg7[%get3A_616, %get3A_617] {strides = array<i32>} : memref<200x64xf32, #tpu.memory_space<vmem>>, vector<1x16xf32>,
        %get3A_619 = vector.shape_cast %get3A_618 : vector<1x16xf32> to vector<16xf32>
        %add3A_620 = arith.addf %mul3A_615, %get3A_619 : vector<16xf32>
        %swap3A_621 = arith.index_cast %scan3A_591 : i32 to index
        %swap3A_622 = arith.constant 16 : index
        %swap3A_623 = tpu.vector_load %arg12[%swap3A_621, %swap3A_622] {strides = array<i32>} : memref<200x64xf32, #tpu.memory_space<vmem>>, vector<1x16xf32>,
        %swap3A_624 = vector.shape_cast %swap3A_623 : vector<1x16xf32> to vector<16xf32>
        %swap3A_625 = vector.shape_cast %add3A_620 : vector<16xf32> to vector<1x16xf32>
        tpu.vector_store %arg12[%swap3A_621, %swap3A_622], %swap3A_625 {strides = array<i32>} : memref<200x64xf32, #tpu.memory_space<vmem>>, vector<1x16xf32>,
        %get3A_626 = arith.index_cast %scan3A_591 : i32 to index
        %get3A_627 = arith.constant 32 : index
        %get3A_628 = tpu.vector_load %arg12[%get3A_626, %get3A_627] {strides = array<i32>} : memref<200x64xf32, #tpu.memory_space<vmem>>, vector<1x16xf32>,
        %get3A_629 = vector.shape_cast %get3A_628 : vector<1x16xf32> to vector<16xf32>
        %mul3A_630 = arith.constant 8.000000e+00 : f32
        %mul3A_631 = vector.broadcast %mul3A_630 : f32 to vector<16xf32>
        %mul3A_632 = arith.mulf %get3A_629, %mul3A_631 : vector<16xf32>
        %get3A_633 = arith.index_cast %scan3A_591 : i32 to index
        %get3A_634 = arith.constant 32 : index
        %get3A_635 = tpu.vector_load %arg7[%get3A_633, %get3A_634] {strides = array<i32>} : memref<200x64xf32, #tpu.memory_space<vmem>>, vector<1x16xf32>,
        %get3A_636 = vector.shape_cast %get3A_635 : vector<1x16xf32> to vector<16xf32>
        %add3A_637 = arith.addf %mul3A_632, %get3A_636 : vector<16xf32>
        %swap3A_638 = arith.index_cast %scan3A_591 : i32 to index
        %swap3A_639 = arith.constant 32 : index
        %swap3A_640 = tpu.vector_load %arg12[%swap3A_638, %swap3A_639] {strides = array<i32>} : memref<200x64xf32, #tpu.memory_space<vmem>>, vector<1x16xf32>,
        %swap3A_641 = vector.shape_cast %swap3A_640 : vector<1x16xf32> to vector<16xf32>
        %swap3A_642 = vector.shape_cast %add3A_637 : vector<16xf32> to vector<1x16xf32>
        tpu.vector_store %arg12[%swap3A_638, %swap3A_639], %swap3A_642 {strides = array<i32>} : memref<200x64xf32, #tpu.memory_space<vmem>>, vector<1x16xf32>,
        %get3A_643 = arith.index_cast %scan3A_591 : i32 to index
        %get3A_644 = arith.constant 48 : index
        %get3A_645 = tpu.vector_load %arg12[%get3A_643, %get3A_644] {strides = array<i32>} : memref<200x64xf32, #tpu.memory_space<vmem>>, vector<1x16xf32>,
        %get3A_646 = vector.shape_cast %get3A_645 : vector<1x16xf32> to vector<16xf32>
        %mul3A_647 = arith.constant 8.000000e+00 : f32
        %mul3A_648 = vector.broadcast %mul3A_647 : f32 to vector<16xf32>
        %mul3A_649 = arith.mulf %get3A_646, %mul3A_648 : vector<16xf32>
        %get3A_650 = arith.index_cast %scan3A_591 : i32 to index
        %get3A_651 = arith.constant 48 : index
        %get3A_652 = tpu.vector_load %arg7[%get3A_650, %get3A_651] {strides = array<i32>} : memref<200x64xf32, #tpu.memory_space<vmem>>, vector<1x16xf32>,
        %get3A_653 = vector.shape_cast %get3A_652 : vector<1x16xf32> to vector<16xf32>
        %add3A_654 = arith.addf %mul3A_649, %get3A_653 : vector<16xf32>
        %swap3A_655 = arith.index_cast %scan3A_591 : i32 to index
        %swap3A_656 = arith.constant 48 : index
        %swap3A_657 = tpu.vector_load %arg12[%swap3A_655, %swap3A_656] {strides = array<i32>} : memref<200x64xf32, #tpu.memory_space<vmem>>, vector<1x16xf32>,
        %swap3A_658 = vector.shape_cast %swap3A_657 : vector<1x16xf32> to vector<16xf32>
        %swap3A_659 = vector.shape_cast %add3A_654 : vector<16xf32> to vector<1x16xf32>
        tpu.vector_store %arg12[%swap3A_655, %swap3A_656], %swap3A_659 {strides = array<i32>} : memref<200x64xf32, #tpu.memory_space<vmem>>, vector<1x16xf32>,
        %scan3A_660 = arith.constant 3 : i32
        %scan3A_661 = arith.addi %scan3A_453, %scan3A_660 : i32
        %get3A_662 = arith.index_cast %scan3A_661 : i32 to index
        %get3A_663 = arith.constant 0 : index
        %get3A_664 = tpu.vector_load %arg12[%get3A_662, %get3A_663] {strides = array<i32>} : memref<200x64xf32, #tpu.memory_space<vmem>>, vector<1x16xf32>,
        %get3A_665 = vector.shape_cast %get3A_664 : vector<1x16xf32> to vector<16xf32>
        %mul3A_666 = arith.constant 8.000000e+00 : f32
        %mul3A_667 = vector.broadcast %mul3A_666 : f32 to vector<16xf32>
        %mul3A_668 = arith.mulf %get3A_665, %mul3A_667 : vector<16xf32>
        %get3A_669 = arith.index_cast %scan3A_661 : i32 to index
        %get3A_670 = arith.constant 0 : index
        %get3A_671 = tpu.vector_load %arg7[%get3A_669, %get3A_670] {strides = array<i32>} : memref<200x64xf32, #tpu.memory_space<vmem>>, vector<1x16xf32>,
        %get3A_672 = vector.shape_cast %get3A_671 : vector<1x16xf32> to vector<16xf32>
        %add3A_673 = arith.addf %mul3A_668, %get3A_672 : vector<16xf32>
        %swap3A_674 = arith.index_cast %scan3A_661 : i32 to index
        %swap3A_675 = arith.constant 0 : index
        %swap3A_676 = tpu.vector_load %arg12[%swap3A_674, %swap3A_675] {strides = array<i32>} : memref<200x64xf32, #tpu.memory_space<vmem>>, vector<1x16xf32>,
        %swap3A_677 = vector.shape_cast %swap3A_676 : vector<1x16xf32> to vector<16xf32>
        %swap3A_678 = vector.shape_cast %add3A_673 : vector<16xf32> to vector<1x16xf32>
        tpu.vector_store %arg12[%swap3A_674, %swap3A_675], %swap3A_678 {strides = array<i32>} : memref<200x64xf32, #tpu.memory_space<vmem>>, vector<1x16xf32>,
        %get3A_679 = arith.index_cast %scan3A_661 : i32 to index
        %get3A_680 = arith.constant 16 : index
        %get3A_681 = tpu.vector_load %arg12[%get3A_679, %get3A_680] {strides = array<i32>} : memref<200x64xf32, #tpu.memory_space<vmem>>, vector<1x16xf32>,
        %get3A_682 = vector.shape_cast %get3A_681 : vector<1x16xf32> to vector<16xf32>
        %mul3A_683 = arith.constant 8.000000e+00 : f32
        %mul3A_684 = vector.broadcast %mul3A_683 : f32 to vector<16xf32>
        %mul3A_685 = arith.mulf %get3A_682, %mul3A_684 : vector<16xf32>
        %get3A_686 = arith.index_cast %scan3A_661 : i32 to index
        %get3A_687 = arith.constant 16 : index
        %get3A_688 = tpu.vector_load %arg7[%get3A_686, %get3A_687] {strides = array<i32>} : memref<200x64xf32, #tpu.memory_space<vmem>>, vector<1x16xf32>,
        %get3A_689 = vector.shape_cast %get3A_688 : vector<1x16xf32> to vector<16xf32>
        %add3A_690 = arith.addf %mul3A_685, %get3A_689 : vector<16xf32>
        %swap3A_691 = arith.index_cast %scan3A_661 : i32 to index
        %swap3A_692 = arith.constant 16 : index
        %swap3A_693 = tpu.vector_load %arg12[%swap3A_691, %swap3A_692] {strides = array<i32>} : memref<200x64xf32, #tpu.memory_space<vmem>>, vector<1x16xf32>,
        %swap3A_694 = vector.shape_cast %swap3A_693 : vector<1x16xf32> to vector<16xf32>
        %swap3A_695 = vector.shape_cast %add3A_690 : vector<16xf32> to vector<1x16xf32>
        tpu.vector_store %arg12[%swap3A_691, %swap3A_692], %swap3A_695 {strides = array<i32>} : memref<200x64xf32, #tpu.memory_space<vmem>>, vector<1x16xf32>,
        %get3A_696 = arith.index_cast %scan3A_661 : i32 to index
        %get3A_697 = arith.constant 32 : index
        %get3A_698 = tpu.vector_load %arg12[%get3A_696, %get3A_697] {strides = array<i32>} : memref<200x64xf32, #tpu.memory_space<vmem>>, vector<1x16xf32>,
        %get3A_699 = vector.shape_cast %get3A_698 : vector<1x16xf32> to vector<16xf32>
        %mul3A_700 = arith.constant 8.000000e+00 : f32
        %mul3A_701 = vector.broadcast %mul3A_700 : f32 to vector<16xf32>
        %mul3A_702 = arith.mulf %get3A_699, %mul3A_701 : vector<16xf32>
        %get3A_703 = arith.index_cast %scan3A_661 : i32 to index
        %get3A_704 = arith.constant 32 : index
        %get3A_705 = tpu.vector_load %arg7[%get3A_703, %get3A_704] {strides = array<i32>} : memref<200x64xf32, #tpu.memory_space<vmem>>, vector<1x16xf32>,
        %get3A_706 = vector.shape_cast %get3A_705 : vector<1x16xf32> to vector<16xf32>
        %add3A_707 = arith.addf %mul3A_702, %get3A_706 : vector<16xf32>
        %swap3A_708 = arith.index_cast %scan3A_661 : i32 to index
        %swap3A_709 = arith.constant 32 : index
        %swap3A_710 = tpu.vector_load %arg12[%swap3A_708, %swap3A_709] {strides = array<i32>} : memref<200x64xf32, #tpu.memory_space<vmem>>, vector<1x16xf32>,
        %swap3A_711 = vector.shape_cast %swap3A_710 : vector<1x16xf32> to vector<16xf32>
        %swap3A_712 = vector.shape_cast %add3A_707 : vector<16xf32> to vector<1x16xf32>
        tpu.vector_store %arg12[%swap3A_708, %swap3A_709], %swap3A_712 {strides = array<i32>} : memref<200x64xf32, #tpu.memory_space<vmem>>, vector<1x16xf32>,
        %get3A_713 = arith.index_cast %scan3A_661 : i32 to index
        %get3A_714 = arith.constant 48 : index
        %get3A_715 = tpu.vector_load %arg12[%get3A_713, %get3A_714] {strides = array<i32>} : memref<200x64xf32, #tpu.memory_space<vmem>>, vector<1x16xf32>,
        %get3A_716 = vector.shape_cast %get3A_715 : vector<1x16xf32> to vector<16xf32>
        %mul3A_717 = arith.constant 8.000000e+00 : f32
        %mul3A_718 = vector.broadcast %mul3A_717 : f32 to vector<16xf32>
        %mul3A_719 = arith.mulf %get3A_716, %mul3A_718 : vector<16xf32>
        %get3A_720 = arith.index_cast %scan3A_661 : i32 to index
        %get3A_721 = arith.constant 48 : index
        %get3A_722 = tpu.vector_load %arg7[%get3A_720, %get3A_721] {strides = array<i32>} : memref<200x64xf32, #tpu.memory_space<vmem>>, vector<1x16xf32>,
        %get3A_723 = vector.shape_cast %get3A_722 : vector<1x16xf32> to vector<16xf32>
        %add3A_724 = arith.addf %mul3A_719, %get3A_723 : vector<16xf32>
        %swap3A_725 = arith.index_cast %scan3A_661 : i32 to index
        %swap3A_726 = arith.constant 48 : index
        %swap3A_727 = tpu.vector_load %arg12[%swap3A_725, %swap3A_726] {strides = array<i32>} : memref<200x64xf32, #tpu.memory_space<vmem>>, vector<1x16xf32>,
        %swap3A_728 = vector.shape_cast %swap3A_727 : vector<1x16xf32> to vector<16xf32>
        %swap3A_729 = vector.shape_cast %add3A_724 : vector<16xf32> to vector<1x16xf32>
        tpu.vector_store %arg12[%swap3A_725, %swap3A_726], %swap3A_729 {strides = array<i32>} : memref<200x64xf32, #tpu.memory_space<vmem>>, vector<1x16xf32>,
      }
      %scan3A_288 = arith.constant 200 : i32
      %add3A_289 = arith.constant 4 : i32
      %add3A_290 = arith.addi %mul3A_159, %add3A_289 : i32
      %add3A_291 = arith.addi %mul3A_2, %add3A_290 : i32
      %dma_start3A_292 = arith.constant 0 : i32
      %dma_start3A_293 = arith.constant 0 : i32
      %dma_start3A_294 = tpu.memref_slice %arg5[%add3A_291, %dma_start3A_292, %dma_start3A_293] : memref<1024x200x64xf32, #tpu.memory_space<hbm>> -> memref<1x200x64xf32, #tpu.memory_space<hbm>>
      %dma_start3A_295 = tpu.memref_squeeze %dma_start3A_294 : memref<1x200x64xf32, #tpu.memory_space<hbm>> -> memref<200x64xf32, #tpu.memory_space<hbm>>
      %dma_start3A_296 = arith.constant 0 : i32
      %dma_start3A_297 = arith.constant 0 : i32
      %dma_start3A_298 = tpu.memref_slice %arg5[%add3A_291, %dma_start3A_296, %dma_start3A_297] : memref<1024x200x64xf32, #tpu.memory_space<hbm>> -> memref<1x200x64xf32, #tpu.memory_space<hbm>>
      %dma_start3A_299 = tpu.memref_squeeze %dma_start3A_298 : memref<1x200x64xf32, #tpu.memory_space<hbm>> -> memref<200x64xf32, #tpu.memory_space<hbm>>
      tpu.enqueue_dma source(%arg12 : memref<200x64xf32, #tpu.memory_space<vmem>>) target(%dma_start3A_299 : memref<200x64xf32, #tpu.memory_space<hbm>>) target_semaphore(%arg28 : memref<!tpu.dma_semaphore, #tpu.memory_space<semaphore_mem>>)
      %add3A_300 = arith.constant 5 : i32
      %add3A_301 = arith.addi %mul3A_159, %add3A_300 : i32
      %dma_wait3A_302 = arith.constant 0 : i32
      %dma_wait3A_303 = arith.constant 0 : i32
      %dma_wait3A_304 = arith.constant 0 : i32
      %dma_wait3A_305 = tpu.memref_slice %arg13[%dma_wait3A_303, %dma_wait3A_304] : memref<200x64xf32, #tpu.memory_space<vmem>> -> memref<200x64xf32, #tpu.memory_space<vmem>>
      %dma_wait3A_306 = arith.constant 0 : i32
      %dma_wait3A_307 = tpu.memref_slice %arg6[%add3A_301, %dma_wait3A_302, %dma_wait3A_306] : memref<32x1x200xi32, #tpu.memory_space<vmem>> -> memref<1x1x200xi32, #tpu.memory_space<vmem>>
      %dma_wait3A_308 = tpu.memref_squeeze %dma_wait3A_307 : memref<1x1x200xi32, #tpu.memory_space<vmem>> -> memref<200xi32, #tpu.memory_space<vmem>>
      %dma_wait3A_309 = arith.constant 0 : i32
      %dma_wait3A_310 = arith.constant 0 : i32
      %dma_wait3A_311 = tpu.memref_slice %arg3[%dma_wait3A_309, %dma_wait3A_310] : memref<1000000x64xf32, #tpu.memory_space<hbm>> -> memref<1000000x64xf32, #tpu.memory_space<hbm>>
      tpu.wait_indirect_dma semaphore(%arg21 : memref<!tpu.dma_semaphore, #tpu.memory_space<semaphore_mem>>) src(%dma_wait3A_311 : memref<1000000x64xf32, #tpu.memory_space<hbm>>) dst(%dma_wait3A_305 : memref<200x64xf32, #tpu.memory_space<vmem>>)
      %scan3A_312 = arith.constant 0 : i32
      %scan3A_313 = arith.constant 200 : i32
      %scan3A_314 = arith.addi %scan3A_312, %scan3A_313 : i32
      %scan3A_315 = arith.constant 4 : i32
      scf.for %scan3A_453 = %scan3A_312 to %scan3A_314 step %scan3A_315  : i32 {
        %get3A = arith.index_cast %scan3A_453 : i32 to index
        %get3A_454 = arith.constant 0 : index
        %get3A_455 = tpu.vector_load %arg13[%get3A, %get3A_454] {strides = array<i32>} : memref<200x64xf32, #tpu.memory_space<vmem>>, vector<1x16xf32>,
        %get3A_456 = vector.shape_cast %get3A_455 : vector<1x16xf32> to vector<16xf32>
        %mul3A_457 = arith.constant 8.000000e+00 : f32
        %mul3A_458 = vector.broadcast %mul3A_457 : f32 to vector<16xf32>
        %mul3A_459 = arith.mulf %get3A_456, %mul3A_458 : vector<16xf32>
        %get3A_460 = arith.index_cast %scan3A_453 : i32 to index
        %get3A_461 = arith.constant 0 : index
        %get3A_462 = tpu.vector_load %arg7[%get3A_460, %get3A_461] {strides = array<i32>} : memref<200x64xf32, #tpu.memory_space<vmem>>, vector<1x16xf32>,
        %get3A_463 = vector.shape_cast %get3A_462 : vector<1x16xf32> to vector<16xf32>
        %add3A_464 = arith.addf %mul3A_459, %get3A_463 : vector<16xf32>
        %swap3A = arith.index_cast %scan3A_453 : i32 to index
        %swap3A_465 = arith.constant 0 : index
        %swap3A_466 = tpu.vector_load %arg13[%swap3A, %swap3A_465] {strides = array<i32>} : memref<200x64xf32, #tpu.memory_space<vmem>>, vector<1x16xf32>,
        %swap3A_467 = vector.shape_cast %swap3A_466 : vector<1x16xf32> to vector<16xf32>
        %swap3A_468 = vector.shape_cast %add3A_464 : vector<16xf32> to vector<1x16xf32>
        tpu.vector_store %arg13[%swap3A, %swap3A_465], %swap3A_468 {strides = array<i32>} : memref<200x64xf32, #tpu.memory_space<vmem>>, vector<1x16xf32>,
        %get3A_469 = arith.index_cast %scan3A_453 : i32 to index
        %get3A_470 = arith.constant 16 : index
        %get3A_471 = tpu.vector_load %arg13[%get3A_469, %get3A_470] {strides = array<i32>} : memref<200x64xf32, #tpu.memory_space<vmem>>, vector<1x16xf32>,
        %get3A_472 = vector.shape_cast %get3A_471 : vector<1x16xf32> to vector<16xf32>
        %mul3A_473 = arith.constant 8.000000e+00 : f32
        %mul3A_474 = vector.broadcast %mul3A_473 : f32 to vector<16xf32>
        %mul3A_475 = arith.mulf %get3A_472, %mul3A_474 : vector<16xf32>
        %get3A_476 = arith.index_cast %scan3A_453 : i32 to index
        %get3A_477 = arith.constant 16 : index
        %get3A_478 = tpu.vector_load %arg7[%get3A_476, %get3A_477] {strides = array<i32>} : memref<200x64xf32, #tpu.memory_space<vmem>>, vector<1x16xf32>,
        %get3A_479 = vector.shape_cast %get3A_478 : vector<1x16xf32> to vector<16xf32>
        %add3A_480 = arith.addf %mul3A_475, %get3A_479 : vector<16xf32>
        %swap3A_481 = arith.index_cast %scan3A_453 : i32 to index
        %swap3A_482 = arith.constant 16 : index
        %swap3A_483 = tpu.vector_load %arg13[%swap3A_481, %swap3A_482] {strides = array<i32>} : memref<200x64xf32, #tpu.memory_space<vmem>>, vector<1x16xf32>,
        %swap3A_484 = vector.shape_cast %swap3A_483 : vector<1x16xf32> to vector<16xf32>
        %swap3A_485 = vector.shape_cast %add3A_480 : vector<16xf32> to vector<1x16xf32>
        tpu.vector_store %arg13[%swap3A_481, %swap3A_482], %swap3A_485 {strides = array<i32>} : memref<200x64xf32, #tpu.memory_space<vmem>>, vector<1x16xf32>,
        %get3A_486 = arith.index_cast %scan3A_453 : i32 to index
        %get3A_487 = arith.constant 32 : index
        %get3A_488 = tpu.vector_load %arg13[%get3A_486, %get3A_487] {strides = array<i32>} : memref<200x64xf32, #tpu.memory_space<vmem>>, vector<1x16xf32>,
        %get3A_489 = vector.shape_cast %get3A_488 : vector<1x16xf32> to vector<16xf32>
        %mul3A_490 = arith.constant 8.000000e+00 : f32
        %mul3A_491 = vector.broadcast %mul3A_490 : f32 to vector<16xf32>
        %mul3A_492 = arith.mulf %get3A_489, %mul3A_491 : vector<16xf32>
        %get3A_493 = arith.index_cast %scan3A_453 : i32 to index
        %get3A_494 = arith.constant 32 : index
        %get3A_495 = tpu.vector_load %arg7[%get3A_493, %get3A_494] {strides = array<i32>} : memref<200x64xf32, #tpu.memory_space<vmem>>, vector<1x16xf32>,
        %get3A_496 = vector.shape_cast %get3A_495 : vector<1x16xf32> to vector<16xf32>
        %add3A_497 = arith.addf %mul3A_492, %get3A_496 : vector<16xf32>
        %swap3A_498 = arith.index_cast %scan3A_453 : i32 to index
        %swap3A_499 = arith.constant 32 : index
        %swap3A_500 = tpu.vector_load %arg13[%swap3A_498, %swap3A_499] {strides = array<i32>} : memref<200x64xf32, #tpu.memory_space<vmem>>, vector<1x16xf32>,
        %swap3A_501 = vector.shape_cast %swap3A_500 : vector<1x16xf32> to vector<16xf32>
        %swap3A_502 = vector.shape_cast %add3A_497 : vector<16xf32> to vector<1x16xf32>
        tpu.vector_store %arg13[%swap3A_498, %swap3A_499], %swap3A_502 {strides = array<i32>} : memref<200x64xf32, #tpu.memory_space<vmem>>, vector<1x16xf32>,
        %get3A_503 = arith.index_cast %scan3A_453 : i32 to index
        %get3A_504 = arith.constant 48 : index
        %get3A_505 = tpu.vector_load %arg13[%get3A_503, %get3A_504] {strides = array<i32>} : memref<200x64xf32, #tpu.memory_space<vmem>>, vector<1x16xf32>,
        %get3A_506 = vector.shape_cast %get3A_505 : vector<1x16xf32> to vector<16xf32>
        %mul3A_507 = arith.constant 8.000000e+00 : f32
        %mul3A_508 = vector.broadcast %mul3A_507 : f32 to vector<16xf32>
        %mul3A_509 = arith.mulf %get3A_506, %mul3A_508 : vector<16xf32>
        %get3A_510 = arith.index_cast %scan3A_453 : i32 to index
        %get3A_511 = arith.constant 48 : index
        %get3A_512 = tpu.vector_load %arg7[%get3A_510, %get3A_511] {strides = array<i32>} : memref<200x64xf32, #tpu.memory_space<vmem>>, vector<1x16xf32>,
        %get3A_513 = vector.shape_cast %get3A_512 : vector<1x16xf32> to vector<16xf32>
        %add3A_514 = arith.addf %mul3A_509, %get3A_513 : vector<16xf32>
        %swap3A_515 = arith.index_cast %scan3A_453 : i32 to index
        %swap3A_516 = arith.constant 48 : index
        %swap3A_517 = tpu.vector_load %arg13[%swap3A_515, %swap3A_516] {strides = array<i32>} : memref<200x64xf32, #tpu.memory_space<vmem>>, vector<1x16xf32>,
        %swap3A_518 = vector.shape_cast %swap3A_517 : vector<1x16xf32> to vector<16xf32>
        %swap3A_519 = vector.shape_cast %add3A_514 : vector<16xf32> to vector<1x16xf32>
        tpu.vector_store %arg13[%swap3A_515, %swap3A_516], %swap3A_519 {strides = array<i32>} : memref<200x64xf32, #tpu.memory_space<vmem>>, vector<1x16xf32>,
        %scan3A_520 = arith.constant 1 : i32
        %scan3A_521 = arith.addi %scan3A_453, %scan3A_520 : i32
        %get3A_522 = arith.index_cast %scan3A_521 : i32 to index
        %get3A_523 = arith.constant 0 : index
        %get3A_524 = tpu.vector_load %arg13[%get3A_522, %get3A_523] {strides = array<i32>} : memref<200x64xf32, #tpu.memory_space<vmem>>, vector<1x16xf32>,
        %get3A_525 = vector.shape_cast %get3A_524 : vector<1x16xf32> to vector<16xf32>
        %mul3A_526 = arith.constant 8.000000e+00 : f32
        %mul3A_527 = vector.broadcast %mul3A_526 : f32 to vector<16xf32>
        %mul3A_528 = arith.mulf %get3A_525, %mul3A_527 : vector<16xf32>
        %get3A_529 = arith.index_cast %scan3A_521 : i32 to index
        %get3A_530 = arith.constant 0 : index
        %get3A_531 = tpu.vector_load %arg7[%get3A_529, %get3A_530] {strides = array<i32>} : memref<200x64xf32, #tpu.memory_space<vmem>>, vector<1x16xf32>,
        %get3A_532 = vector.shape_cast %get3A_531 : vector<1x16xf32> to vector<16xf32>
        %add3A_533 = arith.addf %mul3A_528, %get3A_532 : vector<16xf32>
        %swap3A_534 = arith.index_cast %scan3A_521 : i32 to index
        %swap3A_535 = arith.constant 0 : index
        %swap3A_536 = tpu.vector_load %arg13[%swap3A_534, %swap3A_535] {strides = array<i32>} : memref<200x64xf32, #tpu.memory_space<vmem>>, vector<1x16xf32>,
        %swap3A_537 = vector.shape_cast %swap3A_536 : vector<1x16xf32> to vector<16xf32>
        %swap3A_538 = vector.shape_cast %add3A_533 : vector<16xf32> to vector<1x16xf32>
        tpu.vector_store %arg13[%swap3A_534, %swap3A_535], %swap3A_538 {strides = array<i32>} : memref<200x64xf32, #tpu.memory_space<vmem>>, vector<1x16xf32>,
        %get3A_539 = arith.index_cast %scan3A_521 : i32 to index
        %get3A_540 = arith.constant 16 : index
        %get3A_541 = tpu.vector_load %arg13[%get3A_539, %get3A_540] {strides = array<i32>} : memref<200x64xf32, #tpu.memory_space<vmem>>, vector<1x16xf32>,
        %get3A_542 = vector.shape_cast %get3A_541 : vector<1x16xf32> to vector<16xf32>
        %mul3A_543 = arith.constant 8.000000e+00 : f32
        %mul3A_544 = vector.broadcast %mul3A_543 : f32 to vector<16xf32>
        %mul3A_545 = arith.mulf %get3A_542, %mul3A_544 : vector<16xf32>
        %get3A_546 = arith.index_cast %scan3A_521 : i32 to index
        %get3A_547 = arith.constant 16 : index
        %get3A_548 = tpu.vector_load %arg7[%get3A_546, %get3A_547] {strides = array<i32>} : memref<200x64xf32, #tpu.memory_space<vmem>>, vector<1x16xf32>,
        %get3A_549 = vector.shape_cast %get3A_548 : vector<1x16xf32> to vector<16xf32>
        %add3A_550 = arith.addf %mul3A_545, %get3A_549 : vector<16xf32>
        %swap3A_551 = arith.index_cast %scan3A_521 : i32 to index
        %swap3A_552 = arith.constant 16 : index
        %swap3A_553 = tpu.vector_load %arg13[%swap3A_551, %swap3A_552] {strides = array<i32>} : memref<200x64xf32, #tpu.memory_space<vmem>>, vector<1x16xf32>,
        %swap3A_554 = vector.shape_cast %swap3A_553 : vector<1x16xf32> to vector<16xf32>
        %swap3A_555 = vector.shape_cast %add3A_550 : vector<16xf32> to vector<1x16xf32>
        tpu.vector_store %arg13[%swap3A_551, %swap3A_552], %swap3A_555 {strides = array<i32>} : memref<200x64xf32, #tpu.memory_space<vmem>>, vector<1x16xf32>,
        %get3A_556 = arith.index_cast %scan3A_521 : i32 to index
        %get3A_557 = arith.constant 32 : index
        %get3A_558 = tpu.vector_load %arg13[%get3A_556, %get3A_557] {strides = array<i32>} : memref<200x64xf32, #tpu.memory_space<vmem>>, vector<1x16xf32>,
        %get3A_559 = vector.shape_cast %get3A_558 : vector<1x16xf32> to vector<16xf32>
        %mul3A_560 = arith.constant 8.000000e+00 : f32
        %mul3A_561 = vector.broadcast %mul3A_560 : f32 to vector<16xf32>
        %mul3A_562 = arith.mulf %get3A_559, %mul3A_561 : vector<16xf32>
        %get3A_563 = arith.index_cast %scan3A_521 : i32 to index
        %get3A_564 = arith.constant 32 : index
        %get3A_565 = tpu.vector_load %arg7[%get3A_563, %get3A_564] {strides = array<i32>} : memref<200x64xf32, #tpu.memory_space<vmem>>, vector<1x16xf32>,
        %get3A_566 = vector.shape_cast %get3A_565 : vector<1x16xf32> to vector<16xf32>
        %add3A_567 = arith.addf %mul3A_562, %get3A_566 : vector<16xf32>
        %swap3A_568 = arith.index_cast %scan3A_521 : i32 to index
        %swap3A_569 = arith.constant 32 : index
        %swap3A_570 = tpu.vector_load %arg13[%swap3A_568, %swap3A_569] {strides = array<i32>} : memref<200x64xf32, #tpu.memory_space<vmem>>, vector<1x16xf32>,
        %swap3A_571 = vector.shape_cast %swap3A_570 : vector<1x16xf32> to vector<16xf32>
        %swap3A_572 = vector.shape_cast %add3A_567 : vector<16xf32> to vector<1x16xf32>
        tpu.vector_store %arg13[%swap3A_568, %swap3A_569], %swap3A_572 {strides = array<i32>} : memref<200x64xf32, #tpu.memory_space<vmem>>, vector<1x16xf32>,
        %get3A_573 = arith.index_cast %scan3A_521 : i32 to index
        %get3A_574 = arith.constant 48 : index
        %get3A_575 = tpu.vector_load %arg13[%get3A_573, %get3A_574] {strides = array<i32>} : memref<200x64xf32, #tpu.memory_space<vmem>>, vector<1x16xf32>,
        %get3A_576 = vector.shape_cast %get3A_575 : vector<1x16xf32> to vector<16xf32>
        %mul3A_577 = arith.constant 8.000000e+00 : f32
        %mul3A_578 = vector.broadcast %mul3A_577 : f32 to vector<16xf32>
        %mul3A_579 = arith.mulf %get3A_576, %mul3A_578 : vector<16xf32>
        %get3A_580 = arith.index_cast %scan3A_521 : i32 to index
        %get3A_581 = arith.constant 48 : index
        %get3A_582 = tpu.vector_load %arg7[%get3A_580, %get3A_581] {strides = array<i32>} : memref<200x64xf32, #tpu.memory_space<vmem>>, vector<1x16xf32>,
        %get3A_583 = vector.shape_cast %get3A_582 : vector<1x16xf32> to vector<16xf32>
        %add3A_584 = arith.addf %mul3A_579, %get3A_583 : vector<16xf32>
        %swap3A_585 = arith.index_cast %scan3A_521 : i32 to index
        %swap3A_586 = arith.constant 48 : index
        %swap3A_587 = tpu.vector_load %arg13[%swap3A_585, %swap3A_586] {strides = array<i32>} : memref<200x64xf32, #tpu.memory_space<vmem>>, vector<1x16xf32>,
        %swap3A_588 = vector.shape_cast %swap3A_587 : vector<1x16xf32> to vector<16xf32>
        %swap3A_589 = vector.shape_cast %add3A_584 : vector<16xf32> to vector<1x16xf32>
        tpu.vector_store %arg13[%swap3A_585, %swap3A_586], %swap3A_589 {strides = array<i32>} : memref<200x64xf32, #tpu.memory_space<vmem>>, vector<1x16xf32>,
        %scan3A_590 = arith.constant 2 : i32
        %scan3A_591 = arith.addi %scan3A_453, %scan3A_590 : i32
        %get3A_592 = arith.index_cast %scan3A_591 : i32 to index
        %get3A_593 = arith.constant 0 : index
        %get3A_594 = tpu.vector_load %arg13[%get3A_592, %get3A_593] {strides = array<i32>} : memref<200x64xf32, #tpu.memory_space<vmem>>, vector<1x16xf32>,
        %get3A_595 = vector.shape_cast %get3A_594 : vector<1x16xf32> to vector<16xf32>
        %mul3A_596 = arith.constant 8.000000e+00 : f32
        %mul3A_597 = vector.broadcast %mul3A_596 : f32 to vector<16xf32>
        %mul3A_598 = arith.mulf %get3A_595, %mul3A_597 : vector<16xf32>
        %get3A_599 = arith.index_cast %scan3A_591 : i32 to index
        %get3A_600 = arith.constant 0 : index
        %get3A_601 = tpu.vector_load %arg7[%get3A_599, %get3A_600] {strides = array<i32>} : memref<200x64xf32, #tpu.memory_space<vmem>>, vector<1x16xf32>,
        %get3A_602 = vector.shape_cast %get3A_601 : vector<1x16xf32> to vector<16xf32>
        %add3A_603 = arith.addf %mul3A_598, %get3A_602 : vector<16xf32>
        %swap3A_604 = arith.index_cast %scan3A_591 : i32 to index
        %swap3A_605 = arith.constant 0 : index
        %swap3A_606 = tpu.vector_load %arg13[%swap3A_604, %swap3A_605] {strides = array<i32>} : memref<200x64xf32, #tpu.memory_space<vmem>>, vector<1x16xf32>,
        %swap3A_607 = vector.shape_cast %swap3A_606 : vector<1x16xf32> to vector<16xf32>
        %swap3A_608 = vector.shape_cast %add3A_603 : vector<16xf32> to vector<1x16xf32>
        tpu.vector_store %arg13[%swap3A_604, %swap3A_605], %swap3A_608 {strides = array<i32>} : memref<200x64xf32, #tpu.memory_space<vmem>>, vector<1x16xf32>,
        %get3A_609 = arith.index_cast %scan3A_591 : i32 to index
        %get3A_610 = arith.constant 16 : index
        %get3A_611 = tpu.vector_load %arg13[%get3A_609, %get3A_610] {strides = array<i32>} : memref<200x64xf32, #tpu.memory_space<vmem>>, vector<1x16xf32>,
        %get3A_612 = vector.shape_cast %get3A_611 : vector<1x16xf32> to vector<16xf32>
        %mul3A_613 = arith.constant 8.000000e+00 : f32
        %mul3A_614 = vector.broadcast %mul3A_613 : f32 to vector<16xf32>
        %mul3A_615 = arith.mulf %get3A_612, %mul3A_614 : vector<16xf32>
        %get3A_616 = arith.index_cast %scan3A_591 : i32 to index
        %get3A_617 = arith.constant 16 : index
        %get3A_618 = tpu.vector_load %arg7[%get3A_616, %get3A_617] {strides = array<i32>} : memref<200x64xf32, #tpu.memory_space<vmem>>, vector<1x16xf32>,
        %get3A_619 = vector.shape_cast %get3A_618 : vector<1x16xf32> to vector<16xf32>
        %add3A_620 = arith.addf %mul3A_615, %get3A_619 : vector<16xf32>
        %swap3A_621 = arith.index_cast %scan3A_591 : i32 to index
        %swap3A_622 = arith.constant 16 : index
        %swap3A_623 = tpu.vector_load %arg13[%swap3A_621, %swap3A_622] {strides = array<i32>} : memref<200x64xf32, #tpu.memory_space<vmem>>, vector<1x16xf32>,
        %swap3A_624 = vector.shape_cast %swap3A_623 : vector<1x16xf32> to vector<16xf32>
        %swap3A_625 = vector.shape_cast %add3A_620 : vector<16xf32> to vector<1x16xf32>
        tpu.vector_store %arg13[%swap3A_621, %swap3A_622], %swap3A_625 {strides = array<i32>} : memref<200x64xf32, #tpu.memory_space<vmem>>, vector<1x16xf32>,
        %get3A_626 = arith.index_cast %scan3A_591 : i32 to index
        %get3A_627 = arith.constant 32 : index
        %get3A_628 = tpu.vector_load %arg13[%get3A_626, %get3A_627] {strides = array<i32>} : memref<200x64xf32, #tpu.memory_space<vmem>>, vector<1x16xf32>,
        %get3A_629 = vector.shape_cast %get3A_628 : vector<1x16xf32> to vector<16xf32>
        %mul3A_630 = arith.constant 8.000000e+00 : f32
        %mul3A_631 = vector.broadcast %mul3A_630 : f32 to vector<16xf32>
        %mul3A_632 = arith.mulf %get3A_629, %mul3A_631 : vector<16xf32>
        %get3A_633 = arith.index_cast %scan3A_591 : i32 to index
        %get3A_634 = arith.constant 32 : index
        %get3A_635 = tpu.vector_load %arg7[%get3A_633, %get3A_634] {strides = array<i32>} : memref<200x64xf32, #tpu.memory_space<vmem>>, vector<1x16xf32>,
        %get3A_636 = vector.shape_cast %get3A_635 : vector<1x16xf32> to vector<16xf32>
        %add3A_637 = arith.addf %mul3A_632, %get3A_636 : vector<16xf32>
        %swap3A_638 = arith.index_cast %scan3A_591 : i32 to index
        %swap3A_639 = arith.constant 32 : index
        %swap3A_640 = tpu.vector_load %arg13[%swap3A_638, %swap3A_639] {strides = array<i32>} : memref<200x64xf32, #tpu.memory_space<vmem>>, vector<1x16xf32>,
        %swap3A_641 = vector.shape_cast %swap3A_640 : vector<1x16xf32> to vector<16xf32>
        %swap3A_642 = vector.shape_cast %add3A_637 : vector<16xf32> to vector<1x16xf32>
        tpu.vector_store %arg13[%swap3A_638, %swap3A_639], %swap3A_642 {strides = array<i32>} : memref<200x64xf32, #tpu.memory_space<vmem>>, vector<1x16xf32>,
        %get3A_643 = arith.index_cast %scan3A_591 : i32 to index
        %get3A_644 = arith.constant 48 : index
        %get3A_645 = tpu.vector_load %arg13[%get3A_643, %get3A_644] {strides = array<i32>} : memref<200x64xf32, #tpu.memory_space<vmem>>, vector<1x16xf32>,
        %get3A_646 = vector.shape_cast %get3A_645 : vector<1x16xf32> to vector<16xf32>
        %mul3A_647 = arith.constant 8.000000e+00 : f32
        %mul3A_648 = vector.broadcast %mul3A_647 : f32 to vector<16xf32>
        %mul3A_649 = arith.mulf %get3A_646, %mul3A_648 : vector<16xf32>
        %get3A_650 = arith.index_cast %scan3A_591 : i32 to index
        %get3A_651 = arith.constant 48 : index
        %get3A_652 = tpu.vector_load %arg7[%get3A_650, %get3A_651] {strides = array<i32>} : memref<200x64xf32, #tpu.memory_space<vmem>>, vector<1x16xf32>,
        %get3A_653 = vector.shape_cast %get3A_652 : vector<1x16xf32> to vector<16xf32>
        %add3A_654 = arith.addf %mul3A_649, %get3A_653 : vector<16xf32>
        %swap3A_655 = arith.index_cast %scan3A_591 : i32 to index
        %swap3A_656 = arith.constant 48 : index
        %swap3A_657 = tpu.vector_load %arg13[%swap3A_655, %swap3A_656] {strides = array<i32>} : memref<200x64xf32, #tpu.memory_space<vmem>>, vector<1x16xf32>,
        %swap3A_658 = vector.shape_cast %swap3A_657 : vector<1x16xf32> to vector<16xf32>
        %swap3A_659 = vector.shape_cast %add3A_654 : vector<16xf32> to vector<1x16xf32>
        tpu.vector_store %arg13[%swap3A_655, %swap3A_656], %swap3A_659 {strides = array<i32>} : memref<200x64xf32, #tpu.memory_space<vmem>>, vector<1x16xf32>,
        %scan3A_660 = arith.constant 3 : i32
        %scan3A_661 = arith.addi %scan3A_453, %scan3A_660 : i32
        %get3A_662 = arith.index_cast %scan3A_661 : i32 to index
        %get3A_663 = arith.constant 0 : index
        %get3A_664 = tpu.vector_load %arg13[%get3A_662, %get3A_663] {strides = array<i32>} : memref<200x64xf32, #tpu.memory_space<vmem>>, vector<1x16xf32>,
        %get3A_665 = vector.shape_cast %get3A_664 : vector<1x16xf32> to vector<16xf32>
        %mul3A_666 = arith.constant 8.000000e+00 : f32
        %mul3A_667 = vector.broadcast %mul3A_666 : f32 to vector<16xf32>
        %mul3A_668 = arith.mulf %get3A_665, %mul3A_667 : vector<16xf32>
        %get3A_669 = arith.index_cast %scan3A_661 : i32 to index
        %get3A_670 = arith.constant 0 : index
        %get3A_671 = tpu.vector_load %arg7[%get3A_669, %get3A_670] {strides = array<i32>} : memref<200x64xf32, #tpu.memory_space<vmem>>, vector<1x16xf32>,
        %get3A_672 = vector.shape_cast %get3A_671 : vector<1x16xf32> to vector<16xf32>
        %add3A_673 = arith.addf %mul3A_668, %get3A_672 : vector<16xf32>
        %swap3A_674 = arith.index_cast %scan3A_661 : i32 to index
        %swap3A_675 = arith.constant 0 : index
        %swap3A_676 = tpu.vector_load %arg13[%swap3A_674, %swap3A_675] {strides = array<i32>} : memref<200x64xf32, #tpu.memory_space<vmem>>, vector<1x16xf32>,
        %swap3A_677 = vector.shape_cast %swap3A_676 : vector<1x16xf32> to vector<16xf32>
        %swap3A_678 = vector.shape_cast %add3A_673 : vector<16xf32> to vector<1x16xf32>
        tpu.vector_store %arg13[%swap3A_674, %swap3A_675], %swap3A_678 {strides = array<i32>} : memref<200x64xf32, #tpu.memory_space<vmem>>, vector<1x16xf32>,
        %get3A_679 = arith.index_cast %scan3A_661 : i32 to index
        %get3A_680 = arith.constant 16 : index
        %get3A_681 = tpu.vector_load %arg13[%get3A_679, %get3A_680] {strides = array<i32>} : memref<200x64xf32, #tpu.memory_space<vmem>>, vector<1x16xf32>,
        %get3A_682 = vector.shape_cast %get3A_681 : vector<1x16xf32> to vector<16xf32>
        %mul3A_683 = arith.constant 8.000000e+00 : f32
        %mul3A_684 = vector.broadcast %mul3A_683 : f32 to vector<16xf32>
        %mul3A_685 = arith.mulf %get3A_682, %mul3A_684 : vector<16xf32>
        %get3A_686 = arith.index_cast %scan3A_661 : i32 to index
        %get3A_687 = arith.constant 16 : index
        %get3A_688 = tpu.vector_load %arg7[%get3A_686, %get3A_687] {strides = array<i32>} : memref<200x64xf32, #tpu.memory_space<vmem>>, vector<1x16xf32>,
        %get3A_689 = vector.shape_cast %get3A_688 : vector<1x16xf32> to vector<16xf32>
        %add3A_690 = arith.addf %mul3A_685, %get3A_689 : vector<16xf32>
        %swap3A_691 = arith.index_cast %scan3A_661 : i32 to index
        %swap3A_692 = arith.constant 16 : index
        %swap3A_693 = tpu.vector_load %arg13[%swap3A_691, %swap3A_692] {strides = array<i32>} : memref<200x64xf32, #tpu.memory_space<vmem>>, vector<1x16xf32>,
        %swap3A_694 = vector.shape_cast %swap3A_693 : vector<1x16xf32> to vector<16xf32>
        %swap3A_695 = vector.shape_cast %add3A_690 : vector<16xf32> to vector<1x16xf32>
        tpu.vector_store %arg13[%swap3A_691, %swap3A_692], %swap3A_695 {strides = array<i32>} : memref<200x64xf32, #tpu.memory_space<vmem>>, vector<1x16xf32>,
        %get3A_696 = arith.index_cast %scan3A_661 : i32 to index
        %get3A_697 = arith.constant 32 : index
        %get3A_698 = tpu.vector_load %arg13[%get3A_696, %get3A_697] {strides = array<i32>} : memref<200x64xf32, #tpu.memory_space<vmem>>, vector<1x16xf32>,
        %get3A_699 = vector.shape_cast %get3A_698 : vector<1x16xf32> to vector<16xf32>
        %mul3A_700 = arith.constant 8.000000e+00 : f32
        %mul3A_701 = vector.broadcast %mul3A_700 : f32 to vector<16xf32>
        %mul3A_702 = arith.mulf %get3A_699, %mul3A_701 : vector<16xf32>
        %get3A_703 = arith.index_cast %scan3A_661 : i32 to index
        %get3A_704 = arith.constant 32 : index
        %get3A_705 = tpu.vector_load %arg7[%get3A_703, %get3A_704] {strides = array<i32>} : memref<200x64xf32, #tpu.memory_space<vmem>>, vector<1x16xf32>,
        %get3A_706 = vector.shape_cast %get3A_705 : vector<1x16xf32> to vector<16xf32>
        %add3A_707 = arith.addf %mul3A_702, %get3A_706 : vector<16xf32>
        %swap3A_708 = arith.index_cast %scan3A_661 : i32 to index
        %swap3A_709 = arith.constant 32 : index
        %swap3A_710 = tpu.vector_load %arg13[%swap3A_708, %swap3A_709] {strides = array<i32>} : memref<200x64xf32, #tpu.memory_space<vmem>>, vector<1x16xf32>,
        %swap3A_711 = vector.shape_cast %swap3A_710 : vector<1x16xf32> to vector<16xf32>
        %swap3A_712 = vector.shape_cast %add3A_707 : vector<16xf32> to vector<1x16xf32>
        tpu.vector_store %arg13[%swap3A_708, %swap3A_709], %swap3A_712 {strides = array<i32>} : memref<200x64xf32, #tpu.memory_space<vmem>>, vector<1x16xf32>,
        %get3A_713 = arith.index_cast %scan3A_661 : i32 to index
        %get3A_714 = arith.constant 48 : index
        %get3A_715 = tpu.vector_load %arg13[%get3A_713, %get3A_714] {strides = array<i32>} : memref<200x64xf32, #tpu.memory_space<vmem>>, vector<1x16xf32>,
        %get3A_716 = vector.shape_cast %get3A_715 : vector<1x16xf32> to vector<16xf32>
        %mul3A_717 = arith.constant 8.000000e+00 : f32
        %mul3A_718 = vector.broadcast %mul3A_717 : f32 to vector<16xf32>
        %mul3A_719 = arith.mulf %get3A_716, %mul3A_718 : vector<16xf32>
        %get3A_720 = arith.index_cast %scan3A_661 : i32 to index
        %get3A_721 = arith.constant 48 : index
        %get3A_722 = tpu.vector_load %arg7[%get3A_720, %get3A_721] {strides = array<i32>} : memref<200x64xf32, #tpu.memory_space<vmem>>, vector<1x16xf32>,
        %get3A_723 = vector.shape_cast %get3A_722 : vector<1x16xf32> to vector<16xf32>
        %add3A_724 = arith.addf %mul3A_719, %get3A_723 : vector<16xf32>
        %swap3A_725 = arith.index_cast %scan3A_661 : i32 to index
        %swap3A_726 = arith.constant 48 : index
        %swap3A_727 = tpu.vector_load %arg13[%swap3A_725, %swap3A_726] {strides = array<i32>} : memref<200x64xf32, #tpu.memory_space<vmem>>, vector<1x16xf32>,
        %swap3A_728 = vector.shape_cast %swap3A_727 : vector<1x16xf32> to vector<16xf32>
        %swap3A_729 = vector.shape_cast %add3A_724 : vector<16xf32> to vector<1x16xf32>
        tpu.vector_store %arg13[%swap3A_725, %swap3A_726], %swap3A_729 {strides = array<i32>} : memref<200x64xf32, #tpu.memory_space<vmem>>, vector<1x16xf32>,
      }
      %scan3A_316 = arith.constant 200 : i32
      %add3A_317 = arith.constant 5 : i32
      %add3A_318 = arith.addi %mul3A_159, %add3A_317 : i32
      %add3A_319 = arith.addi %mul3A_2, %add3A_318 : i32
      %dma_start3A_320 = arith.constant 0 : i32
      %dma_start3A_321 = arith.constant 0 : i32
      %dma_start3A_322 = tpu.memref_slice %arg5[%add3A_319, %dma_start3A_320, %dma_start3A_321] : memref<1024x200x64xf32, #tpu.memory_space<hbm>> -> memref<1x200x64xf32, #tpu.memory_space<hbm>>
      %dma_start3A_323 = tpu.memref_squeeze %dma_start3A_322 : memref<1x200x64xf32, #tpu.memory_space<hbm>> -> memref<200x64xf32, #tpu.memory_space<hbm>>
      %dma_start3A_324 = arith.constant 0 : i32
      %dma_start3A_325 = arith.constant 0 : i32
      %dma_start3A_326 = tpu.memref_slice %arg5[%add3A_319, %dma_start3A_324, %dma_start3A_325] : memref<1024x200x64xf32, #tpu.memory_space<hbm>> -> memref<1x200x64xf32, #tpu.memory_space<hbm>>
      %dma_start3A_327 = tpu.memref_squeeze %dma_start3A_326 : memref<1x200x64xf32, #tpu.memory_space<hbm>> -> memref<200x64xf32, #tpu.memory_space<hbm>>
      tpu.enqueue_dma source(%arg13 : memref<200x64xf32, #tpu.memory_space<vmem>>) target(%dma_start3A_327 : memref<200x64xf32, #tpu.memory_space<hbm>>) target_semaphore(%arg29 : memref<!tpu.dma_semaphore, #tpu.memory_space<semaphore_mem>>)
      %add3A_328 = arith.constant 6 : i32
      %add3A_329 = arith.addi %mul3A_159, %add3A_328 : i32
      %dma_wait3A_330 = arith.constant 0 : i32
      %dma_wait3A_331 = arith.constant 0 : i32
      %dma_wait3A_332 = arith.constant 0 : i32
      %dma_wait3A_333 = tpu.memref_slice %arg14[%dma_wait3A_331, %dma_wait3A_332] : memref<200x64xf32, #tpu.memory_space<vmem>> -> memref<200x64xf32, #tpu.memory_space<vmem>>
      %dma_wait3A_334 = arith.constant 0 : i32
      %dma_wait3A_335 = tpu.memref_slice %arg6[%add3A_329, %dma_wait3A_330, %dma_wait3A_334] : memref<32x1x200xi32, #tpu.memory_space<vmem>> -> memref<1x1x200xi32, #tpu.memory_space<vmem>>
      %dma_wait3A_336 = tpu.memref_squeeze %dma_wait3A_335 : memref<1x1x200xi32, #tpu.memory_space<vmem>> -> memref<200xi32, #tpu.memory_space<vmem>>
      %dma_wait3A_337 = arith.constant 0 : i32
      %dma_wait3A_338 = arith.constant 0 : i32
      %dma_wait3A_339 = tpu.memref_slice %arg3[%dma_wait3A_337, %dma_wait3A_338] : memref<1000000x64xf32, #tpu.memory_space<hbm>> -> memref<1000000x64xf32, #tpu.memory_space<hbm>>
      tpu.wait_indirect_dma semaphore(%arg22 : memref<!tpu.dma_semaphore, #tpu.memory_space<semaphore_mem>>) src(%dma_wait3A_339 : memref<1000000x64xf32, #tpu.memory_space<hbm>>) dst(%dma_wait3A_333 : memref<200x64xf32, #tpu.memory_space<vmem>>)
      %scan3A_340 = arith.constant 0 : i32
      %scan3A_341 = arith.constant 200 : i32
      %scan3A_342 = arith.addi %scan3A_340, %scan3A_341 : i32
      %scan3A_343 = arith.constant 4 : i32
      scf.for %scan3A_453 = %scan3A_340 to %scan3A_342 step %scan3A_343  : i32 {
        %get3A = arith.index_cast %scan3A_453 : i32 to index
        %get3A_454 = arith.constant 0 : index
        %get3A_455 = tpu.vector_load %arg14[%get3A, %get3A_454] {strides = array<i32>} : memref<200x64xf32, #tpu.memory_space<vmem>>, vector<1x16xf32>,
        %get3A_456 = vector.shape_cast %get3A_455 : vector<1x16xf32> to vector<16xf32>
        %mul3A_457 = arith.constant 8.000000e+00 : f32
        %mul3A_458 = vector.broadcast %mul3A_457 : f32 to vector<16xf32>
        %mul3A_459 = arith.mulf %get3A_456, %mul3A_458 : vector<16xf32>
        %get3A_460 = arith.index_cast %scan3A_453 : i32 to index
        %get3A_461 = arith.constant 0 : index
        %get3A_462 = tpu.vector_load %arg7[%get3A_460, %get3A_461] {strides = array<i32>} : memref<200x64xf32, #tpu.memory_space<vmem>>, vector<1x16xf32>,
        %get3A_463 = vector.shape_cast %get3A_462 : vector<1x16xf32> to vector<16xf32>
        %add3A_464 = arith.addf %mul3A_459, %get3A_463 : vector<16xf32>
        %swap3A = arith.index_cast %scan3A_453 : i32 to index
        %swap3A_465 = arith.constant 0 : index
        %swap3A_466 = tpu.vector_load %arg14[%swap3A, %swap3A_465] {strides = array<i32>} : memref<200x64xf32, #tpu.memory_space<vmem>>, vector<1x16xf32>,
        %swap3A_467 = vector.shape_cast %swap3A_466 : vector<1x16xf32> to vector<16xf32>
        %swap3A_468 = vector.shape_cast %add3A_464 : vector<16xf32> to vector<1x16xf32>
        tpu.vector_store %arg14[%swap3A, %swap3A_465], %swap3A_468 {strides = array<i32>} : memref<200x64xf32, #tpu.memory_space<vmem>>, vector<1x16xf32>,
        %get3A_469 = arith.index_cast %scan3A_453 : i32 to index
        %get3A_470 = arith.constant 16 : index
        %get3A_471 = tpu.vector_load %arg14[%get3A_469, %get3A_470] {strides = array<i32>} : memref<200x64xf32, #tpu.memory_space<vmem>>, vector<1x16xf32>,
        %get3A_472 = vector.shape_cast %get3A_471 : vector<1x16xf32> to vector<16xf32>
        %mul3A_473 = arith.constant 8.000000e+00 : f32
        %mul3A_474 = vector.broadcast %mul3A_473 : f32 to vector<16xf32>
        %mul3A_475 = arith.mulf %get3A_472, %mul3A_474 : vector<16xf32>
        %get3A_476 = arith.index_cast %scan3A_453 : i32 to index
        %get3A_477 = arith.constant 16 : index
        %get3A_478 = tpu.vector_load %arg7[%get3A_476, %get3A_477] {strides = array<i32>} : memref<200x64xf32, #tpu.memory_space<vmem>>, vector<1x16xf32>,
        %get3A_479 = vector.shape_cast %get3A_478 : vector<1x16xf32> to vector<16xf32>
        %add3A_480 = arith.addf %mul3A_475, %get3A_479 : vector<16xf32>
        %swap3A_481 = arith.index_cast %scan3A_453 : i32 to index
        %swap3A_482 = arith.constant 16 : index
        %swap3A_483 = tpu.vector_load %arg14[%swap3A_481, %swap3A_482] {strides = array<i32>} : memref<200x64xf32, #tpu.memory_space<vmem>>, vector<1x16xf32>,
        %swap3A_484 = vector.shape_cast %swap3A_483 : vector<1x16xf32> to vector<16xf32>
        %swap3A_485 = vector.shape_cast %add3A_480 : vector<16xf32> to vector<1x16xf32>
        tpu.vector_store %arg14[%swap3A_481, %swap3A_482], %swap3A_485 {strides = array<i32>} : memref<200x64xf32, #tpu.memory_space<vmem>>, vector<1x16xf32>,
        %get3A_486 = arith.index_cast %scan3A_453 : i32 to index
        %get3A_487 = arith.constant 32 : index
        %get3A_488 = tpu.vector_load %arg14[%get3A_486, %get3A_487] {strides = array<i32>} : memref<200x64xf32, #tpu.memory_space<vmem>>, vector<1x16xf32>,
        %get3A_489 = vector.shape_cast %get3A_488 : vector<1x16xf32> to vector<16xf32>
        %mul3A_490 = arith.constant 8.000000e+00 : f32
        %mul3A_491 = vector.broadcast %mul3A_490 : f32 to vector<16xf32>
        %mul3A_492 = arith.mulf %get3A_489, %mul3A_491 : vector<16xf32>
        %get3A_493 = arith.index_cast %scan3A_453 : i32 to index
        %get3A_494 = arith.constant 32 : index
        %get3A_495 = tpu.vector_load %arg7[%get3A_493, %get3A_494] {strides = array<i32>} : memref<200x64xf32, #tpu.memory_space<vmem>>, vector<1x16xf32>,
        %get3A_496 = vector.shape_cast %get3A_495 : vector<1x16xf32> to vector<16xf32>
        %add3A_497 = arith.addf %mul3A_492, %get3A_496 : vector<16xf32>
        %swap3A_498 = arith.index_cast %scan3A_453 : i32 to index
        %swap3A_499 = arith.constant 32 : index
        %swap3A_500 = tpu.vector_load %arg14[%swap3A_498, %swap3A_499] {strides = array<i32>} : memref<200x64xf32, #tpu.memory_space<vmem>>, vector<1x16xf32>,
        %swap3A_501 = vector.shape_cast %swap3A_500 : vector<1x16xf32> to vector<16xf32>
        %swap3A_502 = vector.shape_cast %add3A_497 : vector<16xf32> to vector<1x16xf32>
        tpu.vector_store %arg14[%swap3A_498, %swap3A_499], %swap3A_502 {strides = array<i32>} : memref<200x64xf32, #tpu.memory_space<vmem>>, vector<1x16xf32>,
        %get3A_503 = arith.index_cast %scan3A_453 : i32 to index
        %get3A_504 = arith.constant 48 : index
        %get3A_505 = tpu.vector_load %arg14[%get3A_503, %get3A_504] {strides = array<i32>} : memref<200x64xf32, #tpu.memory_space<vmem>>, vector<1x16xf32>,
        %get3A_506 = vector.shape_cast %get3A_505 : vector<1x16xf32> to vector<16xf32>
        %mul3A_507 = arith.constant 8.000000e+00 : f32
        %mul3A_508 = vector.broadcast %mul3A_507 : f32 to vector<16xf32>
        %mul3A_509 = arith.mulf %get3A_506, %mul3A_508 : vector<16xf32>
        %get3A_510 = arith.index_cast %scan3A_453 : i32 to index
        %get3A_511 = arith.constant 48 : index
        %get3A_512 = tpu.vector_load %arg7[%get3A_510, %get3A_511] {strides = array<i32>} : memref<200x64xf32, #tpu.memory_space<vmem>>, vector<1x16xf32>,
        %get3A_513 = vector.shape_cast %get3A_512 : vector<1x16xf32> to vector<16xf32>
        %add3A_514 = arith.addf %mul3A_509, %get3A_513 : vector<16xf32>
        %swap3A_515 = arith.index_cast %scan3A_453 : i32 to index
        %swap3A_516 = arith.constant 48 : index
        %swap3A_517 = tpu.vector_load %arg14[%swap3A_515, %swap3A_516] {strides = array<i32>} : memref<200x64xf32, #tpu.memory_space<vmem>>, vector<1x16xf32>,
        %swap3A_518 = vector.shape_cast %swap3A_517 : vector<1x16xf32> to vector<16xf32>
        %swap3A_519 = vector.shape_cast %add3A_514 : vector<16xf32> to vector<1x16xf32>
        tpu.vector_store %arg14[%swap3A_515, %swap3A_516], %swap3A_519 {strides = array<i32>} : memref<200x64xf32, #tpu.memory_space<vmem>>, vector<1x16xf32>,
        %scan3A_520 = arith.constant 1 : i32
        %scan3A_521 = arith.addi %scan3A_453, %scan3A_520 : i32
        %get3A_522 = arith.index_cast %scan3A_521 : i32 to index
        %get3A_523 = arith.constant 0 : index
        %get3A_524 = tpu.vector_load %arg14[%get3A_522, %get3A_523] {strides = array<i32>} : memref<200x64xf32, #tpu.memory_space<vmem>>, vector<1x16xf32>,
        %get3A_525 = vector.shape_cast %get3A_524 : vector<1x16xf32> to vector<16xf32>
        %mul3A_526 = arith.constant 8.000000e+00 : f32
        %mul3A_527 = vector.broadcast %mul3A_526 : f32 to vector<16xf32>
        %mul3A_528 = arith.mulf %get3A_525, %mul3A_527 : vector<16xf32>
        %get3A_529 = arith.index_cast %scan3A_521 : i32 to index
        %get3A_530 = arith.constant 0 : index
        %get3A_531 = tpu.vector_load %arg7[%get3A_529, %get3A_530] {strides = array<i32>} : memref<200x64xf32, #tpu.memory_space<vmem>>, vector<1x16xf32>,
        %get3A_532 = vector.shape_cast %get3A_531 : vector<1x16xf32> to vector<16xf32>
        %add3A_533 = arith.addf %mul3A_528, %get3A_532 : vector<16xf32>
        %swap3A_534 = arith.index_cast %scan3A_521 : i32 to index
        %swap3A_535 = arith.constant 0 : index
        %swap3A_536 = tpu.vector_load %arg14[%swap3A_534, %swap3A_535] {strides = array<i32>} : memref<200x64xf32, #tpu.memory_space<vmem>>, vector<1x16xf32>,
        %swap3A_537 = vector.shape_cast %swap3A_536 : vector<1x16xf32> to vector<16xf32>
        %swap3A_538 = vector.shape_cast %add3A_533 : vector<16xf32> to vector<1x16xf32>
        tpu.vector_store %arg14[%swap3A_534, %swap3A_535], %swap3A_538 {strides = array<i32>} : memref<200x64xf32, #tpu.memory_space<vmem>>, vector<1x16xf32>,
        %get3A_539 = arith.index_cast %scan3A_521 : i32 to index
        %get3A_540 = arith.constant 16 : index
        %get3A_541 = tpu.vector_load %arg14[%get3A_539, %get3A_540] {strides = array<i32>} : memref<200x64xf32, #tpu.memory_space<vmem>>, vector<1x16xf32>,
        %get3A_542 = vector.shape_cast %get3A_541 : vector<1x16xf32> to vector<16xf32>
        %mul3A_543 = arith.constant 8.000000e+00 : f32
        %mul3A_544 = vector.broadcast %mul3A_543 : f32 to vector<16xf32>
        %mul3A_545 = arith.mulf %get3A_542, %mul3A_544 : vector<16xf32>
        %get3A_546 = arith.index_cast %scan3A_521 : i32 to index
        %get3A_547 = arith.constant 16 : index
        %get3A_548 = tpu.vector_load %arg7[%get3A_546, %get3A_547] {strides = array<i32>} : memref<200x64xf32, #tpu.memory_space<vmem>>, vector<1x16xf32>,
        %get3A_549 = vector.shape_cast %get3A_548 : vector<1x16xf32> to vector<16xf32>
        %add3A_550 = arith.addf %mul3A_545, %get3A_549 : vector<16xf32>
        %swap3A_551 = arith.index_cast %scan3A_521 : i32 to index
        %swap3A_552 = arith.constant 16 : index
        %swap3A_553 = tpu.vector_load %arg14[%swap3A_551, %swap3A_552] {strides = array<i32>} : memref<200x64xf32, #tpu.memory_space<vmem>>, vector<1x16xf32>,
        %swap3A_554 = vector.shape_cast %swap3A_553 : vector<1x16xf32> to vector<16xf32>
        %swap3A_555 = vector.shape_cast %add3A_550 : vector<16xf32> to vector<1x16xf32>
        tpu.vector_store %arg14[%swap3A_551, %swap3A_552], %swap3A_555 {strides = array<i32>} : memref<200x64xf32, #tpu.memory_space<vmem>>, vector<1x16xf32>,
        %get3A_556 = arith.index_cast %scan3A_521 : i32 to index
        %get3A_557 = arith.constant 32 : index
        %get3A_558 = tpu.vector_load %arg14[%get3A_556, %get3A_557] {strides = array<i32>} : memref<200x64xf32, #tpu.memory_space<vmem>>, vector<1x16xf32>,
        %get3A_559 = vector.shape_cast %get3A_558 : vector<1x16xf32> to vector<16xf32>
        %mul3A_560 = arith.constant 8.000000e+00 : f32
        %mul3A_561 = vector.broadcast %mul3A_560 : f32 to vector<16xf32>
        %mul3A_562 = arith.mulf %get3A_559, %mul3A_561 : vector<16xf32>
        %get3A_563 = arith.index_cast %scan3A_521 : i32 to index
        %get3A_564 = arith.constant 32 : index
        %get3A_565 = tpu.vector_load %arg7[%get3A_563, %get3A_564] {strides = array<i32>} : memref<200x64xf32, #tpu.memory_space<vmem>>, vector<1x16xf32>,
        %get3A_566 = vector.shape_cast %get3A_565 : vector<1x16xf32> to vector<16xf32>
        %add3A_567 = arith.addf %mul3A_562, %get3A_566 : vector<16xf32>
        %swap3A_568 = arith.index_cast %scan3A_521 : i32 to index
        %swap3A_569 = arith.constant 32 : index
        %swap3A_570 = tpu.vector_load %arg14[%swap3A_568, %swap3A_569] {strides = array<i32>} : memref<200x64xf32, #tpu.memory_space<vmem>>, vector<1x16xf32>,
        %swap3A_571 = vector.shape_cast %swap3A_570 : vector<1x16xf32> to vector<16xf32>
        %swap3A_572 = vector.shape_cast %add3A_567 : vector<16xf32> to vector<1x16xf32>
        tpu.vector_store %arg14[%swap3A_568, %swap3A_569], %swap3A_572 {strides = array<i32>} : memref<200x64xf32, #tpu.memory_space<vmem>>, vector<1x16xf32>,
        %get3A_573 = arith.index_cast %scan3A_521 : i32 to index
        %get3A_574 = arith.constant 48 : index
        %get3A_575 = tpu.vector_load %arg14[%get3A_573, %get3A_574] {strides = array<i32>} : memref<200x64xf32, #tpu.memory_space<vmem>>, vector<1x16xf32>,
        %get3A_576 = vector.shape_cast %get3A_575 : vector<1x16xf32> to vector<16xf32>
        %mul3A_577 = arith.constant 8.000000e+00 : f32
        %mul3A_578 = vector.broadcast %mul3A_577 : f32 to vector<16xf32>
        %mul3A_579 = arith.mulf %get3A_576, %mul3A_578 : vector<16xf32>
        %get3A_580 = arith.index_cast %scan3A_521 : i32 to index
        %get3A_581 = arith.constant 48 : index
        %get3A_582 = tpu.vector_load %arg7[%get3A_580, %get3A_581] {strides = array<i32>} : memref<200x64xf32, #tpu.memory_space<vmem>>, vector<1x16xf32>,
        %get3A_583 = vector.shape_cast %get3A_582 : vector<1x16xf32> to vector<16xf32>
        %add3A_584 = arith.addf %mul3A_579, %get3A_583 : vector<16xf32>
        %swap3A_585 = arith.index_cast %scan3A_521 : i32 to index
        %swap3A_586 = arith.constant 48 : index
        %swap3A_587 = tpu.vector_load %arg14[%swap3A_585, %swap3A_586] {strides = array<i32>} : memref<200x64xf32, #tpu.memory_space<vmem>>, vector<1x16xf32>,
        %swap3A_588 = vector.shape_cast %swap3A_587 : vector<1x16xf32> to vector<16xf32>
        %swap3A_589 = vector.shape_cast %add3A_584 : vector<16xf32> to vector<1x16xf32>
        tpu.vector_store %arg14[%swap3A_585, %swap3A_586], %swap3A_589 {strides = array<i32>} : memref<200x64xf32, #tpu.memory_space<vmem>>, vector<1x16xf32>,
        %scan3A_590 = arith.constant 2 : i32
        %scan3A_591 = arith.addi %scan3A_453, %scan3A_590 : i32
        %get3A_592 = arith.index_cast %scan3A_591 : i32 to index
        %get3A_593 = arith.constant 0 : index
        %get3A_594 = tpu.vector_load %arg14[%get3A_592, %get3A_593] {strides = array<i32>} : memref<200x64xf32, #tpu.memory_space<vmem>>, vector<1x16xf32>,
        %get3A_595 = vector.shape_cast %get3A_594 : vector<1x16xf32> to vector<16xf32>
        %mul3A_596 = arith.constant 8.000000e+00 : f32
        %mul3A_597 = vector.broadcast %mul3A_596 : f32 to vector<16xf32>
        %mul3A_598 = arith.mulf %get3A_595, %mul3A_597 : vector<16xf32>
        %get3A_599 = arith.index_cast %scan3A_591 : i32 to index
        %get3A_600 = arith.constant 0 : index
        %get3A_601 = tpu.vector_load %arg7[%get3A_599, %get3A_600] {strides = array<i32>} : memref<200x64xf32, #tpu.memory_space<vmem>>, vector<1x16xf32>,
        %get3A_602 = vector.shape_cast %get3A_601 : vector<1x16xf32> to vector<16xf32>
        %add3A_603 = arith.addf %mul3A_598, %get3A_602 : vector<16xf32>
        %swap3A_604 = arith.index_cast %scan3A_591 : i32 to index
        %swap3A_605 = arith.constant 0 : index
        %swap3A_606 = tpu.vector_load %arg14[%swap3A_604, %swap3A_605] {strides = array<i32>} : memref<200x64xf32, #tpu.memory_space<vmem>>, vector<1x16xf32>,
        %swap3A_607 = vector.shape_cast %swap3A_606 : vector<1x16xf32> to vector<16xf32>
        %swap3A_608 = vector.shape_cast %add3A_603 : vector<16xf32> to vector<1x16xf32>
        tpu.vector_store %arg14[%swap3A_604, %swap3A_605], %swap3A_608 {strides = array<i32>} : memref<200x64xf32, #tpu.memory_space<vmem>>, vector<1x16xf32>,
        %get3A_609 = arith.index_cast %scan3A_591 : i32 to index
        %get3A_610 = arith.constant 16 : index
        %get3A_611 = tpu.vector_load %arg14[%get3A_609, %get3A_610] {strides = array<i32>} : memref<200x64xf32, #tpu.memory_space<vmem>>, vector<1x16xf32>,
        %get3A_612 = vector.shape_cast %get3A_611 : vector<1x16xf32> to vector<16xf32>
        %mul3A_613 = arith.constant 8.000000e+00 : f32
        %mul3A_614 = vector.broadcast %mul3A_613 : f32 to vector<16xf32>
        %mul3A_615 = arith.mulf %get3A_612, %mul3A_614 : vector<16xf32>
        %get3A_616 = arith.index_cast %scan3A_591 : i32 to index
        %get3A_617 = arith.constant 16 : index
        %get3A_618 = tpu.vector_load %arg7[%get3A_616, %get3A_617] {strides = array<i32>} : memref<200x64xf32, #tpu.memory_space<vmem>>, vector<1x16xf32>,
        %get3A_619 = vector.shape_cast %get3A_618 : vector<1x16xf32> to vector<16xf32>
        %add3A_620 = arith.addf %mul3A_615, %get3A_619 : vector<16xf32>
        %swap3A_621 = arith.index_cast %scan3A_591 : i32 to index
        %swap3A_622 = arith.constant 16 : index
        %swap3A_623 = tpu.vector_load %arg14[%swap3A_621, %swap3A_622] {strides = array<i32>} : memref<200x64xf32, #tpu.memory_space<vmem>>, vector<1x16xf32>,
        %swap3A_624 = vector.shape_cast %swap3A_623 : vector<1x16xf32> to vector<16xf32>
        %swap3A_625 = vector.shape_cast %add3A_620 : vector<16xf32> to vector<1x16xf32>
        tpu.vector_store %arg14[%swap3A_621, %swap3A_622], %swap3A_625 {strides = array<i32>} : memref<200x64xf32, #tpu.memory_space<vmem>>, vector<1x16xf32>,
        %get3A_626 = arith.index_cast %scan3A_591 : i32 to index
        %get3A_627 = arith.constant 32 : index
        %get3A_628 = tpu.vector_load %arg14[%get3A_626, %get3A_627] {strides = array<i32>} : memref<200x64xf32, #tpu.memory_space<vmem>>, vector<1x16xf32>,
        %get3A_629 = vector.shape_cast %get3A_628 : vector<1x16xf32> to vector<16xf32>
        %mul3A_630 = arith.constant 8.000000e+00 : f32
        %mul3A_631 = vector.broadcast %mul3A_630 : f32 to vector<16xf32>
        %mul3A_632 = arith.mulf %get3A_629, %mul3A_631 : vector<16xf32>
        %get3A_633 = arith.index_cast %scan3A_591 : i32 to index
        %get3A_634 = arith.constant 32 : index
        %get3A_635 = tpu.vector_load %arg7[%get3A_633, %get3A_634] {strides = array<i32>} : memref<200x64xf32, #tpu.memory_space<vmem>>, vector<1x16xf32>,
        %get3A_636 = vector.shape_cast %get3A_635 : vector<1x16xf32> to vector<16xf32>
        %add3A_637 = arith.addf %mul3A_632, %get3A_636 : vector<16xf32>
        %swap3A_638 = arith.index_cast %scan3A_591 : i32 to index
        %swap3A_639 = arith.constant 32 : index
        %swap3A_640 = tpu.vector_load %arg14[%swap3A_638, %swap3A_639] {strides = array<i32>} : memref<200x64xf32, #tpu.memory_space<vmem>>, vector<1x16xf32>,
        %swap3A_641 = vector.shape_cast %swap3A_640 : vector<1x16xf32> to vector<16xf32>
        %swap3A_642 = vector.shape_cast %add3A_637 : vector<16xf32> to vector<1x16xf32>
        tpu.vector_store %arg14[%swap3A_638, %swap3A_639], %swap3A_642 {strides = array<i32>} : memref<200x64xf32, #tpu.memory_space<vmem>>, vector<1x16xf32>,
        %get3A_643 = arith.index_cast %scan3A_591 : i32 to index
        %get3A_644 = arith.constant 48 : index
        %get3A_645 = tpu.vector_load %arg14[%get3A_643, %get3A_644] {strides = array<i32>} : memref<200x64xf32, #tpu.memory_space<vmem>>, vector<1x16xf32>,
        %get3A_646 = vector.shape_cast %get3A_645 : vector<1x16xf32> to vector<16xf32>
        %mul3A_647 = arith.constant 8.000000e+00 : f32
        %mul3A_648 = vector.broadcast %mul3A_647 : f32 to vector<16xf32>
        %mul3A_649 = arith.mulf %get3A_646, %mul3A_648 : vector<16xf32>
        %get3A_650 = arith.index_cast %scan3A_591 : i32 to index
        %get3A_651 = arith.constant 48 : index
        %get3A_652 = tpu.vector_load %arg7[%get3A_650, %get3A_651] {strides = array<i32>} : memref<200x64xf32, #tpu.memory_space<vmem>>, vector<1x16xf32>,
        %get3A_653 = vector.shape_cast %get3A_652 : vector<1x16xf32> to vector<16xf32>
        %add3A_654 = arith.addf %mul3A_649, %get3A_653 : vector<16xf32>
        %swap3A_655 = arith.index_cast %scan3A_591 : i32 to index
        %swap3A_656 = arith.constant 48 : index
        %swap3A_657 = tpu.vector_load %arg14[%swap3A_655, %swap3A_656] {strides = array<i32>} : memref<200x64xf32, #tpu.memory_space<vmem>>, vector<1x16xf32>,
        %swap3A_658 = vector.shape_cast %swap3A_657 : vector<1x16xf32> to vector<16xf32>
        %swap3A_659 = vector.shape_cast %add3A_654 : vector<16xf32> to vector<1x16xf32>
        tpu.vector_store %arg14[%swap3A_655, %swap3A_656], %swap3A_659 {strides = array<i32>} : memref<200x64xf32, #tpu.memory_space<vmem>>, vector<1x16xf32>,
        %scan3A_660 = arith.constant 3 : i32
        %scan3A_661 = arith.addi %scan3A_453, %scan3A_660 : i32
        %get3A_662 = arith.index_cast %scan3A_661 : i32 to index
        %get3A_663 = arith.constant 0 : index
        %get3A_664 = tpu.vector_load %arg14[%get3A_662, %get3A_663] {strides = array<i32>} : memref<200x64xf32, #tpu.memory_space<vmem>>, vector<1x16xf32>,
        %get3A_665 = vector.shape_cast %get3A_664 : vector<1x16xf32> to vector<16xf32>
        %mul3A_666 = arith.constant 8.000000e+00 : f32
        %mul3A_667 = vector.broadcast %mul3A_666 : f32 to vector<16xf32>
        %mul3A_668 = arith.mulf %get3A_665, %mul3A_667 : vector<16xf32>
        %get3A_669 = arith.index_cast %scan3A_661 : i32 to index
        %get3A_670 = arith.constant 0 : index
        %get3A_671 = tpu.vector_load %arg7[%get3A_669, %get3A_670] {strides = array<i32>} : memref<200x64xf32, #tpu.memory_space<vmem>>, vector<1x16xf32>,
        %get3A_672 = vector.shape_cast %get3A_671 : vector<1x16xf32> to vector<16xf32>
        %add3A_673 = arith.addf %mul3A_668, %get3A_672 : vector<16xf32>
        %swap3A_674 = arith.index_cast %scan3A_661 : i32 to index
        %swap3A_675 = arith.constant 0 : index
        %swap3A_676 = tpu.vector_load %arg14[%swap3A_674, %swap3A_675] {strides = array<i32>} : memref<200x64xf32, #tpu.memory_space<vmem>>, vector<1x16xf32>,
        %swap3A_677 = vector.shape_cast %swap3A_676 : vector<1x16xf32> to vector<16xf32>
        %swap3A_678 = vector.shape_cast %add3A_673 : vector<16xf32> to vector<1x16xf32>
        tpu.vector_store %arg14[%swap3A_674, %swap3A_675], %swap3A_678 {strides = array<i32>} : memref<200x64xf32, #tpu.memory_space<vmem>>, vector<1x16xf32>,
        %get3A_679 = arith.index_cast %scan3A_661 : i32 to index
        %get3A_680 = arith.constant 16 : index
        %get3A_681 = tpu.vector_load %arg14[%get3A_679, %get3A_680] {strides = array<i32>} : memref<200x64xf32, #tpu.memory_space<vmem>>, vector<1x16xf32>,
        %get3A_682 = vector.shape_cast %get3A_681 : vector<1x16xf32> to vector<16xf32>
        %mul3A_683 = arith.constant 8.000000e+00 : f32
        %mul3A_684 = vector.broadcast %mul3A_683 : f32 to vector<16xf32>
        %mul3A_685 = arith.mulf %get3A_682, %mul3A_684 : vector<16xf32>
        %get3A_686 = arith.index_cast %scan3A_661 : i32 to index
        %get3A_687 = arith.constant 16 : index
        %get3A_688 = tpu.vector_load %arg7[%get3A_686, %get3A_687] {strides = array<i32>} : memref<200x64xf32, #tpu.memory_space<vmem>>, vector<1x16xf32>,
        %get3A_689 = vector.shape_cast %get3A_688 : vector<1x16xf32> to vector<16xf32>
        %add3A_690 = arith.addf %mul3A_685, %get3A_689 : vector<16xf32>
        %swap3A_691 = arith.index_cast %scan3A_661 : i32 to index
        %swap3A_692 = arith.constant 16 : index
        %swap3A_693 = tpu.vector_load %arg14[%swap3A_691, %swap3A_692] {strides = array<i32>} : memref<200x64xf32, #tpu.memory_space<vmem>>, vector<1x16xf32>,
        %swap3A_694 = vector.shape_cast %swap3A_693 : vector<1x16xf32> to vector<16xf32>
        %swap3A_695 = vector.shape_cast %add3A_690 : vector<16xf32> to vector<1x16xf32>
        tpu.vector_store %arg14[%swap3A_691, %swap3A_692], %swap3A_695 {strides = array<i32>} : memref<200x64xf32, #tpu.memory_space<vmem>>, vector<1x16xf32>,
        %get3A_696 = arith.index_cast %scan3A_661 : i32 to index
        %get3A_697 = arith.constant 32 : index
        %get3A_698 = tpu.vector_load %arg14[%get3A_696, %get3A_697] {strides = array<i32>} : memref<200x64xf32, #tpu.memory_space<vmem>>, vector<1x16xf32>,
        %get3A_699 = vector.shape_cast %get3A_698 : vector<1x16xf32> to vector<16xf32>
        %mul3A_700 = arith.constant 8.000000e+00 : f32
        %mul3A_701 = vector.broadcast %mul3A_700 : f32 to vector<16xf32>
        %mul3A_702 = arith.mulf %get3A_699, %mul3A_701 : vector<16xf32>
        %get3A_703 = arith.index_cast %scan3A_661 : i32 to index
        %get3A_704 = arith.constant 32 : index
        %get3A_705 = tpu.vector_load %arg7[%get3A_703, %get3A_704] {strides = array<i32>} : memref<200x64xf32, #tpu.memory_space<vmem>>, vector<1x16xf32>,
        %get3A_706 = vector.shape_cast %get3A_705 : vector<1x16xf32> to vector<16xf32>
        %add3A_707 = arith.addf %mul3A_702, %get3A_706 : vector<16xf32>
        %swap3A_708 = arith.index_cast %scan3A_661 : i32 to index
        %swap3A_709 = arith.constant 32 : index
        %swap3A_710 = tpu.vector_load %arg14[%swap3A_708, %swap3A_709] {strides = array<i32>} : memref<200x64xf32, #tpu.memory_space<vmem>>, vector<1x16xf32>,
        %swap3A_711 = vector.shape_cast %swap3A_710 : vector<1x16xf32> to vector<16xf32>
        %swap3A_712 = vector.shape_cast %add3A_707 : vector<16xf32> to vector<1x16xf32>
        tpu.vector_store %arg14[%swap3A_708, %swap3A_709], %swap3A_712 {strides = array<i32>} : memref<200x64xf32, #tpu.memory_space<vmem>>, vector<1x16xf32>,
        %get3A_713 = arith.index_cast %scan3A_661 : i32 to index
        %get3A_714 = arith.constant 48 : index
        %get3A_715 = tpu.vector_load %arg14[%get3A_713, %get3A_714] {strides = array<i32>} : memref<200x64xf32, #tpu.memory_space<vmem>>, vector<1x16xf32>,
        %get3A_716 = vector.shape_cast %get3A_715 : vector<1x16xf32> to vector<16xf32>
        %mul3A_717 = arith.constant 8.000000e+00 : f32
        %mul3A_718 = vector.broadcast %mul3A_717 : f32 to vector<16xf32>
        %mul3A_719 = arith.mulf %get3A_716, %mul3A_718 : vector<16xf32>
        %get3A_720 = arith.index_cast %scan3A_661 : i32 to index
        %get3A_721 = arith.constant 48 : index
        %get3A_722 = tpu.vector_load %arg7[%get3A_720, %get3A_721] {strides = array<i32>} : memref<200x64xf32, #tpu.memory_space<vmem>>, vector<1x16xf32>,
        %get3A_723 = vector.shape_cast %get3A_722 : vector<1x16xf32> to vector<16xf32>
        %add3A_724 = arith.addf %mul3A_719, %get3A_723 : vector<16xf32>
        %swap3A_725 = arith.index_cast %scan3A_661 : i32 to index
        %swap3A_726 = arith.constant 48 : index
        %swap3A_727 = tpu.vector_load %arg14[%swap3A_725, %swap3A_726] {strides = array<i32>} : memref<200x64xf32, #tpu.memory_space<vmem>>, vector<1x16xf32>,
        %swap3A_728 = vector.shape_cast %swap3A_727 : vector<1x16xf32> to vector<16xf32>
        %swap3A_729 = vector.shape_cast %add3A_724 : vector<16xf32> to vector<1x16xf32>
        tpu.vector_store %arg14[%swap3A_725, %swap3A_726], %swap3A_729 {strides = array<i32>} : memref<200x64xf32, #tpu.memory_space<vmem>>, vector<1x16xf32>,
      }
      %scan3A_344 = arith.constant 200 : i32
      %add3A_345 = arith.constant 6 : i32
      %add3A_346 = arith.addi %mul3A_159, %add3A_345 : i32
      %add3A_347 = arith.addi %mul3A_2, %add3A_346 : i32
      %dma_start3A_348 = arith.constant 0 : i32
      %dma_start3A_349 = arith.constant 0 : i32
      %dma_start3A_350 = tpu.memref_slice %arg5[%add3A_347, %dma_start3A_348, %dma_start3A_349] : memref<1024x200x64xf32, #tpu.memory_space<hbm>> -> memref<1x200x64xf32, #tpu.memory_space<hbm>>
      %dma_start3A_351 = tpu.memref_squeeze %dma_start3A_350 : memref<1x200x64xf32, #tpu.memory_space<hbm>> -> memref<200x64xf32, #tpu.memory_space<hbm>>
      %dma_start3A_352 = arith.constant 0 : i32
      %dma_start3A_353 = arith.constant 0 : i32
      %dma_start3A_354 = tpu.memref_slice %arg5[%add3A_347, %dma_start3A_352, %dma_start3A_353] : memref<1024x200x64xf32, #tpu.memory_space<hbm>> -> memref<1x200x64xf32, #tpu.memory_space<hbm>>
      %dma_start3A_355 = tpu.memref_squeeze %dma_start3A_354 : memref<1x200x64xf32, #tpu.memory_space<hbm>> -> memref<200x64xf32, #tpu.memory_space<hbm>>
      tpu.enqueue_dma source(%arg14 : memref<200x64xf32, #tpu.memory_space<vmem>>) target(%dma_start3A_355 : memref<200x64xf32, #tpu.memory_space<hbm>>) target_semaphore(%arg30 : memref<!tpu.dma_semaphore, #tpu.memory_space<semaphore_mem>>)
      %add3A_356 = arith.constant 7 : i32
      %add3A_357 = arith.addi %mul3A_159, %add3A_356 : i32
      %dma_wait3A_358 = arith.constant 0 : i32
      %dma_wait3A_359 = arith.constant 0 : i32
      %dma_wait3A_360 = arith.constant 0 : i32
      %dma_wait3A_361 = tpu.memref_slice %arg15[%dma_wait3A_359, %dma_wait3A_360] : memref<200x64xf32, #tpu.memory_space<vmem>> -> memref<200x64xf32, #tpu.memory_space<vmem>>
      %dma_wait3A_362 = arith.constant 0 : i32
      %dma_wait3A_363 = tpu.memref_slice %arg6[%add3A_357, %dma_wait3A_358, %dma_wait3A_362] : memref<32x1x200xi32, #tpu.memory_space<vmem>> -> memref<1x1x200xi32, #tpu.memory_space<vmem>>
      %dma_wait3A_364 = tpu.memref_squeeze %dma_wait3A_363 : memref<1x1x200xi32, #tpu.memory_space<vmem>> -> memref<200xi32, #tpu.memory_space<vmem>>
      %dma_wait3A_365 = arith.constant 0 : i32
      %dma_wait3A_366 = arith.constant 0 : i32
      %dma_wait3A_367 = tpu.memref_slice %arg3[%dma_wait3A_365, %dma_wait3A_366] : memref<1000000x64xf32, #tpu.memory_space<hbm>> -> memref<1000000x64xf32, #tpu.memory_space<hbm>>
      tpu.wait_indirect_dma semaphore(%arg23 : memref<!tpu.dma_semaphore, #tpu.memory_space<semaphore_mem>>) src(%dma_wait3A_367 : memref<1000000x64xf32, #tpu.memory_space<hbm>>) dst(%dma_wait3A_361 : memref<200x64xf32, #tpu.memory_space<vmem>>)
      %scan3A_368 = arith.constant 0 : i32
      %scan3A_369 = arith.constant 200 : i32
      %scan3A_370 = arith.addi %scan3A_368, %scan3A_369 : i32
      %scan3A_371 = arith.constant 4 : i32
      scf.for %scan3A_453 = %scan3A_368 to %scan3A_370 step %scan3A_371  : i32 {
        %get3A = arith.index_cast %scan3A_453 : i32 to index
        %get3A_454 = arith.constant 0 : index
        %get3A_455 = tpu.vector_load %arg15[%get3A, %get3A_454] {strides = array<i32>} : memref<200x64xf32, #tpu.memory_space<vmem>>, vector<1x16xf32>,
        %get3A_456 = vector.shape_cast %get3A_455 : vector<1x16xf32> to vector<16xf32>
        %mul3A_457 = arith.constant 8.000000e+00 : f32
        %mul3A_458 = vector.broadcast %mul3A_457 : f32 to vector<16xf32>
        %mul3A_459 = arith.mulf %get3A_456, %mul3A_458 : vector<16xf32>
        %get3A_460 = arith.index_cast %scan3A_453 : i32 to index
        %get3A_461 = arith.constant 0 : index
        %get3A_462 = tpu.vector_load %arg7[%get3A_460, %get3A_461] {strides = array<i32>} : memref<200x64xf32, #tpu.memory_space<vmem>>, vector<1x16xf32>,
        %get3A_463 = vector.shape_cast %get3A_462 : vector<1x16xf32> to vector<16xf32>
        %add3A_464 = arith.addf %mul3A_459, %get3A_463 : vector<16xf32>
        %swap3A = arith.index_cast %scan3A_453 : i32 to index
        %swap3A_465 = arith.constant 0 : index
        %swap3A_466 = tpu.vector_load %arg15[%swap3A, %swap3A_465] {strides = array<i32>} : memref<200x64xf32, #tpu.memory_space<vmem>>, vector<1x16xf32>,
        %swap3A_467 = vector.shape_cast %swap3A_466 : vector<1x16xf32> to vector<16xf32>
        %swap3A_468 = vector.shape_cast %add3A_464 : vector<16xf32> to vector<1x16xf32>
        tpu.vector_store %arg15[%swap3A, %swap3A_465], %swap3A_468 {strides = array<i32>} : memref<200x64xf32, #tpu.memory_space<vmem>>, vector<1x16xf32>,
        %get3A_469 = arith.index_cast %scan3A_453 : i32 to index
        %get3A_470 = arith.constant 16 : index
        %get3A_471 = tpu.vector_load %arg15[%get3A_469, %get3A_470] {strides = array<i32>} : memref<200x64xf32, #tpu.memory_space<vmem>>, vector<1x16xf32>,
        %get3A_472 = vector.shape_cast %get3A_471 : vector<1x16xf32> to vector<16xf32>
        %mul3A_473 = arith.constant 8.000000e+00 : f32
        %mul3A_474 = vector.broadcast %mul3A_473 : f32 to vector<16xf32>
        %mul3A_475 = arith.mulf %get3A_472, %mul3A_474 : vector<16xf32>
        %get3A_476 = arith.index_cast %scan3A_453 : i32 to index
        %get3A_477 = arith.constant 16 : index
        %get3A_478 = tpu.vector_load %arg7[%get3A_476, %get3A_477] {strides = array<i32>} : memref<200x64xf32, #tpu.memory_space<vmem>>, vector<1x16xf32>,
        %get3A_479 = vector.shape_cast %get3A_478 : vector<1x16xf32> to vector<16xf32>
        %add3A_480 = arith.addf %mul3A_475, %get3A_479 : vector<16xf32>
        %swap3A_481 = arith.index_cast %scan3A_453 : i32 to index
        %swap3A_482 = arith.constant 16 : index
        %swap3A_483 = tpu.vector_load %arg15[%swap3A_481, %swap3A_482] {strides = array<i32>} : memref<200x64xf32, #tpu.memory_space<vmem>>, vector<1x16xf32>,
        %swap3A_484 = vector.shape_cast %swap3A_483 : vector<1x16xf32> to vector<16xf32>
        %swap3A_485 = vector.shape_cast %add3A_480 : vector<16xf32> to vector<1x16xf32>
        tpu.vector_store %arg15[%swap3A_481, %swap3A_482], %swap3A_485 {strides = array<i32>} : memref<200x64xf32, #tpu.memory_space<vmem>>, vector<1x16xf32>,
        %get3A_486 = arith.index_cast %scan3A_453 : i32 to index
        %get3A_487 = arith.constant 32 : index
        %get3A_488 = tpu.vector_load %arg15[%get3A_486, %get3A_487] {strides = array<i32>} : memref<200x64xf32, #tpu.memory_space<vmem>>, vector<1x16xf32>,
        %get3A_489 = vector.shape_cast %get3A_488 : vector<1x16xf32> to vector<16xf32>
        %mul3A_490 = arith.constant 8.000000e+00 : f32
        %mul3A_491 = vector.broadcast %mul3A_490 : f32 to vector<16xf32>
        %mul3A_492 = arith.mulf %get3A_489, %mul3A_491 : vector<16xf32>
        %get3A_493 = arith.index_cast %scan3A_453 : i32 to index
        %get3A_494 = arith.constant 32 : index
        %get3A_495 = tpu.vector_load %arg7[%get3A_493, %get3A_494] {strides = array<i32>} : memref<200x64xf32, #tpu.memory_space<vmem>>, vector<1x16xf32>,
        %get3A_496 = vector.shape_cast %get3A_495 : vector<1x16xf32> to vector<16xf32>
        %add3A_497 = arith.addf %mul3A_492, %get3A_496 : vector<16xf32>
        %swap3A_498 = arith.index_cast %scan3A_453 : i32 to index
        %swap3A_499 = arith.constant 32 : index
        %swap3A_500 = tpu.vector_load %arg15[%swap3A_498, %swap3A_499] {strides = array<i32>} : memref<200x64xf32, #tpu.memory_space<vmem>>, vector<1x16xf32>,
        %swap3A_501 = vector.shape_cast %swap3A_500 : vector<1x16xf32> to vector<16xf32>
        %swap3A_502 = vector.shape_cast %add3A_497 : vector<16xf32> to vector<1x16xf32>
        tpu.vector_store %arg15[%swap3A_498, %swap3A_499], %swap3A_502 {strides = array<i32>} : memref<200x64xf32, #tpu.memory_space<vmem>>, vector<1x16xf32>,
        %get3A_503 = arith.index_cast %scan3A_453 : i32 to index
        %get3A_504 = arith.constant 48 : index
        %get3A_505 = tpu.vector_load %arg15[%get3A_503, %get3A_504] {strides = array<i32>} : memref<200x64xf32, #tpu.memory_space<vmem>>, vector<1x16xf32>,
        %get3A_506 = vector.shape_cast %get3A_505 : vector<1x16xf32> to vector<16xf32>
        %mul3A_507 = arith.constant 8.000000e+00 : f32
        %mul3A_508 = vector.broadcast %mul3A_507 : f32 to vector<16xf32>
        %mul3A_509 = arith.mulf %get3A_506, %mul3A_508 : vector<16xf32>
        %get3A_510 = arith.index_cast %scan3A_453 : i32 to index
        %get3A_511 = arith.constant 48 : index
        %get3A_512 = tpu.vector_load %arg7[%get3A_510, %get3A_511] {strides = array<i32>} : memref<200x64xf32, #tpu.memory_space<vmem>>, vector<1x16xf32>,
        %get3A_513 = vector.shape_cast %get3A_512 : vector<1x16xf32> to vector<16xf32>
        %add3A_514 = arith.addf %mul3A_509, %get3A_513 : vector<16xf32>
        %swap3A_515 = arith.index_cast %scan3A_453 : i32 to index
        %swap3A_516 = arith.constant 48 : index
        %swap3A_517 = tpu.vector_load %arg15[%swap3A_515, %swap3A_516] {strides = array<i32>} : memref<200x64xf32, #tpu.memory_space<vmem>>, vector<1x16xf32>,
        %swap3A_518 = vector.shape_cast %swap3A_517 : vector<1x16xf32> to vector<16xf32>
        %swap3A_519 = vector.shape_cast %add3A_514 : vector<16xf32> to vector<1x16xf32>
        tpu.vector_store %arg15[%swap3A_515, %swap3A_516], %swap3A_519 {strides = array<i32>} : memref<200x64xf32, #tpu.memory_space<vmem>>, vector<1x16xf32>,
        %scan3A_520 = arith.constant 1 : i32
        %scan3A_521 = arith.addi %scan3A_453, %scan3A_520 : i32
        %get3A_522 = arith.index_cast %scan3A_521 : i32 to index
        %get3A_523 = arith.constant 0 : index
        %get3A_524 = tpu.vector_load %arg15[%get3A_522, %get3A_523] {strides = array<i32>} : memref<200x64xf32, #tpu.memory_space<vmem>>, vector<1x16xf32>,
        %get3A_525 = vector.shape_cast %get3A_524 : vector<1x16xf32> to vector<16xf32>
        %mul3A_526 = arith.constant 8.000000e+00 : f32
        %mul3A_527 = vector.broadcast %mul3A_526 : f32 to vector<16xf32>
        %mul3A_528 = arith.mulf %get3A_525, %mul3A_527 : vector<16xf32>
        %get3A_529 = arith.index_cast %scan3A_521 : i32 to index
        %get3A_530 = arith.constant 0 : index
        %get3A_531 = tpu.vector_load %arg7[%get3A_529, %get3A_530] {strides = array<i32>} : memref<200x64xf32, #tpu.memory_space<vmem>>, vector<1x16xf32>,
        %get3A_532 = vector.shape_cast %get3A_531 : vector<1x16xf32> to vector<16xf32>
        %add3A_533 = arith.addf %mul3A_528, %get3A_532 : vector<16xf32>
        %swap3A_534 = arith.index_cast %scan3A_521 : i32 to index
        %swap3A_535 = arith.constant 0 : index
        %swap3A_536 = tpu.vector_load %arg15[%swap3A_534, %swap3A_535] {strides = array<i32>} : memref<200x64xf32, #tpu.memory_space<vmem>>, vector<1x16xf32>,
        %swap3A_537 = vector.shape_cast %swap3A_536 : vector<1x16xf32> to vector<16xf32>
        %swap3A_538 = vector.shape_cast %add3A_533 : vector<16xf32> to vector<1x16xf32>
        tpu.vector_store %arg15[%swap3A_534, %swap3A_535], %swap3A_538 {strides = array<i32>} : memref<200x64xf32, #tpu.memory_space<vmem>>, vector<1x16xf32>,
        %get3A_539 = arith.index_cast %scan3A_521 : i32 to index
        %get3A_540 = arith.constant 16 : index
        %get3A_541 = tpu.vector_load %arg15[%get3A_539, %get3A_540] {strides = array<i32>} : memref<200x64xf32, #tpu.memory_space<vmem>>, vector<1x16xf32>,
        %get3A_542 = vector.shape_cast %get3A_541 : vector<1x16xf32> to vector<16xf32>
        %mul3A_543 = arith.constant 8.000000e+00 : f32
        %mul3A_544 = vector.broadcast %mul3A_543 : f32 to vector<16xf32>
        %mul3A_545 = arith.mulf %get3A_542, %mul3A_544 : vector<16xf32>
        %get3A_546 = arith.index_cast %scan3A_521 : i32 to index
        %get3A_547 = arith.constant 16 : index
        %get3A_548 = tpu.vector_load %arg7[%get3A_546, %get3A_547] {strides = array<i32>} : memref<200x64xf32, #tpu.memory_space<vmem>>, vector<1x16xf32>,
        %get3A_549 = vector.shape_cast %get3A_548 : vector<1x16xf32> to vector<16xf32>
        %add3A_550 = arith.addf %mul3A_545, %get3A_549 : vector<16xf32>
        %swap3A_551 = arith.index_cast %scan3A_521 : i32 to index
        %swap3A_552 = arith.constant 16 : index
        %swap3A_553 = tpu.vector_load %arg15[%swap3A_551, %swap3A_552] {strides = array<i32>} : memref<200x64xf32, #tpu.memory_space<vmem>>, vector<1x16xf32>,
        %swap3A_554 = vector.shape_cast %swap3A_553 : vector<1x16xf32> to vector<16xf32>
        %swap3A_555 = vector.shape_cast %add3A_550 : vector<16xf32> to vector<1x16xf32>
        tpu.vector_store %arg15[%swap3A_551, %swap3A_552], %swap3A_555 {strides = array<i32>} : memref<200x64xf32, #tpu.memory_space<vmem>>, vector<1x16xf32>,
        %get3A_556 = arith.index_cast %scan3A_521 : i32 to index
        %get3A_557 = arith.constant 32 : index
        %get3A_558 = tpu.vector_load %arg15[%get3A_556, %get3A_557] {strides = array<i32>} : memref<200x64xf32, #tpu.memory_space<vmem>>, vector<1x16xf32>,
        %get3A_559 = vector.shape_cast %get3A_558 : vector<1x16xf32> to vector<16xf32>
        %mul3A_560 = arith.constant 8.000000e+00 : f32
        %mul3A_561 = vector.broadcast %mul3A_560 : f32 to vector<16xf32>
        %mul3A_562 = arith.mulf %get3A_559, %mul3A_561 : vector<16xf32>
        %get3A_563 = arith.index_cast %scan3A_521 : i32 to index
        %get3A_564 = arith.constant 32 : index
        %get3A_565 = tpu.vector_load %arg7[%get3A_563, %get3A_564] {strides = array<i32>} : memref<200x64xf32, #tpu.memory_space<vmem>>, vector<1x16xf32>,
        %get3A_566 = vector.shape_cast %get3A_565 : vector<1x16xf32> to vector<16xf32>
        %add3A_567 = arith.addf %mul3A_562, %get3A_566 : vector<16xf32>
        %swap3A_568 = arith.index_cast %scan3A_521 : i32 to index
        %swap3A_569 = arith.constant 32 : index
        %swap3A_570 = tpu.vector_load %arg15[%swap3A_568, %swap3A_569] {strides = array<i32>} : memref<200x64xf32, #tpu.memory_space<vmem>>, vector<1x16xf32>,
        %swap3A_571 = vector.shape_cast %swap3A_570 : vector<1x16xf32> to vector<16xf32>
        %swap3A_572 = vector.shape_cast %add3A_567 : vector<16xf32> to vector<1x16xf32>
        tpu.vector_store %arg15[%swap3A_568, %swap3A_569], %swap3A_572 {strides = array<i32>} : memref<200x64xf32, #tpu.memory_space<vmem>>, vector<1x16xf32>,
        %get3A_573 = arith.index_cast %scan3A_521 : i32 to index
        %get3A_574 = arith.constant 48 : index
        %get3A_575 = tpu.vector_load %arg15[%get3A_573, %get3A_574] {strides = array<i32>} : memref<200x64xf32, #tpu.memory_space<vmem>>, vector<1x16xf32>,
        %get3A_576 = vector.shape_cast %get3A_575 : vector<1x16xf32> to vector<16xf32>
        %mul3A_577 = arith.constant 8.000000e+00 : f32
        %mul3A_578 = vector.broadcast %mul3A_577 : f32 to vector<16xf32>
        %mul3A_579 = arith.mulf %get3A_576, %mul3A_578 : vector<16xf32>
        %get3A_580 = arith.index_cast %scan3A_521 : i32 to index
        %get3A_581 = arith.constant 48 : index
        %get3A_582 = tpu.vector_load %arg7[%get3A_580, %get3A_581] {strides = array<i32>} : memref<200x64xf32, #tpu.memory_space<vmem>>, vector<1x16xf32>,
        %get3A_583 = vector.shape_cast %get3A_582 : vector<1x16xf32> to vector<16xf32>
        %add3A_584 = arith.addf %mul3A_579, %get3A_583 : vector<16xf32>
        %swap3A_585 = arith.index_cast %scan3A_521 : i32 to index
        %swap3A_586 = arith.constant 48 : index
        %swap3A_587 = tpu.vector_load %arg15[%swap3A_585, %swap3A_586] {strides = array<i32>} : memref<200x64xf32, #tpu.memory_space<vmem>>, vector<1x16xf32>,
        %swap3A_588 = vector.shape_cast %swap3A_587 : vector<1x16xf32> to vector<16xf32>
        %swap3A_589 = vector.shape_cast %add3A_584 : vector<16xf32> to vector<1x16xf32>
        tpu.vector_store %arg15[%swap3A_585, %swap3A_586], %swap3A_589 {strides = array<i32>} : memref<200x64xf32, #tpu.memory_space<vmem>>, vector<1x16xf32>,
        %scan3A_590 = arith.constant 2 : i32
        %scan3A_591 = arith.addi %scan3A_453, %scan3A_590 : i32
        %get3A_592 = arith.index_cast %scan3A_591 : i32 to index
        %get3A_593 = arith.constant 0 : index
        %get3A_594 = tpu.vector_load %arg15[%get3A_592, %get3A_593] {strides = array<i32>} : memref<200x64xf32, #tpu.memory_space<vmem>>, vector<1x16xf32>,
        %get3A_595 = vector.shape_cast %get3A_594 : vector<1x16xf32> to vector<16xf32>
        %mul3A_596 = arith.constant 8.000000e+00 : f32
        %mul3A_597 = vector.broadcast %mul3A_596 : f32 to vector<16xf32>
        %mul3A_598 = arith.mulf %get3A_595, %mul3A_597 : vector<16xf32>
        %get3A_599 = arith.index_cast %scan3A_591 : i32 to index
        %get3A_600 = arith.constant 0 : index
        %get3A_601 = tpu.vector_load %arg7[%get3A_599, %get3A_600] {strides = array<i32>} : memref<200x64xf32, #tpu.memory_space<vmem>>, vector<1x16xf32>,
        %get3A_602 = vector.shape_cast %get3A_601 : vector<1x16xf32> to vector<16xf32>
        %add3A_603 = arith.addf %mul3A_598, %get3A_602 : vector<16xf32>
        %swap3A_604 = arith.index_cast %scan3A_591 : i32 to index
        %swap3A_605 = arith.constant 0 : index
        %swap3A_606 = tpu.vector_load %arg15[%swap3A_604, %swap3A_605] {strides = array<i32>} : memref<200x64xf32, #tpu.memory_space<vmem>>, vector<1x16xf32>,
        %swap3A_607 = vector.shape_cast %swap3A_606 : vector<1x16xf32> to vector<16xf32>
        %swap3A_608 = vector.shape_cast %add3A_603 : vector<16xf32> to vector<1x16xf32>
        tpu.vector_store %arg15[%swap3A_604, %swap3A_605], %swap3A_608 {strides = array<i32>} : memref<200x64xf32, #tpu.memory_space<vmem>>, vector<1x16xf32>,
        %get3A_609 = arith.index_cast %scan3A_591 : i32 to index
        %get3A_610 = arith.constant 16 : index
        %get3A_611 = tpu.vector_load %arg15[%get3A_609, %get3A_610] {strides = array<i32>} : memref<200x64xf32, #tpu.memory_space<vmem>>, vector<1x16xf32>,
        %get3A_612 = vector.shape_cast %get3A_611 : vector<1x16xf32> to vector<16xf32>
        %mul3A_613 = arith.constant 8.000000e+00 : f32
        %mul3A_614 = vector.broadcast %mul3A_613 : f32 to vector<16xf32>
        %mul3A_615 = arith.mulf %get3A_612, %mul3A_614 : vector<16xf32>
        %get3A_616 = arith.index_cast %scan3A_591 : i32 to index
        %get3A_617 = arith.constant 16 : index
        %get3A_618 = tpu.vector_load %arg7[%get3A_616, %get3A_617] {strides = array<i32>} : memref<200x64xf32, #tpu.memory_space<vmem>>, vector<1x16xf32>,
        %get3A_619 = vector.shape_cast %get3A_618 : vector<1x16xf32> to vector<16xf32>
        %add3A_620 = arith.addf %mul3A_615, %get3A_619 : vector<16xf32>
        %swap3A_621 = arith.index_cast %scan3A_591 : i32 to index
        %swap3A_622 = arith.constant 16 : index
        %swap3A_623 = tpu.vector_load %arg15[%swap3A_621, %swap3A_622] {strides = array<i32>} : memref<200x64xf32, #tpu.memory_space<vmem>>, vector<1x16xf32>,
        %swap3A_624 = vector.shape_cast %swap3A_623 : vector<1x16xf32> to vector<16xf32>
        %swap3A_625 = vector.shape_cast %add3A_620 : vector<16xf32> to vector<1x16xf32>
        tpu.vector_store %arg15[%swap3A_621, %swap3A_622], %swap3A_625 {strides = array<i32>} : memref<200x64xf32, #tpu.memory_space<vmem>>, vector<1x16xf32>,
        %get3A_626 = arith.index_cast %scan3A_591 : i32 to index
        %get3A_627 = arith.constant 32 : index
        %get3A_628 = tpu.vector_load %arg15[%get3A_626, %get3A_627] {strides = array<i32>} : memref<200x64xf32, #tpu.memory_space<vmem>>, vector<1x16xf32>,
        %get3A_629 = vector.shape_cast %get3A_628 : vector<1x16xf32> to vector<16xf32>
        %mul3A_630 = arith.constant 8.000000e+00 : f32
        %mul3A_631 = vector.broadcast %mul3A_630 : f32 to vector<16xf32>
        %mul3A_632 = arith.mulf %get3A_629, %mul3A_631 : vector<16xf32>
        %get3A_633 = arith.index_cast %scan3A_591 : i32 to index
        %get3A_634 = arith.constant 32 : index
        %get3A_635 = tpu.vector_load %arg7[%get3A_633, %get3A_634] {strides = array<i32>} : memref<200x64xf32, #tpu.memory_space<vmem>>, vector<1x16xf32>,
        %get3A_636 = vector.shape_cast %get3A_635 : vector<1x16xf32> to vector<16xf32>
        %add3A_637 = arith.addf %mul3A_632, %get3A_636 : vector<16xf32>
        %swap3A_638 = arith.index_cast %scan3A_591 : i32 to index
        %swap3A_639 = arith.constant 32 : index
        %swap3A_640 = tpu.vector_load %arg15[%swap3A_638, %swap3A_639] {strides = array<i32>} : memref<200x64xf32, #tpu.memory_space<vmem>>, vector<1x16xf32>,
        %swap3A_641 = vector.shape_cast %swap3A_640 : vector<1x16xf32> to vector<16xf32>
        %swap3A_642 = vector.shape_cast %add3A_637 : vector<16xf32> to vector<1x16xf32>
        tpu.vector_store %arg15[%swap3A_638, %swap3A_639], %swap3A_642 {strides = array<i32>} : memref<200x64xf32, #tpu.memory_space<vmem>>, vector<1x16xf32>,
        %get3A_643 = arith.index_cast %scan3A_591 : i32 to index
        %get3A_644 = arith.constant 48 : index
        %get3A_645 = tpu.vector_load %arg15[%get3A_643, %get3A_644] {strides = array<i32>} : memref<200x64xf32, #tpu.memory_space<vmem>>, vector<1x16xf32>,
        %get3A_646 = vector.shape_cast %get3A_645 : vector<1x16xf32> to vector<16xf32>
        %mul3A_647 = arith.constant 8.000000e+00 : f32
        %mul3A_648 = vector.broadcast %mul3A_647 : f32 to vector<16xf32>
        %mul3A_649 = arith.mulf %get3A_646, %mul3A_648 : vector<16xf32>
        %get3A_650 = arith.index_cast %scan3A_591 : i32 to index
        %get3A_651 = arith.constant 48 : index
        %get3A_652 = tpu.vector_load %arg7[%get3A_650, %get3A_651] {strides = array<i32>} : memref<200x64xf32, #tpu.memory_space<vmem>>, vector<1x16xf32>,
        %get3A_653 = vector.shape_cast %get3A_652 : vector<1x16xf32> to vector<16xf32>
        %add3A_654 = arith.addf %mul3A_649, %get3A_653 : vector<16xf32>
        %swap3A_655 = arith.index_cast %scan3A_591 : i32 to index
        %swap3A_656 = arith.constant 48 : index
        %swap3A_657 = tpu.vector_load %arg15[%swap3A_655, %swap3A_656] {strides = array<i32>} : memref<200x64xf32, #tpu.memory_space<vmem>>, vector<1x16xf32>,
        %swap3A_658 = vector.shape_cast %swap3A_657 : vector<1x16xf32> to vector<16xf32>
        %swap3A_659 = vector.shape_cast %add3A_654 : vector<16xf32> to vector<1x16xf32>
        tpu.vector_store %arg15[%swap3A_655, %swap3A_656], %swap3A_659 {strides = array<i32>} : memref<200x64xf32, #tpu.memory_space<vmem>>, vector<1x16xf32>,
        %scan3A_660 = arith.constant 3 : i32
        %scan3A_661 = arith.addi %scan3A_453, %scan3A_660 : i32
        %get3A_662 = arith.index_cast %scan3A_661 : i32 to index
        %get3A_663 = arith.constant 0 : index
        %get3A_664 = tpu.vector_load %arg15[%get3A_662, %get3A_663] {strides = array<i32>} : memref<200x64xf32, #tpu.memory_space<vmem>>, vector<1x16xf32>,
        %get3A_665 = vector.shape_cast %get3A_664 : vector<1x16xf32> to vector<16xf32>
        %mul3A_666 = arith.constant 8.000000e+00 : f32
        %mul3A_667 = vector.broadcast %mul3A_666 : f32 to vector<16xf32>
        %mul3A_668 = arith.mulf %get3A_665, %mul3A_667 : vector<16xf32>
        %get3A_669 = arith.index_cast %scan3A_661 : i32 to index
        %get3A_670 = arith.constant 0 : index
        %get3A_671 = tpu.vector_load %arg7[%get3A_669, %get3A_670] {strides = array<i32>} : memref<200x64xf32, #tpu.memory_space<vmem>>, vector<1x16xf32>,
        %get3A_672 = vector.shape_cast %get3A_671 : vector<1x16xf32> to vector<16xf32>
        %add3A_673 = arith.addf %mul3A_668, %get3A_672 : vector<16xf32>
        %swap3A_674 = arith.index_cast %scan3A_661 : i32 to index
        %swap3A_675 = arith.constant 0 : index
        %swap3A_676 = tpu.vector_load %arg15[%swap3A_674, %swap3A_675] {strides = array<i32>} : memref<200x64xf32, #tpu.memory_space<vmem>>, vector<1x16xf32>,
        %swap3A_677 = vector.shape_cast %swap3A_676 : vector<1x16xf32> to vector<16xf32>
        %swap3A_678 = vector.shape_cast %add3A_673 : vector<16xf32> to vector<1x16xf32>
        tpu.vector_store %arg15[%swap3A_674, %swap3A_675], %swap3A_678 {strides = array<i32>} : memref<200x64xf32, #tpu.memory_space<vmem>>, vector<1x16xf32>,
        %get3A_679 = arith.index_cast %scan3A_661 : i32 to index
        %get3A_680 = arith.constant 16 : index
        %get3A_681 = tpu.vector_load %arg15[%get3A_679, %get3A_680] {strides = array<i32>} : memref<200x64xf32, #tpu.memory_space<vmem>>, vector<1x16xf32>,
        %get3A_682 = vector.shape_cast %get3A_681 : vector<1x16xf32> to vector<16xf32>
        %mul3A_683 = arith.constant 8.000000e+00 : f32
        %mul3A_684 = vector.broadcast %mul3A_683 : f32 to vector<16xf32>
        %mul3A_685 = arith.mulf %get3A_682, %mul3A_684 : vector<16xf32>
        %get3A_686 = arith.index_cast %scan3A_661 : i32 to index
        %get3A_687 = arith.constant 16 : index
        %get3A_688 = tpu.vector_load %arg7[%get3A_686, %get3A_687] {strides = array<i32>} : memref<200x64xf32, #tpu.memory_space<vmem>>, vector<1x16xf32>,
        %get3A_689 = vector.shape_cast %get3A_688 : vector<1x16xf32> to vector<16xf32>
        %add3A_690 = arith.addf %mul3A_685, %get3A_689 : vector<16xf32>
        %swap3A_691 = arith.index_cast %scan3A_661 : i32 to index
        %swap3A_692 = arith.constant 16 : index
        %swap3A_693 = tpu.vector_load %arg15[%swap3A_691, %swap3A_692] {strides = array<i32>} : memref<200x64xf32, #tpu.memory_space<vmem>>, vector<1x16xf32>,
        %swap3A_694 = vector.shape_cast %swap3A_693 : vector<1x16xf32> to vector<16xf32>
        %swap3A_695 = vector.shape_cast %add3A_690 : vector<16xf32> to vector<1x16xf32>
        tpu.vector_store %arg15[%swap3A_691, %swap3A_692], %swap3A_695 {strides = array<i32>} : memref<200x64xf32, #tpu.memory_space<vmem>>, vector<1x16xf32>,
        %get3A_696 = arith.index_cast %scan3A_661 : i32 to index
        %get3A_697 = arith.constant 32 : index
        %get3A_698 = tpu.vector_load %arg15[%get3A_696, %get3A_697] {strides = array<i32>} : memref<200x64xf32, #tpu.memory_space<vmem>>, vector<1x16xf32>,
        %get3A_699 = vector.shape_cast %get3A_698 : vector<1x16xf32> to vector<16xf32>
        %mul3A_700 = arith.constant 8.000000e+00 : f32
        %mul3A_701 = vector.broadcast %mul3A_700 : f32 to vector<16xf32>
        %mul3A_702 = arith.mulf %get3A_699, %mul3A_701 : vector<16xf32>
        %get3A_703 = arith.index_cast %scan3A_661 : i32 to index
        %get3A_704 = arith.constant 32 : index
        %get3A_705 = tpu.vector_load %arg7[%get3A_703, %get3A_704] {strides = array<i32>} : memref<200x64xf32, #tpu.memory_space<vmem>>, vector<1x16xf32>,
        %get3A_706 = vector.shape_cast %get3A_705 : vector<1x16xf32> to vector<16xf32>
        %add3A_707 = arith.addf %mul3A_702, %get3A_706 : vector<16xf32>
        %swap3A_708 = arith.index_cast %scan3A_661 : i32 to index
        %swap3A_709 = arith.constant 32 : index
        %swap3A_710 = tpu.vector_load %arg15[%swap3A_708, %swap3A_709] {strides = array<i32>} : memref<200x64xf32, #tpu.memory_space<vmem>>, vector<1x16xf32>,
        %swap3A_711 = vector.shape_cast %swap3A_710 : vector<1x16xf32> to vector<16xf32>
        %swap3A_712 = vector.shape_cast %add3A_707 : vector<16xf32> to vector<1x16xf32>
        tpu.vector_store %arg15[%swap3A_708, %swap3A_709], %swap3A_712 {strides = array<i32>} : memref<200x64xf32, #tpu.memory_space<vmem>>, vector<1x16xf32>,
        %get3A_713 = arith.index_cast %scan3A_661 : i32 to index
        %get3A_714 = arith.constant 48 : index
        %get3A_715 = tpu.vector_load %arg15[%get3A_713, %get3A_714] {strides = array<i32>} : memref<200x64xf32, #tpu.memory_space<vmem>>, vector<1x16xf32>,
        %get3A_716 = vector.shape_cast %get3A_715 : vector<1x16xf32> to vector<16xf32>
        %mul3A_717 = arith.constant 8.000000e+00 : f32
        %mul3A_718 = vector.broadcast %mul3A_717 : f32 to vector<16xf32>
        %mul3A_719 = arith.mulf %get3A_716, %mul3A_718 : vector<16xf32>
        %get3A_720 = arith.index_cast %scan3A_661 : i32 to index
        %get3A_721 = arith.constant 48 : index
        %get3A_722 = tpu.vector_load %arg7[%get3A_720, %get3A_721] {strides = array<i32>} : memref<200x64xf32, #tpu.memory_space<vmem>>, vector<1x16xf32>,
        %get3A_723 = vector.shape_cast %get3A_722 : vector<1x16xf32> to vector<16xf32>
        %add3A_724 = arith.addf %mul3A_719, %get3A_723 : vector<16xf32>
        %swap3A_725 = arith.index_cast %scan3A_661 : i32 to index
        %swap3A_726 = arith.constant 48 : index
        %swap3A_727 = tpu.vector_load %arg15[%swap3A_725, %swap3A_726] {strides = array<i32>} : memref<200x64xf32, #tpu.memory_space<vmem>>, vector<1x16xf32>,
        %swap3A_728 = vector.shape_cast %swap3A_727 : vector<1x16xf32> to vector<16xf32>
        %swap3A_729 = vector.shape_cast %add3A_724 : vector<16xf32> to vector<1x16xf32>
        tpu.vector_store %arg15[%swap3A_725, %swap3A_726], %swap3A_729 {strides = array<i32>} : memref<200x64xf32, #tpu.memory_space<vmem>>, vector<1x16xf32>,
      }
      %scan3A_372 = arith.constant 200 : i32
      %add3A_373 = arith.constant 7 : i32
      %add3A_374 = arith.addi %mul3A_159, %add3A_373 : i32
      %add3A_375 = arith.addi %mul3A_2, %add3A_374 : i32
      %dma_start3A_376 = arith.constant 0 : i32
      %dma_start3A_377 = arith.constant 0 : i32
      %dma_start3A_378 = tpu.memref_slice %arg5[%add3A_375, %dma_start3A_376, %dma_start3A_377] : memref<1024x200x64xf32, #tpu.memory_space<hbm>> -> memref<1x200x64xf32, #tpu.memory_space<hbm>>
      %dma_start3A_379 = tpu.memref_squeeze %dma_start3A_378 : memref<1x200x64xf32, #tpu.memory_space<hbm>> -> memref<200x64xf32, #tpu.memory_space<hbm>>
      %dma_start3A_380 = arith.constant 0 : i32
      %dma_start3A_381 = arith.constant 0 : i32
      %dma_start3A_382 = tpu.memref_slice %arg5[%add3A_375, %dma_start3A_380, %dma_start3A_381] : memref<1024x200x64xf32, #tpu.memory_space<hbm>> -> memref<1x200x64xf32, #tpu.memory_space<hbm>>
      %dma_start3A_383 = tpu.memref_squeeze %dma_start3A_382 : memref<1x200x64xf32, #tpu.memory_space<hbm>> -> memref<200x64xf32, #tpu.memory_space<hbm>>
      tpu.enqueue_dma source(%arg15 : memref<200x64xf32, #tpu.memory_space<vmem>>) target(%dma_start3A_383 : memref<200x64xf32, #tpu.memory_space<hbm>>) target_semaphore(%arg31 : memref<!tpu.dma_semaphore, #tpu.memory_space<semaphore_mem>>)
      %add3A_384 = arith.constant 8 : i32
      %add3A_385 = arith.addi %mul3A_159, %add3A_384 : i32
      %add3A_386 = arith.constant 0 : i32
      %add3A_387 = arith.addi %add3A_385, %add3A_386 : i32
      %lt3A = arith.constant 32 : i32
      %lt3A_388 = arith.cmpi slt, %add3A_387, %lt3A : i32
      %convert_element_type3A = arith.extui %lt3A_388 : i1 to i32
      %cond3A = arith.constant 0 : i32
      %cond3A_389 = arith.cmpi ne, %convert_element_type3A, %cond3A : i32
      scf.if %cond3A_389 {
        %dma_wait3A_453 = arith.constant 0 : i32
        %dma_wait3A_454 = arith.constant 0 : i32
        %dma_wait3A_455 = tpu.memref_slice %arg5[%mul3A_2, %dma_wait3A_453, %dma_wait3A_454] : memref<1024x200x64xf32, #tpu.memory_space<hbm>> -> memref<1x200x64xf32, #tpu.memory_space<hbm>>
        %dma_wait3A_456 = tpu.memref_squeeze %dma_wait3A_455 : memref<1x200x64xf32, #tpu.memory_space<hbm>> -> memref<200x64xf32, #tpu.memory_space<hbm>>
        %dma_wait3A_457 = arith.constant 0 : i32
        %dma_wait3A_458 = arith.constant 0 : i32
        %dma_wait3A_459 = tpu.memref_slice %arg5[%mul3A_2, %dma_wait3A_457, %dma_wait3A_458] : memref<1024x200x64xf32, #tpu.memory_space<hbm>> -> memref<1x200x64xf32, #tpu.memory_space<hbm>>
        %dma_wait3A_460 = tpu.memref_squeeze %dma_wait3A_459 : memref<1x200x64xf32, #tpu.memory_space<hbm>> -> memref<200x64xf32, #tpu.memory_space<hbm>>
        tpu.wait_dma2 semaphore(%arg24 : memref<!tpu.dma_semaphore, #tpu.memory_space<semaphore_mem>>) src(%arg8 : memref<200x64xf32, #tpu.memory_space<vmem>>) dst(%dma_wait3A_460 : memref<200x64xf32, #tpu.memory_space<hbm>>)
        %add3A_461 = arith.constant 8 : i32
        %add3A_462 = arith.addi %mul3A_159, %add3A_461 : i32
        %add3A_463 = arith.constant 0 : i32
        %add3A_464 = arith.addi %add3A_462, %add3A_463 : i32
        %dma_start3A_465 = arith.constant 0 : i32
        %dma_start3A_466 = arith.constant 0 : i32
        %dma_start3A_467 = arith.constant 0 : i32
        %dma_start3A_468 = tpu.memref_slice %arg8[%dma_start3A_466, %dma_start3A_467] : memref<200x64xf32, #tpu.memory_space<vmem>> -> memref<200x64xf32, #tpu.memory_space<vmem>>
        %dma_start3A_469 = arith.constant 0 : i32
        %dma_start3A_470 = tpu.memref_slice %arg6[%add3A_464, %dma_start3A_465, %dma_start3A_469] : memref<32x1x200xi32, #tpu.memory_space<vmem>> -> memref<1x1x200xi32, #tpu.memory_space<vmem>>
        %dma_start3A_471 = tpu.memref_squeeze %dma_start3A_470 : memref<1x1x200xi32, #tpu.memory_space<vmem>> -> memref<200xi32, #tpu.memory_space<vmem>>
        %dma_start3A_472 = arith.constant 0 : i32
        %dma_start3A_473 = arith.constant 0 : i32
        %dma_start3A_474 = tpu.memref_slice %arg3[%dma_start3A_472, %dma_start3A_473] : memref<1000000x64xf32, #tpu.memory_space<hbm>> -> memref<1000000x64xf32, #tpu.memory_space<hbm>>
        tpu.enqueue_indirect_dma source(%dma_start3A_474 : memref<1000000x64xf32, #tpu.memory_space<hbm>>) target(%dma_start3A_468 : memref<200x64xf32, #tpu.memory_space<vmem>>) offsets(%dma_start3A_471 : memref<200xi32, #tpu.memory_space<vmem>>) semaphore(%arg16 : memref<!tpu.dma_semaphore, #tpu.memory_space<semaphore_mem>>)
      } else {
      }
      %add3A_390 = arith.constant 8 : i32
      %add3A_391 = arith.addi %mul3A_159, %add3A_390 : i32
      %add3A_392 = arith.constant 1 : i32
      %add3A_393 = arith.addi %add3A_391, %add3A_392 : i32
      %lt3A_394 = arith.constant 32 : i32
      %lt3A_395 = arith.cmpi slt, %add3A_393, %lt3A_394 : i32
      %convert_element_type3A_396 = arith.extui %lt3A_395 : i1 to i32
      %cond3A_397 = arith.constant 0 : i32
      %cond3A_398 = arith.cmpi ne, %convert_element_type3A_396, %cond3A_397 : i32
      scf.if %cond3A_398 {
        %dma_wait3A_453 = arith.constant 0 : i32
        %dma_wait3A_454 = arith.constant 0 : i32
        %dma_wait3A_455 = tpu.memref_slice %arg5[%mul3A_2, %dma_wait3A_453, %dma_wait3A_454] : memref<1024x200x64xf32, #tpu.memory_space<hbm>> -> memref<1x200x64xf32, #tpu.memory_space<hbm>>
        %dma_wait3A_456 = tpu.memref_squeeze %dma_wait3A_455 : memref<1x200x64xf32, #tpu.memory_space<hbm>> -> memref<200x64xf32, #tpu.memory_space<hbm>>
        %dma_wait3A_457 = arith.constant 0 : i32
        %dma_wait3A_458 = arith.constant 0 : i32
        %dma_wait3A_459 = tpu.memref_slice %arg5[%mul3A_2, %dma_wait3A_457, %dma_wait3A_458] : memref<1024x200x64xf32, #tpu.memory_space<hbm>> -> memref<1x200x64xf32, #tpu.memory_space<hbm>>
        %dma_wait3A_460 = tpu.memref_squeeze %dma_wait3A_459 : memref<1x200x64xf32, #tpu.memory_space<hbm>> -> memref<200x64xf32, #tpu.memory_space<hbm>>
        tpu.wait_dma2 semaphore(%arg25 : memref<!tpu.dma_semaphore, #tpu.memory_space<semaphore_mem>>) src(%arg9 : memref<200x64xf32, #tpu.memory_space<vmem>>) dst(%dma_wait3A_460 : memref<200x64xf32, #tpu.memory_space<hbm>>)
        %add3A_461 = arith.constant 8 : i32
        %add3A_462 = arith.addi %mul3A_159, %add3A_461 : i32
        %add3A_463 = arith.constant 1 : i32
        %add3A_464 = arith.addi %add3A_462, %add3A_463 : i32
        %dma_start3A_465 = arith.constant 0 : i32
        %dma_start3A_466 = arith.constant 0 : i32
        %dma_start3A_467 = arith.constant 0 : i32
        %dma_start3A_468 = tpu.memref_slice %arg9[%dma_start3A_466, %dma_start3A_467] : memref<200x64xf32, #tpu.memory_space<vmem>> -> memref<200x64xf32, #tpu.memory_space<vmem>>
        %dma_start3A_469 = arith.constant 0 : i32
        %dma_start3A_470 = tpu.memref_slice %arg6[%add3A_464, %dma_start3A_465, %dma_start3A_469] : memref<32x1x200xi32, #tpu.memory_space<vmem>> -> memref<1x1x200xi32, #tpu.memory_space<vmem>>
        %dma_start3A_471 = tpu.memref_squeeze %dma_start3A_470 : memref<1x1x200xi32, #tpu.memory_space<vmem>> -> memref<200xi32, #tpu.memory_space<vmem>>
        %dma_start3A_472 = arith.constant 0 : i32
        %dma_start3A_473 = arith.constant 0 : i32
        %dma_start3A_474 = tpu.memref_slice %arg3[%dma_start3A_472, %dma_start3A_473] : memref<1000000x64xf32, #tpu.memory_space<hbm>> -> memref<1000000x64xf32, #tpu.memory_space<hbm>>
        tpu.enqueue_indirect_dma source(%dma_start3A_474 : memref<1000000x64xf32, #tpu.memory_space<hbm>>) target(%dma_start3A_468 : memref<200x64xf32, #tpu.memory_space<vmem>>) offsets(%dma_start3A_471 : memref<200xi32, #tpu.memory_space<vmem>>) semaphore(%arg17 : memref<!tpu.dma_semaphore, #tpu.memory_space<semaphore_mem>>)
      } else {
      }
      %add3A_399 = arith.constant 8 : i32
      %add3A_400 = arith.addi %mul3A_159, %add3A_399 : i32
      %add3A_401 = arith.constant 2 : i32
      %add3A_402 = arith.addi %add3A_400, %add3A_401 : i32
      %lt3A_403 = arith.constant 32 : i32
      %lt3A_404 = arith.cmpi slt, %add3A_402, %lt3A_403 : i32
      %convert_element_type3A_405 = arith.extui %lt3A_404 : i1 to i32
      %cond3A_406 = arith.constant 0 : i32
      %cond3A_407 = arith.cmpi ne, %convert_element_type3A_405, %cond3A_406 : i32
      scf.if %cond3A_407 {
        %dma_wait3A_453 = arith.constant 0 : i32
        %dma_wait3A_454 = arith.constant 0 : i32
        %dma_wait3A_455 = tpu.memref_slice %arg5[%mul3A_2, %dma_wait3A_453, %dma_wait3A_454] : memref<1024x200x64xf32, #tpu.memory_space<hbm>> -> memref<1x200x64xf32, #tpu.memory_space<hbm>>
        %dma_wait3A_456 = tpu.memref_squeeze %dma_wait3A_455 : memref<1x200x64xf32, #tpu.memory_space<hbm>> -> memref<200x64xf32, #tpu.memory_space<hbm>>
        %dma_wait3A_457 = arith.constant 0 : i32
        %dma_wait3A_458 = arith.constant 0 : i32
        %dma_wait3A_459 = tpu.memref_slice %arg5[%mul3A_2, %dma_wait3A_457, %dma_wait3A_458] : memref<1024x200x64xf32, #tpu.memory_space<hbm>> -> memref<1x200x64xf32, #tpu.memory_space<hbm>>
        %dma_wait3A_460 = tpu.memref_squeeze %dma_wait3A_459 : memref<1x200x64xf32, #tpu.memory_space<hbm>> -> memref<200x64xf32, #tpu.memory_space<hbm>>
        tpu.wait_dma2 semaphore(%arg26 : memref<!tpu.dma_semaphore, #tpu.memory_space<semaphore_mem>>) src(%arg10 : memref<200x64xf32, #tpu.memory_space<vmem>>) dst(%dma_wait3A_460 : memref<200x64xf32, #tpu.memory_space<hbm>>)
        %add3A_461 = arith.constant 8 : i32
        %add3A_462 = arith.addi %mul3A_159, %add3A_461 : i32
        %add3A_463 = arith.constant 2 : i32
        %add3A_464 = arith.addi %add3A_462, %add3A_463 : i32
        %dma_start3A_465 = arith.constant 0 : i32
        %dma_start3A_466 = arith.constant 0 : i32
        %dma_start3A_467 = arith.constant 0 : i32
        %dma_start3A_468 = tpu.memref_slice %arg10[%dma_start3A_466, %dma_start3A_467] : memref<200x64xf32, #tpu.memory_space<vmem>> -> memref<200x64xf32, #tpu.memory_space<vmem>>
        %dma_start3A_469 = arith.constant 0 : i32
        %dma_start3A_470 = tpu.memref_slice %arg6[%add3A_464, %dma_start3A_465, %dma_start3A_469] : memref<32x1x200xi32, #tpu.memory_space<vmem>> -> memref<1x1x200xi32, #tpu.memory_space<vmem>>
        %dma_start3A_471 = tpu.memref_squeeze %dma_start3A_470 : memref<1x1x200xi32, #tpu.memory_space<vmem>> -> memref<200xi32, #tpu.memory_space<vmem>>
        %dma_start3A_472 = arith.constant 0 : i32
        %dma_start3A_473 = arith.constant 0 : i32
        %dma_start3A_474 = tpu.memref_slice %arg3[%dma_start3A_472, %dma_start3A_473] : memref<1000000x64xf32, #tpu.memory_space<hbm>> -> memref<1000000x64xf32, #tpu.memory_space<hbm>>
        tpu.enqueue_indirect_dma source(%dma_start3A_474 : memref<1000000x64xf32, #tpu.memory_space<hbm>>) target(%dma_start3A_468 : memref<200x64xf32, #tpu.memory_space<vmem>>) offsets(%dma_start3A_471 : memref<200xi32, #tpu.memory_space<vmem>>) semaphore(%arg18 : memref<!tpu.dma_semaphore, #tpu.memory_space<semaphore_mem>>)
      } else {
      }
      %add3A_408 = arith.constant 8 : i32
      %add3A_409 = arith.addi %mul3A_159, %add3A_408 : i32
      %add3A_410 = arith.constant 3 : i32
      %add3A_411 = arith.addi %add3A_409, %add3A_410 : i32
      %lt3A_412 = arith.constant 32 : i32
      %lt3A_413 = arith.cmpi slt, %add3A_411, %lt3A_412 : i32
      %convert_element_type3A_414 = arith.extui %lt3A_413 : i1 to i32
      %cond3A_415 = arith.constant 0 : i32
      %cond3A_416 = arith.cmpi ne, %convert_element_type3A_414, %cond3A_415 : i32
      scf.if %cond3A_416 {
        %dma_wait3A_453 = arith.constant 0 : i32
        %dma_wait3A_454 = arith.constant 0 : i32
        %dma_wait3A_455 = tpu.memref_slice %arg5[%mul3A_2, %dma_wait3A_453, %dma_wait3A_454] : memref<1024x200x64xf32, #tpu.memory_space<hbm>> -> memref<1x200x64xf32, #tpu.memory_space<hbm>>
        %dma_wait3A_456 = tpu.memref_squeeze %dma_wait3A_455 : memref<1x200x64xf32, #tpu.memory_space<hbm>> -> memref<200x64xf32, #tpu.memory_space<hbm>>
        %dma_wait3A_457 = arith.constant 0 : i32
        %dma_wait3A_458 = arith.constant 0 : i32
        %dma_wait3A_459 = tpu.memref_slice %arg5[%mul3A_2, %dma_wait3A_457, %dma_wait3A_458] : memref<1024x200x64xf32, #tpu.memory_space<hbm>> -> memref<1x200x64xf32, #tpu.memory_space<hbm>>
        %dma_wait3A_460 = tpu.memref_squeeze %dma_wait3A_459 : memref<1x200x64xf32, #tpu.memory_space<hbm>> -> memref<200x64xf32, #tpu.memory_space<hbm>>
        tpu.wait_dma2 semaphore(%arg27 : memref<!tpu.dma_semaphore, #tpu.memory_space<semaphore_mem>>) src(%arg11 : memref<200x64xf32, #tpu.memory_space<vmem>>) dst(%dma_wait3A_460 : memref<200x64xf32, #tpu.memory_space<hbm>>)
        %add3A_461 = arith.constant 8 : i32
        %add3A_462 = arith.addi %mul3A_159, %add3A_461 : i32
        %add3A_463 = arith.constant 3 : i32
        %add3A_464 = arith.addi %add3A_462, %add3A_463 : i32
        %dma_start3A_465 = arith.constant 0 : i32
        %dma_start3A_466 = arith.constant 0 : i32
        %dma_start3A_467 = arith.constant 0 : i32
        %dma_start3A_468 = tpu.memref_slice %arg11[%dma_start3A_466, %dma_start3A_467] : memref<200x64xf32, #tpu.memory_space<vmem>> -> memref<200x64xf32, #tpu.memory_space<vmem>>
        %dma_start3A_469 = arith.constant 0 : i32
        %dma_start3A_470 = tpu.memref_slice %arg6[%add3A_464, %dma_start3A_465, %dma_start3A_469] : memref<32x1x200xi32, #tpu.memory_space<vmem>> -> memref<1x1x200xi32, #tpu.memory_space<vmem>>
        %dma_start3A_471 = tpu.memref_squeeze %dma_start3A_470 : memref<1x1x200xi32, #tpu.memory_space<vmem>> -> memref<200xi32, #tpu.memory_space<vmem>>
        %dma_start3A_472 = arith.constant 0 : i32
        %dma_start3A_473 = arith.constant 0 : i32
        %dma_start3A_474 = tpu.memref_slice %arg3[%dma_start3A_472, %dma_start3A_473] : memref<1000000x64xf32, #tpu.memory_space<hbm>> -> memref<1000000x64xf32, #tpu.memory_space<hbm>>
        tpu.enqueue_indirect_dma source(%dma_start3A_474 : memref<1000000x64xf32, #tpu.memory_space<hbm>>) target(%dma_start3A_468 : memref<200x64xf32, #tpu.memory_space<vmem>>) offsets(%dma_start3A_471 : memref<200xi32, #tpu.memory_space<vmem>>) semaphore(%arg19 : memref<!tpu.dma_semaphore, #tpu.memory_space<semaphore_mem>>)
      } else {
      }
      %add3A_417 = arith.constant 8 : i32
      %add3A_418 = arith.addi %mul3A_159, %add3A_417 : i32
      %add3A_419 = arith.constant 4 : i32
      %add3A_420 = arith.addi %add3A_418, %add3A_419 : i32
      %lt3A_421 = arith.constant 32 : i32
      %lt3A_422 = arith.cmpi slt, %add3A_420, %lt3A_421 : i32
      %convert_element_type3A_423 = arith.extui %lt3A_422 : i1 to i32
      %cond3A_424 = arith.constant 0 : i32
      %cond3A_425 = arith.cmpi ne, %convert_element_type3A_423, %cond3A_424 : i32
      scf.if %cond3A_425 {
        %dma_wait3A_453 = arith.constant 0 : i32
        %dma_wait3A_454 = arith.constant 0 : i32
        %dma_wait3A_455 = tpu.memref_slice %arg5[%mul3A_2, %dma_wait3A_453, %dma_wait3A_454] : memref<1024x200x64xf32, #tpu.memory_space<hbm>> -> memref<1x200x64xf32, #tpu.memory_space<hbm>>
        %dma_wait3A_456 = tpu.memref_squeeze %dma_wait3A_455 : memref<1x200x64xf32, #tpu.memory_space<hbm>> -> memref<200x64xf32, #tpu.memory_space<hbm>>
        %dma_wait3A_457 = arith.constant 0 : i32
        %dma_wait3A_458 = arith.constant 0 : i32
        %dma_wait3A_459 = tpu.memref_slice %arg5[%mul3A_2, %dma_wait3A_457, %dma_wait3A_458] : memref<1024x200x64xf32, #tpu.memory_space<hbm>> -> memref<1x200x64xf32, #tpu.memory_space<hbm>>
        %dma_wait3A_460 = tpu.memref_squeeze %dma_wait3A_459 : memref<1x200x64xf32, #tpu.memory_space<hbm>> -> memref<200x64xf32, #tpu.memory_space<hbm>>
        tpu.wait_dma2 semaphore(%arg28 : memref<!tpu.dma_semaphore, #tpu.memory_space<semaphore_mem>>) src(%arg12 : memref<200x64xf32, #tpu.memory_space<vmem>>) dst(%dma_wait3A_460 : memref<200x64xf32, #tpu.memory_space<hbm>>)
        %add3A_461 = arith.constant 8 : i32
        %add3A_462 = arith.addi %mul3A_159, %add3A_461 : i32
        %add3A_463 = arith.constant 4 : i32
        %add3A_464 = arith.addi %add3A_462, %add3A_463 : i32
        %dma_start3A_465 = arith.constant 0 : i32
        %dma_start3A_466 = arith.constant 0 : i32
        %dma_start3A_467 = arith.constant 0 : i32
        %dma_start3A_468 = tpu.memref_slice %arg12[%dma_start3A_466, %dma_start3A_467] : memref<200x64xf32, #tpu.memory_space<vmem>> -> memref<200x64xf32, #tpu.memory_space<vmem>>
        %dma_start3A_469 = arith.constant 0 : i32
        %dma_start3A_470 = tpu.memref_slice %arg6[%add3A_464, %dma_start3A_465, %dma_start3A_469] : memref<32x1x200xi32, #tpu.memory_space<vmem>> -> memref<1x1x200xi32, #tpu.memory_space<vmem>>
        %dma_start3A_471 = tpu.memref_squeeze %dma_start3A_470 : memref<1x1x200xi32, #tpu.memory_space<vmem>> -> memref<200xi32, #tpu.memory_space<vmem>>
        %dma_start3A_472 = arith.constant 0 : i32
        %dma_start3A_473 = arith.constant 0 : i32
        %dma_start3A_474 = tpu.memref_slice %arg3[%dma_start3A_472, %dma_start3A_473] : memref<1000000x64xf32, #tpu.memory_space<hbm>> -> memref<1000000x64xf32, #tpu.memory_space<hbm>>
        tpu.enqueue_indirect_dma source(%dma_start3A_474 : memref<1000000x64xf32, #tpu.memory_space<hbm>>) target(%dma_start3A_468 : memref<200x64xf32, #tpu.memory_space<vmem>>) offsets(%dma_start3A_471 : memref<200xi32, #tpu.memory_space<vmem>>) semaphore(%arg20 : memref<!tpu.dma_semaphore, #tpu.memory_space<semaphore_mem>>)
      } else {
      }
      %add3A_426 = arith.constant 8 : i32
      %add3A_427 = arith.addi %mul3A_159, %add3A_426 : i32
      %add3A_428 = arith.constant 5 : i32
      %add3A_429 = arith.addi %add3A_427, %add3A_428 : i32
      %lt3A_430 = arith.constant 32 : i32
      %lt3A_431 = arith.cmpi slt, %add3A_429, %lt3A_430 : i32
      %convert_element_type3A_432 = arith.extui %lt3A_431 : i1 to i32
      %cond3A_433 = arith.constant 0 : i32
      %cond3A_434 = arith.cmpi ne, %convert_element_type3A_432, %cond3A_433 : i32
      scf.if %cond3A_434 {
        %dma_wait3A_453 = arith.constant 0 : i32
        %dma_wait3A_454 = arith.constant 0 : i32
        %dma_wait3A_455 = tpu.memref_slice %arg5[%mul3A_2, %dma_wait3A_453, %dma_wait3A_454] : memref<1024x200x64xf32, #tpu.memory_space<hbm>> -> memref<1x200x64xf32, #tpu.memory_space<hbm>>
        %dma_wait3A_456 = tpu.memref_squeeze %dma_wait3A_455 : memref<1x200x64xf32, #tpu.memory_space<hbm>> -> memref<200x64xf32, #tpu.memory_space<hbm>>
        %dma_wait3A_457 = arith.constant 0 : i32
        %dma_wait3A_458 = arith.constant 0 : i32
        %dma_wait3A_459 = tpu.memref_slice %arg5[%mul3A_2, %dma_wait3A_457, %dma_wait3A_458] : memref<1024x200x64xf32, #tpu.memory_space<hbm>> -> memref<1x200x64xf32, #tpu.memory_space<hbm>>
        %dma_wait3A_460 = tpu.memref_squeeze %dma_wait3A_459 : memref<1x200x64xf32, #tpu.memory_space<hbm>> -> memref<200x64xf32, #tpu.memory_space<hbm>>
        tpu.wait_dma2 semaphore(%arg29 : memref<!tpu.dma_semaphore, #tpu.memory_space<semaphore_mem>>) src(%arg13 : memref<200x64xf32, #tpu.memory_space<vmem>>) dst(%dma_wait3A_460 : memref<200x64xf32, #tpu.memory_space<hbm>>)
        %add3A_461 = arith.constant 8 : i32
        %add3A_462 = arith.addi %mul3A_159, %add3A_461 : i32
        %add3A_463 = arith.constant 5 : i32
        %add3A_464 = arith.addi %add3A_462, %add3A_463 : i32
        %dma_start3A_465 = arith.constant 0 : i32
        %dma_start3A_466 = arith.constant 0 : i32
        %dma_start3A_467 = arith.constant 0 : i32
        %dma_start3A_468 = tpu.memref_slice %arg13[%dma_start3A_466, %dma_start3A_467] : memref<200x64xf32, #tpu.memory_space<vmem>> -> memref<200x64xf32, #tpu.memory_space<vmem>>
        %dma_start3A_469 = arith.constant 0 : i32
        %dma_start3A_470 = tpu.memref_slice %arg6[%add3A_464, %dma_start3A_465, %dma_start3A_469] : memref<32x1x200xi32, #tpu.memory_space<vmem>> -> memref<1x1x200xi32, #tpu.memory_space<vmem>>
        %dma_start3A_471 = tpu.memref_squeeze %dma_start3A_470 : memref<1x1x200xi32, #tpu.memory_space<vmem>> -> memref<200xi32, #tpu.memory_space<vmem>>
        %dma_start3A_472 = arith.constant 0 : i32
        %dma_start3A_473 = arith.constant 0 : i32
        %dma_start3A_474 = tpu.memref_slice %arg3[%dma_start3A_472, %dma_start3A_473] : memref<1000000x64xf32, #tpu.memory_space<hbm>> -> memref<1000000x64xf32, #tpu.memory_space<hbm>>
        tpu.enqueue_indirect_dma source(%dma_start3A_474 : memref<1000000x64xf32, #tpu.memory_space<hbm>>) target(%dma_start3A_468 : memref<200x64xf32, #tpu.memory_space<vmem>>) offsets(%dma_start3A_471 : memref<200xi32, #tpu.memory_space<vmem>>) semaphore(%arg21 : memref<!tpu.dma_semaphore, #tpu.memory_space<semaphore_mem>>)
      } else {
      }
      %add3A_435 = arith.constant 8 : i32
      %add3A_436 = arith.addi %mul3A_159, %add3A_435 : i32
      %add3A_437 = arith.constant 6 : i32
      %add3A_438 = arith.addi %add3A_436, %add3A_437 : i32
      %lt3A_439 = arith.constant 32 : i32
      %lt3A_440 = arith.cmpi slt, %add3A_438, %lt3A_439 : i32
      %convert_element_type3A_441 = arith.extui %lt3A_440 : i1 to i32
      %cond3A_442 = arith.constant 0 : i32
      %cond3A_443 = arith.cmpi ne, %convert_element_type3A_441, %cond3A_442 : i32
      scf.if %cond3A_443 {
        %dma_wait3A_453 = arith.constant 0 : i32
        %dma_wait3A_454 = arith.constant 0 : i32
        %dma_wait3A_455 = tpu.memref_slice %arg5[%mul3A_2, %dma_wait3A_453, %dma_wait3A_454] : memref<1024x200x64xf32, #tpu.memory_space<hbm>> -> memref<1x200x64xf32, #tpu.memory_space<hbm>>
        %dma_wait3A_456 = tpu.memref_squeeze %dma_wait3A_455 : memref<1x200x64xf32, #tpu.memory_space<hbm>> -> memref<200x64xf32, #tpu.memory_space<hbm>>
        %dma_wait3A_457 = arith.constant 0 : i32
        %dma_wait3A_458 = arith.constant 0 : i32
        %dma_wait3A_459 = tpu.memref_slice %arg5[%mul3A_2, %dma_wait3A_457, %dma_wait3A_458] : memref<1024x200x64xf32, #tpu.memory_space<hbm>> -> memref<1x200x64xf32, #tpu.memory_space<hbm>>
        %dma_wait3A_460 = tpu.memref_squeeze %dma_wait3A_459 : memref<1x200x64xf32, #tpu.memory_space<hbm>> -> memref<200x64xf32, #tpu.memory_space<hbm>>
        tpu.wait_dma2 semaphore(%arg30 : memref<!tpu.dma_semaphore, #tpu.memory_space<semaphore_mem>>) src(%arg14 : memref<200x64xf32, #tpu.memory_space<vmem>>) dst(%dma_wait3A_460 : memref<200x64xf32, #tpu.memory_space<hbm>>)
        %add3A_461 = arith.constant 8 : i32
        %add3A_462 = arith.addi %mul3A_159, %add3A_461 : i32
        %add3A_463 = arith.constant 6 : i32
        %add3A_464 = arith.addi %add3A_462, %add3A_463 : i32
        %dma_start3A_465 = arith.constant 0 : i32
        %dma_start3A_466 = arith.constant 0 : i32
        %dma_start3A_467 = arith.constant 0 : i32
        %dma_start3A_468 = tpu.memref_slice %arg14[%dma_start3A_466, %dma_start3A_467] : memref<200x64xf32, #tpu.memory_space<vmem>> -> memref<200x64xf32, #tpu.memory_space<vmem>>
        %dma_start3A_469 = arith.constant 0 : i32
        %dma_start3A_470 = tpu.memref_slice %arg6[%add3A_464, %dma_start3A_465, %dma_start3A_469] : memref<32x1x200xi32, #tpu.memory_space<vmem>> -> memref<1x1x200xi32, #tpu.memory_space<vmem>>
        %dma_start3A_471 = tpu.memref_squeeze %dma_start3A_470 : memref<1x1x200xi32, #tpu.memory_space<vmem>> -> memref<200xi32, #tpu.memory_space<vmem>>
        %dma_start3A_472 = arith.constant 0 : i32
        %dma_start3A_473 = arith.constant 0 : i32
        %dma_start3A_474 = tpu.memref_slice %arg3[%dma_start3A_472, %dma_start3A_473] : memref<1000000x64xf32, #tpu.memory_space<hbm>> -> memref<1000000x64xf32, #tpu.memory_space<hbm>>
        tpu.enqueue_indirect_dma source(%dma_start3A_474 : memref<1000000x64xf32, #tpu.memory_space<hbm>>) target(%dma_start3A_468 : memref<200x64xf32, #tpu.memory_space<vmem>>) offsets(%dma_start3A_471 : memref<200xi32, #tpu.memory_space<vmem>>) semaphore(%arg22 : memref<!tpu.dma_semaphore, #tpu.memory_space<semaphore_mem>>)
      } else {
      }
      %add3A_444 = arith.constant 8 : i32
      %add3A_445 = arith.addi %mul3A_159, %add3A_444 : i32
      %add3A_446 = arith.constant 7 : i32
      %add3A_447 = arith.addi %add3A_445, %add3A_446 : i32
      %lt3A_448 = arith.constant 32 : i32
      %lt3A_449 = arith.cmpi slt, %add3A_447, %lt3A_448 : i32
      %convert_element_type3A_450 = arith.extui %lt3A_449 : i1 to i32
      %cond3A_451 = arith.constant 0 : i32
      %cond3A_452 = arith.cmpi ne, %convert_element_type3A_450, %cond3A_451 : i32
      scf.if %cond3A_452 {
        %dma_wait3A_453 = arith.constant 0 : i32
        %dma_wait3A_454 = arith.constant 0 : i32
        %dma_wait3A_455 = tpu.memref_slice %arg5[%mul3A_2, %dma_wait3A_453, %dma_wait3A_454] : memref<1024x200x64xf32, #tpu.memory_space<hbm>> -> memref<1x200x64xf32, #tpu.memory_space<hbm>>
        %dma_wait3A_456 = tpu.memref_squeeze %dma_wait3A_455 : memref<1x200x64xf32, #tpu.memory_space<hbm>> -> memref<200x64xf32, #tpu.memory_space<hbm>>
        %dma_wait3A_457 = arith.constant 0 : i32
        %dma_wait3A_458 = arith.constant 0 : i32
        %dma_wait3A_459 = tpu.memref_slice %arg5[%mul3A_2, %dma_wait3A_457, %dma_wait3A_458] : memref<1024x200x64xf32, #tpu.memory_space<hbm>> -> memref<1x200x64xf32, #tpu.memory_space<hbm>>
        %dma_wait3A_460 = tpu.memref_squeeze %dma_wait3A_459 : memref<1x200x64xf32, #tpu.memory_space<hbm>> -> memref<200x64xf32, #tpu.memory_space<hbm>>
        tpu.wait_dma2 semaphore(%arg31 : memref<!tpu.dma_semaphore, #tpu.memory_space<semaphore_mem>>) src(%arg15 : memref<200x64xf32, #tpu.memory_space<vmem>>) dst(%dma_wait3A_460 : memref<200x64xf32, #tpu.memory_space<hbm>>)
        %add3A_461 = arith.constant 8 : i32
        %add3A_462 = arith.addi %mul3A_159, %add3A_461 : i32
        %add3A_463 = arith.constant 7 : i32
        %add3A_464 = arith.addi %add3A_462, %add3A_463 : i32
        %dma_start3A_465 = arith.constant 0 : i32
        %dma_start3A_466 = arith.constant 0 : i32
        %dma_start3A_467 = arith.constant 0 : i32
        %dma_start3A_468 = tpu.memref_slice %arg15[%dma_start3A_466, %dma_start3A_467] : memref<200x64xf32, #tpu.memory_space<vmem>> -> memref<200x64xf32, #tpu.memory_space<vmem>>
        %dma_start3A_469 = arith.constant 0 : i32
        %dma_start3A_470 = tpu.memref_slice %arg6[%add3A_464, %dma_start3A_465, %dma_start3A_469] : memref<32x1x200xi32, #tpu.memory_space<vmem>> -> memref<1x1x200xi32, #tpu.memory_space<vmem>>
        %dma_start3A_471 = tpu.memref_squeeze %dma_start3A_470 : memref<1x1x200xi32, #tpu.memory_space<vmem>> -> memref<200xi32, #tpu.memory_space<vmem>>
        %dma_start3A_472 = arith.constant 0 : i32
        %dma_start3A_473 = arith.constant 0 : i32
        %dma_start3A_474 = tpu.memref_slice %arg3[%dma_start3A_472, %dma_start3A_473] : memref<1000000x64xf32, #tpu.memory_space<hbm>> -> memref<1000000x64xf32, #tpu.memory_space<hbm>>
        tpu.enqueue_indirect_dma source(%dma_start3A_474 : memref<1000000x64xf32, #tpu.memory_space<hbm>>) target(%dma_start3A_468 : memref<200x64xf32, #tpu.memory_space<vmem>>) offsets(%dma_start3A_471 : memref<200xi32, #tpu.memory_space<vmem>>) semaphore(%arg23 : memref<!tpu.dma_semaphore, #tpu.memory_space<semaphore_mem>>)
      } else {
      }
    }
    %scan3A_93 = arith.constant 4 : i32
    %dma_wait3A = arith.constant 0 : i32
    %dma_wait3A_94 = arith.constant 0 : i32
    %dma_wait3A_95 = tpu.memref_slice %arg5[%mul3A_2, %dma_wait3A, %dma_wait3A_94] : memref<1024x200x64xf32, #tpu.memory_space<hbm>> -> memref<1x200x64xf32, #tpu.memory_space<hbm>>
    %dma_wait3A_96 = tpu.memref_squeeze %dma_wait3A_95 : memref<1x200x64xf32, #tpu.memory_space<hbm>> -> memref<200x64xf32, #tpu.memory_space<hbm>>
    %dma_wait3A_97 = arith.constant 0 : i32
    %dma_wait3A_98 = arith.constant 0 : i32
    %dma_wait3A_99 = tpu.memref_slice %arg5[%mul3A_2, %dma_wait3A_97, %dma_wait3A_98] : memref<1024x200x64xf32, #tpu.memory_space<hbm>> -> memref<1x200x64xf32, #tpu.memory_space<hbm>>
    %dma_wait3A_100 = tpu.memref_squeeze %dma_wait3A_99 : memref<1x200x64xf32, #tpu.memory_space<hbm>> -> memref<200x64xf32, #tpu.memory_space<hbm>>
    tpu.wait_dma2 semaphore(%arg24 : memref<!tpu.dma_semaphore, #tpu.memory_space<semaphore_mem>>) src(%arg8 : memref<200x64xf32, #tpu.memory_space<vmem>>) dst(%dma_wait3A_100 : memref<200x64xf32, #tpu.memory_space<hbm>>)
    %dma_wait3A_101 = arith.constant 0 : i32
    %dma_wait3A_102 = arith.constant 0 : i32
    %dma_wait3A_103 = tpu.memref_slice %arg5[%mul3A_2, %dma_wait3A_101, %dma_wait3A_102] : memref<1024x200x64xf32, #tpu.memory_space<hbm>> -> memref<1x200x64xf32, #tpu.memory_space<hbm>>
    %dma_wait3A_104 = tpu.memref_squeeze %dma_wait3A_103 : memref<1x200x64xf32, #tpu.memory_space<hbm>> -> memref<200x64xf32, #tpu.memory_space<hbm>>
    %dma_wait3A_105 = arith.constant 0 : i32
    %dma_wait3A_106 = arith.constant 0 : i32
    %dma_wait3A_107 = tpu.memref_slice %arg5[%mul3A_2, %dma_wait3A_105, %dma_wait3A_106] : memref<1024x200x64xf32, #tpu.memory_space<hbm>> -> memref<1x200x64xf32, #tpu.memory_space<hbm>>
    %dma_wait3A_108 = tpu.memref_squeeze %dma_wait3A_107 : memref<1x200x64xf32, #tpu.memory_space<hbm>> -> memref<200x64xf32, #tpu.memory_space<hbm>>
    tpu.wait_dma2 semaphore(%arg25 : memref<!tpu.dma_semaphore, #tpu.memory_space<semaphore_mem>>) src(%arg9 : memref<200x64xf32, #tpu.memory_space<vmem>>) dst(%dma_wait3A_108 : memref<200x64xf32, #tpu.memory_space<hbm>>)
    %dma_wait3A_109 = arith.constant 0 : i32
    %dma_wait3A_110 = arith.constant 0 : i32
    %dma_wait3A_111 = tpu.memref_slice %arg5[%mul3A_2, %dma_wait3A_109, %dma_wait3A_110] : memref<1024x200x64xf32, #tpu.memory_space<hbm>> -> memref<1x200x64xf32, #tpu.memory_space<hbm>>
    %dma_wait3A_112 = tpu.memref_squeeze %dma_wait3A_111 : memref<1x200x64xf32, #tpu.memory_space<hbm>> -> memref<200x64xf32, #tpu.memory_space<hbm>>
    %dma_wait3A_113 = arith.constant 0 : i32
    %dma_wait3A_114 = arith.constant 0 : i32
    %dma_wait3A_115 = tpu.memref_slice %arg5[%mul3A_2, %dma_wait3A_113, %dma_wait3A_114] : memref<1024x200x64xf32, #tpu.memory_space<hbm>> -> memref<1x200x64xf32, #tpu.memory_space<hbm>>
    %dma_wait3A_116 = tpu.memref_squeeze %dma_wait3A_115 : memref<1x200x64xf32, #tpu.memory_space<hbm>> -> memref<200x64xf32, #tpu.memory_space<hbm>>
    tpu.wait_dma2 semaphore(%arg26 : memref<!tpu.dma_semaphore, #tpu.memory_space<semaphore_mem>>) src(%arg10 : memref<200x64xf32, #tpu.memory_space<vmem>>) dst(%dma_wait3A_116 : memref<200x64xf32, #tpu.memory_space<hbm>>)
    %dma_wait3A_117 = arith.constant 0 : i32
    %dma_wait3A_118 = arith.constant 0 : i32
    %dma_wait3A_119 = tpu.memref_slice %arg5[%mul3A_2, %dma_wait3A_117, %dma_wait3A_118] : memref<1024x200x64xf32, #tpu.memory_space<hbm>> -> memref<1x200x64xf32, #tpu.memory_space<hbm>>
    %dma_wait3A_120 = tpu.memref_squeeze %dma_wait3A_119 : memref<1x200x64xf32, #tpu.memory_space<hbm>> -> memref<200x64xf32, #tpu.memory_space<hbm>>
    %dma_wait3A_121 = arith.constant 0 : i32
    %dma_wait3A_122 = arith.constant 0 : i32
    %dma_wait3A_123 = tpu.memref_slice %arg5[%mul3A_2, %dma_wait3A_121, %dma_wait3A_122] : memref<1024x200x64xf32, #tpu.memory_space<hbm>> -> memref<1x200x64xf32, #tpu.memory_space<hbm>>
    %dma_wait3A_124 = tpu.memref_squeeze %dma_wait3A_123 : memref<1x200x64xf32, #tpu.memory_space<hbm>> -> memref<200x64xf32, #tpu.memory_space<hbm>>
    tpu.wait_dma2 semaphore(%arg27 : memref<!tpu.dma_semaphore, #tpu.memory_space<semaphore_mem>>) src(%arg11 : memref<200x64xf32, #tpu.memory_space<vmem>>) dst(%dma_wait3A_124 : memref<200x64xf32, #tpu.memory_space<hbm>>)
    %dma_wait3A_125 = arith.constant 0 : i32
    %dma_wait3A_126 = arith.constant 0 : i32
    %dma_wait3A_127 = tpu.memref_slice %arg5[%mul3A_2, %dma_wait3A_125, %dma_wait3A_126] : memref<1024x200x64xf32, #tpu.memory_space<hbm>> -> memref<1x200x64xf32, #tpu.memory_space<hbm>>
    %dma_wait3A_128 = tpu.memref_squeeze %dma_wait3A_127 : memref<1x200x64xf32, #tpu.memory_space<hbm>> -> memref<200x64xf32, #tpu.memory_space<hbm>>
    %dma_wait3A_129 = arith.constant 0 : i32
    %dma_wait3A_130 = arith.constant 0 : i32
    %dma_wait3A_131 = tpu.memref_slice %arg5[%mul3A_2, %dma_wait3A_129, %dma_wait3A_130] : memref<1024x200x64xf32, #tpu.memory_space<hbm>> -> memref<1x200x64xf32, #tpu.memory_space<hbm>>
    %dma_wait3A_132 = tpu.memref_squeeze %dma_wait3A_131 : memref<1x200x64xf32, #tpu.memory_space<hbm>> -> memref<200x64xf32, #tpu.memory_space<hbm>>
    tpu.wait_dma2 semaphore(%arg28 : memref<!tpu.dma_semaphore, #tpu.memory_space<semaphore_mem>>) src(%arg12 : memref<200x64xf32, #tpu.memory_space<vmem>>) dst(%dma_wait3A_132 : memref<200x64xf32, #tpu.memory_space<hbm>>)
    %dma_wait3A_133 = arith.constant 0 : i32
    %dma_wait3A_134 = arith.constant 0 : i32
    %dma_wait3A_135 = tpu.memref_slice %arg5[%mul3A_2, %dma_wait3A_133, %dma_wait3A_134] : memref<1024x200x64xf32, #tpu.memory_space<hbm>> -> memref<1x200x64xf32, #tpu.memory_space<hbm>>
    %dma_wait3A_136 = tpu.memref_squeeze %dma_wait3A_135 : memref<1x200x64xf32, #tpu.memory_space<hbm>> -> memref<200x64xf32, #tpu.memory_space<hbm>>
    %dma_wait3A_137 = arith.constant 0 : i32
    %dma_wait3A_138 = arith.constant 0 : i32
    %dma_wait3A_139 = tpu.memref_slice %arg5[%mul3A_2, %dma_wait3A_137, %dma_wait3A_138] : memref<1024x200x64xf32, #tpu.memory_space<hbm>> -> memref<1x200x64xf32, #tpu.memory_space<hbm>>
    %dma_wait3A_140 = tpu.memref_squeeze %dma_wait3A_139 : memref<1x200x64xf32, #tpu.memory_space<hbm>> -> memref<200x64xf32, #tpu.memory_space<hbm>>
    tpu.wait_dma2 semaphore(%arg29 : memref<!tpu.dma_semaphore, #tpu.memory_space<semaphore_mem>>) src(%arg13 : memref<200x64xf32, #tpu.memory_space<vmem>>) dst(%dma_wait3A_140 : memref<200x64xf32, #tpu.memory_space<hbm>>)
    %dma_wait3A_141 = arith.constant 0 : i32
    %dma_wait3A_142 = arith.constant 0 : i32
    %dma_wait3A_143 = tpu.memref_slice %arg5[%mul3A_2, %dma_wait3A_141, %dma_wait3A_142] : memref<1024x200x64xf32, #tpu.memory_space<hbm>> -> memref<1x200x64xf32, #tpu.memory_space<hbm>>
    %dma_wait3A_144 = tpu.memref_squeeze %dma_wait3A_143 : memref<1x200x64xf32, #tpu.memory_space<hbm>> -> memref<200x64xf32, #tpu.memory_space<hbm>>
    %dma_wait3A_145 = arith.constant 0 : i32
    %dma_wait3A_146 = arith.constant 0 : i32
    %dma_wait3A_147 = tpu.memref_slice %arg5[%mul3A_2, %dma_wait3A_145, %dma_wait3A_146] : memref<1024x200x64xf32, #tpu.memory_space<hbm>> -> memref<1x200x64xf32, #tpu.memory_space<hbm>>
    %dma_wait3A_148 = tpu.memref_squeeze %dma_wait3A_147 : memref<1x200x64xf32, #tpu.memory_space<hbm>> -> memref<200x64xf32, #tpu.memory_space<hbm>>
    tpu.wait_dma2 semaphore(%arg30 : memref<!tpu.dma_semaphore, #tpu.memory_space<semaphore_mem>>) src(%arg14 : memref<200x64xf32, #tpu.memory_space<vmem>>) dst(%dma_wait3A_148 : memref<200x64xf32, #tpu.memory_space<hbm>>)
    %dma_wait3A_149 = arith.constant 0 : i32
    %dma_wait3A_150 = arith.constant 0 : i32
    %dma_wait3A_151 = tpu.memref_slice %arg5[%mul3A_2, %dma_wait3A_149, %dma_wait3A_150] : memref<1024x200x64xf32, #tpu.memory_space<hbm>> -> memref<1x200x64xf32, #tpu.memory_space<hbm>>
    %dma_wait3A_152 = tpu.memref_squeeze %dma_wait3A_151 : memref<1x200x64xf32, #tpu.memory_space<hbm>> -> memref<200x64xf32, #tpu.memory_space<hbm>>
    %dma_wait3A_153 = arith.constant 0 : i32
    %dma_wait3A_154 = arith.constant 0 : i32
    %dma_wait3A_155 = tpu.memref_slice %arg5[%mul3A_2, %dma_wait3A_153, %dma_wait3A_154] : memref<1024x200x64xf32, #tpu.memory_space<hbm>> -> memref<1x200x64xf32, #tpu.memory_space<hbm>>
    %dma_wait3A_156 = tpu.memref_squeeze %dma_wait3A_155 : memref<1x200x64xf32, #tpu.memory_space<hbm>> -> memref<200x64xf32, #tpu.memory_space<hbm>>
    tpu.wait_dma2 semaphore(%arg31 : memref<!tpu.dma_semaphore, #tpu.memory_space<semaphore_mem>>) src(%arg15 : memref<200x64xf32, #tpu.memory_space<vmem>>) dst(%dma_wait3A_156 : memref<200x64xf32, #tpu.memory_space<hbm>>)
    return
  }
}

</mosaic_0001>

<sc_bundles>
// kernel: kernel.3.cloned.1.call-start
scs
__scs_entry_jumppad:
0x0: {  	(pc) =	sbr.rel $0x88, $3  }
0x1: {  	(tag) =	ssettag $0x0;
	lr =	simm.s32 $0x1  }
0x2: {  	[smem:$0x3F9E] =	sst lr;
	_ =	strace $0xD0000000  }
0x3: {  	_ = 	snop  }
0x4: {  	_ = 	snop  }
0x5: {  	_ = 	snop  }
0x6: {  	_ = 	snop  }
0x7: {  	_ = 	snop  }
__scs_overlays_trampoline_lowered:
0x8: {  	[smem:$0x3FAD] =	sst s0  }
0x9: {  	[smem:$0x3FAE] =	sst s1  }
0xa: {  	[smem:$0x3FAF] =	sst s2  }
0xb: {  	[smem:$0x3FB0] =	sst s3  }
0xc: {  	[smem:$0x3FB1] =	sst s4  }
0xd: {  	[smem:$0x3FB2] =	sst s5  }
0xe: {  	[smem:$0x3FB3] =	sst s6  }
0xf: {  	[smem:$0x3FB4] =	sst s7  }
0x10: {  	[smem:$0x3FB5] =	sst s8  }
0x11: {  	[smem:$0x3FB6] =	sst s9;
	s0 =	simm.s32 @!p0 $0x0  }
0x12: {  	s1 =	sld [smem:$0x3F9C];
	s0 =	simm.s32 @p0 $0x1  }
0x13: {  	[smem:$0x3FB7] =	sst s0;
	s0 =	simm.s32 @!p1 $0x0  }
0x14: {  	s2 =	sld [smem:$0x3F9B];
	s0 =	simm.s32 @p1 $0x1  }
0x15: {  	[smem:$0x3FB8] =	sst s0;
	s0 =	simm.s32 @!p2 $0x0  }
0x16: {  	s3 =	sld [smem:$0x3FDB];
	s0 =	simm.s32 @p2 $0x1  }
0x17: {  	s4 =	simm.s32 $0x1BF5;
	[smem:$0x3FBA] =	sst s0  }
0x18: {  	s0 =	sld [smem:$0x3F9D];
	_ =	swait.ge [sflag:s4], $0x0  }
0x19: {  	s7 =	sld [smem:$0x3F9E]  }
0x1a: {  	s8 =	sadd.s32 $0xFFFFE003, lr  }
0x1b: {  	s9 =	sadd.s32 $0xFFFFFEF7, lr;
	s5 =	simm.s32 $0xFFFFFFFF;
	p2 =	slt.u32 s8, $0xFFFFF086  }
0x1c: {  	p1 =	slt.u32 s9, $0xF7A;
	s5 =	simm.s32 @!p2 $0x0  }
0x1d: {  	s5 =	simm.s32 @p1 $0x1;
	p0 =	seq.s32 s7, s2  }
0x1e: {  	s7 =	smul.u32 @!p0 $0xF7A, s2;
	p2 =	seq.s32 @!p0 s5, $0x0  }
0x1f: {  	s9 =	smul.u32 $0xF7A, s1;
	s8 =	simm.s32 @!p0 $0x1BF5;
	p2 =	por !p2, p0  }
0x20: {  	[sflag:s8] =	ssyncset.s32 @!p0 $0xFFFFF086;
	s6 =	sadd.s32 @!p0 s3, s7;
	s7 =	simm.s32 @!p0 $0x108  }
0x21: {  	s3 =	sadd.s32 s3, s9;
	s6 =	sadd.s32 @!p0 $0x88, s6;
	s7 =	simm.s32 @p2 $0x1082  }
0x22: {  	[simem:s7], [sflag:s8] =	dma.local @!p0 [hbm:s6], $0xF7A  }
0x23: {  	s9 =	sor.u32 $0xD0000000, s2;
	s6 =	simm.s32 $0x108;
	_ =	swait.ge @!p0 [sflag:s8], $0x0  }
0x24: {  	s3 =	sadd.s32 $0x88, s3;
	s6 =	simm.s32 @!p1 $0x1082;
	[sflag:s4] =	ssyncset.s32 $0xFFFFF086  }
0x25: {  	[simem:s6], [sflag:s4] =	dma.local [hbm:s3], $0xF7A  }
0x26: {  	[smem:$0x3F9E] =	sst s1;
	(tag) =	ssettag s2;
	_ =	strace s9  }
0x27: {  	s1 =	sld [smem:$0x3FAE]  }
0x28: {  	s2 =	sld [smem:$0x3FAF]  }
0x29: {  	s4 =	sld [smem:$0x3FB1]  }
0x2a: {  	p0 =	seq.s32 s5, $0x0;
	s5 =	sld [smem:$0x3FB2]  }
0x2b: {  	s6 =	sld [smem:$0x3FB3]  }
0x2c: {  	s7 =	sld [smem:$0x3FB4]  }
0x2d: {  	s3 =	simm.s32 $0x108;
	s8 =	sld [smem:$0x3FB5]  }
0x2e: {  	s3 =	simm.s32 @!p0 $0x1082;
	s9 =	sld [smem:$0x3FB6]  }
0x2f: {  	lr =	sadd.s32 s0, s3;
	s0 =	sld [smem:$0x3FAD]  }
0x30: {  	s3 =	sld [smem:$0x3FB0]  }
0x31: {  	[smem:$0x3FB9] =	sst s10  }
0x32: {  	s10 =	sld [smem:$0x3FB7];
	_ =	sdelay $0x3  }
0x33: {  	p0 =	seq.s32 s10, $0x1;
	s10 =	sld [smem:$0x3FB9];
	_ =	sdelay $0x3  }
0x34: {  	[smem:$0x3FB9] =	sst s10  }
0x35: {  	s10 =	sld [smem:$0x3FB8];
	_ =	sdelay $0x3  }
0x36: {  	p1 =	seq.s32 s10, $0x1;
	s10 =	sld [smem:$0x3FB9];
	_ =	sdelay $0x3  }
0x37: {  	[smem:$0x3FB9] =	sst s10  }
0x38: {  	s10 =	sld [smem:$0x3FBA]  }
0x39: {  	_ = 	snop;
	(pc) =	sbr.ind lr, $3  }
0x3a: {  	_ = 	snop  }
0x3b: {  	_ = 	snop  }
0x3c: {  	p2 =	seq.s32 s10, $0x1;
	s10 =	sld [smem:$0x3FB9]  }
0x3d: {  	_ =	shalt  }
0x3e: {  	_ =	shalt  }
0x3f: {  	_ =	shalt  }
0x40: {  	_ =	shalt  }
0x41: {  	_ =	shalt  }
0x42: {  	_ =	shalt  }
0x43: {  	_ =	shalt  }
0x44: {  	_ =	shalt  }
0x45: {  	_ =	shalt  }
0x46: {  	_ =	shalt  }
0x47: {  	_ =	shalt  }
0x48: {  	_ =	shalt  }
0x49: {  	_ =	shalt  }
0x4a: {  	_ =	shalt  }
0x4b: {  	_ =	shalt  }
0x4c: {  	_ =	shalt  }
0x4d: {  	_ =	shalt  }
0x4e: {  	_ =	shalt  }
0x4f: {  	_ =	shalt  }
0x50: {  	_ =	shalt  }
0x51: {  	_ =	shalt  }
0x52: {  	_ =	shalt  }
0x53: {  	_ =	shalt  }
0x54: {  	_ =	shalt  }
0x55: {  	_ =	shalt  }
0x56: {  	_ =	shalt  }
0x57: {  	_ =	shalt  }
0x58: {  	_ =	shalt  }
0x59: {  	_ =	shalt  }
0x5a: {  	_ =	shalt  }
0x5b: {  	_ =	shalt  }
0x5c: {  	_ =	shalt  }
0x5d: {  	_ =	shalt  }
0x5e: {  	_ =	shalt  }
0x5f: {  	_ =	shalt  }
0x60: {  	_ =	shalt  }
0x61: {  	_ =	shalt  }
0x62: {  	_ =	shalt  }
0x63: {  	_ =	shalt  }
0x64: {  	_ =	shalt  }
0x65: {  	_ =	shalt  }
0x66: {  	_ =	shalt  }
0x67: {  	_ =	shalt  }
0x68: {  	_ =	shalt  }
0x69: {  	_ =	shalt  }
0x6a: {  	_ =	shalt  }
0x6b: {  	_ =	shalt  }
0x6c: {  	_ =	shalt  }
0x6d: {  	_ =	shalt  }
0x6e: {  	_ =	shalt  }
0x6f: {  	_ =	shalt  }
0x70: {  	_ =	shalt  }
0x71: {  	_ =	shalt  }
0x72: {  	_ =	shalt  }
0x73: {  	_ =	shalt  }
0x74: {  	_ =	shalt  }
0x75: {  	_ =	shalt  }
0x76: {  	_ =	shalt  }
0x77: {  	_ =	shalt  }
0x78: {  	_ =	shalt  }
0x79: {  	_ =	shalt  }
0x7a: {  	_ =	shalt  }
0x7b: {  	_ =	shalt  }
0x7c: {  	_ =	shalt  }
0x7d: {  	_ =	shalt  }
0x7e: {  	_ =	shalt  }
0x7f: {  	_ =	shalt  }
0x80: {  	_ =	shalt  }
0x81: {  	_ =	shalt  }
0x82: {  	_ =	shalt  }
0x83: {  	_ =	shalt  }
0x84: {  	_ =	shalt  }
0x85: {  	_ =	shalt  }
0x86: {  	_ =	shalt  }
0x87: {  	_ =	shalt  }
.Lfunc_end0:
.L_simem_size_0:
called_computation.1_lowered:
.L_overlay_start_0:
0x88: {  	s2 =	sld [smem:$0x3FD9]  }
0x89: {  	s3 =	sld [smem:$0x3FFE];
	_ =	sdelay $0x1  }
0x8a: {  	s1 =	srdreg.scid  }
0x8b: {  	s0 =	sand.u32 $0x1, s1  }
0x8c: {  	s17 =	sshll.u32 s0, $0xA;
	s2 =	sadd.s32 s3, s2  }
0x8d: {  	s2 =	sadd.s32 s2, s17  }
0x8e: {  	[smem:$0x3FC5] =	sst s2  }
0x8f: {  	_ = 	snop  }
0x90: {  	s2 =	sld [smem:$0x3FD0];
	(tm) =	ssettm $0x1  }
0x91: {  	s18 =	sld [smem:$0x3FFB];
	_ =	sdelay $0x3  }
0x92: {  	_ =	strace s18  }
0x93: {  	s3 =	sld [smem:$0x3FFC];
	_ =	sdelay $0x3  }
0x94: {  	_ =	strace s3  }
0x95: {  	s3 =	sld [smem:$0x3FFD];
	_ =	sdelay $0x3  }
0x96: {  	_ =	strace s3  }
0x97: {  	_ =	strace $0x8FFFFFFF  }
0x98: {  	s19 =	sld [smem:$0x3FDB];
	_ =	sdelay $0x1  }
0x99: {  	s4 =	simm.s32 $_scs_section_size  }
0x9a: {  	s5 =	simm.s32 $_size__tile_overlayer_lowered;
	s6 =	simm.s32 $_tile_overlayer_lowered  }
0x9b: {  	s22 =	simm.s32 $0x1BFF;
	s21 =	sshll.u32 s6, $0x1;
	s3 =	sadd.s32 s4, s19  }
0x9c: {  	s7 =	simm.s32 $0x0;
	s20 =	sshll.u32 s5, $0x1;
	s5 =	sadd.s32 s21, s3  }
0x9d: {  	[timem:s7], [sflag:s22] =	dma.local [hbm:s5], s20  }
0x9e: {  	_ =	swait.ge [sflag:s22], s20  }
0x9f: {  	s4 =	ssub.s32 $0x0, s20;
	[sflag:s22] =	ssyncset.done $0x0  }
0xa0: {  	[sflag:s22] =	ssyncadd.s32 s4;
	_ =	sdelay $0x1  }
0xa1: {  	s23 =	simm.s32 $0x1B8B  }
0xa2: {  	_ =	swait.ge [sflag:s23], $0x1  }
0xa3: {  	[sflag:s23] =	ssyncset.done $0x0  }
0xa4: {  	s25 =	simm.s32 $0x1B8E;
	s24 =	sld [smem:$0x3FFE];
	[sflag:s23] =	ssyncadd.s32 $0xFFFFFFFF  }
0xa5: {  	s26 =	simm.s32 $execute0_lowered;
	[smem:$0x3FD2] =	sst s25  }
0xa6: {  	s5 =	sshll.u32 s26, $0x1;
	_ =	strace $0x80000046;
	[dreg:$0x1] =	wrdreg $0xFFFFFFFF  }
0xa7: {  	s28 =	simm.s32 $_size_execute0_lowered;
	s3 =	sadd.s32 s3, s5;
	[dreg:$0x0] =	wrdreg $0x0  }
0xa8: {  	s5 =	sshll.u32 s28, $0x1;
	[dreg:$0x2] =	wrdreg s3  }
0xa9: {  	[dreg:$0x3] =	wrdreg s5  }
0xaa: {  	[dreg:$0x4] =	wrdreg $0xC0  }
0xab: {  	_ =	task [dreg:s7], $0x5FFFF  }
0xac: {  	[dreg:$0x1] =	wrdreg $0xFFFFFFFF  }
0xad: {  	[dreg:$0x0] =	wrdreg $0x60  }
0xae: {  	[dreg:$0x2] =	wrdreg s24  }
0xaf: {  	[dreg:$0x3] =	wrdreg s2  }
0xb0: {  	[dreg:$0x4] =	wrdreg $0x9  }
0xb1: {  	_ =	task.clear_ibuf [dreg:s7], $0x5FFFF;
	_ =	strace $0x90000046  }
0xb2: {  	s29 =	simm.s32 $0x9;
	_ =	strace $0x80000048  }
0xb3: {  	_ =	swait.ge [sflag:s29], $0x1  }
0xb4: {  	[sflag:s29] =	ssyncadd.s32 $0xFFFFFFFF  }
0xb5: {  	_ =	strace $0x90000048  }
0xb6: {  	_ =	sfence  }
0xb7: {  	s30 =	sld [smem:$0x0];
	_ =	sdelay $0x2  }
0xb8: {  	s31 =	sshll.u32 s1, $0xD;
	s1 =	sshrl.u32 s1, $0x2  }
0xb9: {  	s3 =	sand.u32 $0x4000, s31;
	s1 =	sadd.s32 s1, s30  }
0xba: {  	s0 =	sor.u32 s3, s0;
	s1 =	sshll.u32 s1, $0x11  }
0xbb: {  	s0 =	sor.u32 s1, s0  }
0xbc: {  	s0 =	sadd.s32 $0x8F2B, s0  }
0xbd: {  	[sflag:s0] =	ssyncadd.remote.s32 $0x1  }
0xbe: {  	_ =	sfence.sel $0xFFFF  }
0xbf: {  	[dreg:$0x0] =	wrdreg $0xFFFFFFFF;
	(pc) =	sbr.abs _section_cstart, $3  }
0xc0: {  	[dreg:$0x1] =	wrdreg $0xFFFFFFFF  }
0xc1: {  	_ =	task.clear_ibuf [dreg:s7], $0x2FFFF;
	_ =	strace $0x9FFFFFFF  }
0xc2: {  	(tm) =	ssettm $0x7FFFFFFF  }
0xc3: {  	_ =	shalt  }
tec
execute0_lowered:
.L_overlay_start_1:
0x0: {  	(tag) =	ssettag $0x1  }
0x1: {  	s0 =	rddreg [dreg:$0x0];
	s1 =	srdreg.scid  }
0x2: {  	s2 =	stileid.u32;
	s3 =	simm.s32 $0x0;
	s11 =	simm.s32 $0xC8  }
0x3: {  	s15 =	simm.s32 $0x4B00;
	s17 =	simm.s32 $0xE100;
	s19 =	simm.s32 $0x11300  }
0x4: {  	s21 =	simm.s32 $0x14500;
	s23 =	simm.s32 $0x17700;
	s28 =	simm.s32 $0x2  }
0x5: {  	s29 =	simm.s32 $0x3;
	s30 =	simm.s32 $0x4;
	s31 =	simm.s32 $0x5  }
0x6: {  	s10 =	simm.s32 $0x8;
	s14 =	simm.s32 $0x9;
	s16 =	simm.s32 $0xA  }
0x7: {  	s18 =	simm.s32 $0xB;
	s20 =	simm.s32 $0xC;
	s22 =	simm.s32 $0xD  }
0x8: {  	s24 =	simm.s32 $0xE;
	s1 =	sand.u32 $0x1, s1;
	s2 =	sshll.u32 s2, $0x1  }
0x9: {  	s7 =	simm.s32 $0x10;
	s2 =	sor.u32 s1, s2;
	s1 =	ssub.s32 $0x2, s1  }
0xa: {  	s8 =	simm.s32 $0x0;
	[smem:$0x7FF] =	sst s3;
	s6 =	sshrl.u32 s1, $0x1  }
0xb: {  	_ =	strace $0x80000047;
	s4 =	smul.u32 $0x320, s2;
	s25 =	ssub.s32 s1, s6  }
.Ltmp0:
0xc: {  	s6 =	sshll.u32 s2, $0x5;
	s1 =	simm.s32 $0x6;
	(pc) =	sbr.rel .LBB2_1-.Ltmp0, $4  }
0xd: {  	s5 =	sadd.s32 s4, s0;
	s4 =	sadd.s32 $0xF43000, s0;
	s0 =	sadd.s32 $0x7000, s0  }
0xe: {  	[dreg:$0x3] =	wrdreg s0;
	s26 =	sadd.s32 $0xC00, s5;
	s0 =	smax.u32 s25, $0x1  }
0xf: {  	s25 =	simm.s32 $0x1A900;
	s5 =	simm.s32 $0xF;
	[dreg:$0x4] =	wrdreg s26  }
0x10: {  	[dreg:$0x5] =	wrdreg s0;
	s26 =	simm.s32 $0x1;
	s0 =	simm.s32 $0x7  }
.LBB2_20:
0x11: {  	_ =	swait.ge [sflag:s16], $0x3200  }
0x12: {  	[sflag:s16] =	ssyncset.done $0x0  }
0x13: {  	[sflag:s16] =	ssyncadd.s32 $0xFFFFCE00  }
0x14: {  	_ =	swait.ge [sflag:s18], $0x3200  }
0x15: {  	[sflag:s18] =	ssyncset.done $0x0  }
0x16: {  	[sflag:s18] =	ssyncadd.s32 $0xFFFFCE00  }
0x17: {  	_ =	swait.ge [sflag:s20], $0x3200  }
0x18: {  	[sflag:s20] =	ssyncset.done $0x0  }
0x19: {  	[sflag:s20] =	ssyncadd.s32 $0xFFFFCE00  }
0x1a: {  	_ =	swait.ge [sflag:s22], $0x3200  }
0x1b: {  	[sflag:s22] =	ssyncset.done $0x0  }
0x1c: {  	[sflag:s22] =	ssyncadd.s32 $0xFFFFCE00  }
0x1d: {  	_ =	swait.ge [sflag:s24], $0x3200  }
0x1e: {  	[sflag:s24] =	ssyncset.done $0x0  }
0x1f: {  	[sflag:s24] =	ssyncadd.s32 $0xFFFFCE00  }
0x20: {  	_ =	swait.ge [sflag:s5], $0x3200  }
0x21: {  	[sflag:s5] =	ssyncset.done $0x0  }
0x22: {  	[sflag:s5] =	ssyncadd.s32 $0xFFFFCE00  }
0x23: {  	_ =	swait.ge [sflag:s7], $0x3200  }
0x24: {  	s8 =	rddreg [dreg:$0x6]  }
0x25: {  	s2 =	rddreg [dreg:$0x5];
	s8 =	sadd.s32 $0x1, s8  }
0x26: {  	p0 =	sne.s32 s8, s2  }
.Ltmp1:
0x27: {  	_ = 	snop;
	(pc) =	sbr.rel @!p0 .LBB2_21-.Ltmp1, $3  }
0x28: {  	_ =	sdelay $0x1  }
0x29: {  	[sflag:s7] =	ssyncset.done $0x0  }
0x2a: {  	s15 =	simm.s32 $0x4B00;
	[sflag:s7] =	ssyncadd.s32 $0xFFFFCE00  }
.LBB2_1:
0x2b: {  	[dreg:$0x6] =	wrdreg s8  }
0x2c: {  	s2 =	rddreg [dreg:$0x4];
	s12 =	simm.s32 $0x11  }
0x2d: {  	[tilespmem:s3], [sflag:$0x11] =	stream.linear.gather [hbm4b:s2+s3], $0x1900, $0x38;
	[tilespmem:$0x1DB00] =	vst v63  }
0x2e: {  	_ =	swait.ge [sflag:s12], $0x1900  }
0x2f: {  	[sflag:s12] =	ssyncset.done $0x0  }
0x30: {  	s9 =	simm.s32 $0x1900;
	s13 =	rddreg [dreg:$0x3];
	[sflag:s12] =	ssyncadd.s32 $0xFFFFE700  }
0x31: {  	[tilespmem:s9], [sflag:$0x11] =	stream.linear.gather [hbm4b:s13+s3], $0x3200, $0x38;
	[tilespmem:$0x1DB00] =	vst v63  }
0x32: {  	_ =	swait.ge [sflag:s12], $0x3200  }
0x33: {  	[sflag:s12] =	ssyncset.done $0x0  }
0x34: {  	[sflag:s12] =	ssyncadd.s32 $0xFFFFCE00  }
0x35: {  	[tilespmem:s15], [sflag:$0x1] =	stream.indirect.gather [hbm4b:s4+s11], $0x40, s3, s11, $0xb8;
	[tilespmem:$0x1DB00] =	vst v63  }
0x36: {  	s8 =	simm.s32 $0x7D00  }
0x37: {  	[tilespmem:s8], [sflag:$0x2] =	stream.indirect.gather [hbm4b:s4+s11], $0x40, s11, s11, $0xb8;
	[tilespmem:$0x1DB00] =	vst v63  }
0x38: {  	s9 =	simm.s32 $0x190;
	s12 =	simm.s32 $0xAF00  }
0x39: {  	[tilespmem:s12], [sflag:$0x3] =	stream.indirect.gather [hbm4b:s4+s11], $0x40, s9, s11, $0xb8;
	[tilespmem:$0x1DB00] =	vst v63  }
0x3a: {  	s13 =	simm.s32 $0x258  }
0x3b: {  	[tilespmem:s17], [sflag:$0x4] =	stream.indirect.gather [hbm4b:s4+s11], $0x40, s13, s11, $0xb8;
	[tilespmem:$0x1DB00] =	vst v63  }
0x3c: {  	s8 =	simm.s32 $0x320  }
0x3d: {  	[tilespmem:s19], [sflag:$0x5] =	stream.indirect.gather [hbm4b:s4+s11], $0x40, s8, s11, $0xb8;
	[tilespmem:$0x1DB00] =	vst v63  }
0x3e: {  	s9 =	simm.s32 $0x3E8  }
0x3f: {  	[tilespmem:s21], [sflag:$0x6] =	stream.indirect.gather [hbm4b:s4+s11], $0x40, s9, s11, $0xb8;
	[tilespmem:$0x1DB00] =	vst v63  }
0x40: {  	s12 =	simm.s32 $0x4B0  }
0x41: {  	[tilespmem:s23], [sflag:$0x7] =	stream.indirect.gather [hbm4b:s4+s11], $0x40, s12, s11, $0xb8;
	[tilespmem:$0x1DB00] =	vst v63  }
0x42: {  	s13 =	simm.s32 $0x578;
	s9 =	simm.s32 $0x0  }
0x43: {  	[tilespmem:s25], [sflag:$0x8] =	stream.indirect.gather [hbm4b:s4+s11], $0x40, s13, s11, $0xb8;
	[tilespmem:$0x1DB00] =	vst v63  }
.LBB2_2:
0x44: {  	_ =	swait.ge [sflag:s26], $0x3200  }
0x45: {  	[sflag:s26] =	ssyncset.done $0x0  }
0x46: {  	s2 =	simm.s32 $0x4B80;
	[sflag:s26] =	ssyncadd.s32 $0xFFFFCE00  }
0x47: {  	v0 =	vld [tilespmem:s2+$0xFFFFFF80]  }
0x48: {  	s8 =	simm.s32 $0x1980  }
0x49: {  	v1 =	vld [tilespmem:s8+$0xFFFFFF80];
	_ =	sdelay $0x2  }
0x4a: {  	v0 =	vmul.f32 $8.000000000e+00, v0;
	_ =	sdelay $0x1  }
0x4b: {  	v0 =	vadd.f32 v1, v0  }
0x4c: {  	v1 =	vld [tilespmem:s2+$0xFFFFFF90]  }
0x4d: {  	[tilespmem:s2+$0xFFFFFF80] =	vst v0  }
0x4e: {  	v0 =	vld [tilespmem:s8+$0xFFFFFF90];
	_ =	sdelay $0x2  }
0x4f: {  	v1 =	vmul.f32 $8.000000000e+00, v1;
	_ =	sdelay $0x1  }
0x50: {  	v0 =	vadd.f32 v0, v1  }
0x51: {  	v1 =	vld [tilespmem:s2+$0xFFFFFFA0]  }
0x52: {  	[tilespmem:s2+$0xFFFFFF90] =	vst v0  }
0x53: {  	v0 =	vld [tilespmem:s8+$0xFFFFFFA0];
	_ =	sdelay $0x2  }
0x54: {  	v1 =	vmul.f32 $8.000000000e+00, v1;
	_ =	sdelay $0x1  }
0x55: {  	v0 =	vadd.f32 v0, v1  }
0x56: {  	v1 =	vld [tilespmem:s2+$0xFFFFFFB0]  }
0x57: {  	[tilespmem:s2+$0xFFFFFFA0] =	vst v0  }
0x58: {  	v0 =	vld [tilespmem:s8+$0xFFFFFFB0];
	_ =	sdelay $0x2  }
0x59: {  	v1 =	vmul.f32 $8.000000000e+00, v1;
	_ =	sdelay $0x1  }
0x5a: {  	v0 =	vadd.f32 v0, v1  }
0x5b: {  	v1 =	vld [tilespmem:s2+$0xFFFFFFC0]  }
0x5c: {  	[tilespmem:s2+$0xFFFFFFB0] =	vst v0  }
0x5d: {  	v0 =	vld [tilespmem:s8+$0xFFFFFFC0];
	_ =	sdelay $0x2  }
0x5e: {  	v1 =	vmul.f32 $8.000000000e+00, v1;
	_ =	sdelay $0x1  }
0x5f: {  	v0 =	vadd.f32 v0, v1  }
0x60: {  	v1 =	vld [tilespmem:s2+$0xFFFFFFD0]  }
0x61: {  	[tilespmem:s2+$0xFFFFFFC0] =	vst v0  }
0x62: {  	v0 =	vld [tilespmem:s8+$0xFFFFFFD0];
	_ =	sdelay $0x2  }
0x63: {  	v1 =	vmul.f32 $8.000000000e+00, v1;
	_ =	sdelay $0x1  }
0x64: {  	v0 =	vadd.f32 v0, v1  }
0x65: {  	v1 =	vld [tilespmem:s2+$0xFFFFFFE0]  }
0x66: {  	[tilespmem:s2+$0xFFFFFFD0] =	vst v0  }
0x67: {  	v0 =	vld [tilespmem:s8+$0xFFFFFFE0];
	_ =	sdelay $0x2  }
0x68: {  	v1 =	vmul.f32 $8.000000000e+00, v1;
	_ =	sdelay $0x1  }
0x69: {  	v0 =	vadd.f32 v0, v1  }
0x6a: {  	v1 =	vld [tilespmem:s2+$0xFFFFFFF0]  }
0x6b: {  	[tilespmem:s2+$0xFFFFFFE0] =	vst v0  }
0x6c: {  	v0 =	vld [tilespmem:s8+$0xFFFFFFF0];
	_ =	sdelay $0x2  }
0x6d: {  	v1 =	vmul.f32 $8.000000000e+00, v1;
	_ =	sdelay $0x1  }
0x6e: {  	v0 =	vadd.f32 v0, v1  }
0x6f: {  	v1 =	vld [tilespmem:s2+$0x0]  }
0x70: {  	[tilespmem:s2+$0xFFFFFFF0] =	vst v0  }
0x71: {  	v0 =	vld [tilespmem:s8+$0x0];
	_ =	sdelay $0x2  }
0x72: {  	v1 =	vmul.f32 $8.000000000e+00, v1;
	_ =	sdelay $0x1  }
0x73: {  	v0 =	vadd.f32 v0, v1  }
0x74: {  	v1 =	vld [tilespmem:s2+$0x10]  }
0x75: {  	[tilespmem:s2+$0x0] =	vst v0  }
0x76: {  	v0 =	vld [tilespmem:s8+$0x10];
	_ =	sdelay $0x2  }
0x77: {  	v1 =	vmul.f32 $8.000000000e+00, v1;
	_ =	sdelay $0x1  }
0x78: {  	v0 =	vadd.f32 v0, v1  }
0x79: {  	v1 =	vld [tilespmem:s2+$0x20]  }
0x7a: {  	[tilespmem:s2+$0x10] =	vst v0  }
0x7b: {  	v0 =	vld [tilespmem:s8+$0x20];
	_ =	sdelay $0x2  }
0x7c: {  	v1 =	vmul.f32 $8.000000000e+00, v1;
	_ =	sdelay $0x1  }
0x7d: {  	v0 =	vadd.f32 v0, v1  }
0x7e: {  	v1 =	vld [tilespmem:s2+$0x30]  }
0x7f: {  	[tilespmem:s2+$0x20] =	vst v0  }
0x80: {  	v0 =	vld [tilespmem:s8+$0x30];
	_ =	sdelay $0x2  }
0x81: {  	v1 =	vmul.f32 $8.000000000e+00, v1;
	_ =	sdelay $0x1  }
0x82: {  	v0 =	vadd.f32 v0, v1  }
0x83: {  	v1 =	vld [tilespmem:s2+$0x40]  }
0x84: {  	[tilespmem:s2+$0x30] =	vst v0  }
0x85: {  	v0 =	vld [tilespmem:s8+$0x40];
	_ =	sdelay $0x2  }
0x86: {  	v1 =	vmul.f32 $8.000000000e+00, v1;
	_ =	sdelay $0x1  }
0x87: {  	v0 =	vadd.f32 v0, v1  }
0x88: {  	v1 =	vld [tilespmem:s2+$0x50]  }
0x89: {  	[tilespmem:s2+$0x40] =	vst v0  }
0x8a: {  	v0 =	vld [tilespmem:s8+$0x50];
	_ =	sdelay $0x2  }
0x8b: {  	v1 =	vmul.f32 $8.000000000e+00, v1;
	_ =	sdelay $0x1  }
0x8c: {  	v0 =	vadd.f32 v0, v1  }
0x8d: {  	v1 =	vld [tilespmem:s2+$0x60]  }
0x8e: {  	[tilespmem:s2+$0x50] =	vst v0  }
0x8f: {  	v0 =	vld [tilespmem:s8+$0x60];
	_ =	sdelay $0x2  }
0x90: {  	v1 =	vmul.f32 $8.000000000e+00, v1;
	_ =	sdelay $0x1  }
0x91: {  	v0 =	vadd.f32 v0, v1  }
0x92: {  	v1 =	vld [tilespmem:s2+$0x70]  }
0x93: {  	[tilespmem:s2+$0x60] =	vst v0  }
0x94: {  	v0 =	vld [tilespmem:s8+$0x70];
	_ =	sdelay $0x2  }
0x95: {  	v1 =	vmul.f32 $8.000000000e+00, v1;
	_ =	sdelay $0x1  }
0x96: {  	s12 =	simm.s32 $0x0;
	s13 =	simm.s32 $0x4C80;
	v0 =	vadd.f32 v0, v1  }
.LBB2_3:
0x97: {  	v1 =	vld [tilespmem:s13+$0xFFFFFF80];
	s12 =	sadd.s32 $0x4, s12  }
0x98: {  	s8 =	sadd.s32 $0x100, s8;
	p0 =	slt.u32 s12, $0xC4;
	[tilespmem:s2+$0x70] =	vst v0;
	s2 =	smov.u32 s13  }
0x99: {  	v0 =	vld [tilespmem:s8+$0xFFFFFF80];
	_ =	sdelay $0x2  }
0x9a: {  	v1 =	vmul.f32 $8.000000000e+00, v1;
	_ =	sdelay $0x1  }
0x9b: {  	v0 =	vadd.f32 v0, v1  }
0x9c: {  	v1 =	vld [tilespmem:s13+$0xFFFFFF90]  }
0x9d: {  	[tilespmem:s13+$0xFFFFFF80] =	vst v0  }
0x9e: {  	v0 =	vld [tilespmem:s8+$0xFFFFFF90];
	_ =	sdelay $0x2  }
0x9f: {  	v1 =	vmul.f32 $8.000000000e+00, v1;
	_ =	sdelay $0x1  }
0xa0: {  	v0 =	vadd.f32 v0, v1  }
0xa1: {  	v1 =	vld [tilespmem:s13+$0xFFFFFFA0]  }
0xa2: {  	[tilespmem:s13+$0xFFFFFF90] =	vst v0  }
0xa3: {  	v0 =	vld [tilespmem:s8+$0xFFFFFFA0];
	_ =	sdelay $0x2  }
0xa4: {  	v1 =	vmul.f32 $8.000000000e+00, v1;
	_ =	sdelay $0x1  }
0xa5: {  	v0 =	vadd.f32 v0, v1  }
0xa6: {  	v1 =	vld [tilespmem:s13+$0xFFFFFFB0]  }
0xa7: {  	[tilespmem:s13+$0xFFFFFFA0] =	vst v0  }
0xa8: {  	v0 =	vld [tilespmem:s8+$0xFFFFFFB0];
	_ =	sdelay $0x2  }
0xa9: {  	v1 =	vmul.f32 $8.000000000e+00, v1;
	_ =	sdelay $0x1  }
0xaa: {  	v0 =	vadd.f32 v0, v1  }
0xab: {  	v1 =	vld [tilespmem:s13+$0xFFFFFFC0]  }
0xac: {  	[tilespmem:s13+$0xFFFFFFB0] =	vst v0  }
0xad: {  	v0 =	vld [tilespmem:s8+$0xFFFFFFC0];
	_ =	sdelay $0x2  }
0xae: {  	v1 =	vmul.f32 $8.000000000e+00, v1;
	_ =	sdelay $0x1  }
0xaf: {  	v0 =	vadd.f32 v0, v1  }
0xb0: {  	v1 =	vld [tilespmem:s13+$0xFFFFFFD0]  }
0xb1: {  	[tilespmem:s13+$0xFFFFFFC0] =	vst v0  }
0xb2: {  	v0 =	vld [tilespmem:s8+$0xFFFFFFD0];
	_ =	sdelay $0x2  }
0xb3: {  	v1 =	vmul.f32 $8.000000000e+00, v1;
	_ =	sdelay $0x1  }
0xb4: {  	v0 =	vadd.f32 v0, v1  }
0xb5: {  	v1 =	vld [tilespmem:s13+$0xFFFFFFE0]  }
0xb6: {  	[tilespmem:s13+$0xFFFFFFD0] =	vst v0  }
0xb7: {  	v0 =	vld [tilespmem:s8+$0xFFFFFFE0];
	_ =	sdelay $0x2  }
0xb8: {  	v1 =	vmul.f32 $8.000000000e+00, v1;
	_ =	sdelay $0x1  }
0xb9: {  	v0 =	vadd.f32 v0, v1  }
0xba: {  	v1 =	vld [tilespmem:s13+$0xFFFFFFF0]  }
0xbb: {  	[tilespmem:s13+$0xFFFFFFE0] =	vst v0  }
0xbc: {  	v0 =	vld [tilespmem:s8+$0xFFFFFFF0];
	_ =	sdelay $0x2  }
0xbd: {  	v1 =	vmul.f32 $8.000000000e+00, v1;
	_ =	sdelay $0x1  }
0xbe: {  	v0 =	vadd.f32 v0, v1  }
0xbf: {  	v1 =	vld [tilespmem:s13+$0x0]  }
0xc0: {  	[tilespmem:s13+$0xFFFFFFF0] =	vst v0  }
0xc1: {  	v0 =	vld [tilespmem:s8+$0x0];
	_ =	sdelay $0x2  }
0xc2: {  	v1 =	vmul.f32 $8.000000000e+00, v1;
	_ =	sdelay $0x1  }
0xc3: {  	v0 =	vadd.f32 v0, v1  }
0xc4: {  	v1 =	vld [tilespmem:s13+$0x10]  }
0xc5: {  	[tilespmem:s13+$0x0] =	vst v0  }
0xc6: {  	v0 =	vld [tilespmem:s8+$0x10];
	_ =	sdelay $0x2  }
0xc7: {  	v1 =	vmul.f32 $8.000000000e+00, v1;
	_ =	sdelay $0x1  }
0xc8: {  	v0 =	vadd.f32 v0, v1  }
0xc9: {  	v1 =	vld [tilespmem:s13+$0x20]  }
0xca: {  	[tilespmem:s13+$0x10] =	vst v0  }
0xcb: {  	v0 =	vld [tilespmem:s8+$0x20];
	_ =	sdelay $0x2  }
0xcc: {  	v1 =	vmul.f32 $8.000000000e+00, v1;
	_ =	sdelay $0x1  }
0xcd: {  	v0 =	vadd.f32 v0, v1  }
0xce: {  	v1 =	vld [tilespmem:s13+$0x30]  }
0xcf: {  	[tilespmem:s13+$0x20] =	vst v0  }
0xd0: {  	v0 =	vld [tilespmem:s8+$0x30];
	_ =	sdelay $0x2  }
0xd1: {  	v1 =	vmul.f32 $8.000000000e+00, v1;
	_ =	sdelay $0x1  }
0xd2: {  	v0 =	vadd.f32 v0, v1  }
0xd3: {  	v1 =	vld [tilespmem:s13+$0x40]  }
0xd4: {  	[tilespmem:s13+$0x30] =	vst v0  }
0xd5: {  	v0 =	vld [tilespmem:s8+$0x40];
	_ =	sdelay $0x2  }
0xd6: {  	v1 =	vmul.f32 $8.000000000e+00, v1;
	_ =	sdelay $0x1  }
0xd7: {  	v0 =	vadd.f32 v0, v1  }
0xd8: {  	v1 =	vld [tilespmem:s13+$0x50]  }
0xd9: {  	[tilespmem:s13+$0x40] =	vst v0  }
0xda: {  	v0 =	vld [tilespmem:s8+$0x50];
	_ =	sdelay $0x2  }
0xdb: {  	v1 =	vmul.f32 $8.000000000e+00, v1;
	_ =	sdelay $0x1  }
0xdc: {  	v0 =	vadd.f32 v0, v1  }
0xdd: {  	v1 =	vld [tilespmem:s13+$0x60]  }
0xde: {  	[tilespmem:s13+$0x50] =	vst v0  }
0xdf: {  	v0 =	vld [tilespmem:s8+$0x60];
	_ =	sdelay $0x2  }
0xe0: {  	v1 =	vmul.f32 $8.000000000e+00, v1;
	_ =	sdelay $0x1  }
0xe1: {  	v0 =	vadd.f32 v0, v1  }
0xe2: {  	v1 =	vld [tilespmem:s13+$0x70]  }
0xe3: {  	[tilespmem:s13+$0x60] =	vst v0  }
0xe4: {  	v0 =	vld [tilespmem:s8+$0x70]  }
.Ltmp2:
0xe5: {  	(pc) =	sbr.rel @p0 .LBB2_3-.Ltmp2, $3  }
0xe6: {  	_ = 	snop  }
0xe7: {  	v1 =	vmul.f32 $8.000000000e+00, v1;
	_ =	sdelay $0x1  }
0xe8: {  	s13 =	sadd.s32 $0x100, s13;
	v0 =	vadd.f32 v0, v1  }
0xe9: {  	s8 =	sshll.u32 s9, $0x3  }
0xea: {  	s12 =	sadd.s32 s6, s8  }
0xeb: {  	s12 =	smul.u32 $0x640, s12  }
0xec: {  	s13 =	rddreg [dreg:$0x1]  }
0xed: {  	[tilespmem:s2+$0x70] =	vst v0;
	s2 =	sadd.s32 s13, s12  }
0xee: {  	[hbm4b:s2+s3] =	stream.linear.scatter [tilespmem:s15], [sflag:$0x9], $0x3200, $0x38;
	[tilespmem:$0x1DB00] =	vst v63  }
0xef: {  	_ =	swait.ge [sflag:s28], $0x3200  }
0xf0: {  	[sflag:s28] =	ssyncset.done $0x0  }
0xf1: {  	s2 =	simm.s32 $0x7D80;
	[sflag:s28] =	ssyncadd.s32 $0xFFFFCE00  }
0xf2: {  	v0 =	vld [tilespmem:s2+$0xFFFFFF80]  }
0xf3: {  	s12 =	simm.s32 $0x1980  }
0xf4: {  	v1 =	vld [tilespmem:s12+$0xFFFFFF80];
	_ =	sdelay $0x2  }
0xf5: {  	v0 =	vmul.f32 $8.000000000e+00, v0;
	_ =	sdelay $0x1  }
0xf6: {  	v0 =	vadd.f32 v1, v0  }
0xf7: {  	v1 =	vld [tilespmem:s2+$0xFFFFFF90]  }
0xf8: {  	[tilespmem:s2+$0xFFFFFF80] =	vst v0  }
0xf9: {  	v0 =	vld [tilespmem:s12+$0xFFFFFF90];
	_ =	sdelay $0x2  }
0xfa: {  	v1 =	vmul.f32 $8.000000000e+00, v1;
	_ =	sdelay $0x1  }
0xfb: {  	v0 =	vadd.f32 v0, v1  }
0xfc: {  	v1 =	vld [tilespmem:s2+$0xFFFFFFA0]  }
0xfd: {  	[tilespmem:s2+$0xFFFFFF90] =	vst v0  }
0xfe: {  	v0 =	vld [tilespmem:s12+$0xFFFFFFA0];
	_ =	sdelay $0x2  }
0xff: {  	v1 =	vmul.f32 $8.000000000e+00, v1;
	_ =	sdelay $0x1  }
0x100: {  	v0 =	vadd.f32 v0, v1  }
0x101: {  	v1 =	vld [tilespmem:s2+$0xFFFFFFB0]  }
0x102: {  	[tilespmem:s2+$0xFFFFFFA0] =	vst v0  }
0x103: {  	v0 =	vld [tilespmem:s12+$0xFFFFFFB0];
	_ =	sdelay $0x2  }
0x104: {  	v1 =	vmul.f32 $8.000000000e+00, v1;
	_ =	sdelay $0x1  }
0x105: {  	v0 =	vadd.f32 v0, v1  }
0x106: {  	v1 =	vld [tilespmem:s2+$0xFFFFFFC0]  }
0x107: {  	[tilespmem:s2+$0xFFFFFFB0] =	vst v0  }
0x108: {  	v0 =	vld [tilespmem:s12+$0xFFFFFFC0];
	_ =	sdelay $0x2  }
0x109: {  	v1 =	vmul.f32 $8.000000000e+00, v1;
	_ =	sdelay $0x1  }
0x10a: {  	v0 =	vadd.f32 v0, v1  }
0x10b: {  	v1 =	vld [tilespmem:s2+$0xFFFFFFD0]  }
0x10c: {  	[tilespmem:s2+$0xFFFFFFC0] =	vst v0  }
0x10d: {  	v0 =	vld [tilespmem:s12+$0xFFFFFFD0];
	_ =	sdelay $0x2  }
0x10e: {  	v1 =	vmul.f32 $8.000000000e+00, v1;
	_ =	sdelay $0x1  }
0x10f: {  	v0 =	vadd.f32 v0, v1  }
0x110: {  	v1 =	vld [tilespmem:s2+$0xFFFFFFE0]  }
0x111: {  	[tilespmem:s2+$0xFFFFFFD0] =	vst v0  }
0x112: {  	v0 =	vld [tilespmem:s12+$0xFFFFFFE0];
	_ =	sdelay $0x2  }
0x113: {  	v1 =	vmul.f32 $8.000000000e+00, v1;
	_ =	sdelay $0x1  }
0x114: {  	v0 =	vadd.f32 v0, v1  }
0x115: {  	v1 =	vld [tilespmem:s2+$0xFFFFFFF0]  }
0x116: {  	[tilespmem:s2+$0xFFFFFFE0] =	vst v0  }
0x117: {  	v0 =	vld [tilespmem:s12+$0xFFFFFFF0];
	_ =	sdelay $0x2  }
0x118: {  	v1 =	vmul.f32 $8.000000000e+00, v1;
	_ =	sdelay $0x1  }
0x119: {  	v0 =	vadd.f32 v0, v1  }
0x11a: {  	v1 =	vld [tilespmem:s2+$0x0]  }
0x11b: {  	[tilespmem:s2+$0xFFFFFFF0] =	vst v0  }
0x11c: {  	v0 =	vld [tilespmem:s12+$0x0];
	_ =	sdelay $0x2  }
0x11d: {  	v1 =	vmul.f32 $8.000000000e+00, v1;
	_ =	sdelay $0x1  }
0x11e: {  	v0 =	vadd.f32 v0, v1  }
0x11f: {  	v1 =	vld [tilespmem:s2+$0x10]  }
0x120: {  	[tilespmem:s2+$0x0] =	vst v0  }
0x121: {  	v0 =	vld [tilespmem:s12+$0x10];
	_ =	sdelay $0x2  }
0x122: {  	v1 =	vmul.f32 $8.000000000e+00, v1;
	_ =	sdelay $0x1  }
0x123: {  	v0 =	vadd.f32 v0, v1  }
0x124: {  	v1 =	vld [tilespmem:s2+$0x20]  }
0x125: {  	[tilespmem:s2+$0x10] =	vst v0  }
0x126: {  	v0 =	vld [tilespmem:s12+$0x20];
	_ =	sdelay $0x2  }
0x127: {  	v1 =	vmul.f32 $8.000000000e+00, v1;
	_ =	sdelay $0x1  }
0x128: {  	v0 =	vadd.f32 v0, v1  }
0x129: {  	v1 =	vld [tilespmem:s2+$0x30]  }
0x12a: {  	[tilespmem:s2+$0x20] =	vst v0  }
0x12b: {  	v0 =	vld [tilespmem:s12+$0x30];
	_ =	sdelay $0x2  }
0x12c: {  	v1 =	vmul.f32 $8.000000000e+00, v1;
	_ =	sdelay $0x1  }
0x12d: {  	v0 =	vadd.f32 v0, v1  }
0x12e: {  	v1 =	vld [tilespmem:s2+$0x40]  }
0x12f: {  	[tilespmem:s2+$0x30] =	vst v0  }
0x130: {  	v0 =	vld [tilespmem:s12+$0x40];
	_ =	sdelay $0x2  }
0x131: {  	v1 =	vmul.f32 $8.000000000e+00, v1;
	_ =	sdelay $0x1  }
0x132: {  	v0 =	vadd.f32 v0, v1  }
0x133: {  	v1 =	vld [tilespmem:s2+$0x50]  }
0x134: {  	[tilespmem:s2+$0x40] =	vst v0  }
0x135: {  	v0 =	vld [tilespmem:s12+$0x50];
	_ =	sdelay $0x2  }
0x136: {  	v1 =	vmul.f32 $8.000000000e+00, v1;
	_ =	sdelay $0x1  }
0x137: {  	v0 =	vadd.f32 v0, v1  }
0x138: {  	v1 =	vld [tilespmem:s2+$0x60]  }
0x139: {  	[tilespmem:s2+$0x50] =	vst v0  }
0x13a: {  	v0 =	vld [tilespmem:s12+$0x60];
	_ =	sdelay $0x2  }
0x13b: {  	v1 =	vmul.f32 $8.000000000e+00, v1;
	_ =	sdelay $0x1  }
0x13c: {  	v0 =	vadd.f32 v0, v1  }
0x13d: {  	v1 =	vld [tilespmem:s2+$0x70]  }
0x13e: {  	[tilespmem:s2+$0x60] =	vst v0  }
0x13f: {  	v0 =	vld [tilespmem:s12+$0x70];
	_ =	sdelay $0x2  }
0x140: {  	v1 =	vmul.f32 $8.000000000e+00, v1;
	_ =	sdelay $0x1  }
0x141: {  	s13 =	simm.s32 $0x0;
	s15 =	simm.s32 $0x7E80;
	v0 =	vadd.f32 v0, v1  }
.LBB2_5:
0x142: {  	v1 =	vld [tilespmem:s15+$0xFFFFFF80];
	s13 =	sadd.s32 $0x4, s13  }
0x143: {  	s12 =	sadd.s32 $0x100, s12;
	p0 =	slt.u32 s13, $0xC4;
	[tilespmem:s2+$0x70] =	vst v0;
	s2 =	smov.u32 s15  }
0x144: {  	v0 =	vld [tilespmem:s12+$0xFFFFFF80];
	_ =	sdelay $0x2  }
0x145: {  	v1 =	vmul.f32 $8.000000000e+00, v1;
	_ =	sdelay $0x1  }
0x146: {  	v0 =	vadd.f32 v0, v1  }
0x147: {  	v1 =	vld [tilespmem:s15+$0xFFFFFF90]  }
0x148: {  	[tilespmem:s15+$0xFFFFFF80] =	vst v0  }
0x149: {  	v0 =	vld [tilespmem:s12+$0xFFFFFF90];
	_ =	sdelay $0x2  }
0x14a: {  	v1 =	vmul.f32 $8.000000000e+00, v1;
	_ =	sdelay $0x1  }
0x14b: {  	v0 =	vadd.f32 v0, v1  }
0x14c: {  	v1 =	vld [tilespmem:s15+$0xFFFFFFA0]  }
0x14d: {  	[tilespmem:s15+$0xFFFFFF90] =	vst v0  }
0x14e: {  	v0 =	vld [tilespmem:s12+$0xFFFFFFA0];
	_ =	sdelay $0x2  }
0x14f: {  	v1 =	vmul.f32 $8.000000000e+00, v1;
	_ =	sdelay $0x1  }
0x150: {  	v0 =	vadd.f32 v0, v1  }
0x151: {  	v1 =	vld [tilespmem:s15+$0xFFFFFFB0]  }
0x152: {  	[tilespmem:s15+$0xFFFFFFA0] =	vst v0  }
0x153: {  	v0 =	vld [tilespmem:s12+$0xFFFFFFB0];
	_ =	sdelay $0x2  }
0x154: {  	v1 =	vmul.f32 $8.000000000e+00, v1;
	_ =	sdelay $0x1  }
0x155: {  	v0 =	vadd.f32 v0, v1  }
0x156: {  	v1 =	vld [tilespmem:s15+$0xFFFFFFC0]  }
0x157: {  	[tilespmem:s15+$0xFFFFFFB0] =	vst v0  }
0x158: {  	v0 =	vld [tilespmem:s12+$0xFFFFFFC0];
	_ =	sdelay $0x2  }
0x159: {  	v1 =	vmul.f32 $8.000000000e+00, v1;
	_ =	sdelay $0x1  }
0x15a: {  	v0 =	vadd.f32 v0, v1  }
0x15b: {  	v1 =	vld [tilespmem:s15+$0xFFFFFFD0]  }
0x15c: {  	[tilespmem:s15+$0xFFFFFFC0] =	vst v0  }
0x15d: {  	v0 =	vld [tilespmem:s12+$0xFFFFFFD0];
	_ =	sdelay $0x2  }
0x15e: {  	v1 =	vmul.f32 $8.000000000e+00, v1;
	_ =	sdelay $0x1  }
0x15f: {  	v0 =	vadd.f32 v0, v1  }
0x160: {  	v1 =	vld [tilespmem:s15+$0xFFFFFFE0]  }
0x161: {  	[tilespmem:s15+$0xFFFFFFD0] =	vst v0  }
0x162: {  	v0 =	vld [tilespmem:s12+$0xFFFFFFE0];
	_ =	sdelay $0x2  }
0x163: {  	v1 =	vmul.f32 $8.000000000e+00, v1;
	_ =	sdelay $0x1  }
0x164: {  	v0 =	vadd.f32 v0, v1  }
0x165: {  	v1 =	vld [tilespmem:s15+$0xFFFFFFF0]  }
0x166: {  	[tilespmem:s15+$0xFFFFFFE0] =	vst v0  }
0x167: {  	v0 =	vld [tilespmem:s12+$0xFFFFFFF0];
	_ =	sdelay $0x2  }
0x168: {  	v1 =	vmul.f32 $8.000000000e+00, v1;
	_ =	sdelay $0x1  }
0x169: {  	v0 =	vadd.f32 v0, v1  }
0x16a: {  	v1 =	vld [tilespmem:s15+$0x0]  }
0x16b: {  	[tilespmem:s15+$0xFFFFFFF0] =	vst v0  }
0x16c: {  	v0 =	vld [tilespmem:s12+$0x0];
	_ =	sdelay $0x2  }
0x16d: {  	v1 =	vmul.f32 $8.000000000e+00, v1;
	_ =	sdelay $0x1  }
0x16e: {  	v0 =	vadd.f32 v0, v1  }
0x16f: {  	v1 =	vld [tilespmem:s15+$0x10]  }
0x170: {  	[tilespmem:s15+$0x0] =	vst v0  }
0x171: {  	v0 =	vld [tilespmem:s12+$0x10];
	_ =	sdelay $0x2  }
0x172: {  	v1 =	vmul.f32 $8.000000000e+00, v1;
	_ =	sdelay $0x1  }
0x173: {  	v0 =	vadd.f32 v0, v1  }
0x174: {  	v1 =	vld [tilespmem:s15+$0x20]  }
0x175: {  	[tilespmem:s15+$0x10] =	vst v0  }
0x176: {  	v0 =	vld [tilespmem:s12+$0x20];
	_ =	sdelay $0x2  }
0x177: {  	v1 =	vmul.f32 $8.000000000e+00, v1;
	_ =	sdelay $0x1  }
0x178: {  	v0 =	vadd.f32 v0, v1  }
0x179: {  	v1 =	vld [tilespmem:s15+$0x30]  }
0x17a: {  	[tilespmem:s15+$0x20] =	vst v0  }
0x17b: {  	v0 =	vld [tilespmem:s12+$0x30];
	_ =	sdelay $0x2  }
0x17c: {  	v1 =	vmul.f32 $8.000000000e+00, v1;
	_ =	sdelay $0x1  }
0x17d: {  	v0 =	vadd.f32 v0, v1  }
0x17e: {  	v1 =	vld [tilespmem:s15+$0x40]  }
0x17f: {  	[tilespmem:s15+$0x30] =	vst v0  }
0x180: {  	v0 =	vld [tilespmem:s12+$0x40];
	_ =	sdelay $0x2  }
0x181: {  	v1 =	vmul.f32 $8.000000000e+00, v1;
	_ =	sdelay $0x1  }
0x182: {  	v0 =	vadd.f32 v0, v1  }
0x183: {  	v1 =	vld [tilespmem:s15+$0x50]  }
0x184: {  	[tilespmem:s15+$0x40] =	vst v0  }
0x185: {  	v0 =	vld [tilespmem:s12+$0x50];
	_ =	sdelay $0x2  }
0x186: {  	v1 =	vmul.f32 $8.000000000e+00, v1;
	_ =	sdelay $0x1  }
0x187: {  	v0 =	vadd.f32 v0, v1  }
0x188: {  	v1 =	vld [tilespmem:s15+$0x60]  }
0x189: {  	[tilespmem:s15+$0x50] =	vst v0  }
0x18a: {  	v0 =	vld [tilespmem:s12+$0x60];
	_ =	sdelay $0x2  }
0x18b: {  	v1 =	vmul.f32 $8.000000000e+00, v1;
	_ =	sdelay $0x1  }
0x18c: {  	v0 =	vadd.f32 v0, v1  }
0x18d: {  	v1 =	vld [tilespmem:s15+$0x70]  }
0x18e: {  	[tilespmem:s15+$0x60] =	vst v0  }
0x18f: {  	v0 =	vld [tilespmem:s12+$0x70]  }
.Ltmp3:
0x190: {  	(pc) =	sbr.rel @p0 .LBB2_5-.Ltmp3, $3  }
0x191: {  	_ = 	snop  }
0x192: {  	v1 =	vmul.f32 $8.000000000e+00, v1;
	_ =	sdelay $0x1  }
0x193: {  	s15 =	sadd.s32 $0x100, s15;
	v0 =	vadd.f32 v0, v1  }
0x194: {  	s8 =	sadd.s32 s8, s6  }
0x195: {  	s8 =	smul.u32 $0x640, s8  }
0x196: {  	s12 =	rddreg [dreg:$0x1]  }
0x197: {  	s8 =	sadd.s32 s12, s8  }
0x198: {  	s15 =	simm.s32 $0x7D00;
	[tilespmem:s2+$0x70] =	vst v0;
	s13 =	sadd.s32 $0x640, s8  }
0x199: {  	[hbm4b:s13+s3] =	stream.linear.scatter [tilespmem:s15], [sflag:$0xA], $0x3200, $0x38;
	[tilespmem:$0x1DB00] =	vst v63  }
0x19a: {  	_ =	swait.ge [sflag:s29], $0x3200  }
0x19b: {  	[sflag:s29] =	ssyncset.done $0x0  }
0x19c: {  	s2 =	simm.s32 $0xAF80;
	[sflag:s29] =	ssyncadd.s32 $0xFFFFCE00  }
0x19d: {  	v0 =	vld [tilespmem:s2+$0xFFFFFF80]  }
0x19e: {  	s12 =	simm.s32 $0x1980  }
0x19f: {  	v1 =	vld [tilespmem:s12+$0xFFFFFF80];
	_ =	sdelay $0x2  }
0x1a0: {  	v0 =	vmul.f32 $8.000000000e+00, v0;
	_ =	sdelay $0x1  }
0x1a1: {  	v0 =	vadd.f32 v1, v0  }
0x1a2: {  	v1 =	vld [tilespmem:s2+$0xFFFFFF90]  }
0x1a3: {  	[tilespmem:s2+$0xFFFFFF80] =	vst v0  }
0x1a4: {  	v0 =	vld [tilespmem:s12+$0xFFFFFF90];
	_ =	sdelay $0x2  }
0x1a5: {  	v1 =	vmul.f32 $8.000000000e+00, v1;
	_ =	sdelay $0x1  }
0x1a6: {  	v0 =	vadd.f32 v0, v1  }
0x1a7: {  	v1 =	vld [tilespmem:s2+$0xFFFFFFA0]  }
0x1a8: {  	[tilespmem:s2+$0xFFFFFF90] =	vst v0  }
0x1a9: {  	v0 =	vld [tilespmem:s12+$0xFFFFFFA0];
	_ =	sdelay $0x2  }
0x1aa: {  	v1 =	vmul.f32 $8.000000000e+00, v1;
	_ =	sdelay $0x1  }
0x1ab: {  	v0 =	vadd.f32 v0, v1  }
0x1ac: {  	v1 =	vld [tilespmem:s2+$0xFFFFFFB0]  }
0x1ad: {  	[tilespmem:s2+$0xFFFFFFA0] =	vst v0  }
0x1ae: {  	v0 =	vld [tilespmem:s12+$0xFFFFFFB0];
	_ =	sdelay $0x2  }
0x1af: {  	v1 =	vmul.f32 $8.000000000e+00, v1;
	_ =	sdelay $0x1  }
0x1b0: {  	v0 =	vadd.f32 v0, v1  }
0x1b1: {  	v1 =	vld [tilespmem:s2+$0xFFFFFFC0]  }
0x1b2: {  	[tilespmem:s2+$0xFFFFFFB0] =	vst v0  }
0x1b3: {  	v0 =	vld [tilespmem:s12+$0xFFFFFFC0];
	_ =	sdelay $0x2  }
0x1b4: {  	v1 =	vmul.f32 $8.000000000e+00, v1;
	_ =	sdelay $0x1  }
0x1b5: {  	v0 =	vadd.f32 v0, v1  }
0x1b6: {  	v1 =	vld [tilespmem:s2+$0xFFFFFFD0]  }
0x1b7: {  	[tilespmem:s2+$0xFFFFFFC0] =	vst v0  }
0x1b8: {  	v0 =	vld [tilespmem:s12+$0xFFFFFFD0];
	_ =	sdelay $0x2  }
0x1b9: {  	v1 =	vmul.f32 $8.000000000e+00, v1;
	_ =	sdelay $0x1  }
0x1ba: {  	v0 =	vadd.f32 v0, v1  }
0x1bb: {  	v1 =	vld [tilespmem:s2+$0xFFFFFFE0]  }
0x1bc: {  	[tilespmem:s2+$0xFFFFFFD0] =	vst v0  }
0x1bd: {  	v0 =	vld [tilespmem:s12+$0xFFFFFFE0];
	_ =	sdelay $0x2  }
0x1be: {  	v1 =	vmul.f32 $8.000000000e+00, v1;
	_ =	sdelay $0x1  }
0x1bf: {  	v0 =	vadd.f32 v0, v1  }
0x1c0: {  	v1 =	vld [tilespmem:s2+$0xFFFFFFF0]  }
0x1c1: {  	[tilespmem:s2+$0xFFFFFFE0] =	vst v0  }
0x1c2: {  	v0 =	vld [tilespmem:s12+$0xFFFFFFF0];
	_ =	sdelay $0x2  }
0x1c3: {  	v1 =	vmul.f32 $8.000000000e+00, v1;
	_ =	sdelay $0x1  }
0x1c4: {  	v0 =	vadd.f32 v0, v1  }
0x1c5: {  	v1 =	vld [tilespmem:s2+$0x0]  }
0x1c6: {  	[tilespmem:s2+$0xFFFFFFF0] =	vst v0  }
0x1c7: {  	v0 =	vld [tilespmem:s12+$0x0];
	_ =	sdelay $0x2  }
0x1c8: {  	v1 =	vmul.f32 $8.000000000e+00, v1;
	_ =	sdelay $0x1  }
0x1c9: {  	v0 =	vadd.f32 v0, v1  }
0x1ca: {  	v1 =	vld [tilespmem:s2+$0x10]  }
0x1cb: {  	[tilespmem:s2+$0x0] =	vst v0  }
0x1cc: {  	v0 =	vld [tilespmem:s12+$0x10];
	_ =	sdelay $0x2  }
0x1cd: {  	v1 =	vmul.f32 $8.000000000e+00, v1;
	_ =	sdelay $0x1  }
0x1ce: {  	v0 =	vadd.f32 v0, v1  }
0x1cf: {  	v1 =	vld [tilespmem:s2+$0x20]  }
0x1d0: {  	[tilespmem:s2+$0x10] =	vst v0  }
0x1d1: {  	v0 =	vld [tilespmem:s12+$0x20];
	_ =	sdelay $0x2  }
0x1d2: {  	v1 =	vmul.f32 $8.000000000e+00, v1;
	_ =	sdelay $0x1  }
0x1d3: {  	v0 =	vadd.f32 v0, v1  }
0x1d4: {  	v1 =	vld [tilespmem:s2+$0x30]  }
0x1d5: {  	[tilespmem:s2+$0x20] =	vst v0  }
0x1d6: {  	v0 =	vld [tilespmem:s12+$0x30];
	_ =	sdelay $0x2  }
0x1d7: {  	v1 =	vmul.f32 $8.000000000e+00, v1;
	_ =	sdelay $0x1  }
0x1d8: {  	v0 =	vadd.f32 v0, v1  }
0x1d9: {  	v1 =	vld [tilespmem:s2+$0x40]  }
0x1da: {  	[tilespmem:s2+$0x30] =	vst v0  }
0x1db: {  	v0 =	vld [tilespmem:s12+$0x40];
	_ =	sdelay $0x2  }
0x1dc: {  	v1 =	vmul.f32 $8.000000000e+00, v1;
	_ =	sdelay $0x1  }
0x1dd: {  	v0 =	vadd.f32 v0, v1  }
0x1de: {  	v1 =	vld [tilespmem:s2+$0x50]  }
0x1df: {  	[tilespmem:s2+$0x40] =	vst v0  }
0x1e0: {  	v0 =	vld [tilespmem:s12+$0x50];
	_ =	sdelay $0x2  }
0x1e1: {  	v1 =	vmul.f32 $8.000000000e+00, v1;
	_ =	sdelay $0x1  }
0x1e2: {  	v0 =	vadd.f32 v0, v1  }
0x1e3: {  	v1 =	vld [tilespmem:s2+$0x60]  }
0x1e4: {  	[tilespmem:s2+$0x50] =	vst v0  }
0x1e5: {  	v0 =	vld [tilespmem:s12+$0x60];
	_ =	sdelay $0x2  }
0x1e6: {  	v1 =	vmul.f32 $8.000000000e+00, v1;
	_ =	sdelay $0x1  }
0x1e7: {  	v0 =	vadd.f32 v0, v1  }
0x1e8: {  	v1 =	vld [tilespmem:s2+$0x70]  }
0x1e9: {  	[tilespmem:s2+$0x60] =	vst v0  }
0x1ea: {  	v0 =	vld [tilespmem:s12+$0x70];
	_ =	sdelay $0x2  }
0x1eb: {  	v1 =	vmul.f32 $8.000000000e+00, v1;
	_ =	sdelay $0x1  }
0x1ec: {  	s13 =	simm.s32 $0x0;
	s15 =	simm.s32 $0xB080;
	v0 =	vadd.f32 v0, v1  }
.LBB2_7:
0x1ed: {  	v1 =	vld [tilespmem:s15+$0xFFFFFF80];
	s13 =	sadd.s32 $0x4, s13  }
0x1ee: {  	s12 =	sadd.s32 $0x100, s12;
	p0 =	slt.u32 s13, $0xC4;
	[tilespmem:s2+$0x70] =	vst v0;
	s2 =	smov.u32 s15  }
0x1ef: {  	v0 =	vld [tilespmem:s12+$0xFFFFFF80];
	_ =	sdelay $0x2  }
0x1f0: {  	v1 =	vmul.f32 $8.000000000e+00, v1;
	_ =	sdelay $0x1  }
0x1f1: {  	v0 =	vadd.f32 v0, v1  }
0x1f2: {  	v1 =	vld [tilespmem:s15+$0xFFFFFF90]  }
0x1f3: {  	[tilespmem:s15+$0xFFFFFF80] =	vst v0  }
0x1f4: {  	v0 =	vld [tilespmem:s12+$0xFFFFFF90];
	_ =	sdelay $0x2  }
0x1f5: {  	v1 =	vmul.f32 $8.000000000e+00, v1;
	_ =	sdelay $0x1  }
0x1f6: {  	v0 =	vadd.f32 v0, v1  }
0x1f7: {  	v1 =	vld [tilespmem:s15+$0xFFFFFFA0]  }
0x1f8: {  	[tilespmem:s15+$0xFFFFFF90] =	vst v0  }
0x1f9: {  	v0 =	vld [tilespmem:s12+$0xFFFFFFA0];
	_ =	sdelay $0x2  }
0x1fa: {  	v1 =	vmul.f32 $8.000000000e+00, v1;
	_ =	sdelay $0x1  }
0x1fb: {  	v0 =	vadd.f32 v0, v1  }
0x1fc: {  	v1 =	vld [tilespmem:s15+$0xFFFFFFB0]  }
0x1fd: {  	[tilespmem:s15+$0xFFFFFFA0] =	vst v0  }
0x1fe: {  	v0 =	vld [tilespmem:s12+$0xFFFFFFB0];
	_ =	sdelay $0x2  }
0x1ff: {  	v1 =	vmul.f32 $8.000000000e+00, v1;
	_ =	sdelay $0x1  }
0x200: {  	v0 =	vadd.f32 v0, v1  }
0x201: {  	v1 =	vld [tilespmem:s15+$0xFFFFFFC0]  }
0x202: {  	[tilespmem:s15+$0xFFFFFFB0] =	vst v0  }
0x203: {  	v0 =	vld [tilespmem:s12+$0xFFFFFFC0];
	_ =	sdelay $0x2  }
0x204: {  	v1 =	vmul.f32 $8.000000000e+00, v1;
	_ =	sdelay $0x1  }
0x205: {  	v0 =	vadd.f32 v0, v1  }
0x206: {  	v1 =	vld [tilespmem:s15+$0xFFFFFFD0]  }
0x207: {  	[tilespmem:s15+$0xFFFFFFC0] =	vst v0  }
0x208: {  	v0 =	vld [tilespmem:s12+$0xFFFFFFD0];
	_ =	sdelay $0x2  }
0x209: {  	v1 =	vmul.f32 $8.000000000e+00, v1;
	_ =	sdelay $0x1  }
0x20a: {  	v0 =	vadd.f32 v0, v1  }
0x20b: {  	v1 =	vld [tilespmem:s15+$0xFFFFFFE0]  }
0x20c: {  	[tilespmem:s15+$0xFFFFFFD0] =	vst v0  }
0x20d: {  	v0 =	vld [tilespmem:s12+$0xFFFFFFE0];
	_ =	sdelay $0x2  }
0x20e: {  	v1 =	vmul.f32 $8.000000000e+00, v1;
	_ =	sdelay $0x1  }
0x20f: {  	v0 =	vadd.f32 v0, v1  }
0x210: {  	v1 =	vld [tilespmem:s15+$0xFFFFFFF0]  }
0x211: {  	[tilespmem:s15+$0xFFFFFFE0] =	vst v0  }
0x212: {  	v0 =	vld [tilespmem:s12+$0xFFFFFFF0];
	_ =	sdelay $0x2  }
0x213: {  	v1 =	vmul.f32 $8.000000000e+00, v1;
	_ =	sdelay $0x1  }
0x214: {  	v0 =	vadd.f32 v0, v1  }
0x215: {  	v1 =	vld [tilespmem:s15+$0x0]  }
0x216: {  	[tilespmem:s15+$0xFFFFFFF0] =	vst v0  }
0x217: {  	v0 =	vld [tilespmem:s12+$0x0];
	_ =	sdelay $0x2  }
0x218: {  	v1 =	vmul.f32 $8.000000000e+00, v1;
	_ =	sdelay $0x1  }
0x219: {  	v0 =	vadd.f32 v0, v1  }
0x21a: {  	v1 =	vld [tilespmem:s15+$0x10]  }
0x21b: {  	[tilespmem:s15+$0x0] =	vst v0  }
0x21c: {  	v0 =	vld [tilespmem:s12+$0x10];
	_ =	sdelay $0x2  }
0x21d: {  	v1 =	vmul.f32 $8.000000000e+00, v1;
	_ =	sdelay $0x1  }
0x21e: {  	v0 =	vadd.f32 v0, v1  }
0x21f: {  	v1 =	vld [tilespmem:s15+$0x20]  }
0x220: {  	[tilespmem:s15+$0x10] =	vst v0  }
0x221: {  	v0 =	vld [tilespmem:s12+$0x20];
	_ =	sdelay $0x2  }
0x222: {  	v1 =	vmul.f32 $8.000000000e+00, v1;
	_ =	sdelay $0x1  }
0x223: {  	v0 =	vadd.f32 v0, v1  }
0x224: {  	v1 =	vld [tilespmem:s15+$0x30]  }
0x225: {  	[tilespmem:s15+$0x20] =	vst v0  }
0x226: {  	v0 =	vld [tilespmem:s12+$0x30];
	_ =	sdelay $0x2  }
0x227: {  	v1 =	vmul.f32 $8.000000000e+00, v1;
	_ =	sdelay $0x1  }
0x228: {  	v0 =	vadd.f32 v0, v1  }
0x229: {  	v1 =	vld [tilespmem:s15+$0x40]  }
0x22a: {  	[tilespmem:s15+$0x30] =	vst v0  }
0x22b: {  	v0 =	vld [tilespmem:s12+$0x40];
	_ =	sdelay $0x2  }
0x22c: {  	v1 =	vmul.f32 $8.000000000e+00, v1;
	_ =	sdelay $0x1  }
0x22d: {  	v0 =	vadd.f32 v0, v1  }
0x22e: {  	v1 =	vld [tilespmem:s15+$0x50]  }
0x22f: {  	[tilespmem:s15+$0x40] =	vst v0  }
0x230: {  	v0 =	vld [tilespmem:s12+$0x50];
	_ =	sdelay $0x2  }
0x231: {  	v1 =	vmul.f32 $8.000000000e+00, v1;
	_ =	sdelay $0x1  }
0x232: {  	v0 =	vadd.f32 v0, v1  }
0x233: {  	v1 =	vld [tilespmem:s15+$0x60]  }
0x234: {  	[tilespmem:s15+$0x50] =	vst v0  }
0x235: {  	v0 =	vld [tilespmem:s12+$0x60];
	_ =	sdelay $0x2  }
0x236: {  	v1 =	vmul.f32 $8.000000000e+00, v1;
	_ =	sdelay $0x1  }
0x237: {  	v0 =	vadd.f32 v0, v1  }
0x238: {  	v1 =	vld [tilespmem:s15+$0x70]  }
0x239: {  	[tilespmem:s15+$0x60] =	vst v0  }
0x23a: {  	v0 =	vld [tilespmem:s12+$0x70]  }
.Ltmp4:
0x23b: {  	(pc) =	sbr.rel @p0 .LBB2_7-.Ltmp4, $3  }
0x23c: {  	_ = 	snop  }
0x23d: {  	v1 =	vmul.f32 $8.000000000e+00, v1;
	_ =	sdelay $0x1  }
0x23e: {  	s15 =	sadd.s32 $0x100, s15;
	v0 =	vadd.f32 v0, v1  }
0x23f: {  	_ = 	snop  }
0x240: {  	s15 =	sadd.s32 $0xC80, s8;
	s12 =	simm.s32 $0xAF00;
	[tilespmem:s2+$0x70] =	vst v0  }
0x241: {  	[hbm4b:s15+s3] =	stream.linear.scatter [tilespmem:s12], [sflag:$0xB], $0x3200, $0x38;
	[tilespmem:$0x1DB00] =	vst v63  }
0x242: {  	_ =	swait.ge [sflag:s30], $0x3200  }
0x243: {  	[sflag:s30] =	ssyncset.done $0x0  }
0x244: {  	s2 =	simm.s32 $0xE180;
	[sflag:s30] =	ssyncadd.s32 $0xFFFFCE00  }
0x245: {  	v0 =	vld [tilespmem:s2+$0xFFFFFF80]  }
0x246: {  	s12 =	simm.s32 $0x1980  }
0x247: {  	v1 =	vld [tilespmem:s12+$0xFFFFFF80];
	_ =	sdelay $0x2  }
0x248: {  	v0 =	vmul.f32 $8.000000000e+00, v0;
	_ =	sdelay $0x1  }
0x249: {  	v0 =	vadd.f32 v1, v0  }
0x24a: {  	v1 =	vld [tilespmem:s2+$0xFFFFFF90]  }
0x24b: {  	[tilespmem:s2+$0xFFFFFF80] =	vst v0  }
0x24c: {  	v0 =	vld [tilespmem:s12+$0xFFFFFF90];
	_ =	sdelay $0x2  }
0x24d: {  	v1 =	vmul.f32 $8.000000000e+00, v1;
	_ =	sdelay $0x1  }
0x24e: {  	v0 =	vadd.f32 v0, v1  }
0x24f: {  	v1 =	vld [tilespmem:s2+$0xFFFFFFA0]  }
0x250: {  	[tilespmem:s2+$0xFFFFFF90] =	vst v0  }
0x251: {  	v0 =	vld [tilespmem:s12+$0xFFFFFFA0];
	_ =	sdelay $0x2  }
0x252: {  	v1 =	vmul.f32 $8.000000000e+00, v1;
	_ =	sdelay $0x1  }
0x253: {  	v0 =	vadd.f32 v0, v1  }
0x254: {  	v1 =	vld [tilespmem:s2+$0xFFFFFFB0]  }
0x255: {  	[tilespmem:s2+$0xFFFFFFA0] =	vst v0  }
0x256: {  	v0 =	vld [tilespmem:s12+$0xFFFFFFB0];
	_ =	sdelay $0x2  }
0x257: {  	v1 =	vmul.f32 $8.000000000e+00, v1;
	_ =	sdelay $0x1  }
0x258: {  	v0 =	vadd.f32 v0, v1  }
0x259: {  	v1 =	vld [tilespmem:s2+$0xFFFFFFC0]  }
0x25a: {  	[tilespmem:s2+$0xFFFFFFB0] =	vst v0  }
0x25b: {  	v0 =	vld [tilespmem:s12+$0xFFFFFFC0];
	_ =	sdelay $0x2  }
0x25c: {  	v1 =	vmul.f32 $8.000000000e+00, v1;
	_ =	sdelay $0x1  }
0x25d: {  	v0 =	vadd.f32 v0, v1  }
0x25e: {  	v1 =	vld [tilespmem:s2+$0xFFFFFFD0]  }
0x25f: {  	[tilespmem:s2+$0xFFFFFFC0] =	vst v0  }
0x260: {  	v0 =	vld [tilespmem:s12+$0xFFFFFFD0];
	_ =	sdelay $0x2  }
0x261: {  	v1 =	vmul.f32 $8.000000000e+00, v1;
	_ =	sdelay $0x1  }
0x262: {  	v0 =	vadd.f32 v0, v1  }
0x263: {  	v1 =	vld [tilespmem:s2+$0xFFFFFFE0]  }
0x264: {  	[tilespmem:s2+$0xFFFFFFD0] =	vst v0  }
0x265: {  	v0 =	vld [tilespmem:s12+$0xFFFFFFE0];
	_ =	sdelay $0x2  }
0x266: {  	v1 =	vmul.f32 $8.000000000e+00, v1;
	_ =	sdelay $0x1  }
0x267: {  	v0 =	vadd.f32 v0, v1  }
0x268: {  	v1 =	vld [tilespmem:s2+$0xFFFFFFF0]  }
0x269: {  	[tilespmem:s2+$0xFFFFFFE0] =	vst v0  }
0x26a: {  	v0 =	vld [tilespmem:s12+$0xFFFFFFF0];
	_ =	sdelay $0x2  }
0x26b: {  	v1 =	vmul.f32 $8.000000000e+00, v1;
	_ =	sdelay $0x1  }
0x26c: {  	v0 =	vadd.f32 v0, v1  }
0x26d: {  	v1 =	vld [tilespmem:s2+$0x0]  }
0x26e: {  	[tilespmem:s2+$0xFFFFFFF0] =	vst v0  }
0x26f: {  	v0 =	vld [tilespmem:s12+$0x0];
	_ =	sdelay $0x2  }
0x270: {  	v1 =	vmul.f32 $8.000000000e+00, v1;
	_ =	sdelay $0x1  }
0x271: {  	v0 =	vadd.f32 v0, v1  }
0x272: {  	v1 =	vld [tilespmem:s2+$0x10]  }
0x273: {  	[tilespmem:s2+$0x0] =	vst v0  }
0x274: {  	v0 =	vld [tilespmem:s12+$0x10];
	_ =	sdelay $0x2  }
0x275: {  	v1 =	vmul.f32 $8.000000000e+00, v1;
	_ =	sdelay $0x1  }
0x276: {  	v0 =	vadd.f32 v0, v1  }
0x277: {  	v1 =	vld [tilespmem:s2+$0x20]  }
0x278: {  	[tilespmem:s2+$0x10] =	vst v0  }
0x279: {  	v0 =	vld [tilespmem:s12+$0x20];
	_ =	sdelay $0x2  }
0x27a: {  	v1 =	vmul.f32 $8.000000000e+00, v1;
	_ =	sdelay $0x1  }
0x27b: {  	v0 =	vadd.f32 v0, v1  }
0x27c: {  	v1 =	vld [tilespmem:s2+$0x30]  }
0x27d: {  	[tilespmem:s2+$0x20] =	vst v0  }
0x27e: {  	v0 =	vld [tilespmem:s12+$0x30];
	_ =	sdelay $0x2  }
0x27f: {  	v1 =	vmul.f32 $8.000000000e+00, v1;
	_ =	sdelay $0x1  }
0x280: {  	v0 =	vadd.f32 v0, v1  }
0x281: {  	v1 =	vld [tilespmem:s2+$0x40]  }
0x282: {  	[tilespmem:s2+$0x30] =	vst v0  }
0x283: {  	v0 =	vld [tilespmem:s12+$0x40];
	_ =	sdelay $0x2  }
0x284: {  	v1 =	vmul.f32 $8.000000000e+00, v1;
	_ =	sdelay $0x1  }
0x285: {  	v0 =	vadd.f32 v0, v1  }
0x286: {  	v1 =	vld [tilespmem:s2+$0x50]  }
0x287: {  	[tilespmem:s2+$0x40] =	vst v0  }
0x288: {  	v0 =	vld [tilespmem:s12+$0x50];
	_ =	sdelay $0x2  }
0x289: {  	v1 =	vmul.f32 $8.000000000e+00, v1;
	_ =	sdelay $0x1  }
0x28a: {  	v0 =	vadd.f32 v0, v1  }
0x28b: {  	v1 =	vld [tilespmem:s2+$0x60]  }
0x28c: {  	[tilespmem:s2+$0x50] =	vst v0  }
0x28d: {  	v0 =	vld [tilespmem:s12+$0x60];
	_ =	sdelay $0x2  }
0x28e: {  	v1 =	vmul.f32 $8.000000000e+00, v1;
	_ =	sdelay $0x1  }
0x28f: {  	v0 =	vadd.f32 v0, v1  }
0x290: {  	v1 =	vld [tilespmem:s2+$0x70]  }
0x291: {  	[tilespmem:s2+$0x60] =	vst v0  }
0x292: {  	v0 =	vld [tilespmem:s12+$0x70];
	_ =	sdelay $0x2  }
0x293: {  	v1 =	vmul.f32 $8.000000000e+00, v1;
	_ =	sdelay $0x1  }
0x294: {  	s13 =	simm.s32 $0x0;
	s15 =	simm.s32 $0xE280;
	v0 =	vadd.f32 v0, v1  }
.LBB2_9:
0x295: {  	v1 =	vld [tilespmem:s15+$0xFFFFFF80];
	s13 =	sadd.s32 $0x4, s13  }
0x296: {  	s12 =	sadd.s32 $0x100, s12;
	p0 =	slt.u32 s13, $0xC4;
	[tilespmem:s2+$0x70] =	vst v0;
	s2 =	smov.u32 s15  }
0x297: {  	v0 =	vld [tilespmem:s12+$0xFFFFFF80];
	_ =	sdelay $0x2  }
0x298: {  	v1 =	vmul.f32 $8.000000000e+00, v1;
	_ =	sdelay $0x1  }
0x299: {  	v0 =	vadd.f32 v0, v1  }
0x29a: {  	v1 =	vld [tilespmem:s15+$0xFFFFFF90]  }
0x29b: {  	[tilespmem:s15+$0xFFFFFF80] =	vst v0  }
0x29c: {  	v0 =	vld [tilespmem:s12+$0xFFFFFF90];
	_ =	sdelay $0x2  }
0x29d: {  	v1 =	vmul.f32 $8.000000000e+00, v1;
	_ =	sdelay $0x1  }
0x29e: {  	v0 =	vadd.f32 v0, v1  }
0x29f: {  	v1 =	vld [tilespmem:s15+$0xFFFFFFA0]  }
0x2a0: {  	[tilespmem:s15+$0xFFFFFF90] =	vst v0  }
0x2a1: {  	v0 =	vld [tilespmem:s12+$0xFFFFFFA0];
	_ =	sdelay $0x2  }
0x2a2: {  	v1 =	vmul.f32 $8.000000000e+00, v1;
	_ =	sdelay $0x1  }
0x2a3: {  	v0 =	vadd.f32 v0, v1  }
0x2a4: {  	v1 =	vld [tilespmem:s15+$0xFFFFFFB0]  }
0x2a5: {  	[tilespmem:s15+$0xFFFFFFA0] =	vst v0  }
0x2a6: {  	v0 =	vld [tilespmem:s12+$0xFFFFFFB0];
	_ =	sdelay $0x2  }
0x2a7: {  	v1 =	vmul.f32 $8.000000000e+00, v1;
	_ =	sdelay $0x1  }
0x2a8: {  	v0 =	vadd.f32 v0, v1  }
0x2a9: {  	v1 =	vld [tilespmem:s15+$0xFFFFFFC0]  }
0x2aa: {  	[tilespmem:s15+$0xFFFFFFB0] =	vst v0  }
0x2ab: {  	v0 =	vld [tilespmem:s12+$0xFFFFFFC0];
	_ =	sdelay $0x2  }
0x2ac: {  	v1 =	vmul.f32 $8.000000000e+00, v1;
	_ =	sdelay $0x1  }
0x2ad: {  	v0 =	vadd.f32 v0, v1  }
0x2ae: {  	v1 =	vld [tilespmem:s15+$0xFFFFFFD0]  }
0x2af: {  	[tilespmem:s15+$0xFFFFFFC0] =	vst v0  }
0x2b0: {  	v0 =	vld [tilespmem:s12+$0xFFFFFFD0];
	_ =	sdelay $0x2  }
0x2b1: {  	v1 =	vmul.f32 $8.000000000e+00, v1;
	_ =	sdelay $0x1  }
0x2b2: {  	v0 =	vadd.f32 v0, v1  }
0x2b3: {  	v1 =	vld [tilespmem:s15+$0xFFFFFFE0]  }
0x2b4: {  	[tilespmem:s15+$0xFFFFFFD0] =	vst v0  }
0x2b5: {  	v0 =	vld [tilespmem:s12+$0xFFFFFFE0];
	_ =	sdelay $0x2  }
0x2b6: {  	v1 =	vmul.f32 $8.000000000e+00, v1;
	_ =	sdelay $0x1  }
0x2b7: {  	v0 =	vadd.f32 v0, v1  }
0x2b8: {  	v1 =	vld [tilespmem:s15+$0xFFFFFFF0]  }
0x2b9: {  	[tilespmem:s15+$0xFFFFFFE0] =	vst v0  }
0x2ba: {  	v0 =	vld [tilespmem:s12+$0xFFFFFFF0];
	_ =	sdelay $0x2  }
0x2bb: {  	v1 =	vmul.f32 $8.000000000e+00, v1;
	_ =	sdelay $0x1  }
0x2bc: {  	v0 =	vadd.f32 v0, v1  }
0x2bd: {  	v1 =	vld [tilespmem:s15+$0x0]  }
0x2be: {  	[tilespmem:s15+$0xFFFFFFF0] =	vst v0  }
0x2bf: {  	v0 =	vld [tilespmem:s12+$0x0];
	_ =	sdelay $0x2  }
0x2c0: {  	v1 =	vmul.f32 $8.000000000e+00, v1;
	_ =	sdelay $0x1  }
0x2c1: {  	v0 =	vadd.f32 v0, v1  }
0x2c2: {  	v1 =	vld [tilespmem:s15+$0x10]  }
0x2c3: {  	[tilespmem:s15+$0x0] =	vst v0  }
0x2c4: {  	v0 =	vld [tilespmem:s12+$0x10];
	_ =	sdelay $0x2  }
0x2c5: {  	v1 =	vmul.f32 $8.000000000e+00, v1;
	_ =	sdelay $0x1  }
0x2c6: {  	v0 =	vadd.f32 v0, v1  }
0x2c7: {  	v1 =	vld [tilespmem:s15+$0x20]  }
0x2c8: {  	[tilespmem:s15+$0x10] =	vst v0  }
0x2c9: {  	v0 =	vld [tilespmem:s12+$0x20];
	_ =	sdelay $0x2  }
0x2ca: {  	v1 =	vmul.f32 $8.000000000e+00, v1;
	_ =	sdelay $0x1  }
0x2cb: {  	v0 =	vadd.f32 v0, v1  }
0x2cc: {  	v1 =	vld [tilespmem:s15+$0x30]  }
0x2cd: {  	[tilespmem:s15+$0x20] =	vst v0  }
0x2ce: {  	v0 =	vld [tilespmem:s12+$0x30];
	_ =	sdelay $0x2  }
0x2cf: {  	v1 =	vmul.f32 $8.000000000e+00, v1;
	_ =	sdelay $0x1  }
0x2d0: {  	v0 =	vadd.f32 v0, v1  }
0x2d1: {  	v1 =	vld [tilespmem:s15+$0x40]  }
0x2d2: {  	[tilespmem:s15+$0x30] =	vst v0  }
0x2d3: {  	v0 =	vld [tilespmem:s12+$0x40];
	_ =	sdelay $0x2  }
0x2d4: {  	v1 =	vmul.f32 $8.000000000e+00, v1;
	_ =	sdelay $0x1  }
0x2d5: {  	v0 =	vadd.f32 v0, v1  }
0x2d6: {  	v1 =	vld [tilespmem:s15+$0x50]  }
0x2d7: {  	[tilespmem:s15+$0x40] =	vst v0  }
0x2d8: {  	v0 =	vld [tilespmem:s12+$0x50];
	_ =	sdelay $0x2  }
0x2d9: {  	v1 =	vmul.f32 $8.000000000e+00, v1;
	_ =	sdelay $0x1  }
0x2da: {  	v0 =	vadd.f32 v0, v1  }
0x2db: {  	v1 =	vld [tilespmem:s15+$0x60]  }
0x2dc: {  	[tilespmem:s15+$0x50] =	vst v0  }
0x2dd: {  	v0 =	vld [tilespmem:s12+$0x60];
	_ =	sdelay $0x2  }
0x2de: {  	v1 =	vmul.f32 $8.000000000e+00, v1;
	_ =	sdelay $0x1  }
0x2df: {  	v0 =	vadd.f32 v0, v1  }
0x2e0: {  	v1 =	vld [tilespmem:s15+$0x70]  }
0x2e1: {  	[tilespmem:s15+$0x60] =	vst v0  }
0x2e2: {  	v0 =	vld [tilespmem:s12+$0x70]  }
.Ltmp5:
0x2e3: {  	(pc) =	sbr.rel @p0 .LBB2_9-.Ltmp5, $3  }
0x2e4: {  	_ = 	snop  }
0x2e5: {  	v1 =	vmul.f32 $8.000000000e+00, v1;
	_ =	sdelay $0x1  }
0x2e6: {  	s15 =	sadd.s32 $0x100, s15;
	v0 =	vadd.f32 v0, v1  }
0x2e7: {  	_ = 	snop  }
0x2e8: {  	s15 =	sadd.s32 $0x12C0, s8;
	[tilespmem:s2+$0x70] =	vst v0  }
0x2e9: {  	[hbm4b:s15+s3] =	stream.linear.scatter [tilespmem:s17], [sflag:$0xC], $0x3200, $0x38;
	[tilespmem:$0x1DB00] =	vst v63  }
0x2ea: {  	_ =	swait.ge [sflag:s31], $0x3200  }
0x2eb: {  	[sflag:s31] =	ssyncset.done $0x0  }
0x2ec: {  	s2 =	simm.s32 $0x11380;
	[sflag:s31] =	ssyncadd.s32 $0xFFFFCE00  }
0x2ed: {  	v0 =	vld [tilespmem:s2+$0xFFFFFF80]  }
0x2ee: {  	s12 =	simm.s32 $0x1980  }
0x2ef: {  	v1 =	vld [tilespmem:s12+$0xFFFFFF80];
	_ =	sdelay $0x2  }
0x2f0: {  	v0 =	vmul.f32 $8.000000000e+00, v0;
	_ =	sdelay $0x1  }
0x2f1: {  	v0 =	vadd.f32 v1, v0  }
0x2f2: {  	v1 =	vld [tilespmem:s2+$0xFFFFFF90]  }
0x2f3: {  	[tilespmem:s2+$0xFFFFFF80] =	vst v0  }
0x2f4: {  	v0 =	vld [tilespmem:s12+$0xFFFFFF90];
	_ =	sdelay $0x2  }
0x2f5: {  	v1 =	vmul.f32 $8.000000000e+00, v1;
	_ =	sdelay $0x1  }
0x2f6: {  	v0 =	vadd.f32 v0, v1  }
0x2f7: {  	v1 =	vld [tilespmem:s2+$0xFFFFFFA0]  }
0x2f8: {  	[tilespmem:s2+$0xFFFFFF90] =	vst v0  }
0x2f9: {  	v0 =	vld [tilespmem:s12+$0xFFFFFFA0];
	_ =	sdelay $0x2  }
0x2fa: {  	v1 =	vmul.f32 $8.000000000e+00, v1;
	_ =	sdelay $0x1  }
0x2fb: {  	v0 =	vadd.f32 v0, v1  }
0x2fc: {  	v1 =	vld [tilespmem:s2+$0xFFFFFFB0]  }
0x2fd: {  	[tilespmem:s2+$0xFFFFFFA0] =	vst v0  }
0x2fe: {  	v0 =	vld [tilespmem:s12+$0xFFFFFFB0];
	_ =	sdelay $0x2  }
0x2ff: {  	v1 =	vmul.f32 $8.000000000e+00, v1;
	_ =	sdelay $0x1  }
0x300: {  	v0 =	vadd.f32 v0, v1  }
0x301: {  	v1 =	vld [tilespmem:s2+$0xFFFFFFC0]  }
0x302: {  	[tilespmem:s2+$0xFFFFFFB0] =	vst v0  }
0x303: {  	v0 =	vld [tilespmem:s12+$0xFFFFFFC0];
	_ =	sdelay $0x2  }
0x304: {  	v1 =	vmul.f32 $8.000000000e+00, v1;
	_ =	sdelay $0x1  }
0x305: {  	v0 =	vadd.f32 v0, v1  }
0x306: {  	v1 =	vld [tilespmem:s2+$0xFFFFFFD0]  }
0x307: {  	[tilespmem:s2+$0xFFFFFFC0] =	vst v0  }
0x308: {  	v0 =	vld [tilespmem:s12+$0xFFFFFFD0];
	_ =	sdelay $0x2  }
0x309: {  	v1 =	vmul.f32 $8.000000000e+00, v1;
	_ =	sdelay $0x1  }
0x30a: {  	v0 =	vadd.f32 v0, v1  }
0x30b: {  	v1 =	vld [tilespmem:s2+$0xFFFFFFE0]  }
0x30c: {  	[tilespmem:s2+$0xFFFFFFD0] =	vst v0  }
0x30d: {  	v0 =	vld [tilespmem:s12+$0xFFFFFFE0];
	_ =	sdelay $0x2  }
0x30e: {  	v1 =	vmul.f32 $8.000000000e+00, v1;
	_ =	sdelay $0x1  }
0x30f: {  	v0 =	vadd.f32 v0, v1  }
0x310: {  	v1 =	vld [tilespmem:s2+$0xFFFFFFF0]  }
0x311: {  	[tilespmem:s2+$0xFFFFFFE0] =	vst v0  }
0x312: {  	v0 =	vld [tilespmem:s12+$0xFFFFFFF0];
	_ =	sdelay $0x2  }
0x313: {  	v1 =	vmul.f32 $8.000000000e+00, v1;
	_ =	sdelay $0x1  }
0x314: {  	v0 =	vadd.f32 v0, v1  }
0x315: {  	v1 =	vld [tilespmem:s2+$0x0]  }
0x316: {  	[tilespmem:s2+$0xFFFFFFF0] =	vst v0  }
0x317: {  	v0 =	vld [tilespmem:s12+$0x0];
	_ =	sdelay $0x2  }
0x318: {  	v1 =	vmul.f32 $8.000000000e+00, v1;
	_ =	sdelay $0x1  }
0x319: {  	v0 =	vadd.f32 v0, v1  }
0x31a: {  	v1 =	vld [tilespmem:s2+$0x10]  }
0x31b: {  	[tilespmem:s2+$0x0] =	vst v0  }
0x31c: {  	v0 =	vld [tilespmem:s12+$0x10];
	_ =	sdelay $0x2  }
0x31d: {  	v1 =	vmul.f32 $8.000000000e+00, v1;
	_ =	sdelay $0x1  }
0x31e: {  	v0 =	vadd.f32 v0, v1  }
0x31f: {  	v1 =	vld [tilespmem:s2+$0x20]  }
0x320: {  	[tilespmem:s2+$0x10] =	vst v0  }
0x321: {  	v0 =	vld [tilespmem:s12+$0x20];
	_ =	sdelay $0x2  }
0x322: {  	v1 =	vmul.f32 $8.000000000e+00, v1;
	_ =	sdelay $0x1  }
0x323: {  	v0 =	vadd.f32 v0, v1  }
0x324: {  	v1 =	vld [tilespmem:s2+$0x30]  }
0x325: {  	[tilespmem:s2+$0x20] =	vst v0  }
0x326: {  	v0 =	vld [tilespmem:s12+$0x30];
	_ =	sdelay $0x2  }
0x327: {  	v1 =	vmul.f32 $8.000000000e+00, v1;
	_ =	sdelay $0x1  }
0x328: {  	v0 =	vadd.f32 v0, v1  }
0x329: {  	v1 =	vld [tilespmem:s2+$0x40]  }
0x32a: {  	[tilespmem:s2+$0x30] =	vst v0  }
0x32b: {  	v0 =	vld [tilespmem:s12+$0x40];
	_ =	sdelay $0x2  }
0x32c: {  	v1 =	vmul.f32 $8.000000000e+00, v1;
	_ =	sdelay $0x1  }
0x32d: {  	v0 =	vadd.f32 v0, v1  }
0x32e: {  	v1 =	vld [tilespmem:s2+$0x50]  }
0x32f: {  	[tilespmem:s2+$0x40] =	vst v0  }
0x330: {  	v0 =	vld [tilespmem:s12+$0x50];
	_ =	sdelay $0x2  }
0x331: {  	v1 =	vmul.f32 $8.000000000e+00, v1;
	_ =	sdelay $0x1  }
0x332: {  	v0 =	vadd.f32 v0, v1  }
0x333: {  	v1 =	vld [tilespmem:s2+$0x60]  }
0x334: {  	[tilespmem:s2+$0x50] =	vst v0  }
0x335: {  	v0 =	vld [tilespmem:s12+$0x60];
	_ =	sdelay $0x2  }
0x336: {  	v1 =	vmul.f32 $8.000000000e+00, v1;
	_ =	sdelay $0x1  }
0x337: {  	v0 =	vadd.f32 v0, v1  }
0x338: {  	v1 =	vld [tilespmem:s2+$0x70]  }
0x339: {  	[tilespmem:s2+$0x60] =	vst v0  }
0x33a: {  	v0 =	vld [tilespmem:s12+$0x70];
	_ =	sdelay $0x2  }
0x33b: {  	v1 =	vmul.f32 $8.000000000e+00, v1;
	_ =	sdelay $0x1  }
0x33c: {  	s13 =	simm.s32 $0x0;
	s15 =	simm.s32 $0x11480;
	v0 =	vadd.f32 v0, v1  }
.LBB2_11:
0x33d: {  	v1 =	vld [tilespmem:s15+$0xFFFFFF80];
	s13 =	sadd.s32 $0x4, s13  }
0x33e: {  	s12 =	sadd.s32 $0x100, s12;
	p0 =	slt.u32 s13, $0xC4;
	[tilespmem:s2+$0x70] =	vst v0;
	s2 =	smov.u32 s15  }
0x33f: {  	v0 =	vld [tilespmem:s12+$0xFFFFFF80];
	_ =	sdelay $0x2  }
0x340: {  	v1 =	vmul.f32 $8.000000000e+00, v1;
	_ =	sdelay $0x1  }
0x341: {  	v0 =	vadd.f32 v0, v1  }
0x342: {  	v1 =	vld [tilespmem:s15+$0xFFFFFF90]  }
0x343: {  	[tilespmem:s15+$0xFFFFFF80] =	vst v0  }
0x344: {  	v0 =	vld [tilespmem:s12+$0xFFFFFF90];
	_ =	sdelay $0x2  }
0x345: {  	v1 =	vmul.f32 $8.000000000e+00, v1;
	_ =	sdelay $0x1  }
0x346: {  	v0 =	vadd.f32 v0, v1  }
0x347: {  	v1 =	vld [tilespmem:s15+$0xFFFFFFA0]  }
0x348: {  	[tilespmem:s15+$0xFFFFFF90] =	vst v0  }
0x349: {  	v0 =	vld [tilespmem:s12+$0xFFFFFFA0];
	_ =	sdelay $0x2  }
0x34a: {  	v1 =	vmul.f32 $8.000000000e+00, v1;
	_ =	sdelay $0x1  }
0x34b: {  	v0 =	vadd.f32 v0, v1  }
0x34c: {  	v1 =	vld [tilespmem:s15+$0xFFFFFFB0]  }
0x34d: {  	[tilespmem:s15+$0xFFFFFFA0] =	vst v0  }
0x34e: {  	v0 =	vld [tilespmem:s12+$0xFFFFFFB0];
	_ =	sdelay $0x2  }
0x34f: {  	v1 =	vmul.f32 $8.000000000e+00, v1;
	_ =	sdelay $0x1  }
0x350: {  	v0 =	vadd.f32 v0, v1  }
0x351: {  	v1 =	vld [tilespmem:s15+$0xFFFFFFC0]  }
0x352: {  	[tilespmem:s15+$0xFFFFFFB0] =	vst v0  }
0x353: {  	v0 =	vld [tilespmem:s12+$0xFFFFFFC0];
	_ =	sdelay $0x2  }
0x354: {  	v1 =	vmul.f32 $8.000000000e+00, v1;
	_ =	sdelay $0x1  }
0x355: {  	v0 =	vadd.f32 v0, v1  }
0x356: {  	v1 =	vld [tilespmem:s15+$0xFFFFFFD0]  }
0x357: {  	[tilespmem:s15+$0xFFFFFFC0] =	vst v0  }
0x358: {  	v0 =	vld [tilespmem:s12+$0xFFFFFFD0];
	_ =	sdelay $0x2  }
0x359: {  	v1 =	vmul.f32 $8.000000000e+00, v1;
	_ =	sdelay $0x1  }
0x35a: {  	v0 =	vadd.f32 v0, v1  }
0x35b: {  	v1 =	vld [tilespmem:s15+$0xFFFFFFE0]  }
0x35c: {  	[tilespmem:s15+$0xFFFFFFD0] =	vst v0  }
0x35d: {  	v0 =	vld [tilespmem:s12+$0xFFFFFFE0];
	_ =	sdelay $0x2  }
0x35e: {  	v1 =	vmul.f32 $8.000000000e+00, v1;
	_ =	sdelay $0x1  }
0x35f: {  	v0 =	vadd.f32 v0, v1  }
0x360: {  	v1 =	vld [tilespmem:s15+$0xFFFFFFF0]  }
0x361: {  	[tilespmem:s15+$0xFFFFFFE0] =	vst v0  }
0x362: {  	v0 =	vld [tilespmem:s12+$0xFFFFFFF0];
	_ =	sdelay $0x2  }
0x363: {  	v1 =	vmul.f32 $8.000000000e+00, v1;
	_ =	sdelay $0x1  }
0x364: {  	v0 =	vadd.f32 v0, v1  }
0x365: {  	v1 =	vld [tilespmem:s15+$0x0]  }
0x366: {  	[tilespmem:s15+$0xFFFFFFF0] =	vst v0  }
0x367: {  	v0 =	vld [tilespmem:s12+$0x0];
	_ =	sdelay $0x2  }
0x368: {  	v1 =	vmul.f32 $8.000000000e+00, v1;
	_ =	sdelay $0x1  }
0x369: {  	v0 =	vadd.f32 v0, v1  }
0x36a: {  	v1 =	vld [tilespmem:s15+$0x10]  }
0x36b: {  	[tilespmem:s15+$0x0] =	vst v0  }
0x36c: {  	v0 =	vld [tilespmem:s12+$0x10];
	_ =	sdelay $0x2  }
0x36d: {  	v1 =	vmul.f32 $8.000000000e+00, v1;
	_ =	sdelay $0x1  }
0x36e: {  	v0 =	vadd.f32 v0, v1  }
0x36f: {  	v1 =	vld [tilespmem:s15+$0x20]  }
0x370: {  	[tilespmem:s15+$0x10] =	vst v0  }
0x371: {  	v0 =	vld [tilespmem:s12+$0x20];
	_ =	sdelay $0x2  }
0x372: {  	v1 =	vmul.f32 $8.000000000e+00, v1;
	_ =	sdelay $0x1  }
0x373: {  	v0 =	vadd.f32 v0, v1  }
0x374: {  	v1 =	vld [tilespmem:s15+$0x30]  }
0x375: {  	[tilespmem:s15+$0x20] =	vst v0  }
0x376: {  	v0 =	vld [tilespmem:s12+$0x30];
	_ =	sdelay $0x2  }
0x377: {  	v1 =	vmul.f32 $8.000000000e+00, v1;
	_ =	sdelay $0x1  }
0x378: {  	v0 =	vadd.f32 v0, v1  }
0x379: {  	v1 =	vld [tilespmem:s15+$0x40]  }
0x37a: {  	[tilespmem:s15+$0x30] =	vst v0  }
0x37b: {  	v0 =	vld [tilespmem:s12+$0x40];
	_ =	sdelay $0x2  }
0x37c: {  	v1 =	vmul.f32 $8.000000000e+00, v1;
	_ =	sdelay $0x1  }
0x37d: {  	v0 =	vadd.f32 v0, v1  }
0x37e: {  	v1 =	vld [tilespmem:s15+$0x50]  }
0x37f: {  	[tilespmem:s15+$0x40] =	vst v0  }
0x380: {  	v0 =	vld [tilespmem:s12+$0x50];
	_ =	sdelay $0x2  }
0x381: {  	v1 =	vmul.f32 $8.000000000e+00, v1;
	_ =	sdelay $0x1  }
0x382: {  	v0 =	vadd.f32 v0, v1  }
0x383: {  	v1 =	vld [tilespmem:s15+$0x60]  }
0x384: {  	[tilespmem:s15+$0x50] =	vst v0  }
0x385: {  	v0 =	vld [tilespmem:s12+$0x60];
	_ =	sdelay $0x2  }
0x386: {  	v1 =	vmul.f32 $8.000000000e+00, v1;
	_ =	sdelay $0x1  }
0x387: {  	v0 =	vadd.f32 v0, v1  }
0x388: {  	v1 =	vld [tilespmem:s15+$0x70]  }
0x389: {  	[tilespmem:s15+$0x60] =	vst v0  }
0x38a: {  	v0 =	vld [tilespmem:s12+$0x70]  }
.Ltmp6:
0x38b: {  	(pc) =	sbr.rel @p0 .LBB2_11-.Ltmp6, $3  }
0x38c: {  	_ = 	snop  }
0x38d: {  	v1 =	vmul.f32 $8.000000000e+00, v1;
	_ =	sdelay $0x1  }
0x38e: {  	s15 =	sadd.s32 $0x100, s15;
	v0 =	vadd.f32 v0, v1  }
0x38f: {  	_ = 	snop  }
0x390: {  	s15 =	sadd.s32 $0x1900, s8;
	[tilespmem:s2+$0x70] =	vst v0  }
0x391: {  	[hbm4b:s15+s3] =	stream.linear.scatter [tilespmem:s19], [sflag:$0xD], $0x3200, $0x38;
	[tilespmem:$0x1DB00] =	vst v63  }
0x392: {  	_ =	swait.ge [sflag:s1], $0x3200  }
0x393: {  	[sflag:s1] =	ssyncset.done $0x0  }
0x394: {  	s2 =	simm.s32 $0x14580;
	[sflag:s1] =	ssyncadd.s32 $0xFFFFCE00  }
0x395: {  	v0 =	vld [tilespmem:s2+$0xFFFFFF80]  }
0x396: {  	s12 =	simm.s32 $0x1980  }
0x397: {  	v1 =	vld [tilespmem:s12+$0xFFFFFF80];
	_ =	sdelay $0x2  }
0x398: {  	v0 =	vmul.f32 $8.000000000e+00, v0;
	_ =	sdelay $0x1  }
0x399: {  	v0 =	vadd.f32 v1, v0  }
0x39a: {  	v1 =	vld [tilespmem:s2+$0xFFFFFF90]  }
0x39b: {  	[tilespmem:s2+$0xFFFFFF80] =	vst v0  }
0x39c: {  	v0 =	vld [tilespmem:s12+$0xFFFFFF90];
	_ =	sdelay $0x2  }
0x39d: {  	v1 =	vmul.f32 $8.000000000e+00, v1;
	_ =	sdelay $0x1  }
0x39e: {  	v0 =	vadd.f32 v0, v1  }
0x39f: {  	v1 =	vld [tilespmem:s2+$0xFFFFFFA0]  }
0x3a0: {  	[tilespmem:s2+$0xFFFFFF90] =	vst v0  }
0x3a1: {  	v0 =	vld [tilespmem:s12+$0xFFFFFFA0];
	_ =	sdelay $0x2  }
0x3a2: {  	v1 =	vmul.f32 $8.000000000e+00, v1;
	_ =	sdelay $0x1  }
0x3a3: {  	v0 =	vadd.f32 v0, v1  }
0x3a4: {  	v1 =	vld [tilespmem:s2+$0xFFFFFFB0]  }
0x3a5: {  	[tilespmem:s2+$0xFFFFFFA0] =	vst v0  }
0x3a6: {  	v0 =	vld [tilespmem:s12+$0xFFFFFFB0];
	_ =	sdelay $0x2  }
0x3a7: {  	v1 =	vmul.f32 $8.000000000e+00, v1;
	_ =	sdelay $0x1  }
0x3a8: {  	v0 =	vadd.f32 v0, v1  }
0x3a9: {  	v1 =	vld [tilespmem:s2+$0xFFFFFFC0]  }
0x3aa: {  	[tilespmem:s2+$0xFFFFFFB0] =	vst v0  }
0x3ab: {  	v0 =	vld [tilespmem:s12+$0xFFFFFFC0];
	_ =	sdelay $0x2  }
0x3ac: {  	v1 =	vmul.f32 $8.000000000e+00, v1;
	_ =	sdelay $0x1  }
0x3ad: {  	v0 =	vadd.f32 v0, v1  }
0x3ae: {  	v1 =	vld [tilespmem:s2+$0xFFFFFFD0]  }
0x3af: {  	[tilespmem:s2+$0xFFFFFFC0] =	vst v0  }
0x3b0: {  	v0 =	vld [tilespmem:s12+$0xFFFFFFD0];
	_ =	sdelay $0x2  }
0x3b1: {  	v1 =	vmul.f32 $8.000000000e+00, v1;
	_ =	sdelay $0x1  }
0x3b2: {  	v0 =	vadd.f32 v0, v1  }
0x3b3: {  	v1 =	vld [tilespmem:s2+$0xFFFFFFE0]  }
0x3b4: {  	[tilespmem:s2+$0xFFFFFFD0] =	vst v0  }
0x3b5: {  	v0 =	vld [tilespmem:s12+$0xFFFFFFE0];
	_ =	sdelay $0x2  }
0x3b6: {  	v1 =	vmul.f32 $8.000000000e+00, v1;
	_ =	sdelay $0x1  }
0x3b7: {  	v0 =	vadd.f32 v0, v1  }
0x3b8: {  	v1 =	vld [tilespmem:s2+$0xFFFFFFF0]  }
0x3b9: {  	[tilespmem:s2+$0xFFFFFFE0] =	vst v0  }
0x3ba: {  	v0 =	vld [tilespmem:s12+$0xFFFFFFF0];
	_ =	sdelay $0x2  }
0x3bb: {  	v1 =	vmul.f32 $8.000000000e+00, v1;
	_ =	sdelay $0x1  }
0x3bc: {  	v0 =	vadd.f32 v0, v1  }
0x3bd: {  	v1 =	vld [tilespmem:s2+$0x0]  }
0x3be: {  	[tilespmem:s2+$0xFFFFFFF0] =	vst v0  }
0x3bf: {  	v0 =	vld [tilespmem:s12+$0x0];
	_ =	sdelay $0x2  }
0x3c0: {  	v1 =	vmul.f32 $8.000000000e+00, v1;
	_ =	sdelay $0x1  }
0x3c1: {  	v0 =	vadd.f32 v0, v1  }
0x3c2: {  	v1 =	vld [tilespmem:s2+$0x10]  }
0x3c3: {  	[tilespmem:s2+$0x0] =	vst v0  }
0x3c4: {  	v0 =	vld [tilespmem:s12+$0x10];
	_ =	sdelay $0x2  }
0x3c5: {  	v1 =	vmul.f32 $8.000000000e+00, v1;
	_ =	sdelay $0x1  }
0x3c6: {  	v0 =	vadd.f32 v0, v1  }
0x3c7: {  	v1 =	vld [tilespmem:s2+$0x20]  }
0x3c8: {  	[tilespmem:s2+$0x10] =	vst v0  }
0x3c9: {  	v0 =	vld [tilespmem:s12+$0x20];
	_ =	sdelay $0x2  }
0x3ca: {  	v1 =	vmul.f32 $8.000000000e+00, v1;
	_ =	sdelay $0x1  }
0x3cb: {  	v0 =	vadd.f32 v0, v1  }
0x3cc: {  	v1 =	vld [tilespmem:s2+$0x30]  }
0x3cd: {  	[tilespmem:s2+$0x20] =	vst v0  }
0x3ce: {  	v0 =	vld [tilespmem:s12+$0x30];
	_ =	sdelay $0x2  }
0x3cf: {  	v1 =	vmul.f32 $8.000000000e+00, v1;
	_ =	sdelay $0x1  }
0x3d0: {  	v0 =	vadd.f32 v0, v1  }
0x3d1: {  	v1 =	vld [tilespmem:s2+$0x40]  }
0x3d2: {  	[tilespmem:s2+$0x30] =	vst v0  }
0x3d3: {  	v0 =	vld [tilespmem:s12+$0x40];
	_ =	sdelay $0x2  }
0x3d4: {  	v1 =	vmul.f32 $8.000000000e+00, v1;
	_ =	sdelay $0x1  }
0x3d5: {  	v0 =	vadd.f32 v0, v1  }
0x3d6: {  	v1 =	vld [tilespmem:s2+$0x50]  }
0x3d7: {  	[tilespmem:s2+$0x40] =	vst v0  }
0x3d8: {  	v0 =	vld [tilespmem:s12+$0x50];
	_ =	sdelay $0x2  }
0x3d9: {  	v1 =	vmul.f32 $8.000000000e+00, v1;
	_ =	sdelay $0x1  }
0x3da: {  	v0 =	vadd.f32 v0, v1  }
0x3db: {  	v1 =	vld [tilespmem:s2+$0x60]  }
0x3dc: {  	[tilespmem:s2+$0x50] =	vst v0  }
0x3dd: {  	v0 =	vld [tilespmem:s12+$0x60];
	_ =	sdelay $0x2  }
0x3de: {  	v1 =	vmul.f32 $8.000000000e+00, v1;
	_ =	sdelay $0x1  }
0x3df: {  	v0 =	vadd.f32 v0, v1  }
0x3e0: {  	v1 =	vld [tilespmem:s2+$0x70]  }
0x3e1: {  	[tilespmem:s2+$0x60] =	vst v0  }
0x3e2: {  	v0 =	vld [tilespmem:s12+$0x70];
	_ =	sdelay $0x2  }
0x3e3: {  	v1 =	vmul.f32 $8.000000000e+00, v1;
	_ =	sdelay $0x1  }
0x3e4: {  	s13 =	simm.s32 $0x0;
	s15 =	simm.s32 $0x14680;
	v0 =	vadd.f32 v0, v1  }
.LBB2_13:
0x3e5: {  	v1 =	vld [tilespmem:s15+$0xFFFFFF80];
	s13 =	sadd.s32 $0x4, s13  }
0x3e6: {  	s12 =	sadd.s32 $0x100, s12;
	p0 =	slt.u32 s13, $0xC4;
	[tilespmem:s2+$0x70] =	vst v0;
	s2 =	smov.u32 s15  }
0x3e7: {  	v0 =	vld [tilespmem:s12+$0xFFFFFF80];
	_ =	sdelay $0x2  }
0x3e8: {  	v1 =	vmul.f32 $8.000000000e+00, v1;
	_ =	sdelay $0x1  }
0x3e9: {  	v0 =	vadd.f32 v0, v1  }
0x3ea: {  	v1 =	vld [tilespmem:s15+$0xFFFFFF90]  }
0x3eb: {  	[tilespmem:s15+$0xFFFFFF80] =	vst v0  }
0x3ec: {  	v0 =	vld [tilespmem:s12+$0xFFFFFF90];
	_ =	sdelay $0x2  }
0x3ed: {  	v1 =	vmul.f32 $8.000000000e+00, v1;
	_ =	sdelay $0x1  }
0x3ee: {  	v0 =	vadd.f32 v0, v1  }
0x3ef: {  	v1 =	vld [tilespmem:s15+$0xFFFFFFA0]  }
0x3f0: {  	[tilespmem:s15+$0xFFFFFF90] =	vst v0  }
0x3f1: {  	v0 =	vld [tilespmem:s12+$0xFFFFFFA0];
	_ =	sdelay $0x2  }
0x3f2: {  	v1 =	vmul.f32 $8.000000000e+00, v1;
	_ =	sdelay $0x1  }
0x3f3: {  	v0 =	vadd.f32 v0, v1  }
0x3f4: {  	v1 =	vld [tilespmem:s15+$0xFFFFFFB0]  }
0x3f5: {  	[tilespmem:s15+$0xFFFFFFA0] =	vst v0  }
0x3f6: {  	v0 =	vld [tilespmem:s12+$0xFFFFFFB0];
	_ =	sdelay $0x2  }
0x3f7: {  	v1 =	vmul.f32 $8.000000000e+00, v1;
	_ =	sdelay $0x1  }
0x3f8: {  	v0 =	vadd.f32 v0, v1  }
0x3f9: {  	v1 =	vld [tilespmem:s15+$0xFFFFFFC0]  }
0x3fa: {  	[tilespmem:s15+$0xFFFFFFB0] =	vst v0  }
0x3fb: {  	v0 =	vld [tilespmem:s12+$0xFFFFFFC0];
	_ =	sdelay $0x2  }
0x3fc: {  	v1 =	vmul.f32 $8.000000000e+00, v1;
	_ =	sdelay $0x1  }
0x3fd: {  	v0 =	vadd.f32 v0, v1  }
0x3fe: {  	v1 =	vld [tilespmem:s15+$0xFFFFFFD0]  }
0x3ff: {  	[tilespmem:s15+$0xFFFFFFC0] =	vst v0  }
0x400: {  	v0 =	vld [tilespmem:s12+$0xFFFFFFD0];
	_ =	sdelay $0x2  }
0x401: {  	v1 =	vmul.f32 $8.000000000e+00, v1;
	_ =	sdelay $0x1  }
0x402: {  	v0 =	vadd.f32 v0, v1  }
0x403: {  	v1 =	vld [tilespmem:s15+$0xFFFFFFE0]  }
0x404: {  	[tilespmem:s15+$0xFFFFFFD0] =	vst v0  }
0x405: {  	v0 =	vld [tilespmem:s12+$0xFFFFFFE0];
	_ =	sdelay $0x2  }
0x406: {  	v1 =	vmul.f32 $8.000000000e+00, v1;
	_ =	sdelay $0x1  }
0x407: {  	v0 =	vadd.f32 v0, v1  }
0x408: {  	v1 =	vld [tilespmem:s15+$0xFFFFFFF0]  }
0x409: {  	[tilespmem:s15+$0xFFFFFFE0] =	vst v0  }
0x40a: {  	v0 =	vld [tilespmem:s12+$0xFFFFFFF0];
	_ =	sdelay $0x2  }
0x40b: {  	v1 =	vmul.f32 $8.000000000e+00, v1;
	_ =	sdelay $0x1  }
0x40c: {  	v0 =	vadd.f32 v0, v1  }
0x40d: {  	v1 =	vld [tilespmem:s15+$0x0]  }
0x40e: {  	[tilespmem:s15+$0xFFFFFFF0] =	vst v0  }
0x40f: {  	v0 =	vld [tilespmem:s12+$0x0];
	_ =	sdelay $0x2  }
0x410: {  	v1 =	vmul.f32 $8.000000000e+00, v1;
	_ =	sdelay $0x1  }
0x411: {  	v0 =	vadd.f32 v0, v1  }
0x412: {  	v1 =	vld [tilespmem:s15+$0x10]  }
0x413: {  	[tilespmem:s15+$0x0] =	vst v0  }
0x414: {  	v0 =	vld [tilespmem:s12+$0x10];
	_ =	sdelay $0x2  }
0x415: {  	v1 =	vmul.f32 $8.000000000e+00, v1;
	_ =	sdelay $0x1  }
0x416: {  	v0 =	vadd.f32 v0, v1  }
0x417: {  	v1 =	vld [tilespmem:s15+$0x20]  }
0x418: {  	[tilespmem:s15+$0x10] =	vst v0  }
0x419: {  	v0 =	vld [tilespmem:s12+$0x20];
	_ =	sdelay $0x2  }
0x41a: {  	v1 =	vmul.f32 $8.000000000e+00, v1;
	_ =	sdelay $0x1  }
0x41b: {  	v0 =	vadd.f32 v0, v1  }
0x41c: {  	v1 =	vld [tilespmem:s15+$0x30]  }
0x41d: {  	[tilespmem:s15+$0x20] =	vst v0  }
0x41e: {  	v0 =	vld [tilespmem:s12+$0x30];
	_ =	sdelay $0x2  }
0x41f: {  	v1 =	vmul.f32 $8.000000000e+00, v1;
	_ =	sdelay $0x1  }
0x420: {  	v0 =	vadd.f32 v0, v1  }
0x421: {  	v1 =	vld [tilespmem:s15+$0x40]  }
0x422: {  	[tilespmem:s15+$0x30] =	vst v0  }
0x423: {  	v0 =	vld [tilespmem:s12+$0x40];
	_ =	sdelay $0x2  }
0x424: {  	v1 =	vmul.f32 $8.000000000e+00, v1;
	_ =	sdelay $0x1  }
0x425: {  	v0 =	vadd.f32 v0, v1  }
0x426: {  	v1 =	vld [tilespmem:s15+$0x50]  }
0x427: {  	[tilespmem:s15+$0x40] =	vst v0  }
0x428: {  	v0 =	vld [tilespmem:s12+$0x50];
	_ =	sdelay $0x2  }
0x429: {  	v1 =	vmul.f32 $8.000000000e+00, v1;
	_ =	sdelay $0x1  }
0x42a: {  	v0 =	vadd.f32 v0, v1  }
0x42b: {  	v1 =	vld [tilespmem:s15+$0x60]  }
0x42c: {  	[tilespmem:s15+$0x50] =	vst v0  }
0x42d: {  	v0 =	vld [tilespmem:s12+$0x60];
	_ =	sdelay $0x2  }
0x42e: {  	v1 =	vmul.f32 $8.000000000e+00, v1;
	_ =	sdelay $0x1  }
0x42f: {  	v0 =	vadd.f32 v0, v1  }
0x430: {  	v1 =	vld [tilespmem:s15+$0x70]  }
0x431: {  	[tilespmem:s15+$0x60] =	vst v0  }
0x432: {  	v0 =	vld [tilespmem:s12+$0x70]  }
.Ltmp7:
0x433: {  	(pc) =	sbr.rel @p0 .LBB2_13-.Ltmp7, $3  }
0x434: {  	_ = 	snop  }
0x435: {  	v1 =	vmul.f32 $8.000000000e+00, v1;
	_ =	sdelay $0x1  }
0x436: {  	s15 =	sadd.s32 $0x100, s15;
	v0 =	vadd.f32 v0, v1  }
0x437: {  	_ = 	snop  }
0x438: {  	s15 =	sadd.s32 $0x1F40, s8;
	[tilespmem:s2+$0x70] =	vst v0  }
0x439: {  	[hbm4b:s15+s3] =	stream.linear.scatter [tilespmem:s21], [sflag:$0xE], $0x3200, $0x38;
	[tilespmem:$0x1DB00] =	vst v63  }
0x43a: {  	_ =	swait.ge [sflag:s0], $0x3200  }
0x43b: {  	[sflag:s0] =	ssyncset.done $0x0  }
0x43c: {  	s2 =	simm.s32 $0x17780;
	[sflag:s0] =	ssyncadd.s32 $0xFFFFCE00  }
0x43d: {  	v0 =	vld [tilespmem:s2+$0xFFFFFF80]  }
0x43e: {  	s12 =	simm.s32 $0x1980  }
0x43f: {  	v1 =	vld [tilespmem:s12+$0xFFFFFF80];
	_ =	sdelay $0x2  }
0x440: {  	v0 =	vmul.f32 $8.000000000e+00, v0;
	_ =	sdelay $0x1  }
0x441: {  	v0 =	vadd.f32 v1, v0  }
0x442: {  	v1 =	vld [tilespmem:s2+$0xFFFFFF90]  }
0x443: {  	[tilespmem:s2+$0xFFFFFF80] =	vst v0  }
0x444: {  	v0 =	vld [tilespmem:s12+$0xFFFFFF90];
	_ =	sdelay $0x2  }
0x445: {  	v1 =	vmul.f32 $8.000000000e+00, v1;
	_ =	sdelay $0x1  }
0x446: {  	v0 =	vadd.f32 v0, v1  }
0x447: {  	v1 =	vld [tilespmem:s2+$0xFFFFFFA0]  }
0x448: {  	[tilespmem:s2+$0xFFFFFF90] =	vst v0  }
0x449: {  	v0 =	vld [tilespmem:s12+$0xFFFFFFA0];
	_ =	sdelay $0x2  }
0x44a: {  	v1 =	vmul.f32 $8.000000000e+00, v1;
	_ =	sdelay $0x1  }
0x44b: {  	v0 =	vadd.f32 v0, v1  }
0x44c: {  	v1 =	vld [tilespmem:s2+$0xFFFFFFB0]  }
0x44d: {  	[tilespmem:s2+$0xFFFFFFA0] =	vst v0  }
0x44e: {  	v0 =	vld [tilespmem:s12+$0xFFFFFFB0];
	_ =	sdelay $0x2  }
0x44f: {  	v1 =	vmul.f32 $8.000000000e+00, v1;
	_ =	sdelay $0x1  }
0x450: {  	v0 =	vadd.f32 v0, v1  }
0x451: {  	v1 =	vld [tilespmem:s2+$0xFFFFFFC0]  }
0x452: {  	[tilespmem:s2+$0xFFFFFFB0] =	vst v0  }
0x453: {  	v0 =	vld [tilespmem:s12+$0xFFFFFFC0];
	_ =	sdelay $0x2  }
0x454: {  	v1 =	vmul.f32 $8.000000000e+00, v1;
	_ =	sdelay $0x1  }
0x455: {  	v0 =	vadd.f32 v0, v1  }
0x456: {  	v1 =	vld [tilespmem:s2+$0xFFFFFFD0]  }
0x457: {  	[tilespmem:s2+$0xFFFFFFC0] =	vst v0  }
0x458: {  	v0 =	vld [tilespmem:s12+$0xFFFFFFD0];
	_ =	sdelay $0x2  }
0x459: {  	v1 =	vmul.f32 $8.000000000e+00, v1;
	_ =	sdelay $0x1  }
0x45a: {  	v0 =	vadd.f32 v0, v1  }
0x45b: {  	v1 =	vld [tilespmem:s2+$0xFFFFFFE0]  }
0x45c: {  	[tilespmem:s2+$0xFFFFFFD0] =	vst v0  }
0x45d: {  	v0 =	vld [tilespmem:s12+$0xFFFFFFE0];
	_ =	sdelay $0x2  }
0x45e: {  	v1 =	vmul.f32 $8.000000000e+00, v1;
	_ =	sdelay $0x1  }
0x45f: {  	v0 =	vadd.f32 v0, v1  }
0x460: {  	v1 =	vld [tilespmem:s2+$0xFFFFFFF0]  }
0x461: {  	[tilespmem:s2+$0xFFFFFFE0] =	vst v0  }
0x462: {  	v0 =	vld [tilespmem:s12+$0xFFFFFFF0];
	_ =	sdelay $0x2  }
0x463: {  	v1 =	vmul.f32 $8.000000000e+00, v1;
	_ =	sdelay $0x1  }
0x464: {  	v0 =	vadd.f32 v0, v1  }
0x465: {  	v1 =	vld [tilespmem:s2+$0x0]  }
0x466: {  	[tilespmem:s2+$0xFFFFFFF0] =	vst v0  }
0x467: {  	v0 =	vld [tilespmem:s12+$0x0];
	_ =	sdelay $0x2  }
0x468: {  	v1 =	vmul.f32 $8.000000000e+00, v1;
	_ =	sdelay $0x1  }
0x469: {  	v0 =	vadd.f32 v0, v1  }
0x46a: {  	v1 =	vld [tilespmem:s2+$0x10]  }
0x46b: {  	[tilespmem:s2+$0x0] =	vst v0  }
0x46c: {  	v0 =	vld [tilespmem:s12+$0x10];
	_ =	sdelay $0x2  }
0x46d: {  	v1 =	vmul.f32 $8.000000000e+00, v1;
	_ =	sdelay $0x1  }
0x46e: {  	v0 =	vadd.f32 v0, v1  }
0x46f: {  	v1 =	vld [tilespmem:s2+$0x20]  }
0x470: {  	[tilespmem:s2+$0x10] =	vst v0  }
0x471: {  	v0 =	vld [tilespmem:s12+$0x20];
	_ =	sdelay $0x2  }
0x472: {  	v1 =	vmul.f32 $8.000000000e+00, v1;
	_ =	sdelay $0x1  }
0x473: {  	v0 =	vadd.f32 v0, v1  }
0x474: {  	v1 =	vld [tilespmem:s2+$0x30]  }
0x475: {  	[tilespmem:s2+$0x20] =	vst v0  }
0x476: {  	v0 =	vld [tilespmem:s12+$0x30];
	_ =	sdelay $0x2  }
0x477: {  	v1 =	vmul.f32 $8.000000000e+00, v1;
	_ =	sdelay $0x1  }
0x478: {  	v0 =	vadd.f32 v0, v1  }
0x479: {  	v1 =	vld [tilespmem:s2+$0x40]  }
0x47a: {  	[tilespmem:s2+$0x30] =	vst v0  }
0x47b: {  	v0 =	vld [tilespmem:s12+$0x40];
	_ =	sdelay $0x2  }
0x47c: {  	v1 =	vmul.f32 $8.000000000e+00, v1;
	_ =	sdelay $0x1  }
0x47d: {  	v0 =	vadd.f32 v0, v1  }
0x47e: {  	v1 =	vld [tilespmem:s2+$0x50]  }
0x47f: {  	[tilespmem:s2+$0x40] =	vst v0  }
0x480: {  	v0 =	vld [tilespmem:s12+$0x50];
	_ =	sdelay $0x2  }
0x481: {  	v1 =	vmul.f32 $8.000000000e+00, v1;
	_ =	sdelay $0x1  }
0x482: {  	v0 =	vadd.f32 v0, v1  }
0x483: {  	v1 =	vld [tilespmem:s2+$0x60]  }
0x484: {  	[tilespmem:s2+$0x50] =	vst v0  }
0x485: {  	v0 =	vld [tilespmem:s12+$0x60];
	_ =	sdelay $0x2  }
0x486: {  	v1 =	vmul.f32 $8.000000000e+00, v1;
	_ =	sdelay $0x1  }
0x487: {  	v0 =	vadd.f32 v0, v1  }
0x488: {  	v1 =	vld [tilespmem:s2+$0x70]  }
0x489: {  	[tilespmem:s2+$0x60] =	vst v0  }
0x48a: {  	v0 =	vld [tilespmem:s12+$0x70];
	_ =	sdelay $0x2  }
0x48b: {  	v1 =	vmul.f32 $8.000000000e+00, v1;
	_ =	sdelay $0x1  }
0x48c: {  	s13 =	simm.s32 $0x0;
	s15 =	simm.s32 $0x17880;
	v0 =	vadd.f32 v0, v1  }
.LBB2_15:
0x48d: {  	v1 =	vld [tilespmem:s15+$0xFFFFFF80];
	s13 =	sadd.s32 $0x4, s13  }
0x48e: {  	s12 =	sadd.s32 $0x100, s12;
	p0 =	slt.u32 s13, $0xC4;
	[tilespmem:s2+$0x70] =	vst v0;
	s2 =	smov.u32 s15  }
0x48f: {  	v0 =	vld [tilespmem:s12+$0xFFFFFF80];
	_ =	sdelay $0x2  }
0x490: {  	v1 =	vmul.f32 $8.000000000e+00, v1;
	_ =	sdelay $0x1  }
0x491: {  	v0 =	vadd.f32 v0, v1  }
0x492: {  	v1 =	vld [tilespmem:s15+$0xFFFFFF90]  }
0x493: {  	[tilespmem:s15+$0xFFFFFF80] =	vst v0  }
0x494: {  	v0 =	vld [tilespmem:s12+$0xFFFFFF90];
	_ =	sdelay $0x2  }
0x495: {  	v1 =	vmul.f32 $8.000000000e+00, v1;
	_ =	sdelay $0x1  }
0x496: {  	v0 =	vadd.f32 v0, v1  }
0x497: {  	v1 =	vld [tilespmem:s15+$0xFFFFFFA0]  }
0x498: {  	[tilespmem:s15+$0xFFFFFF90] =	vst v0  }
0x499: {  	v0 =	vld [tilespmem:s12+$0xFFFFFFA0];
	_ =	sdelay $0x2  }
0x49a: {  	v1 =	vmul.f32 $8.000000000e+00, v1;
	_ =	sdelay $0x1  }
0x49b: {  	v0 =	vadd.f32 v0, v1  }
0x49c: {  	v1 =	vld [tilespmem:s15+$0xFFFFFFB0]  }
0x49d: {  	[tilespmem:s15+$0xFFFFFFA0] =	vst v0  }
0x49e: {  	v0 =	vld [tilespmem:s12+$0xFFFFFFB0];
	_ =	sdelay $0x2  }
0x49f: {  	v1 =	vmul.f32 $8.000000000e+00, v1;
	_ =	sdelay $0x1  }
0x4a0: {  	v0 =	vadd.f32 v0, v1  }
0x4a1: {  	v1 =	vld [tilespmem:s15+$0xFFFFFFC0]  }
0x4a2: {  	[tilespmem:s15+$0xFFFFFFB0] =	vst v0  }
0x4a3: {  	v0 =	vld [tilespmem:s12+$0xFFFFFFC0];
	_ =	sdelay $0x2  }
0x4a4: {  	v1 =	vmul.f32 $8.000000000e+00, v1;
	_ =	sdelay $0x1  }
0x4a5: {  	v0 =	vadd.f32 v0, v1  }
0x4a6: {  	v1 =	vld [tilespmem:s15+$0xFFFFFFD0]  }
0x4a7: {  	[tilespmem:s15+$0xFFFFFFC0] =	vst v0  }
0x4a8: {  	v0 =	vld [tilespmem:s12+$0xFFFFFFD0];
	_ =	sdelay $0x2  }
0x4a9: {  	v1 =	vmul.f32 $8.000000000e+00, v1;
	_ =	sdelay $0x1  }
0x4aa: {  	v0 =	vadd.f32 v0, v1  }
0x4ab: {  	v1 =	vld [tilespmem:s15+$0xFFFFFFE0]  }
0x4ac: {  	[tilespmem:s15+$0xFFFFFFD0] =	vst v0  }
0x4ad: {  	v0 =	vld [tilespmem:s12+$0xFFFFFFE0];
	_ =	sdelay $0x2  }
0x4ae: {  	v1 =	vmul.f32 $8.000000000e+00, v1;
	_ =	sdelay $0x1  }
0x4af: {  	v0 =	vadd.f32 v0, v1  }
0x4b0: {  	v1 =	vld [tilespmem:s15+$0xFFFFFFF0]  }
0x4b1: {  	[tilespmem:s15+$0xFFFFFFE0] =	vst v0  }
0x4b2: {  	v0 =	vld [tilespmem:s12+$0xFFFFFFF0];
	_ =	sdelay $0x2  }
0x4b3: {  	v1 =	vmul.f32 $8.000000000e+00, v1;
	_ =	sdelay $0x1  }
0x4b4: {  	v0 =	vadd.f32 v0, v1  }
0x4b5: {  	v1 =	vld [tilespmem:s15+$0x0]  }
0x4b6: {  	[tilespmem:s15+$0xFFFFFFF0] =	vst v0  }
0x4b7: {  	v0 =	vld [tilespmem:s12+$0x0];
	_ =	sdelay $0x2  }
0x4b8: {  	v1 =	vmul.f32 $8.000000000e+00, v1;
	_ =	sdelay $0x1  }
0x4b9: {  	v0 =	vadd.f32 v0, v1  }
0x4ba: {  	v1 =	vld [tilespmem:s15+$0x10]  }
0x4bb: {  	[tilespmem:s15+$0x0] =	vst v0  }
0x4bc: {  	v0 =	vld [tilespmem:s12+$0x10];
	_ =	sdelay $0x2  }
0x4bd: {  	v1 =	vmul.f32 $8.000000000e+00, v1;
	_ =	sdelay $0x1  }
0x4be: {  	v0 =	vadd.f32 v0, v1  }
0x4bf: {  	v1 =	vld [tilespmem:s15+$0x20]  }
0x4c0: {  	[tilespmem:s15+$0x10] =	vst v0  }
0x4c1: {  	v0 =	vld [tilespmem:s12+$0x20];
	_ =	sdelay $0x2  }
0x4c2: {  	v1 =	vmul.f32 $8.000000000e+00, v1;
	_ =	sdelay $0x1  }
0x4c3: {  	v0 =	vadd.f32 v0, v1  }
0x4c4: {  	v1 =	vld [tilespmem:s15+$0x30]  }
0x4c5: {  	[tilespmem:s15+$0x20] =	vst v0  }
0x4c6: {  	v0 =	vld [tilespmem:s12+$0x30];
	_ =	sdelay $0x2  }
0x4c7: {  	v1 =	vmul.f32 $8.000000000e+00, v1;
	_ =	sdelay $0x1  }
0x4c8: {  	v0 =	vadd.f32 v0, v1  }
0x4c9: {  	v1 =	vld [tilespmem:s15+$0x40]  }
0x4ca: {  	[tilespmem:s15+$0x30] =	vst v0  }
0x4cb: {  	v0 =	vld [tilespmem:s12+$0x40];
	_ =	sdelay $0x2  }
0x4cc: {  	v1 =	vmul.f32 $8.000000000e+00, v1;
	_ =	sdelay $0x1  }
0x4cd: {  	v0 =	vadd.f32 v0, v1  }
0x4ce: {  	v1 =	vld [tilespmem:s15+$0x50]  }
0x4cf: {  	[tilespmem:s15+$0x40] =	vst v0  }
0x4d0: {  	v0 =	vld [tilespmem:s12+$0x50];
	_ =	sdelay $0x2  }
0x4d1: {  	v1 =	vmul.f32 $8.000000000e+00, v1;
	_ =	sdelay $0x1  }
0x4d2: {  	v0 =	vadd.f32 v0, v1  }
0x4d3: {  	v1 =	vld [tilespmem:s15+$0x60]  }
0x4d4: {  	[tilespmem:s15+$0x50] =	vst v0  }
0x4d5: {  	v0 =	vld [tilespmem:s12+$0x60];
	_ =	sdelay $0x2  }
0x4d6: {  	v1 =	vmul.f32 $8.000000000e+00, v1;
	_ =	sdelay $0x1  }
0x4d7: {  	v0 =	vadd.f32 v0, v1  }
0x4d8: {  	v1 =	vld [tilespmem:s15+$0x70]  }
0x4d9: {  	[tilespmem:s15+$0x60] =	vst v0  }
0x4da: {  	v0 =	vld [tilespmem:s12+$0x70]  }
.Ltmp8:
0x4db: {  	(pc) =	sbr.rel @p0 .LBB2_15-.Ltmp8, $3  }
0x4dc: {  	_ = 	snop  }
0x4dd: {  	v1 =	vmul.f32 $8.000000000e+00, v1;
	_ =	sdelay $0x1  }
0x4de: {  	s15 =	sadd.s32 $0x100, s15;
	v0 =	vadd.f32 v0, v1  }
0x4df: {  	_ = 	snop  }
0x4e0: {  	s15 =	sadd.s32 $0x2580, s8;
	[tilespmem:s2+$0x70] =	vst v0  }
0x4e1: {  	[hbm4b:s15+s3] =	stream.linear.scatter [tilespmem:s23], [sflag:$0xF], $0x3200, $0x38;
	[tilespmem:$0x1DB00] =	vst v63  }
0x4e2: {  	_ =	swait.ge [sflag:s10], $0x3200  }
0x4e3: {  	[sflag:s10] =	ssyncset.done $0x0  }
0x4e4: {  	s2 =	simm.s32 $0x1A980;
	[sflag:s10] =	ssyncadd.s32 $0xFFFFCE00  }
0x4e5: {  	v0 =	vld [tilespmem:s2+$0xFFFFFF80]  }
0x4e6: {  	s12 =	simm.s32 $0x1980  }
0x4e7: {  	v1 =	vld [tilespmem:s12+$0xFFFFFF80];
	_ =	sdelay $0x2  }
0x4e8: {  	v0 =	vmul.f32 $8.000000000e+00, v0;
	_ =	sdelay $0x1  }
0x4e9: {  	v0 =	vadd.f32 v1, v0  }
0x4ea: {  	v1 =	vld [tilespmem:s2+$0xFFFFFF90]  }
0x4eb: {  	[tilespmem:s2+$0xFFFFFF80] =	vst v0  }
0x4ec: {  	v0 =	vld [tilespmem:s12+$0xFFFFFF90];
	_ =	sdelay $0x2  }
0x4ed: {  	v1 =	vmul.f32 $8.000000000e+00, v1;
	_ =	sdelay $0x1  }
0x4ee: {  	v0 =	vadd.f32 v0, v1  }
0x4ef: {  	v1 =	vld [tilespmem:s2+$0xFFFFFFA0]  }
0x4f0: {  	[tilespmem:s2+$0xFFFFFF90] =	vst v0  }
0x4f1: {  	v0 =	vld [tilespmem:s12+$0xFFFFFFA0];
	_ =	sdelay $0x2  }
0x4f2: {  	v1 =	vmul.f32 $8.000000000e+00, v1;
	_ =	sdelay $0x1  }
0x4f3: {  	v0 =	vadd.f32 v0, v1  }
0x4f4: {  	v1 =	vld [tilespmem:s2+$0xFFFFFFB0]  }
0x4f5: {  	[tilespmem:s2+$0xFFFFFFA0] =	vst v0  }
0x4f6: {  	v0 =	vld [tilespmem:s12+$0xFFFFFFB0];
	_ =	sdelay $0x2  }
0x4f7: {  	v1 =	vmul.f32 $8.000000000e+00, v1;
	_ =	sdelay $0x1  }
0x4f8: {  	v0 =	vadd.f32 v0, v1  }
0x4f9: {  	v1 =	vld [tilespmem:s2+$0xFFFFFFC0]  }
0x4fa: {  	[tilespmem:s2+$0xFFFFFFB0] =	vst v0  }
0x4fb: {  	v0 =	vld [tilespmem:s12+$0xFFFFFFC0];
	_ =	sdelay $0x2  }
0x4fc: {  	v1 =	vmul.f32 $8.000000000e+00, v1;
	_ =	sdelay $0x1  }
0x4fd: {  	v0 =	vadd.f32 v0, v1  }
0x4fe: {  	v1 =	vld [tilespmem:s2+$0xFFFFFFD0]  }
0x4ff: {  	[tilespmem:s2+$0xFFFFFFC0] =	vst v0  }
0x500: {  	v0 =	vld [tilespmem:s12+$0xFFFFFFD0];
	_ =	sdelay $0x2  }
0x501: {  	v1 =	vmul.f32 $8.000000000e+00, v1;
	_ =	sdelay $0x1  }
0x502: {  	v0 =	vadd.f32 v0, v1  }
0x503: {  	v1 =	vld [tilespmem:s2+$0xFFFFFFE0]  }
0x504: {  	[tilespmem:s2+$0xFFFFFFD0] =	vst v0  }
0x505: {  	v0 =	vld [tilespmem:s12+$0xFFFFFFE0];
	_ =	sdelay $0x2  }
0x506: {  	v1 =	vmul.f32 $8.000000000e+00, v1;
	_ =	sdelay $0x1  }
0x507: {  	v0 =	vadd.f32 v0, v1  }
0x508: {  	v1 =	vld [tilespmem:s2+$0xFFFFFFF0]  }
0x509: {  	[tilespmem:s2+$0xFFFFFFE0] =	vst v0  }
0x50a: {  	v0 =	vld [tilespmem:s12+$0xFFFFFFF0];
	_ =	sdelay $0x2  }
0x50b: {  	v1 =	vmul.f32 $8.000000000e+00, v1;
	_ =	sdelay $0x1  }
0x50c: {  	v0 =	vadd.f32 v0, v1  }
0x50d: {  	v1 =	vld [tilespmem:s2+$0x0]  }
0x50e: {  	[tilespmem:s2+$0xFFFFFFF0] =	vst v0  }
0x50f: {  	v0 =	vld [tilespmem:s12+$0x0];
	_ =	sdelay $0x2  }
0x510: {  	v1 =	vmul.f32 $8.000000000e+00, v1;
	_ =	sdelay $0x1  }
0x511: {  	v0 =	vadd.f32 v0, v1  }
0x512: {  	v1 =	vld [tilespmem:s2+$0x10]  }
0x513: {  	[tilespmem:s2+$0x0] =	vst v0  }
0x514: {  	v0 =	vld [tilespmem:s12+$0x10];
	_ =	sdelay $0x2  }
0x515: {  	v1 =	vmul.f32 $8.000000000e+00, v1;
	_ =	sdelay $0x1  }
0x516: {  	v0 =	vadd.f32 v0, v1  }
0x517: {  	v1 =	vld [tilespmem:s2+$0x20]  }
0x518: {  	[tilespmem:s2+$0x10] =	vst v0  }
0x519: {  	v0 =	vld [tilespmem:s12+$0x20];
	_ =	sdelay $0x2  }
0x51a: {  	v1 =	vmul.f32 $8.000000000e+00, v1;
	_ =	sdelay $0x1  }
0x51b: {  	v0 =	vadd.f32 v0, v1  }
0x51c: {  	v1 =	vld [tilespmem:s2+$0x30]  }
0x51d: {  	[tilespmem:s2+$0x20] =	vst v0  }
0x51e: {  	v0 =	vld [tilespmem:s12+$0x30];
	_ =	sdelay $0x2  }
0x51f: {  	v1 =	vmul.f32 $8.000000000e+00, v1;
	_ =	sdelay $0x1  }
0x520: {  	v0 =	vadd.f32 v0, v1  }
0x521: {  	v1 =	vld [tilespmem:s2+$0x40]  }
0x522: {  	[tilespmem:s2+$0x30] =	vst v0  }
0x523: {  	v0 =	vld [tilespmem:s12+$0x40];
	_ =	sdelay $0x2  }
0x524: {  	v1 =	vmul.f32 $8.000000000e+00, v1;
	_ =	sdelay $0x1  }
0x525: {  	v0 =	vadd.f32 v0, v1  }
0x526: {  	v1 =	vld [tilespmem:s2+$0x50]  }
0x527: {  	[tilespmem:s2+$0x40] =	vst v0  }
0x528: {  	v0 =	vld [tilespmem:s12+$0x50];
	_ =	sdelay $0x2  }
0x529: {  	v1 =	vmul.f32 $8.000000000e+00, v1;
	_ =	sdelay $0x1  }
0x52a: {  	v0 =	vadd.f32 v0, v1  }
0x52b: {  	v1 =	vld [tilespmem:s2+$0x60]  }
0x52c: {  	[tilespmem:s2+$0x50] =	vst v0  }
0x52d: {  	v0 =	vld [tilespmem:s12+$0x60];
	_ =	sdelay $0x2  }
0x52e: {  	v1 =	vmul.f32 $8.000000000e+00, v1;
	_ =	sdelay $0x1  }
0x52f: {  	v0 =	vadd.f32 v0, v1  }
0x530: {  	v1 =	vld [tilespmem:s2+$0x70]  }
0x531: {  	[tilespmem:s2+$0x60] =	vst v0  }
0x532: {  	v0 =	vld [tilespmem:s12+$0x70];
	_ =	sdelay $0x2  }
0x533: {  	v1 =	vmul.f32 $8.000000000e+00, v1;
	_ =	sdelay $0x1  }
0x534: {  	s13 =	simm.s32 $0x0;
	s15 =	simm.s32 $0x1AA80;
	v0 =	vadd.f32 v0, v1  }
.LBB2_17:
0x535: {  	v1 =	vld [tilespmem:s15+$0xFFFFFF80];
	s13 =	sadd.s32 $0x4, s13  }
0x536: {  	s12 =	sadd.s32 $0x100, s12;
	p0 =	slt.u32 s13, $0xC4;
	[tilespmem:s2+$0x70] =	vst v0;
	s2 =	smov.u32 s15  }
0x537: {  	v0 =	vld [tilespmem:s12+$0xFFFFFF80];
	_ =	sdelay $0x2  }
0x538: {  	v1 =	vmul.f32 $8.000000000e+00, v1;
	_ =	sdelay $0x1  }
0x539: {  	v0 =	vadd.f32 v0, v1  }
0x53a: {  	v1 =	vld [tilespmem:s15+$0xFFFFFF90]  }
0x53b: {  	[tilespmem:s15+$0xFFFFFF80] =	vst v0  }
0x53c: {  	v0 =	vld [tilespmem:s12+$0xFFFFFF90];
	_ =	sdelay $0x2  }
0x53d: {  	v1 =	vmul.f32 $8.000000000e+00, v1;
	_ =	sdelay $0x1  }
0x53e: {  	v0 =	vadd.f32 v0, v1  }
0x53f: {  	v1 =	vld [tilespmem:s15+$0xFFFFFFA0]  }
0x540: {  	[tilespmem:s15+$0xFFFFFF90] =	vst v0  }
0x541: {  	v0 =	vld [tilespmem:s12+$0xFFFFFFA0];
	_ =	sdelay $0x2  }
0x542: {  	v1 =	vmul.f32 $8.000000000e+00, v1;
	_ =	sdelay $0x1  }
0x543: {  	v0 =	vadd.f32 v0, v1  }
0x544: {  	v1 =	vld [tilespmem:s15+$0xFFFFFFB0]  }
0x545: {  	[tilespmem:s15+$0xFFFFFFA0] =	vst v0  }
0x546: {  	v0 =	vld [tilespmem:s12+$0xFFFFFFB0];
	_ =	sdelay $0x2  }
0x547: {  	v1 =	vmul.f32 $8.000000000e+00, v1;
	_ =	sdelay $0x1  }
0x548: {  	v0 =	vadd.f32 v0, v1  }
0x549: {  	v1 =	vld [tilespmem:s15+$0xFFFFFFC0]  }
0x54a: {  	[tilespmem:s15+$0xFFFFFFB0] =	vst v0  }
0x54b: {  	v0 =	vld [tilespmem:s12+$0xFFFFFFC0];
	_ =	sdelay $0x2  }
0x54c: {  	v1 =	vmul.f32 $8.000000000e+00, v1;
	_ =	sdelay $0x1  }
0x54d: {  	v0 =	vadd.f32 v0, v1  }
0x54e: {  	v1 =	vld [tilespmem:s15+$0xFFFFFFD0]  }
0x54f: {  	[tilespmem:s15+$0xFFFFFFC0] =	vst v0  }
0x550: {  	v0 =	vld [tilespmem:s12+$0xFFFFFFD0];
	_ =	sdelay $0x2  }
0x551: {  	v1 =	vmul.f32 $8.000000000e+00, v1;
	_ =	sdelay $0x1  }
0x552: {  	v0 =	vadd.f32 v0, v1  }
0x553: {  	v1 =	vld [tilespmem:s15+$0xFFFFFFE0]  }
0x554: {  	[tilespmem:s15+$0xFFFFFFD0] =	vst v0  }
0x555: {  	v0 =	vld [tilespmem:s12+$0xFFFFFFE0];
	_ =	sdelay $0x2  }
0x556: {  	v1 =	vmul.f32 $8.000000000e+00, v1;
	_ =	sdelay $0x1  }
0x557: {  	v0 =	vadd.f32 v0, v1  }
0x558: {  	v1 =	vld [tilespmem:s15+$0xFFFFFFF0]  }
0x559: {  	[tilespmem:s15+$0xFFFFFFE0] =	vst v0  }
0x55a: {  	v0 =	vld [tilespmem:s12+$0xFFFFFFF0];
	_ =	sdelay $0x2  }
0x55b: {  	v1 =	vmul.f32 $8.000000000e+00, v1;
	_ =	sdelay $0x1  }
0x55c: {  	v0 =	vadd.f32 v0, v1  }
0x55d: {  	v1 =	vld [tilespmem:s15+$0x0]  }
0x55e: {  	[tilespmem:s15+$0xFFFFFFF0] =	vst v0  }
0x55f: {  	v0 =	vld [tilespmem:s12+$0x0];
	_ =	sdelay $0x2  }
0x560: {  	v1 =	vmul.f32 $8.000000000e+00, v1;
	_ =	sdelay $0x1  }
0x561: {  	v0 =	vadd.f32 v0, v1  }
0x562: {  	v1 =	vld [tilespmem:s15+$0x10]  }
0x563: {  	[tilespmem:s15+$0x0] =	vst v0  }
0x564: {  	v0 =	vld [tilespmem:s12+$0x10];
	_ =	sdelay $0x2  }
0x565: {  	v1 =	vmul.f32 $8.000000000e+00, v1;
	_ =	sdelay $0x1  }
0x566: {  	v0 =	vadd.f32 v0, v1  }
0x567: {  	v1 =	vld [tilespmem:s15+$0x20]  }
0x568: {  	[tilespmem:s15+$0x10] =	vst v0  }
0x569: {  	v0 =	vld [tilespmem:s12+$0x20];
	_ =	sdelay $0x2  }
0x56a: {  	v1 =	vmul.f32 $8.000000000e+00, v1;
	_ =	sdelay $0x1  }
0x56b: {  	v0 =	vadd.f32 v0, v1  }
0x56c: {  	v1 =	vld [tilespmem:s15+$0x30]  }
0x56d: {  	[tilespmem:s15+$0x20] =	vst v0  }
0x56e: {  	v0 =	vld [tilespmem:s12+$0x30];
	_ =	sdelay $0x2  }
0x56f: {  	v1 =	vmul.f32 $8.000000000e+00, v1;
	_ =	sdelay $0x1  }
0x570: {  	v0 =	vadd.f32 v0, v1  }
0x571: {  	v1 =	vld [tilespmem:s15+$0x40]  }
0x572: {  	[tilespmem:s15+$0x30] =	vst v0  }
0x573: {  	v0 =	vld [tilespmem:s12+$0x40];
	_ =	sdelay $0x2  }
0x574: {  	v1 =	vmul.f32 $8.000000000e+00, v1;
	_ =	sdelay $0x1  }
0x575: {  	v0 =	vadd.f32 v0, v1  }
0x576: {  	v1 =	vld [tilespmem:s15+$0x50]  }
0x577: {  	[tilespmem:s15+$0x40] =	vst v0  }
0x578: {  	v0 =	vld [tilespmem:s12+$0x50];
	_ =	sdelay $0x2  }
0x579: {  	v1 =	vmul.f32 $8.000000000e+00, v1;
	_ =	sdelay $0x1  }
0x57a: {  	v0 =	vadd.f32 v0, v1  }
0x57b: {  	v1 =	vld [tilespmem:s15+$0x60]  }
0x57c: {  	[tilespmem:s15+$0x50] =	vst v0  }
0x57d: {  	v0 =	vld [tilespmem:s12+$0x60];
	_ =	sdelay $0x2  }
0x57e: {  	v1 =	vmul.f32 $8.000000000e+00, v1;
	_ =	sdelay $0x1  }
0x57f: {  	v0 =	vadd.f32 v0, v1  }
0x580: {  	v1 =	vld [tilespmem:s15+$0x70]  }
0x581: {  	[tilespmem:s15+$0x60] =	vst v0  }
0x582: {  	v0 =	vld [tilespmem:s12+$0x70]  }
.Ltmp9:
0x583: {  	(pc) =	sbr.rel @p0 .LBB2_17-.Ltmp9, $3  }
0x584: {  	_ = 	snop  }
0x585: {  	v1 =	vmul.f32 $8.000000000e+00, v1;
	_ =	sdelay $0x1  }
0x586: {  	s15 =	sadd.s32 $0x100, s15;
	v0 =	vadd.f32 v0, v1  }
0x587: {  	p0 =	seq.s32 s9, $0x3  }
.Ltmp10:
0x588: {  	s15 =	sadd.s32 $0x2BC0, s8;
	[tilespmem:s2+$0x70] =	vst v0;
	(pc) =	sbr.rel @p0 .LBB2_20-.Ltmp10, $4  }
0x589: {  	[hbm4b:s15+s3] =	stream.linear.scatter [tilespmem:s25], [sflag:$0x10], $0x3200, $0x38;
	[tilespmem:$0x1DB00] =	vst v63  }
0x58a: {  	_ =	swait.ge [sflag:s14], $0x3200  }
0x58b: {  	[sflag:s14] =	ssyncset.done $0x0  }
0x58c: {  	[sflag:s14] =	ssyncadd.s32 $0xFFFFCE00  }
0x58d: {  	s2 =	smul.u32 $0x1900, s9;
	_ =	sdelay $0x1  }
0x58e: {  	s2 =	sshra.s32 s2, $0x2  }
0x58f: {  	s15 =	simm.s32 $0x4B00;
	s8 =	sadd.s32 $0x640, s2  }
0x590: {  	[tilespmem:s15], [sflag:$0x1] =	stream.indirect.gather [hbm4b:s4+s11], $0x40, s8, s11, $0xb8;
	[tilespmem:$0x1DB00] =	vst v63  }
0x591: {  	_ =	swait.ge [sflag:s16], $0x3200  }
0x592: {  	[sflag:s16] =	ssyncset.done $0x0  }
0x593: {  	s12 =	simm.s32 $0x7D00;
	s13 =	sadd.s32 $0x708, s2;
	[sflag:s16] =	ssyncadd.s32 $0xFFFFCE00  }
0x594: {  	[tilespmem:s12], [sflag:$0x2] =	stream.indirect.gather [hbm4b:s4+s11], $0x40, s13, s11, $0xb8;
	[tilespmem:$0x1DB00] =	vst v63  }
0x595: {  	_ =	swait.ge [sflag:s18], $0x3200  }
0x596: {  	[sflag:s18] =	ssyncset.done $0x0  }
0x597: {  	s12 =	sadd.s32 $0x7D0, s2;
	s13 =	simm.s32 $0xAF00;
	[sflag:s18] =	ssyncadd.s32 $0xFFFFCE00  }
0x598: {  	[tilespmem:s13], [sflag:$0x3] =	stream.indirect.gather [hbm4b:s4+s11], $0x40, s12, s11, $0xb8;
	[tilespmem:$0x1DB00] =	vst v63  }
0x599: {  	_ =	swait.ge [sflag:s20], $0x3200  }
0x59a: {  	[sflag:s20] =	ssyncset.done $0x0  }
0x59b: {  	s12 =	sadd.s32 $0x898, s2;
	[sflag:s20] =	ssyncadd.s32 $0xFFFFCE00  }
0x59c: {  	[tilespmem:s17], [sflag:$0x4] =	stream.indirect.gather [hbm4b:s4+s11], $0x40, s12, s11, $0xb8;
	[tilespmem:$0x1DB00] =	vst v63  }
0x59d: {  	_ =	swait.ge [sflag:s22], $0x3200  }
0x59e: {  	[sflag:s22] =	ssyncset.done $0x0  }
0x59f: {  	s13 =	sadd.s32 $0x960, s2;
	[sflag:s22] =	ssyncadd.s32 $0xFFFFCE00  }
0x5a0: {  	[tilespmem:s19], [sflag:$0x5] =	stream.indirect.gather [hbm4b:s4+s11], $0x40, s13, s11, $0xb8;
	[tilespmem:$0x1DB00] =	vst v63  }
0x5a1: {  	_ =	swait.ge [sflag:s24], $0x3200  }
0x5a2: {  	[sflag:s24] =	ssyncset.done $0x0  }
0x5a3: {  	s12 =	sadd.s32 $0xA28, s2;
	[sflag:s24] =	ssyncadd.s32 $0xFFFFCE00  }
0x5a4: {  	[tilespmem:s21], [sflag:$0x6] =	stream.indirect.gather [hbm4b:s4+s11], $0x40, s12, s11, $0xb8;
	[tilespmem:$0x1DB00] =	vst v63  }
0x5a5: {  	_ =	swait.ge [sflag:s5], $0x3200  }
0x5a6: {  	[sflag:s5] =	ssyncset.done $0x0  }
0x5a7: {  	s13 =	sadd.s32 $0xAF0, s2;
	[sflag:s5] =	ssyncadd.s32 $0xFFFFCE00  }
0x5a8: {  	[tilespmem:s23], [sflag:$0x7] =	stream.indirect.gather [hbm4b:s4+s11], $0x40, s13, s11, $0xb8;
	[tilespmem:$0x1DB00] =	vst v63  }
.Ltmp11:
0x5a9: {  	_ = 	snop;
	(pc) =	sbr.rel .LBB2_2-.Ltmp11, $4  }
0x5aa: {  	_ =	swait.ge [sflag:s7], $0x3200  }
0x5ab: {  	[sflag:s7] =	ssyncset.done $0x0  }
0x5ac: {  	s9 =	sadd.s32 $0x1, s9;
	s2 =	sadd.s32 $0xBB8, s2;
	[sflag:s7] =	ssyncadd.s32 $0xFFFFCE00  }
0x5ad: {  	[tilespmem:s25], [sflag:$0x8] =	stream.indirect.gather [hbm4b:s4+s11], $0x40, s2, s11, $0xb8;
	[tilespmem:$0x1DB00] =	vst v63  }
.LBB2_21:
0x5ae: {  	_ =	sfence.sel $0x180000  }
0x5af: {  	[bflag:$0x0] =	sbarrier.arrive $0xFFFF  }
0x5b0: {  	_ =	strace $0x90000047  }
0x5b1: {  	s0 =	stileid.u32;
	[bflag:$0x2] =	sbarrier.arrive $0xFFFF  }
0x5b2: {  	p0 =	sne.s32 s0, $0x0;
	s0 =	rddreg [dreg:$0x2]  }
0x5b3: {  	s0 =	sadd.s32 @!p0 $0x100000, s0  }
0x5b4: {  	[sflag:s0] =	ssyncadd.tile.s32 @!p0 $0x1;
	_ =	shalt  }
.Lfunc_end2:
_tile_overlayer_lowered:
.L_overlay_start_2:
0x5b5: {  	(tag) =	ssettag $0x2  }
0x5b6: {  	s0 =	rddreg [dreg:$0x0];
	s2 =	stileid.u32  }
0x5b7: {  	s1 =	rddreg [dreg:$0x1];
	p0 =	sne.s32 s2, $0x0  }
0x5b8: {  	s3 =	rddreg [dreg:$0x2];
	[bflag:$0x3] =	sbarrier.arrive $0xFFFF;
	s2 =	simm.s32 @!p0 $0x1C11  }
0x5b9: {  	[timem:s3], [sflag:s2] =	dma.local @!p0 [hbm:s0], s1  }
0x5ba: {  	s0 =	simm.s32 @!p0 $0x11  }
0x5bb: {  	_ =	swait.ge @!p0 [sflag:s0], s1  }
0x5bc: {  	s1 =	ssub.s32 @!p0 $0x0, s1;
	[sflag:s0] =	ssyncset.done @!p0 $0x0  }
0x5bd: {  	[sflag:s0] =	ssyncadd.s32 @!p0 s1  }
0x5be: {  	[bflag:$0x3] =	sbarrier.arrive $0xFFFF  }
0x5bf: {  	_ =	shalt  }

// kernel: sparse-core-data-format-call.cloned.1.call-start
scs
called_computation_lowered:
.L_overlay_start_0:
0x0: {  	s2 =	sld [smem:$0x3FD9]  }
0x1: {  	s3 =	sld [smem:$0x3FFE];
	_ =	sdelay $0x1  }
0x2: {  	s1 =	srdreg.scid  }
0x3: {  	s0 =	sand.u32 $0x1, s1  }
0x4: {  	s18 =	sshll.u32 s0, $0xA;
	s2 =	sadd.s32 s3, s2  }
0x5: {  	s2 =	sadd.s32 s2, s18  }
0x6: {  	[smem:$0x3FC5] =	sst s2  }
0x7: {  	_ = 	snop  }
0x8: {  	s2 =	sld [smem:$0x3FD0];
	(tm) =	ssettm $0x1  }
0x9: {  	s19 =	sld [smem:$0x3FFB];
	_ =	sdelay $0x3  }
0xa: {  	_ =	strace s19  }
0xb: {  	s3 =	sld [smem:$0x3FFC];
	_ =	sdelay $0x3  }
0xc: {  	_ =	strace s3  }
0xd: {  	s3 =	sld [smem:$0x3FFD];
	_ =	sdelay $0x3  }
0xe: {  	_ =	strace s3  }
0xf: {  	_ =	strace $0x8FFFFFFF  }
0x10: {  	s20 =	sld [smem:$0x3FDB];
	_ =	sdelay $0x1  }
0x11: {  	s4 =	simm.s32 $_scs_section_size  }
0x12: {  	s5 =	simm.s32 $_size__tile_overlayer_lowered;
	s6 =	simm.s32 $_tile_overlayer_lowered  }
0x13: {  	s23 =	simm.s32 $0x1BFF;
	s22 =	sshll.u32 s6, $0x1;
	s3 =	sadd.s32 s4, s20  }
0x14: {  	s7 =	simm.s32 $0x0;
	s21 =	sshll.u32 s5, $0x1;
	s5 =	sadd.s32 s22, s3  }
0x15: {  	[timem:s7], [sflag:s23] =	dma.local [hbm:s5], s21  }
0x16: {  	_ =	swait.ge [sflag:s23], s21  }
0x17: {  	s4 =	ssub.s32 $0x0, s21;
	[sflag:s23] =	ssyncset.done $0x0  }
0x18: {  	[sflag:s23] =	ssyncadd.s32 s4;
	_ =	sdelay $0x1  }
0x19: {  	s24 =	simm.s32 $0x1B8B  }
0x1a: {  	_ =	swait.ge [sflag:s24], $0x1  }
0x1b: {  	[sflag:s24] =	ssyncset.done $0x0  }
0x1c: {  	s26 =	simm.s32 $0x1B8E;
	s25 =	sld [smem:$0x3FFE];
	[sflag:s24] =	ssyncadd.s32 $0xFFFFFFFF  }
0x1d: {  	s27 =	simm.s32 $execute0_lowered;
	[smem:$0x3FD2] =	sst s26  }
0x1e: {  	s5 =	sshll.u32 s27, $0x1;
	_ =	strace $0x80000049;
	[dreg:$0x1] =	wrdreg $0xFFFFFFFF  }
0x1f: {  	s28 =	simm.s32 $_size_execute0_lowered;
	s3 =	sadd.s32 s3, s5;
	[dreg:$0x0] =	wrdreg $0x0  }
0x20: {  	s5 =	sshll.u32 s28, $0x1;
	[dreg:$0x2] =	wrdreg s3  }
0x21: {  	[dreg:$0x3] =	wrdreg s5  }
0x22: {  	[dreg:$0x4] =	wrdreg $0xC0  }
0x23: {  	_ =	task [dreg:s7], $0x5FFFF  }
0x24: {  	[dreg:$0x1] =	wrdreg $0xFFFFFFFF  }
0x25: {  	[dreg:$0x0] =	wrdreg $0x60  }
0x26: {  	[dreg:$0x2] =	wrdreg s25  }
0x27: {  	[dreg:$0x3] =	wrdreg s2  }
0x28: {  	[dreg:$0x4] =	wrdreg $0x9  }
0x29: {  	_ =	task.clear_ibuf [dreg:s7], $0x5FFFF;
	_ =	strace $0x90000049  }
0x2a: {  	s29 =	simm.s32 $0x9;
	_ =	strace $0x8000004B  }
0x2b: {  	_ =	swait.ge [sflag:s29], $0x1  }
0x2c: {  	[sflag:s29] =	ssyncadd.s32 $0xFFFFFFFF  }
0x2d: {  	_ =	strace $0x9000004B  }
0x2e: {  	_ =	sfence  }
0x2f: {  	s30 =	sld [smem:$0x0];
	_ =	sdelay $0x2  }
0x30: {  	s31 =	sshll.u32 s1, $0xD;
	s1 =	sshrl.u32 s1, $0x2  }
0x31: {  	s3 =	sand.u32 $0x4000, s31;
	s1 =	sadd.s32 s1, s30  }
0x32: {  	s0 =	sor.u32 s3, s0;
	s1 =	sshll.u32 s1, $0x11  }
0x33: {  	s0 =	sor.u32 s1, s0  }
0x34: {  	s0 =	sadd.s32 $0x8F2B, s0  }
0x35: {  	[sflag:s0] =	ssyncadd.remote.s32 $0x1  }
0x36: {  	_ =	sfence.sel $0xFFFF  }
0x37: {  	[dreg:$0x0] =	wrdreg $0xFFFFFFFF;
	(pc) =	sbr.abs _section_cstart, $3  }
0x38: {  	[dreg:$0x1] =	wrdreg $0xFFFFFFFF  }
0x39: {  	_ =	task.clear_ibuf [dreg:s7], $0x2FFFF;
	_ =	strace $0x9FFFFFFF  }
0x3a: {  	(tm) =	ssettm $0x7FFFFFFF  }
0x3b: {  	_ =	shalt  }
tec
execute0_lowered:
.L_overlay_start_1:
0x0: {  	(tag) =	ssettag $0x1  }
0x1: {  	s0 =	stileid.u32;
	s6 =	rddreg [dreg:$0x0]  }
0x2: {  	s2 =	rddreg [dreg:$0x1];
	s5 =	srdreg.scid  }
0x3: {  	s31 =	simm.s32 $0x2;
	s13 =	simm.s32 $0x0;
	s1 =	sshll.u32 s0, $0x7  }
0x4: {  	s14 =	simm.s32 $0x0;
	s12 =	simm.s32 $0x0;
	s3 =	sand.u32 $0x380, s1  }
0x5: {  	s5 =	sshll.u32 s5, $0x4;
	s6 =	sadd.s32 $0xC00, s6;
	s4 =	ssub.s32 $0x400, s3  }
0x6: {  	s1 =	rddreg [dreg:$0x2];
	_ =	strace $0x8000004A;
	s7 =	sand.u32 $0x380, s4  }
0x7: {  	s5 =	sand.u32 $0x10, s5;
	p0 =	sne.s32 s7, $0x0;
	s7 =	simm.s32 $0x1  }
.Ltmp0:
0x8: {  	s8 =	sshrl.u32 s4, $0xA;
	s7 =	simm.s32 @!p0 $0x0;
	(pc) =	sbr.rel .LBB1_1-.Ltmp0, $4  }
0x9: {  	s9 =	sor.u32 s0, s5;
	s4 =	simm.s32 $0x1;
	s30 =	sadd.s32 s7, s8  }
0xa: {  	s11 =	smov.u32 s3;
	[sflag:s4] =	ssyncpa.u1 $0x0;
	s5 =	smul.u32 $0x32, s30  }
0xb: {  	[sflag:s31] =	ssyncpa.u1 $0x0;
	p0 =	por $0x0, $0x0;
	s7 =	sshrl.u32 s9, $0x3  }
0xc: {  	s9 =	simm.s32 $0x2000;
	s10 =	smov.u32 s7;
	s8 =	sor.u32 $0x1, s5  }
.LBB1_4:
0xd: {  	s17 =	sand.u32 $0x1F80, s14;
	s13 =	sshll.u32 s13, $0xD  }
0xe: {  	[tilespmem:s16+$0x810 ss:$0x81] =	vst.msk $0xffff, v2;
	s18 =	sshrl.u32 s14, $0x3;
	s31 =	sand.u32 $0x7, s14;
	s17 =	sadd.s32 s2, s17  }
0xf: {  	[tilespmem:s16+$0x1020 ss:$0x81] =	vst.msk $0xffff, v0;
	s18 =	sand.u32 $0xF, s18;
	s14 =	sshll.u32 s31, $0x12;
	s13 =	sadd.s32 s13, s17  }
0x10: {  	[tilespmem:s16+$0x0 ss:$0x81] =	vst.msk $0xffff, v1;
	s14 =	sor.u32 $0x400, s14;
	s13 =	sadd.s32 s18, s13  }
0x11: {  	[hbm4b:s13+s14] =	stream.strided.scatter [tilespmem:s15], [sflag:$0x2], $0x2000, s9, s14, $0x20;
	[tilespmem:$0x8080] =	vst v63  }
.LBB1_5:
0x12: {  	s15 =	sadd.s32 $0x4, s10  }
0x13: {  	s13 =	sadd.s32 $0x400, s11;
	s17 =	smov.u32 s11;
	p2 =	sgt.s32 s15, $0xC7  }
0x14: {  	s17 =	smov.u32 @p2 s13  }
0x15: {  	s15 =	smov.u32 @p2 s7;
	p2 =	sgt.s32 s17, $0x3FF  }
0x16: {  	s17 =	smov.u32 @p2 s3;
	p2 =	sne.s32 s12, s8  }
.Ltmp1:
0x17: {  	p1 =	slt.u32 s12, $0x2;
	(pc) =	sbr.rel @!p2 .LBB1_6-.Ltmp1, $4  }
0x18: {  	s16 =	simm.s32 @!p1 $0x2  }
0x19: {  	s14 =	smov.u32 s11;
	p0 =	por !p0, !p0;
	_ =	swait.ge @!p1 [sflag:s16], $0x2000  }
0x1a: {  	s13 =	smov.u32 s10;
	[sflag:s16] =	ssyncset.done @!p1 $0x0;
	s10 =	smov.u32 s15  }
0x1b: {  	s12 =	sadd.s32 $0x1, s12;
	[sflag:s16] =	ssyncadd.s32 @!p1 $0xFFFFE000;
	s11 =	smov.u32 s17  }
.LBB1_1:
0x1c: {  	p1 =	sge.u32 s12, s5  }
0x1d: {  	s15 =	sand.u32 @!p1 $0x1FFFFFF, s10  }
0x1e: {  	s16 =	smulhi.u32 @!p1 $0x147AE15, s15;
	_ =	sdelay $0x1  }
0x1f: {  	s16 =	smul.u32 @!p1 $0xC8, s16  }
0x20: {  	s17 =	sxor.u32 @!p1 $0xFFFFFFFF, s12;
	s18 =	smul.u32 @!p1 $0xC80, s11  }
0x21: {  	s31 =	sadd.s32 $0xFFFFFFFF, s12;
	s17 =	sshll.u32 @!p1 s17, $0xD;
	s15 =	ssub.s32 @!p1 s15, s16  }
0x22: {  	s16 =	sand.u32 @!p1 $0x2000, s17;
	s17 =	sadd.s32 @!p1 s6, s18;
	s15 =	sshll.u32 @!p1 s15, $0x4  }
0x23: {  	s18 =	simm.s32 @!p1 $0x6400;
	s15 =	sadd.s32 @!p1 s15, s17;
	s17 =	simm.s32 @!p1 $0x40  }
0x24: {  	[tilespmem:s16], [sflag:$0x1] =	stream.strided.gather @!p1 [hbm4b:s15+s17], $0x2000, s18, s17, $0x38;
	[tilespmem:$0x8080] =	vst v63  }
0x25: {  	p1 =	sge.u32 s31, s5  }
.Ltmp2:
0x26: {  	_ = 	snop;
	(pc) =	sbr.rel @p1 .LBB1_5-.Ltmp2, $1  }
0x27: {  	_ =	sdelay $0x3  }
0x28: {  	s15 =	simm.s32 $0x1  }
0x29: {  	_ =	swait.ge [sflag:s4], $0x2000;
	s15 =	simm.s32 @!p0 $0x0  }
0x2a: {  	[sflag:s4] =	ssyncset.done $0x0;
	s16 =	sshll.u32 s15, $0xD  }
0x2b: {  	[sflag:s4] =	ssyncadd.s32 $0xFFFFE000;
	s19 =	sor.u32 $0x20, s16  }
0x2c: {  	s15 =	smul.u32 $0x8100, s15;
	v3 =	vld [tilespmem:s19+$0x10]  }
0x2d: {  	s30 =	sand.u32 $0x1, s12;
	v2 =	vld [tilespmem:s19+$0xFFFFFFF0]  }
0x2e: {  	s16 =	smul.u32 $0x8100, s30;
	s15 =	sshrl.u32 s15, $0x2;
	v0 =	vld [tilespmem:s19+$0x0]  }
0x2f: {  	v1 =	vld [tilespmem:s19+$0xFFFFFFE0];
	s17 =	sor.u32 $0x4000, s15  }
0x30: {  	s31 =	sshrl.u32 s16, $0x2;
	s16 =	sadd.s32 $0x0, s17  }
0x31: {  	s18 =	simm.s32 $0x4;
	s19 =	sadd.s32 $0x40, s19;
	s15 =	sor.u32 $0x4000, s31;
	[tilespmem:s16+$0x1830 ss:$0x81] =	vst.msk $0xffff, v3  }
.LBB1_3:
0x32: {  	v3 =	vld [tilespmem:s19+$0x10];
	p1 =	sne.s32 s18, $0x1FC;
	[tilespmem:s16+$0x810 ss:$0x81] =	vst.msk $0xffff, v2;
	s20 =	smov.u32 s18;
	s18 =	sadd.s32 $0x4, s18  }
.Ltmp3:
0x33: {  	v2 =	vld [tilespmem:s19+$0xFFFFFFF0];
	[tilespmem:s16+$0x1020 ss:$0x81] =	vst.msk $0xffff, v0;
	(pc) =	sbr.rel @p1 .LBB1_3-.Ltmp3, $4  }
0x34: {  	v0 =	vld [tilespmem:s19+$0x0];
	[tilespmem:s16+$0x0 ss:$0x81] =	vst.msk $0xffff, v1  }
0x35: {  	s16 =	sshra.s32 s20, $0x2;
	v1 =	vld [tilespmem:s19+$0xFFFFFFE0]  }
0x36: {  	s16 =	sadd.s32 s16, s17  }
0x37: {  	s19 =	sadd.s32 $0x40, s19;
	[tilespmem:s16+$0x1830 ss:$0x81] =	vst.msk $0xffff, v3  }
.Ltmp4:
0x38: {  	_ = 	snop;
	(pc) =	sbr.rel .LBB1_4-.Ltmp4, $1  }
0x39: {  	_ =	sdelay $0x3  }
.LBB1_6:
0x3a: {  	_ =	sfence.sel $0x180000  }
0x3b: {  	s2 =	simm.s32 $0x1;
	[bflag:$0x0] =	sbarrier.arrive $0xFFFF  }
0x3c: {  	s31 =	simm.s32 $0x2;
	[sflag:s2] =	ssyncpa.u1 $0x1  }
0x3d: {  	[sflag:s31] =	ssyncpa.u1 $0x1  }
0x3e: {  	p0 =	sne.s32 s0, $0x0;
	_ =	strace $0x9000004A  }
0x3f: {  	s0 =	sadd.s32 @!p0 $0x100000, s1;
	[bflag:$0x2] =	sbarrier.arrive $0xFFFF  }
0x40: {  	[sflag:s0] =	ssyncadd.tile.s32 @!p0 $0x1;
	_ =	shalt  }
.Lfunc_end1:
_tile_overlayer_lowered:
.L_overlay_start_2:
0x41: {  	(tag) =	ssettag $0x2  }
0x42: {  	s0 =	rddreg [dreg:$0x0];
	s2 =	stileid.u32  }
0x43: {  	s1 =	rddreg [dreg:$0x1];
	p0 =	sne.s32 s2, $0x0  }
0x44: {  	s3 =	rddreg [dreg:$0x2];
	[bflag:$0x3] =	sbarrier.arrive $0xFFFF;
	s2 =	simm.s32 @!p0 $0x1C01  }
0x45: {  	[timem:s3], [sflag:s2] =	dma.local @!p0 [hbm:s0], s1  }
0x46: {  	s0 =	simm.s32 @!p0 $0x1  }
0x47: {  	_ =	swait.ge @!p0 [sflag:s0], s1  }
0x48: {  	s1 =	ssub.s32 @!p0 $0x0, s1;
	[sflag:s0] =	ssyncset.done @!p0 $0x0  }
0x49: {  	[sflag:s0] =	ssyncadd.s32 @!p0 s1  }
0x4a: {  	[bflag:$0x3] =	sbarrier.arrive $0xFFFF  }
0x4b: {  	_ =	shalt  }

</sc_bundles>
